<compile_context>
chip_gen: v7x
topology: tpu7x:2x2x1
jax: 0.10.2.dev20260603
libtpu: 0.0.44.dev20260713+nightly
codegen_flags: <defaults>
</compile_context>

<pallas_src>
import functools

import jax
import jax.numpy as jnp
from jax import lax
from jax.experimental import pallas as pl
from jax.experimental.pallas import tpu as pltpu
from jax.experimental.pallas import tpu_sc as plsc

_WIN = 128
_NBUF = 6


def _sc_gather(table, idx):
    T, D = table.shape
    E = idx.shape[0]
    nwin = E // _WIN
    mesh = plsc.VectorSubcoreMesh(core_axis_name="c", subcore_axis_name="s")
    NW = mesh.num_cores * mesh.num_subcores
    base, rem = divmod(nwin, NW)
    tmax = (base + 1 + _NBUF - 1) // _NBUF

    @functools.partial(
        pl.kernel,
        out_type=jax.ShapeDtypeStruct((E, D), table.dtype),
        mesh=mesh,
        scratch_types=[
            pltpu.VMEM((_NBUF, _WIN), jnp.int32),
            pltpu.VMEM((_NBUF, _WIN, D), table.dtype),
            pltpu.SemaphoreType.DMA((_NBUF,)),
            pltpu.SemaphoreType.DMA((_NBUF,)),
            pltpu.SemaphoreType.DMA((_NBUF,)),
        ],
    )
    def k(table_hbm, idx_hbm, out_hbm, idx_v, rows_v, sem_i, sem_g, sem_w):
        wid = lax.axis_index("s") * mesh.num_cores + lax.axis_index("c")
        lo = wid * base + jnp.minimum(wid, rem)
        hi = lo + base + jnp.where(wid < rem, 1, 0)

        def idx_copy(w, b):
            return pltpu.make_async_copy(
                idx_hbm.at[pl.ds(w * _WIN, _WIN)], idx_v.at[b], sem_i.at[b])

        def gather(b):
            return pltpu.make_async_copy(
                table_hbm.at[idx_v.at[b]], rows_v.at[b], sem_g.at[b])

        def writeout(w, b):
            return pltpu.make_async_copy(
                rows_v.at[b], out_hbm.at[pl.ds(w * _WIN, _WIN)], sem_w.at[b])

        for b in range(_NBUF):
            w = lo + b

            @pl.when(w < hi)
            def _():
                idx_copy(w, b).start()

        @pl.loop(0, tmax)
        def _(t):
            for b in range(_NBUF):
                w = lo + t * _NBUF + b

                @pl.when(w < hi)
                def _():
                    @pl.when(t > 0)
                    def _():
                        writeout(w, b).wait()

                    idx_copy(w, b).wait()
                    gather(b).start()

            for b in range(_NBUF):
                w = lo + t * _NBUF + b

                @pl.when(w < hi)
                def _():
                    gather(b).wait()
                    nw = w + _NBUF

                    @pl.when(nw < hi)
                    def _():
                        idx_copy(nw, b).start()

                    writeout(w, b).start()

        for b in range(_NBUF):
            writeout(lo, b).wait()

    return k(table, idx)


def _k1_body(atom_ref, r_ref):
    r_ref[...] = jnp.sqrt(jnp.abs(atom_ref[...]))


def _k3_body(nblk, m, g_ref, bond_ref, r_ref, wn_ref, bn_ref, au_ref):
    g = g_ref[...].reshape(nblk, m, g_ref.shape[-1])
    bq = bond_ref[...].reshape(nblk, m, bond_ref.shape[-1])
    inv = 1.0 / jnp.sum(bq * bq, axis=-1, keepdims=True)
    den = jnp.maximum(jnp.sum(inv, axis=1, keepdims=True), 1e-12)
    w3 = inv / den
    anw = jnp.sum(g * w3, axis=1)
    x = r_ref[...] * anw
    y = jnp.dot(x, wn_ref[...], preferred_element_type=jnp.float32) + bn_ref[...]
    au_ref[...] = jnp.maximum(y, 0.0).reshape(au_ref.shape)


def _k46_body(nbb, bond_ref, d0_ref, d1_ref, wt_ref, wb_ref, we_ref,
              bnte_ref, bedge_ref, out_ref, acc_ref):
    p = pl.program_id(0)
    i = pl.program_id(1)
    b = i // nbb

    @pl.when(p == 0)
    def _():
        @pl.when(i == 0)
        def _():
            acc_ref[...] = jnp.zeros_like(acc_ref)

        c0 = jnp.sum(d0_ref[...], axis=0, keepdims=True)
        c1 = jnp.sum(d1_ref[...], axis=0, keepdims=True)
        acc_ref[pl.ds(2 * b, 1), :] += c0
        acc_ref[pl.ds(2 * b + 1, 1), :] += c1

    @pl.when(p == 1)
    def _():
        s0 = acc_ref[pl.ds(2 * b, 1), :]
        s1 = acc_ref[pl.ds(2 * b + 1, 1), :]
        r0 = 1.0 / jnp.maximum(s0, 1e-12)
        r1 = 1.0 / jnp.maximum(s1, 1e-12)
        t = jnp.dot(d0_ref[...] * r0, wt_ref[...],
                    preferred_element_type=jnp.float32)
        t += jnp.dot(d1_ref[...] * r1, wb_ref[...],
                     preferred_element_type=jnp.float32)
        y = jnp.tanh(t + bnte_ref[...])
        fb = bond_ref.shape[-1]
        z = bond_ref[...].reshape(y.shape[0], fb) + y
        out_ref[...] = (
            jnp.dot(z, we_ref[...], preferred_element_type=jnp.float32)
            + bedge_ref[...]
        ).reshape(out_ref.shape)


def kernel(atom, bond, adj_matrix, adj_matrix_tuple, weight_node, weight_edge,
           weight_node_to_edge, bias_node, bias_edge, bias_node_to_edge):
    B, N, Fa = atom.shape
    M = adj_matrix.shape[-1]
    Fb = bond.shape[-1]
    BN = B * N
    NM = N * M
    TE = B * NM
    f32 = jnp.float32

    atom2 = atom.reshape(BN, Fa)

    blk1 = 2000
    R = pl.pallas_call(
        _k1_body,
        grid=(BN // blk1,),
        in_specs=[pl.BlockSpec((blk1, Fa), lambda i: (i, 0))],
        out_specs=pl.BlockSpec((blk1, Fa), lambda i: (i, 0)),
        out_shape=jax.ShapeDtypeStruct((BN, Fa), f32),
    )(atom2)

    offs = jnp.arange(B, dtype=jnp.int32) * N

    adjg = (adj_matrix + offs[:, None, None]).reshape(B * N * M)
    G = _sc_gather(R, adjg)

    blk3 = 400
    nb3 = N // blk3
    au3 = pl.pallas_call(
        functools.partial(_k3_body, blk3, M),
        grid=(BN // blk3,),
        in_specs=[
            pl.BlockSpec((blk3 * M, Fa), lambda i: (i, 0)),
            pl.BlockSpec((1, blk3, M, Fb),
                         lambda i: (i // nb3, i % nb3, 0, 0)),
            pl.BlockSpec((blk3, Fa), lambda i: (i, 0)),
            pl.BlockSpec((Fa, Fa), lambda i: (0, 0)),
            pl.BlockSpec((1, Fa), lambda i: (0, 0)),
        ],
        out_specs=pl.BlockSpec((1, blk3, Fa), lambda i: (i // nb3, i % nb3, 0)),
        out_shape=jax.ShapeDtypeStruct((B, N, Fa), f32),
    )(G, bond, R, weight_node, bias_node.reshape(1, Fa))
    au2 = au3.reshape(BN, Fa)

    I0 = adj_matrix_tuple[..., 0]
    I1 = adj_matrix_tuple[..., 1]
    I0g = (I0 + offs[:, None]).reshape(TE)
    I1g = (I1 + offs[:, None]).reshape(TE)
    D = _sc_gather(au2, jnp.concatenate([I0g, I1g]))

    blk6 = 2000
    nb6 = TE // blk6
    nbb = NM // blk6
    nrow6 = blk6 // M
    nr6 = N // nrow6
    outE = pl.pallas_call(
        functools.partial(_k46_body, nbb),
        grid=(2, nb6),
        in_specs=[
            pl.BlockSpec((1, nrow6, M, Fb),
                         lambda p, i: (i // nr6, i % nr6, 0, 0)),
            pl.BlockSpec((blk6, Fa), lambda p, i: (i, 0)),
            pl.BlockSpec((blk6, Fa), lambda p, i: (i + nb6, 0)),
            pl.BlockSpec((Fa, Fb), lambda p, i: (0, 0)),
            pl.BlockSpec((Fa, Fb), lambda p, i: (0, 0)),
            pl.BlockSpec((Fb, Fb), lambda p, i: (0, 0)),
            pl.BlockSpec((1, Fb), lambda p, i: (0, 0)),
            pl.BlockSpec((1, Fb), lambda p, i: (0, 0)),
        ],
        out_specs=pl.BlockSpec((1, nrow6, M, Fb),
                               lambda p, i: (i // nr6, i % nr6, 0, 0)),
        out_shape=jax.ShapeDtypeStruct((B, N, M, Fb), f32),
        scratch_shapes=[pltpu.VMEM((2 * B, Fa), f32)],
    )(bond, D, D,
      weight_node_to_edge[:Fa], weight_node_to_edge[Fa:], weight_edge,
      bias_node_to_edge.reshape(1, Fb), bias_edge.reshape(1, Fb))

    return (au3, outE)

# --- scband reference (transcript-rebuilt; emitter-appended) ---
"""Pipeline reference for scband-graph-conv-layer-52518860095779 (READ-ONLY COPY).

The authoritative reference and input builder live on the scoring server;
editing this copy changes nothing except your own understanding.
"""

import jax, jax.numpy as jnp
import numpy as np


def _l1norm(x, axis):
    n = jnp.sum(jnp.abs(x), axis=axis, keepdims=True)
    return x / jnp.maximum(n, 1e-12)


def setup_inputs(seed: int = 0) -> dict:
    key = jax.random.key(seed)
    ks = jax.random.split(key, 10)
    B, N, M = 2, 10000, 16
    Fa_in, Fa_out, Fb_in, Fb_out = 128, 128, 16, 16
    stdv = 1.0 / float(np.sqrt(Fb_out))
    atom = jax.random.normal(ks[0], (B, N, Fa_in), dtype=jnp.float32)
    bond = jax.random.normal(ks[1], (B, N, M, Fb_in), dtype=jnp.float32)
    adj_matrix = jax.random.randint(ks[2], (B, N, M), 0, N, dtype=jnp.int32)
    adj_matrix_tuple = jax.random.randint(ks[3], (B, N * M, 2), 0, N, dtype=jnp.int32)
    weight_node = jax.random.uniform(ks[4], (Fa_in, Fa_out), jnp.float32, -stdv, stdv)
    weight_edge = jax.random.uniform(ks[5], (Fb_in, Fb_out), jnp.float32, -stdv, stdv)
    weight_node_to_edge = jax.random.uniform(ks[6], (2 * Fa_out, Fb_in), jnp.float32, -stdv, stdv)
    bias_node = jax.random.uniform(ks[7], (Fa_out,), jnp.float32, -stdv, stdv)
    bias_edge = jax.random.uniform(ks[8], (Fb_out,), jnp.float32, -stdv, stdv)
    bias_node_to_edge = jax.random.uniform(ks[9], (Fb_in,), jnp.float32, -stdv, stdv)
    return {
        "atom": atom,
        "bond": bond,
        "adj_matrix": adj_matrix,
        "adj_matrix_tuple": adj_matrix_tuple,
        "weight_node": weight_node,
        "weight_edge": weight_edge,
        "weight_node_to_edge": weight_node_to_edge,
        "bias_node": bias_node,
        "bias_edge": bias_edge,
        "bias_node_to_edge": bias_node_to_edge,
    }


def reference(atom, bond, adj_matrix, adj_matrix_tuple, weight_node, weight_edge,
              weight_node_to_edge, bias_node, bias_edge, bias_node_to_edge):
    B, N, Fa_in = atom.shape
    M = adj_matrix.shape[-1]
    Fa_out = weight_node.shape[1]
    Fb_out = weight_edge.shape[1]
    # atom_root = (atom^2)^0.25
    atom_root = jnp.power(jnp.power(atom, 2.0), 0.25)
    # per-batch gather of neighbor atom features: (B, N, M, Fa_in)
    atom_neighbor = jax.vmap(lambda a, idx: jnp.take(a, idx, axis=0))(atom, adj_matrix)
    atom_neighbor = jnp.power(jnp.power(atom_neighbor, 2.0), 0.25)
    # bond-norm based neighbor weights
    bond_norm = jnp.power(jnp.sum(jnp.power(bond, 2.0), axis=-1), 0.5)
    bond_norm = jnp.power(bond_norm, -2.0)
    bond_norm = _l1norm(bond_norm, -1)
    bond_norm = bond_norm[..., None]
    atom_neighbour_weight = jnp.sum(bond_norm * atom_neighbor, axis=-2)
    atom_update = atom_root * atom_neighbour_weight
    atom_update = jnp.matmul(atom_update, weight_node) + bias_node
    atom_update = jax.nn.relu(atom_update)
    # edge update from the two endpoint atoms
    flat = adj_matrix_tuple.reshape(B, -1)
    bond_diatom = jax.vmap(lambda a, idx: jnp.take(a, idx, axis=0))(atom_update, flat)
    bond_diatom = bond_diatom.reshape(B, -1, 2 * Fa_out)
    bond_diatom = _l1norm(bond_diatom, -2)
    bond_diatom = jnp.matmul(bond_diatom, weight_node_to_edge) + bias_node_to_edge
    bond_diatom = jnp.tanh(bond_diatom)
    bond_update = bond.reshape(bond_diatom.shape) + bond_diatom
    bond_update = jnp.matmul(bond_update, weight_edge)
    bond_update = bond_update.reshape(B, N, M, Fb_out) + bias_edge
    return (atom_update, bond_update)

if __name__ == "__main__":
    import jax
    _d = setup_inputs()
    print(jax.jit(kernel)(*tuple(_d.values())))

</pallas_src>

<mosaic_0001>
#map = affine_map<(d0, d1) -> (0, 0)>
#map1 = affine_map<(d0, d1) -> (0)>
module attributes {stable_mosaic.version = 14 : i64} {
  func.func @k(%arg0: i32, %arg1: i32, %arg2: memref<20000x128xf32, #tpu.memory_space<hbm>>, %arg3: memref<320000xi32, #tpu.memory_space<hbm>>, %arg4: memref<320000x128xf32, #tpu.memory_space<hbm>>, %arg5: memref<6x128xi32, #tpu.memory_space<vmem>>, %arg6: memref<6x128x128xf32, #tpu.memory_space<vmem>>, %arg7: memref<6x!tpu.dma_semaphore, #tpu.memory_space<semaphore_mem>>, %arg8: memref<6x!tpu.dma_semaphore, #tpu.memory_space<semaphore_mem>>, %arg9: memref<6x!tpu.dma_semaphore, #tpu.memory_space<semaphore_mem>>) attributes {dimension_semantics = [#tpu.dimension_semantics<core_parallel>, #tpu.dimension_semantics<subcore_parallel>], iteration_bounds = array<i64: 2, 16>, scalar_prefetch = 0 : i64, scratch_operands = 5 : i64, tpu.core_type = #tpu.core_type<sc_vector_subcore>, window_params = [{transform_indices = #map}, {transform_indices = #map1}, {transform_indices = #map}]} {
    %mul3A = arith.constant 2 : i32
    %mul3A_0 = arith.muli %arg1, %mul3A : i32
    %add3A = arith.addi %mul3A_0, %arg0 : i32
    %mul3A_1 = arith.constant 78 : i32
    %mul3A_2 = arith.muli %add3A, %mul3A_1 : i32
    %min3A = arith.constant 4 : i32
    %min3A_3 = arith.minsi %add3A, %min3A : i32
    %add3A_4 = arith.addi %mul3A_2, %min3A_3 : i32
    %add3A_5 = arith.constant 78 : i32
    %add3A_6 = arith.addi %add3A_4, %add3A_5 : i32
    %lt3A = arith.constant 4 : i32
    %lt3A_7 = arith.cmpi slt, %add3A, %lt3A : i32
    %jit3A = arith.constant 1 : i32
    %jit3A_8 = arith.constant 0 : i32
    %select_n3A = arith.select %lt3A_7, %jit3A, %jit3A_8 : i32
    %add3A_9 = arith.addi %add3A_6, %select_n3A : i32
    %add3A_10 = arith.constant 0 : i32
    %add3A_11 = arith.addi %add3A_4, %add3A_10 : i32
    %lt3A_12 = arith.cmpi slt, %add3A_11, %add3A_9 : i32
    %convert_element_type3A = arith.extui %lt3A_12 : i1 to i32
    %cond3A = arith.constant 0 : i32
    %cond3A_13 = arith.cmpi ne, %convert_element_type3A, %cond3A : i32
    scf.if %cond3A_13 {
      %mul3A_155 = arith.constant 128 : i32
      %mul3A_156 = arith.muli %add3A_11, %mul3A_155 : i32
      %dma_start3A = arith.constant 0 : i32
      %dma_start3A_157 = arith.constant 0 : i32
      %dma_start3A_158 = arith.constant 0 : i32
      %dma_start3A_159 = tpu.memref_slice %arg5[%dma_start3A, %dma_start3A_158] : memref<6x128xi32, #tpu.memory_space<vmem>> -> memref<1x128xi32, #tpu.memory_space<vmem>>
      %dma_start3A_160 = tpu.memref_squeeze %dma_start3A_159 : memref<1x128xi32, #tpu.memory_space<vmem>> -> memref<128xi32, #tpu.memory_space<vmem>>
      %dma_start3A_161 = tpu.memref_slice %arg3[%mul3A_156] : memref<320000xi32, #tpu.memory_space<hbm>> -> memref<128xi32, #tpu.memory_space<hbm>>
      %dma_start3A_162 = tpu.memref_slice %arg7[%dma_start3A_157] : memref<6x!tpu.dma_semaphore, #tpu.memory_space<semaphore_mem>> -> memref<1x!tpu.dma_semaphore, #tpu.memory_space<semaphore_mem>>
      %dma_start3A_163 = tpu.memref_squeeze %dma_start3A_162 : memref<1x!tpu.dma_semaphore, #tpu.memory_space<semaphore_mem>> -> memref<!tpu.dma_semaphore, #tpu.memory_space<semaphore_mem>>
      %dma_start3A_164 = arith.constant 0 : i32
      %dma_start3A_165 = tpu.memref_slice %arg5[%dma_start3A, %dma_start3A_164] : memref<6x128xi32, #tpu.memory_space<vmem>> -> memref<1x128xi32, #tpu.memory_space<vmem>>
      %dma_start3A_166 = tpu.memref_squeeze %dma_start3A_165 : memref<1x128xi32, #tpu.memory_space<vmem>> -> memref<128xi32, #tpu.memory_space<vmem>>
      %dma_start3A_167 = tpu.memref_slice %arg3[%mul3A_156] : memref<320000xi32, #tpu.memory_space<hbm>> -> memref<128xi32, #tpu.memory_space<hbm>>
      tpu.enqueue_dma source(%dma_start3A_167 : memref<128xi32, #tpu.memory_space<hbm>>) target(%dma_start3A_166 : memref<128xi32, #tpu.memory_space<vmem>>) target_semaphore(%dma_start3A_163 : memref<!tpu.dma_semaphore, #tpu.memory_space<semaphore_mem>>)
    } else {
    }
    %add3A_14 = arith.constant 1 : i32
    %add3A_15 = arith.addi %add3A_4, %add3A_14 : i32
    %lt3A_16 = arith.cmpi slt, %add3A_15, %add3A_9 : i32
    %convert_element_type3A_17 = arith.extui %lt3A_16 : i1 to i32
    %cond3A_18 = arith.constant 0 : i32
    %cond3A_19 = arith.cmpi ne, %convert_element_type3A_17, %cond3A_18 : i32
    scf.if %cond3A_19 {
      %mul3A_155 = arith.constant 128 : i32
      %mul3A_156 = arith.muli %add3A_15, %mul3A_155 : i32
      %dma_start3A = arith.constant 1 : i32
      %dma_start3A_157 = arith.constant 1 : i32
      %dma_start3A_158 = arith.constant 0 : i32
      %dma_start3A_159 = tpu.memref_slice %arg5[%dma_start3A, %dma_start3A_158] : memref<6x128xi32, #tpu.memory_space<vmem>> -> memref<1x128xi32, #tpu.memory_space<vmem>>
      %dma_start3A_160 = tpu.memref_squeeze %dma_start3A_159 : memref<1x128xi32, #tpu.memory_space<vmem>> -> memref<128xi32, #tpu.memory_space<vmem>>
      %dma_start3A_161 = tpu.memref_slice %arg3[%mul3A_156] : memref<320000xi32, #tpu.memory_space<hbm>> -> memref<128xi32, #tpu.memory_space<hbm>>
      %dma_start3A_162 = tpu.memref_slice %arg7[%dma_start3A_157] : memref<6x!tpu.dma_semaphore, #tpu.memory_space<semaphore_mem>> -> memref<1x!tpu.dma_semaphore, #tpu.memory_space<semaphore_mem>>
      %dma_start3A_163 = tpu.memref_squeeze %dma_start3A_162 : memref<1x!tpu.dma_semaphore, #tpu.memory_space<semaphore_mem>> -> memref<!tpu.dma_semaphore, #tpu.memory_space<semaphore_mem>>
      %dma_start3A_164 = arith.constant 0 : i32
      %dma_start3A_165 = tpu.memref_slice %arg5[%dma_start3A, %dma_start3A_164] : memref<6x128xi32, #tpu.memory_space<vmem>> -> memref<1x128xi32, #tpu.memory_space<vmem>>
      %dma_start3A_166 = tpu.memref_squeeze %dma_start3A_165 : memref<1x128xi32, #tpu.memory_space<vmem>> -> memref<128xi32, #tpu.memory_space<vmem>>
      %dma_start3A_167 = tpu.memref_slice %arg3[%mul3A_156] : memref<320000xi32, #tpu.memory_space<hbm>> -> memref<128xi32, #tpu.memory_space<hbm>>
      tpu.enqueue_dma source(%dma_start3A_167 : memref<128xi32, #tpu.memory_space<hbm>>) target(%dma_start3A_166 : memref<128xi32, #tpu.memory_space<vmem>>) target_semaphore(%dma_start3A_163 : memref<!tpu.dma_semaphore, #tpu.memory_space<semaphore_mem>>)
    } else {
    }
    %add3A_20 = arith.constant 2 : i32
    %add3A_21 = arith.addi %add3A_4, %add3A_20 : i32
    %lt3A_22 = arith.cmpi slt, %add3A_21, %add3A_9 : i32
    %convert_element_type3A_23 = arith.extui %lt3A_22 : i1 to i32
    %cond3A_24 = arith.constant 0 : i32
    %cond3A_25 = arith.cmpi ne, %convert_element_type3A_23, %cond3A_24 : i32
    scf.if %cond3A_25 {
      %mul3A_155 = arith.constant 128 : i32
      %mul3A_156 = arith.muli %add3A_21, %mul3A_155 : i32
      %dma_start3A = arith.constant 2 : i32
      %dma_start3A_157 = arith.constant 2 : i32
      %dma_start3A_158 = arith.constant 0 : i32
      %dma_start3A_159 = tpu.memref_slice %arg5[%dma_start3A, %dma_start3A_158] : memref<6x128xi32, #tpu.memory_space<vmem>> -> memref<1x128xi32, #tpu.memory_space<vmem>>
      %dma_start3A_160 = tpu.memref_squeeze %dma_start3A_159 : memref<1x128xi32, #tpu.memory_space<vmem>> -> memref<128xi32, #tpu.memory_space<vmem>>
      %dma_start3A_161 = tpu.memref_slice %arg3[%mul3A_156] : memref<320000xi32, #tpu.memory_space<hbm>> -> memref<128xi32, #tpu.memory_space<hbm>>
      %dma_start3A_162 = tpu.memref_slice %arg7[%dma_start3A_157] : memref<6x!tpu.dma_semaphore, #tpu.memory_space<semaphore_mem>> -> memref<1x!tpu.dma_semaphore, #tpu.memory_space<semaphore_mem>>
      %dma_start3A_163 = tpu.memref_squeeze %dma_start3A_162 : memref<1x!tpu.dma_semaphore, #tpu.memory_space<semaphore_mem>> -> memref<!tpu.dma_semaphore, #tpu.memory_space<semaphore_mem>>
      %dma_start3A_164 = arith.constant 0 : i32
      %dma_start3A_165 = tpu.memref_slice %arg5[%dma_start3A, %dma_start3A_164] : memref<6x128xi32, #tpu.memory_space<vmem>> -> memref<1x128xi32, #tpu.memory_space<vmem>>
      %dma_start3A_166 = tpu.memref_squeeze %dma_start3A_165 : memref<1x128xi32, #tpu.memory_space<vmem>> -> memref<128xi32, #tpu.memory_space<vmem>>
      %dma_start3A_167 = tpu.memref_slice %arg3[%mul3A_156] : memref<320000xi32, #tpu.memory_space<hbm>> -> memref<128xi32, #tpu.memory_space<hbm>>
      tpu.enqueue_dma source(%dma_start3A_167 : memref<128xi32, #tpu.memory_space<hbm>>) target(%dma_start3A_166 : memref<128xi32, #tpu.memory_space<vmem>>) target_semaphore(%dma_start3A_163 : memref<!tpu.dma_semaphore, #tpu.memory_space<semaphore_mem>>)
    } else {
    }
    %add3A_26 = arith.constant 3 : i32
    %add3A_27 = arith.addi %add3A_4, %add3A_26 : i32
    %lt3A_28 = arith.cmpi slt, %add3A_27, %add3A_9 : i32
    %convert_element_type3A_29 = arith.extui %lt3A_28 : i1 to i32
    %cond3A_30 = arith.constant 0 : i32
    %cond3A_31 = arith.cmpi ne, %convert_element_type3A_29, %cond3A_30 : i32
    scf.if %cond3A_31 {
      %mul3A_155 = arith.constant 128 : i32
      %mul3A_156 = arith.muli %add3A_27, %mul3A_155 : i32
      %dma_start3A = arith.constant 3 : i32
      %dma_start3A_157 = arith.constant 3 : i32
      %dma_start3A_158 = arith.constant 0 : i32
      %dma_start3A_159 = tpu.memref_slice %arg5[%dma_start3A, %dma_start3A_158] : memref<6x128xi32, #tpu.memory_space<vmem>> -> memref<1x128xi32, #tpu.memory_space<vmem>>
      %dma_start3A_160 = tpu.memref_squeeze %dma_start3A_159 : memref<1x128xi32, #tpu.memory_space<vmem>> -> memref<128xi32, #tpu.memory_space<vmem>>
      %dma_start3A_161 = tpu.memref_slice %arg3[%mul3A_156] : memref<320000xi32, #tpu.memory_space<hbm>> -> memref<128xi32, #tpu.memory_space<hbm>>
      %dma_start3A_162 = tpu.memref_slice %arg7[%dma_start3A_157] : memref<6x!tpu.dma_semaphore, #tpu.memory_space<semaphore_mem>> -> memref<1x!tpu.dma_semaphore, #tpu.memory_space<semaphore_mem>>
      %dma_start3A_163 = tpu.memref_squeeze %dma_start3A_162 : memref<1x!tpu.dma_semaphore, #tpu.memory_space<semaphore_mem>> -> memref<!tpu.dma_semaphore, #tpu.memory_space<semaphore_mem>>
      %dma_start3A_164 = arith.constant 0 : i32
      %dma_start3A_165 = tpu.memref_slice %arg5[%dma_start3A, %dma_start3A_164] : memref<6x128xi32, #tpu.memory_space<vmem>> -> memref<1x128xi32, #tpu.memory_space<vmem>>
      %dma_start3A_166 = tpu.memref_squeeze %dma_start3A_165 : memref<1x128xi32, #tpu.memory_space<vmem>> -> memref<128xi32, #tpu.memory_space<vmem>>
      %dma_start3A_167 = tpu.memref_slice %arg3[%mul3A_156] : memref<320000xi32, #tpu.memory_space<hbm>> -> memref<128xi32, #tpu.memory_space<hbm>>
      tpu.enqueue_dma source(%dma_start3A_167 : memref<128xi32, #tpu.memory_space<hbm>>) target(%dma_start3A_166 : memref<128xi32, #tpu.memory_space<vmem>>) target_semaphore(%dma_start3A_163 : memref<!tpu.dma_semaphore, #tpu.memory_space<semaphore_mem>>)
    } else {
    }
    %add3A_32 = arith.constant 4 : i32
    %add3A_33 = arith.addi %add3A_4, %add3A_32 : i32
    %lt3A_34 = arith.cmpi slt, %add3A_33, %add3A_9 : i32
    %convert_element_type3A_35 = arith.extui %lt3A_34 : i1 to i32
    %cond3A_36 = arith.constant 0 : i32
    %cond3A_37 = arith.cmpi ne, %convert_element_type3A_35, %cond3A_36 : i32
    scf.if %cond3A_37 {
      %mul3A_155 = arith.constant 128 : i32
      %mul3A_156 = arith.muli %add3A_33, %mul3A_155 : i32
      %dma_start3A = arith.constant 4 : i32
      %dma_start3A_157 = arith.constant 4 : i32
      %dma_start3A_158 = arith.constant 0 : i32
      %dma_start3A_159 = tpu.memref_slice %arg5[%dma_start3A, %dma_start3A_158] : memref<6x128xi32, #tpu.memory_space<vmem>> -> memref<1x128xi32, #tpu.memory_space<vmem>>
      %dma_start3A_160 = tpu.memref_squeeze %dma_start3A_159 : memref<1x128xi32, #tpu.memory_space<vmem>> -> memref<128xi32, #tpu.memory_space<vmem>>
      %dma_start3A_161 = tpu.memref_slice %arg3[%mul3A_156] : memref<320000xi32, #tpu.memory_space<hbm>> -> memref<128xi32, #tpu.memory_space<hbm>>
      %dma_start3A_162 = tpu.memref_slice %arg7[%dma_start3A_157] : memref<6x!tpu.dma_semaphore, #tpu.memory_space<semaphore_mem>> -> memref<1x!tpu.dma_semaphore, #tpu.memory_space<semaphore_mem>>
      %dma_start3A_163 = tpu.memref_squeeze %dma_start3A_162 : memref<1x!tpu.dma_semaphore, #tpu.memory_space<semaphore_mem>> -> memref<!tpu.dma_semaphore, #tpu.memory_space<semaphore_mem>>
      %dma_start3A_164 = arith.constant 0 : i32
      %dma_start3A_165 = tpu.memref_slice %arg5[%dma_start3A, %dma_start3A_164] : memref<6x128xi32, #tpu.memory_space<vmem>> -> memref<1x128xi32, #tpu.memory_space<vmem>>
      %dma_start3A_166 = tpu.memref_squeeze %dma_start3A_165 : memref<1x128xi32, #tpu.memory_space<vmem>> -> memref<128xi32, #tpu.memory_space<vmem>>
      %dma_start3A_167 = tpu.memref_slice %arg3[%mul3A_156] : memref<320000xi32, #tpu.memory_space<hbm>> -> memref<128xi32, #tpu.memory_space<hbm>>
      tpu.enqueue_dma source(%dma_start3A_167 : memref<128xi32, #tpu.memory_space<hbm>>) target(%dma_start3A_166 : memref<128xi32, #tpu.memory_space<vmem>>) target_semaphore(%dma_start3A_163 : memref<!tpu.dma_semaphore, #tpu.memory_space<semaphore_mem>>)
    } else {
    }
    %add3A_38 = arith.constant 5 : i32
    %add3A_39 = arith.addi %add3A_4, %add3A_38 : i32
    %lt3A_40 = arith.cmpi slt, %add3A_39, %add3A_9 : i32
    %convert_element_type3A_41 = arith.extui %lt3A_40 : i1 to i32
    %cond3A_42 = arith.constant 0 : i32
    %cond3A_43 = arith.cmpi ne, %convert_element_type3A_41, %cond3A_42 : i32
    scf.if %cond3A_43 {
      %mul3A_155 = arith.constant 128 : i32
      %mul3A_156 = arith.muli %add3A_39, %mul3A_155 : i32
      %dma_start3A = arith.constant 5 : i32
      %dma_start3A_157 = arith.constant 5 : i32
      %dma_start3A_158 = arith.constant 0 : i32
      %dma_start3A_159 = tpu.memref_slice %arg5[%dma_start3A, %dma_start3A_158] : memref<6x128xi32, #tpu.memory_space<vmem>> -> memref<1x128xi32, #tpu.memory_space<vmem>>
      %dma_start3A_160 = tpu.memref_squeeze %dma_start3A_159 : memref<1x128xi32, #tpu.memory_space<vmem>> -> memref<128xi32, #tpu.memory_space<vmem>>
      %dma_start3A_161 = tpu.memref_slice %arg3[%mul3A_156] : memref<320000xi32, #tpu.memory_space<hbm>> -> memref<128xi32, #tpu.memory_space<hbm>>
      %dma_start3A_162 = tpu.memref_slice %arg7[%dma_start3A_157] : memref<6x!tpu.dma_semaphore, #tpu.memory_space<semaphore_mem>> -> memref<1x!tpu.dma_semaphore, #tpu.memory_space<semaphore_mem>>
      %dma_start3A_163 = tpu.memref_squeeze %dma_start3A_162 : memref<1x!tpu.dma_semaphore, #tpu.memory_space<semaphore_mem>> -> memref<!tpu.dma_semaphore, #tpu.memory_space<semaphore_mem>>
      %dma_start3A_164 = arith.constant 0 : i32
      %dma_start3A_165 = tpu.memref_slice %arg5[%dma_start3A, %dma_start3A_164] : memref<6x128xi32, #tpu.memory_space<vmem>> -> memref<1x128xi32, #tpu.memory_space<vmem>>
      %dma_start3A_166 = tpu.memref_squeeze %dma_start3A_165 : memref<1x128xi32, #tpu.memory_space<vmem>> -> memref<128xi32, #tpu.memory_space<vmem>>
      %dma_start3A_167 = tpu.memref_slice %arg3[%mul3A_156] : memref<320000xi32, #tpu.memory_space<hbm>> -> memref<128xi32, #tpu.memory_space<hbm>>
      tpu.enqueue_dma source(%dma_start3A_167 : memref<128xi32, #tpu.memory_space<hbm>>) target(%dma_start3A_166 : memref<128xi32, #tpu.memory_space<vmem>>) target_semaphore(%dma_start3A_163 : memref<!tpu.dma_semaphore, #tpu.memory_space<semaphore_mem>>)
    } else {
    }
    %scan3A = arith.constant 0 : i32
    %scan3A_44 = arith.constant 14 : i32
    %scan3A_45 = arith.addi %scan3A, %scan3A_44 : i32
    %scan3A_46 = arith.constant 1 : i32
    scf.for %scan3A_155 = %scan3A to %scan3A_45 step %scan3A_46  : i32 {
      %mul3A_156 = arith.constant 1 : i32
      %mul3A_157 = arith.muli %scan3A_155, %mul3A_156 : i32
      %add3A_158 = arith.constant 0 : i32
      %add3A_159 = arith.addi %add3A_158, %mul3A_157 : i32
      %mul3A_160 = arith.constant 6 : i32
      %mul3A_161 = arith.muli %add3A_159, %mul3A_160 : i32
      %add3A_162 = arith.addi %add3A_4, %mul3A_161 : i32
      %add3A_163 = arith.constant 0 : i32
      %add3A_164 = arith.addi %add3A_162, %add3A_163 : i32
      %lt3A_165 = arith.cmpi slt, %add3A_164, %add3A_9 : i32
      %convert_element_type3A_166 = arith.extui %lt3A_165 : i1 to i32
      %cond3A_167 = arith.constant 0 : i32
      %cond3A_168 = arith.cmpi ne, %convert_element_type3A_166, %cond3A_167 : i32
      scf.if %cond3A_168 {
        %gt3A = arith.constant 0 : i32
        %gt3A_268 = arith.cmpi sgt, %add3A_159, %gt3A : i32
        %convert_element_type3A_269 = arith.extui %gt3A_268 : i1 to i32
        %cond3A_270 = arith.constant 0 : i32
        %cond3A_271 = arith.cmpi ne, %convert_element_type3A_269, %cond3A_270 : i32
        scf.if %cond3A_271 {
          %mul3A_300 = arith.constant 128 : i32
          %mul3A_301 = arith.muli %add3A_164, %mul3A_300 : i32
          %dma_wait3A_302 = arith.constant 0 : i32
          %dma_wait3A_303 = arith.constant 0 : i32
          %dma_wait3A_304 = arith.constant 0 : i32
          %dma_wait3A_305 = arith.constant 0 : i32
          %dma_wait3A_306 = tpu.memref_slice %arg6[%dma_wait3A_302, %dma_wait3A_304, %dma_wait3A_305] : memref<6x128x128xf32, #tpu.memory_space<vmem>> -> memref<1x128x128xf32, #tpu.memory_space<vmem>>
          %dma_wait3A_307 = tpu.memref_squeeze %dma_wait3A_306 : memref<1x128x128xf32, #tpu.memory_space<vmem>> -> memref<128x128xf32, #tpu.memory_space<vmem>>
          %dma_wait3A_308 = arith.constant 0 : i32
          %dma_wait3A_309 = tpu.memref_slice %arg4[%mul3A_301, %dma_wait3A_308] : memref<320000x128xf32, #tpu.memory_space<hbm>> -> memref<128x128xf32, #tpu.memory_space<hbm>>
          %dma_wait3A_310 = tpu.memref_slice %arg9[%dma_wait3A_303] : memref<6x!tpu.dma_semaphore, #tpu.memory_space<semaphore_mem>> -> memref<1x!tpu.dma_semaphore, #tpu.memory_space<semaphore_mem>>
          %dma_wait3A_311 = tpu.memref_squeeze %dma_wait3A_310 : memref<1x!tpu.dma_semaphore, #tpu.memory_space<semaphore_mem>> -> memref<!tpu.dma_semaphore, #tpu.memory_space<semaphore_mem>>
          %dma_wait3A_312 = arith.constant 0 : i32
          %dma_wait3A_313 = tpu.memref_slice %arg4[%mul3A_301, %dma_wait3A_312] : memref<320000x128xf32, #tpu.memory_space<hbm>> -> memref<128x128xf32, #tpu.memory_space<hbm>>
          %dma_wait3A_314 = arith.constant 0 : i32
          %dma_wait3A_315 = arith.constant 0 : i32
          %dma_wait3A_316 = tpu.memref_slice %arg6[%dma_wait3A_302, %dma_wait3A_314, %dma_wait3A_315] : memref<6x128x128xf32, #tpu.memory_space<vmem>> -> memref<1x128x128xf32, #tpu.memory_space<vmem>>
          %dma_wait3A_317 = tpu.memref_squeeze %dma_wait3A_316 : memref<1x128x128xf32, #tpu.memory_space<vmem>> -> memref<128x128xf32, #tpu.memory_space<vmem>>
          tpu.wait_dma2 semaphore(%dma_wait3A_311 : memref<!tpu.dma_semaphore, #tpu.memory_space<semaphore_mem>>) src(%dma_wait3A_317 : memref<128x128xf32, #tpu.memory_space<vmem>>) dst(%dma_wait3A_313 : memref<128x128xf32, #tpu.memory_space<hbm>>)
        } else {
        }
        %mul3A_272 = arith.constant 128 : i32
        %mul3A_273 = arith.muli %add3A_164, %mul3A_272 : i32
        %dma_wait3A_274 = arith.constant 0 : i32
        %dma_wait3A_275 = arith.constant 0 : i32
        %dma_wait3A_276 = arith.constant 0 : i32
        %dma_wait3A_277 = tpu.memref_slice %arg5[%dma_wait3A_274, %dma_wait3A_276] : memref<6x128xi32, #tpu.memory_space<vmem>> -> memref<1x128xi32, #tpu.memory_space<vmem>>
        %dma_wait3A_278 = tpu.memref_squeeze %dma_wait3A_277 : memref<1x128xi32, #tpu.memory_space<vmem>> -> memref<128xi32, #tpu.memory_space<vmem>>
        %dma_wait3A_279 = tpu.memref_slice %arg3[%mul3A_273] : memref<320000xi32, #tpu.memory_space<hbm>> -> memref<128xi32, #tpu.memory_space<hbm>>
        %dma_wait3A_280 = tpu.memref_slice %arg7[%dma_wait3A_275] : memref<6x!tpu.dma_semaphore, #tpu.memory_space<semaphore_mem>> -> memref<1x!tpu.dma_semaphore, #tpu.memory_space<semaphore_mem>>
        %dma_wait3A_281 = tpu.memref_squeeze %dma_wait3A_280 : memref<1x!tpu.dma_semaphore, #tpu.memory_space<semaphore_mem>> -> memref<!tpu.dma_semaphore, #tpu.memory_space<semaphore_mem>>
        %dma_wait3A_282 = arith.constant 0 : i32
        %dma_wait3A_283 = tpu.memref_slice %arg5[%dma_wait3A_274, %dma_wait3A_282] : memref<6x128xi32, #tpu.memory_space<vmem>> -> memref<1x128xi32, #tpu.memory_space<vmem>>
        %dma_wait3A_284 = tpu.memref_squeeze %dma_wait3A_283 : memref<1x128xi32, #tpu.memory_space<vmem>> -> memref<128xi32, #tpu.memory_space<vmem>>
        %dma_wait3A_285 = tpu.memref_slice %arg3[%mul3A_273] : memref<320000xi32, #tpu.memory_space<hbm>> -> memref<128xi32, #tpu.memory_space<hbm>>
        tpu.wait_dma2 semaphore(%dma_wait3A_281 : memref<!tpu.dma_semaphore, #tpu.memory_space<semaphore_mem>>) src(%dma_wait3A_285 : memref<128xi32, #tpu.memory_space<hbm>>) dst(%dma_wait3A_284 : memref<128xi32, #tpu.memory_space<vmem>>)
        %dma_start3A = arith.constant 0 : i32
        %dma_start3A_286 = arith.constant 0 : i32
        %dma_start3A_287 = arith.constant 0 : i32
        %dma_start3A_288 = arith.constant 0 : i32
        %dma_start3A_289 = arith.constant 0 : i32
        %dma_start3A_290 = tpu.memref_slice %arg6[%dma_start3A_286, %dma_start3A_288, %dma_start3A_289] : memref<6x128x128xf32, #tpu.memory_space<vmem>> -> memref<1x128x128xf32, #tpu.memory_space<vmem>>
        %dma_start3A_291 = tpu.memref_squeeze %dma_start3A_290 : memref<1x128x128xf32, #tpu.memory_space<vmem>> -> memref<128x128xf32, #tpu.memory_space<vmem>>
        %dma_start3A_292 = arith.constant 0 : i32
        %dma_start3A_293 = tpu.memref_slice %arg5[%dma_start3A, %dma_start3A_292] : memref<6x128xi32, #tpu.memory_space<vmem>> -> memref<1x128xi32, #tpu.memory_space<vmem>>
        %dma_start3A_294 = tpu.memref_squeeze %dma_start3A_293 : memref<1x128xi32, #tpu.memory_space<vmem>> -> memref<128xi32, #tpu.memory_space<vmem>>
        %dma_start3A_295 = arith.constant 0 : i32
        %dma_start3A_296 = arith.constant 0 : i32
        %dma_start3A_297 = tpu.memref_slice %arg2[%dma_start3A_295, %dma_start3A_296] : memref<20000x128xf32, #tpu.memory_space<hbm>> -> memref<20000x128xf32, #tpu.memory_space<hbm>>
        %dma_start3A_298 = tpu.memref_slice %arg8[%dma_start3A_287] : memref<6x!tpu.dma_semaphore, #tpu.memory_space<semaphore_mem>> -> memref<1x!tpu.dma_semaphore, #tpu.memory_space<semaphore_mem>>
        %dma_start3A_299 = tpu.memref_squeeze %dma_start3A_298 : memref<1x!tpu.dma_semaphore, #tpu.memory_space<semaphore_mem>> -> memref<!tpu.dma_semaphore, #tpu.memory_space<semaphore_mem>>
        tpu.enqueue_indirect_dma source(%dma_start3A_297 : memref<20000x128xf32, #tpu.memory_space<hbm>>) target(%dma_start3A_291 : memref<128x128xf32, #tpu.memory_space<vmem>>) offsets(%dma_start3A_294 : memref<128xi32, #tpu.memory_space<vmem>>) semaphore(%dma_start3A_299 : memref<!tpu.dma_semaphore, #tpu.memory_space<semaphore_mem>>)
      } else {
      }
      %mul3A_169 = arith.constant 6 : i32
      %mul3A_170 = arith.muli %add3A_159, %mul3A_169 : i32
      %add3A_171 = arith.addi %add3A_4, %mul3A_170 : i32
      %add3A_172 = arith.constant 1 : i32
      %add3A_173 = arith.addi %add3A_171, %add3A_172 : i32
      %lt3A_174 = arith.cmpi slt, %add3A_173, %add3A_9 : i32
      %convert_element_type3A_175 = arith.extui %lt3A_174 : i1 to i32
      %cond3A_176 = arith.constant 0 : i32
      %cond3A_177 = arith.cmpi ne, %convert_element_type3A_175, %cond3A_176 : i32
      scf.if %cond3A_177 {
        %gt3A = arith.constant 0 : i32
        %gt3A_268 = arith.cmpi sgt, %add3A_159, %gt3A : i32
        %convert_element_type3A_269 = arith.extui %gt3A_268 : i1 to i32
        %cond3A_270 = arith.constant 0 : i32
        %cond3A_271 = arith.cmpi ne, %convert_element_type3A_269, %cond3A_270 : i32
        scf.if %cond3A_271 {
          %mul3A_300 = arith.constant 128 : i32
          %mul3A_301 = arith.muli %add3A_173, %mul3A_300 : i32
          %dma_wait3A_302 = arith.constant 1 : i32
          %dma_wait3A_303 = arith.constant 1 : i32
          %dma_wait3A_304 = arith.constant 0 : i32
          %dma_wait3A_305 = arith.constant 0 : i32
          %dma_wait3A_306 = tpu.memref_slice %arg6[%dma_wait3A_302, %dma_wait3A_304, %dma_wait3A_305] : memref<6x128x128xf32, #tpu.memory_space<vmem>> -> memref<1x128x128xf32, #tpu.memory_space<vmem>>
          %dma_wait3A_307 = tpu.memref_squeeze %dma_wait3A_306 : memref<1x128x128xf32, #tpu.memory_space<vmem>> -> memref<128x128xf32, #tpu.memory_space<vmem>>
          %dma_wait3A_308 = arith.constant 0 : i32
          %dma_wait3A_309 = tpu.memref_slice %arg4[%mul3A_301, %dma_wait3A_308] : memref<320000x128xf32, #tpu.memory_space<hbm>> -> memref<128x128xf32, #tpu.memory_space<hbm>>
          %dma_wait3A_310 = tpu.memref_slice %arg9[%dma_wait3A_303] : memref<6x!tpu.dma_semaphore, #tpu.memory_space<semaphore_mem>> -> memref<1x!tpu.dma_semaphore, #tpu.memory_space<semaphore_mem>>
          %dma_wait3A_311 = tpu.memref_squeeze %dma_wait3A_310 : memref<1x!tpu.dma_semaphore, #tpu.memory_space<semaphore_mem>> -> memref<!tpu.dma_semaphore, #tpu.memory_space<semaphore_mem>>
          %dma_wait3A_312 = arith.constant 0 : i32
          %dma_wait3A_313 = tpu.memref_slice %arg4[%mul3A_301, %dma_wait3A_312] : memref<320000x128xf32, #tpu.memory_space<hbm>> -> memref<128x128xf32, #tpu.memory_space<hbm>>
          %dma_wait3A_314 = arith.constant 0 : i32
          %dma_wait3A_315 = arith.constant 0 : i32
          %dma_wait3A_316 = tpu.memref_slice %arg6[%dma_wait3A_302, %dma_wait3A_314, %dma_wait3A_315] : memref<6x128x128xf32, #tpu.memory_space<vmem>> -> memref<1x128x128xf32, #tpu.memory_space<vmem>>
          %dma_wait3A_317 = tpu.memref_squeeze %dma_wait3A_316 : memref<1x128x128xf32, #tpu.memory_space<vmem>> -> memref<128x128xf32, #tpu.memory_space<vmem>>
          tpu.wait_dma2 semaphore(%dma_wait3A_311 : memref<!tpu.dma_semaphore, #tpu.memory_space<semaphore_mem>>) src(%dma_wait3A_317 : memref<128x128xf32, #tpu.memory_space<vmem>>) dst(%dma_wait3A_313 : memref<128x128xf32, #tpu.memory_space<hbm>>)
        } else {
        }
        %mul3A_272 = arith.constant 128 : i32
        %mul3A_273 = arith.muli %add3A_173, %mul3A_272 : i32
        %dma_wait3A_274 = arith.constant 1 : i32
        %dma_wait3A_275 = arith.constant 1 : i32
        %dma_wait3A_276 = arith.constant 0 : i32
        %dma_wait3A_277 = tpu.memref_slice %arg5[%dma_wait3A_274, %dma_wait3A_276] : memref<6x128xi32, #tpu.memory_space<vmem>> -> memref<1x128xi32, #tpu.memory_space<vmem>>
        %dma_wait3A_278 = tpu.memref_squeeze %dma_wait3A_277 : memref<1x128xi32, #tpu.memory_space<vmem>> -> memref<128xi32, #tpu.memory_space<vmem>>
        %dma_wait3A_279 = tpu.memref_slice %arg3[%mul3A_273] : memref<320000xi32, #tpu.memory_space<hbm>> -> memref<128xi32, #tpu.memory_space<hbm>>
        %dma_wait3A_280 = tpu.memref_slice %arg7[%dma_wait3A_275] : memref<6x!tpu.dma_semaphore, #tpu.memory_space<semaphore_mem>> -> memref<1x!tpu.dma_semaphore, #tpu.memory_space<semaphore_mem>>
        %dma_wait3A_281 = tpu.memref_squeeze %dma_wait3A_280 : memref<1x!tpu.dma_semaphore, #tpu.memory_space<semaphore_mem>> -> memref<!tpu.dma_semaphore, #tpu.memory_space<semaphore_mem>>
        %dma_wait3A_282 = arith.constant 0 : i32
        %dma_wait3A_283 = tpu.memref_slice %arg5[%dma_wait3A_274, %dma_wait3A_282] : memref<6x128xi32, #tpu.memory_space<vmem>> -> memref<1x128xi32, #tpu.memory_space<vmem>>
        %dma_wait3A_284 = tpu.memref_squeeze %dma_wait3A_283 : memref<1x128xi32, #tpu.memory_space<vmem>> -> memref<128xi32, #tpu.memory_space<vmem>>
        %dma_wait3A_285 = tpu.memref_slice %arg3[%mul3A_273] : memref<320000xi32, #tpu.memory_space<hbm>> -> memref<128xi32, #tpu.memory_space<hbm>>
        tpu.wait_dma2 semaphore(%dma_wait3A_281 : memref<!tpu.dma_semaphore, #tpu.memory_space<semaphore_mem>>) src(%dma_wait3A_285 : memref<128xi32, #tpu.memory_space<hbm>>) dst(%dma_wait3A_284 : memref<128xi32, #tpu.memory_space<vmem>>)
        %dma_start3A = arith.constant 1 : i32
        %dma_start3A_286 = arith.constant 1 : i32
        %dma_start3A_287 = arith.constant 1 : i32
        %dma_start3A_288 = arith.constant 0 : i32
        %dma_start3A_289 = arith.constant 0 : i32
        %dma_start3A_290 = tpu.memref_slice %arg6[%dma_start3A_286, %dma_start3A_288, %dma_start3A_289] : memref<6x128x128xf32, #tpu.memory_space<vmem>> -> memref<1x128x128xf32, #tpu.memory_space<vmem>>
        %dma_start3A_291 = tpu.memref_squeeze %dma_start3A_290 : memref<1x128x128xf32, #tpu.memory_space<vmem>> -> memref<128x128xf32, #tpu.memory_space<vmem>>
        %dma_start3A_292 = arith.constant 0 : i32
        %dma_start3A_293 = tpu.memref_slice %arg5[%dma_start3A, %dma_start3A_292] : memref<6x128xi32, #tpu.memory_space<vmem>> -> memref<1x128xi32, #tpu.memory_space<vmem>>
        %dma_start3A_294 = tpu.memref_squeeze %dma_start3A_293 : memref<1x128xi32, #tpu.memory_space<vmem>> -> memref<128xi32, #tpu.memory_space<vmem>>
        %dma_start3A_295 = arith.constant 0 : i32
        %dma_start3A_296 = arith.constant 0 : i32
        %dma_start3A_297 = tpu.memref_slice %arg2[%dma_start3A_295, %dma_start3A_296] : memref<20000x128xf32, #tpu.memory_space<hbm>> -> memref<20000x128xf32, #tpu.memory_space<hbm>>
        %dma_start3A_298 = tpu.memref_slice %arg8[%dma_start3A_287] : memref<6x!tpu.dma_semaphore, #tpu.memory_space<semaphore_mem>> -> memref<1x!tpu.dma_semaphore, #tpu.memory_space<semaphore_mem>>
        %dma_start3A_299 = tpu.memref_squeeze %dma_start3A_298 : memref<1x!tpu.dma_semaphore, #tpu.memory_space<semaphore_mem>> -> memref<!tpu.dma_semaphore, #tpu.memory_space<semaphore_mem>>
        tpu.enqueue_indirect_dma source(%dma_start3A_297 : memref<20000x128xf32, #tpu.memory_space<hbm>>) target(%dma_start3A_291 : memref<128x128xf32, #tpu.memory_space<vmem>>) offsets(%dma_start3A_294 : memref<128xi32, #tpu.memory_space<vmem>>) semaphore(%dma_start3A_299 : memref<!tpu.dma_semaphore, #tpu.memory_space<semaphore_mem>>)
      } else {
      }
      %mul3A_178 = arith.constant 6 : i32
      %mul3A_179 = arith.muli %add3A_159, %mul3A_178 : i32
      %add3A_180 = arith.addi %add3A_4, %mul3A_179 : i32
      %add3A_181 = arith.constant 2 : i32
      %add3A_182 = arith.addi %add3A_180, %add3A_181 : i32
      %lt3A_183 = arith.cmpi slt, %add3A_182, %add3A_9 : i32
      %convert_element_type3A_184 = arith.extui %lt3A_183 : i1 to i32
      %cond3A_185 = arith.constant 0 : i32
      %cond3A_186 = arith.cmpi ne, %convert_element_type3A_184, %cond3A_185 : i32
      scf.if %cond3A_186 {
        %gt3A = arith.constant 0 : i32
        %gt3A_268 = arith.cmpi sgt, %add3A_159, %gt3A : i32
        %convert_element_type3A_269 = arith.extui %gt3A_268 : i1 to i32
        %cond3A_270 = arith.constant 0 : i32
        %cond3A_271 = arith.cmpi ne, %convert_element_type3A_269, %cond3A_270 : i32
        scf.if %cond3A_271 {
          %mul3A_300 = arith.constant 128 : i32
          %mul3A_301 = arith.muli %add3A_182, %mul3A_300 : i32
          %dma_wait3A_302 = arith.constant 2 : i32
          %dma_wait3A_303 = arith.constant 2 : i32
          %dma_wait3A_304 = arith.constant 0 : i32
          %dma_wait3A_305 = arith.constant 0 : i32
          %dma_wait3A_306 = tpu.memref_slice %arg6[%dma_wait3A_302, %dma_wait3A_304, %dma_wait3A_305] : memref<6x128x128xf32, #tpu.memory_space<vmem>> -> memref<1x128x128xf32, #tpu.memory_space<vmem>>
          %dma_wait3A_307 = tpu.memref_squeeze %dma_wait3A_306 : memref<1x128x128xf32, #tpu.memory_space<vmem>> -> memref<128x128xf32, #tpu.memory_space<vmem>>
          %dma_wait3A_308 = arith.constant 0 : i32
          %dma_wait3A_309 = tpu.memref_slice %arg4[%mul3A_301, %dma_wait3A_308] : memref<320000x128xf32, #tpu.memory_space<hbm>> -> memref<128x128xf32, #tpu.memory_space<hbm>>
          %dma_wait3A_310 = tpu.memref_slice %arg9[%dma_wait3A_303] : memref<6x!tpu.dma_semaphore, #tpu.memory_space<semaphore_mem>> -> memref<1x!tpu.dma_semaphore, #tpu.memory_space<semaphore_mem>>
          %dma_wait3A_311 = tpu.memref_squeeze %dma_wait3A_310 : memref<1x!tpu.dma_semaphore, #tpu.memory_space<semaphore_mem>> -> memref<!tpu.dma_semaphore, #tpu.memory_space<semaphore_mem>>
          %dma_wait3A_312 = arith.constant 0 : i32
          %dma_wait3A_313 = tpu.memref_slice %arg4[%mul3A_301, %dma_wait3A_312] : memref<320000x128xf32, #tpu.memory_space<hbm>> -> memref<128x128xf32, #tpu.memory_space<hbm>>
          %dma_wait3A_314 = arith.constant 0 : i32
          %dma_wait3A_315 = arith.constant 0 : i32
          %dma_wait3A_316 = tpu.memref_slice %arg6[%dma_wait3A_302, %dma_wait3A_314, %dma_wait3A_315] : memref<6x128x128xf32, #tpu.memory_space<vmem>> -> memref<1x128x128xf32, #tpu.memory_space<vmem>>
          %dma_wait3A_317 = tpu.memref_squeeze %dma_wait3A_316 : memref<1x128x128xf32, #tpu.memory_space<vmem>> -> memref<128x128xf32, #tpu.memory_space<vmem>>
          tpu.wait_dma2 semaphore(%dma_wait3A_311 : memref<!tpu.dma_semaphore, #tpu.memory_space<semaphore_mem>>) src(%dma_wait3A_317 : memref<128x128xf32, #tpu.memory_space<vmem>>) dst(%dma_wait3A_313 : memref<128x128xf32, #tpu.memory_space<hbm>>)
        } else {
        }
        %mul3A_272 = arith.constant 128 : i32
        %mul3A_273 = arith.muli %add3A_182, %mul3A_272 : i32
        %dma_wait3A_274 = arith.constant 2 : i32
        %dma_wait3A_275 = arith.constant 2 : i32
        %dma_wait3A_276 = arith.constant 0 : i32
        %dma_wait3A_277 = tpu.memref_slice %arg5[%dma_wait3A_274, %dma_wait3A_276] : memref<6x128xi32, #tpu.memory_space<vmem>> -> memref<1x128xi32, #tpu.memory_space<vmem>>
        %dma_wait3A_278 = tpu.memref_squeeze %dma_wait3A_277 : memref<1x128xi32, #tpu.memory_space<vmem>> -> memref<128xi32, #tpu.memory_space<vmem>>
        %dma_wait3A_279 = tpu.memref_slice %arg3[%mul3A_273] : memref<320000xi32, #tpu.memory_space<hbm>> -> memref<128xi32, #tpu.memory_space<hbm>>
        %dma_wait3A_280 = tpu.memref_slice %arg7[%dma_wait3A_275] : memref<6x!tpu.dma_semaphore, #tpu.memory_space<semaphore_mem>> -> memref<1x!tpu.dma_semaphore, #tpu.memory_space<semaphore_mem>>
        %dma_wait3A_281 = tpu.memref_squeeze %dma_wait3A_280 : memref<1x!tpu.dma_semaphore, #tpu.memory_space<semaphore_mem>> -> memref<!tpu.dma_semaphore, #tpu.memory_space<semaphore_mem>>
        %dma_wait3A_282 = arith.constant 0 : i32
        %dma_wait3A_283 = tpu.memref_slice %arg5[%dma_wait3A_274, %dma_wait3A_282] : memref<6x128xi32, #tpu.memory_space<vmem>> -> memref<1x128xi32, #tpu.memory_space<vmem>>
        %dma_wait3A_284 = tpu.memref_squeeze %dma_wait3A_283 : memref<1x128xi32, #tpu.memory_space<vmem>> -> memref<128xi32, #tpu.memory_space<vmem>>
        %dma_wait3A_285 = tpu.memref_slice %arg3[%mul3A_273] : memref<320000xi32, #tpu.memory_space<hbm>> -> memref<128xi32, #tpu.memory_space<hbm>>
        tpu.wait_dma2 semaphore(%dma_wait3A_281 : memref<!tpu.dma_semaphore, #tpu.memory_space<semaphore_mem>>) src(%dma_wait3A_285 : memref<128xi32, #tpu.memory_space<hbm>>) dst(%dma_wait3A_284 : memref<128xi32, #tpu.memory_space<vmem>>)
        %dma_start3A = arith.constant 2 : i32
        %dma_start3A_286 = arith.constant 2 : i32
        %dma_start3A_287 = arith.constant 2 : i32
        %dma_start3A_288 = arith.constant 0 : i32
        %dma_start3A_289 = arith.constant 0 : i32
        %dma_start3A_290 = tpu.memref_slice %arg6[%dma_start3A_286, %dma_start3A_288, %dma_start3A_289] : memref<6x128x128xf32, #tpu.memory_space<vmem>> -> memref<1x128x128xf32, #tpu.memory_space<vmem>>
        %dma_start3A_291 = tpu.memref_squeeze %dma_start3A_290 : memref<1x128x128xf32, #tpu.memory_space<vmem>> -> memref<128x128xf32, #tpu.memory_space<vmem>>
        %dma_start3A_292 = arith.constant 0 : i32
        %dma_start3A_293 = tpu.memref_slice %arg5[%dma_start3A, %dma_start3A_292] : memref<6x128xi32, #tpu.memory_space<vmem>> -> memref<1x128xi32, #tpu.memory_space<vmem>>
        %dma_start3A_294 = tpu.memref_squeeze %dma_start3A_293 : memref<1x128xi32, #tpu.memory_space<vmem>> -> memref<128xi32, #tpu.memory_space<vmem>>
        %dma_start3A_295 = arith.constant 0 : i32
        %dma_start3A_296 = arith.constant 0 : i32
        %dma_start3A_297 = tpu.memref_slice %arg2[%dma_start3A_295, %dma_start3A_296] : memref<20000x128xf32, #tpu.memory_space<hbm>> -> memref<20000x128xf32, #tpu.memory_space<hbm>>
        %dma_start3A_298 = tpu.memref_slice %arg8[%dma_start3A_287] : memref<6x!tpu.dma_semaphore, #tpu.memory_space<semaphore_mem>> -> memref<1x!tpu.dma_semaphore, #tpu.memory_space<semaphore_mem>>
        %dma_start3A_299 = tpu.memref_squeeze %dma_start3A_298 : memref<1x!tpu.dma_semaphore, #tpu.memory_space<semaphore_mem>> -> memref<!tpu.dma_semaphore, #tpu.memory_space<semaphore_mem>>
        tpu.enqueue_indirect_dma source(%dma_start3A_297 : memref<20000x128xf32, #tpu.memory_space<hbm>>) target(%dma_start3A_291 : memref<128x128xf32, #tpu.memory_space<vmem>>) offsets(%dma_start3A_294 : memref<128xi32, #tpu.memory_space<vmem>>) semaphore(%dma_start3A_299 : memref<!tpu.dma_semaphore, #tpu.memory_space<semaphore_mem>>)
      } else {
      }
      %mul3A_187 = arith.constant 6 : i32
      %mul3A_188 = arith.muli %add3A_159, %mul3A_187 : i32
      %add3A_189 = arith.addi %add3A_4, %mul3A_188 : i32
      %add3A_190 = arith.constant 3 : i32
      %add3A_191 = arith.addi %add3A_189, %add3A_190 : i32
      %lt3A_192 = arith.cmpi slt, %add3A_191, %add3A_9 : i32
      %convert_element_type3A_193 = arith.extui %lt3A_192 : i1 to i32
      %cond3A_194 = arith.constant 0 : i32
      %cond3A_195 = arith.cmpi ne, %convert_element_type3A_193, %cond3A_194 : i32
      scf.if %cond3A_195 {
        %gt3A = arith.constant 0 : i32
        %gt3A_268 = arith.cmpi sgt, %add3A_159, %gt3A : i32
        %convert_element_type3A_269 = arith.extui %gt3A_268 : i1 to i32
        %cond3A_270 = arith.constant 0 : i32
        %cond3A_271 = arith.cmpi ne, %convert_element_type3A_269, %cond3A_270 : i32
        scf.if %cond3A_271 {
          %mul3A_300 = arith.constant 128 : i32
          %mul3A_301 = arith.muli %add3A_191, %mul3A_300 : i32
          %dma_wait3A_302 = arith.constant 3 : i32
          %dma_wait3A_303 = arith.constant 3 : i32
          %dma_wait3A_304 = arith.constant 0 : i32
          %dma_wait3A_305 = arith.constant 0 : i32
          %dma_wait3A_306 = tpu.memref_slice %arg6[%dma_wait3A_302, %dma_wait3A_304, %dma_wait3A_305] : memref<6x128x128xf32, #tpu.memory_space<vmem>> -> memref<1x128x128xf32, #tpu.memory_space<vmem>>
          %dma_wait3A_307 = tpu.memref_squeeze %dma_wait3A_306 : memref<1x128x128xf32, #tpu.memory_space<vmem>> -> memref<128x128xf32, #tpu.memory_space<vmem>>
          %dma_wait3A_308 = arith.constant 0 : i32
          %dma_wait3A_309 = tpu.memref_slice %arg4[%mul3A_301, %dma_wait3A_308] : memref<320000x128xf32, #tpu.memory_space<hbm>> -> memref<128x128xf32, #tpu.memory_space<hbm>>
          %dma_wait3A_310 = tpu.memref_slice %arg9[%dma_wait3A_303] : memref<6x!tpu.dma_semaphore, #tpu.memory_space<semaphore_mem>> -> memref<1x!tpu.dma_semaphore, #tpu.memory_space<semaphore_mem>>
          %dma_wait3A_311 = tpu.memref_squeeze %dma_wait3A_310 : memref<1x!tpu.dma_semaphore, #tpu.memory_space<semaphore_mem>> -> memref<!tpu.dma_semaphore, #tpu.memory_space<semaphore_mem>>
          %dma_wait3A_312 = arith.constant 0 : i32
          %dma_wait3A_313 = tpu.memref_slice %arg4[%mul3A_301, %dma_wait3A_312] : memref<320000x128xf32, #tpu.memory_space<hbm>> -> memref<128x128xf32, #tpu.memory_space<hbm>>
          %dma_wait3A_314 = arith.constant 0 : i32
          %dma_wait3A_315 = arith.constant 0 : i32
          %dma_wait3A_316 = tpu.memref_slice %arg6[%dma_wait3A_302, %dma_wait3A_314, %dma_wait3A_315] : memref<6x128x128xf32, #tpu.memory_space<vmem>> -> memref<1x128x128xf32, #tpu.memory_space<vmem>>
          %dma_wait3A_317 = tpu.memref_squeeze %dma_wait3A_316 : memref<1x128x128xf32, #tpu.memory_space<vmem>> -> memref<128x128xf32, #tpu.memory_space<vmem>>
          tpu.wait_dma2 semaphore(%dma_wait3A_311 : memref<!tpu.dma_semaphore, #tpu.memory_space<semaphore_mem>>) src(%dma_wait3A_317 : memref<128x128xf32, #tpu.memory_space<vmem>>) dst(%dma_wait3A_313 : memref<128x128xf32, #tpu.memory_space<hbm>>)
        } else {
        }
        %mul3A_272 = arith.constant 128 : i32
        %mul3A_273 = arith.muli %add3A_191, %mul3A_272 : i32
        %dma_wait3A_274 = arith.constant 3 : i32
        %dma_wait3A_275 = arith.constant 3 : i32
        %dma_wait3A_276 = arith.constant 0 : i32
        %dma_wait3A_277 = tpu.memref_slice %arg5[%dma_wait3A_274, %dma_wait3A_276] : memref<6x128xi32, #tpu.memory_space<vmem>> -> memref<1x128xi32, #tpu.memory_space<vmem>>
        %dma_wait3A_278 = tpu.memref_squeeze %dma_wait3A_277 : memref<1x128xi32, #tpu.memory_space<vmem>> -> memref<128xi32, #tpu.memory_space<vmem>>
        %dma_wait3A_279 = tpu.memref_slice %arg3[%mul3A_273] : memref<320000xi32, #tpu.memory_space<hbm>> -> memref<128xi32, #tpu.memory_space<hbm>>
        %dma_wait3A_280 = tpu.memref_slice %arg7[%dma_wait3A_275] : memref<6x!tpu.dma_semaphore, #tpu.memory_space<semaphore_mem>> -> memref<1x!tpu.dma_semaphore, #tpu.memory_space<semaphore_mem>>
        %dma_wait3A_281 = tpu.memref_squeeze %dma_wait3A_280 : memref<1x!tpu.dma_semaphore, #tpu.memory_space<semaphore_mem>> -> memref<!tpu.dma_semaphore, #tpu.memory_space<semaphore_mem>>
        %dma_wait3A_282 = arith.constant 0 : i32
        %dma_wait3A_283 = tpu.memref_slice %arg5[%dma_wait3A_274, %dma_wait3A_282] : memref<6x128xi32, #tpu.memory_space<vmem>> -> memref<1x128xi32, #tpu.memory_space<vmem>>
        %dma_wait3A_284 = tpu.memref_squeeze %dma_wait3A_283 : memref<1x128xi32, #tpu.memory_space<vmem>> -> memref<128xi32, #tpu.memory_space<vmem>>
        %dma_wait3A_285 = tpu.memref_slice %arg3[%mul3A_273] : memref<320000xi32, #tpu.memory_space<hbm>> -> memref<128xi32, #tpu.memory_space<hbm>>
        tpu.wait_dma2 semaphore(%dma_wait3A_281 : memref<!tpu.dma_semaphore, #tpu.memory_space<semaphore_mem>>) src(%dma_wait3A_285 : memref<128xi32, #tpu.memory_space<hbm>>) dst(%dma_wait3A_284 : memref<128xi32, #tpu.memory_space<vmem>>)
        %dma_start3A = arith.constant 3 : i32
        %dma_start3A_286 = arith.constant 3 : i32
        %dma_start3A_287 = arith.constant 3 : i32
        %dma_start3A_288 = arith.constant 0 : i32
        %dma_start3A_289 = arith.constant 0 : i32
        %dma_start3A_290 = tpu.memref_slice %arg6[%dma_start3A_286, %dma_start3A_288, %dma_start3A_289] : memref<6x128x128xf32, #tpu.memory_space<vmem>> -> memref<1x128x128xf32, #tpu.memory_space<vmem>>
        %dma_start3A_291 = tpu.memref_squeeze %dma_start3A_290 : memref<1x128x128xf32, #tpu.memory_space<vmem>> -> memref<128x128xf32, #tpu.memory_space<vmem>>
        %dma_start3A_292 = arith.constant 0 : i32
        %dma_start3A_293 = tpu.memref_slice %arg5[%dma_start3A, %dma_start3A_292] : memref<6x128xi32, #tpu.memory_space<vmem>> -> memref<1x128xi32, #tpu.memory_space<vmem>>
        %dma_start3A_294 = tpu.memref_squeeze %dma_start3A_293 : memref<1x128xi32, #tpu.memory_space<vmem>> -> memref<128xi32, #tpu.memory_space<vmem>>
        %dma_start3A_295 = arith.constant 0 : i32
        %dma_start3A_296 = arith.constant 0 : i32
        %dma_start3A_297 = tpu.memref_slice %arg2[%dma_start3A_295, %dma_start3A_296] : memref<20000x128xf32, #tpu.memory_space<hbm>> -> memref<20000x128xf32, #tpu.memory_space<hbm>>
        %dma_start3A_298 = tpu.memref_slice %arg8[%dma_start3A_287] : memref<6x!tpu.dma_semaphore, #tpu.memory_space<semaphore_mem>> -> memref<1x!tpu.dma_semaphore, #tpu.memory_space<semaphore_mem>>
        %dma_start3A_299 = tpu.memref_squeeze %dma_start3A_298 : memref<1x!tpu.dma_semaphore, #tpu.memory_space<semaphore_mem>> -> memref<!tpu.dma_semaphore, #tpu.memory_space<semaphore_mem>>
        tpu.enqueue_indirect_dma source(%dma_start3A_297 : memref<20000x128xf32, #tpu.memory_space<hbm>>) target(%dma_start3A_291 : memref<128x128xf32, #tpu.memory_space<vmem>>) offsets(%dma_start3A_294 : memref<128xi32, #tpu.memory_space<vmem>>) semaphore(%dma_start3A_299 : memref<!tpu.dma_semaphore, #tpu.memory_space<semaphore_mem>>)
      } else {
      }
      %mul3A_196 = arith.constant 6 : i32
      %mul3A_197 = arith.muli %add3A_159, %mul3A_196 : i32
      %add3A_198 = arith.addi %add3A_4, %mul3A_197 : i32
      %add3A_199 = arith.constant 4 : i32
      %add3A_200 = arith.addi %add3A_198, %add3A_199 : i32
      %lt3A_201 = arith.cmpi slt, %add3A_200, %add3A_9 : i32
      %convert_element_type3A_202 = arith.extui %lt3A_201 : i1 to i32
      %cond3A_203 = arith.constant 0 : i32
      %cond3A_204 = arith.cmpi ne, %convert_element_type3A_202, %cond3A_203 : i32
      scf.if %cond3A_204 {
        %gt3A = arith.constant 0 : i32
        %gt3A_268 = arith.cmpi sgt, %add3A_159, %gt3A : i32
        %convert_element_type3A_269 = arith.extui %gt3A_268 : i1 to i32
        %cond3A_270 = arith.constant 0 : i32
        %cond3A_271 = arith.cmpi ne, %convert_element_type3A_269, %cond3A_270 : i32
        scf.if %cond3A_271 {
          %mul3A_300 = arith.constant 128 : i32
          %mul3A_301 = arith.muli %add3A_200, %mul3A_300 : i32
          %dma_wait3A_302 = arith.constant 4 : i32
          %dma_wait3A_303 = arith.constant 4 : i32
          %dma_wait3A_304 = arith.constant 0 : i32
          %dma_wait3A_305 = arith.constant 0 : i32
          %dma_wait3A_306 = tpu.memref_slice %arg6[%dma_wait3A_302, %dma_wait3A_304, %dma_wait3A_305] : memref<6x128x128xf32, #tpu.memory_space<vmem>> -> memref<1x128x128xf32, #tpu.memory_space<vmem>>
          %dma_wait3A_307 = tpu.memref_squeeze %dma_wait3A_306 : memref<1x128x128xf32, #tpu.memory_space<vmem>> -> memref<128x128xf32, #tpu.memory_space<vmem>>
          %dma_wait3A_308 = arith.constant 0 : i32
          %dma_wait3A_309 = tpu.memref_slice %arg4[%mul3A_301, %dma_wait3A_308] : memref<320000x128xf32, #tpu.memory_space<hbm>> -> memref<128x128xf32, #tpu.memory_space<hbm>>
          %dma_wait3A_310 = tpu.memref_slice %arg9[%dma_wait3A_303] : memref<6x!tpu.dma_semaphore, #tpu.memory_space<semaphore_mem>> -> memref<1x!tpu.dma_semaphore, #tpu.memory_space<semaphore_mem>>
          %dma_wait3A_311 = tpu.memref_squeeze %dma_wait3A_310 : memref<1x!tpu.dma_semaphore, #tpu.memory_space<semaphore_mem>> -> memref<!tpu.dma_semaphore, #tpu.memory_space<semaphore_mem>>
          %dma_wait3A_312 = arith.constant 0 : i32
          %dma_wait3A_313 = tpu.memref_slice %arg4[%mul3A_301, %dma_wait3A_312] : memref<320000x128xf32, #tpu.memory_space<hbm>> -> memref<128x128xf32, #tpu.memory_space<hbm>>
          %dma_wait3A_314 = arith.constant 0 : i32
          %dma_wait3A_315 = arith.constant 0 : i32
          %dma_wait3A_316 = tpu.memref_slice %arg6[%dma_wait3A_302, %dma_wait3A_314, %dma_wait3A_315] : memref<6x128x128xf32, #tpu.memory_space<vmem>> -> memref<1x128x128xf32, #tpu.memory_space<vmem>>
          %dma_wait3A_317 = tpu.memref_squeeze %dma_wait3A_316 : memref<1x128x128xf32, #tpu.memory_space<vmem>> -> memref<128x128xf32, #tpu.memory_space<vmem>>
          tpu.wait_dma2 semaphore(%dma_wait3A_311 : memref<!tpu.dma_semaphore, #tpu.memory_space<semaphore_mem>>) src(%dma_wait3A_317 : memref<128x128xf32, #tpu.memory_space<vmem>>) dst(%dma_wait3A_313 : memref<128x128xf32, #tpu.memory_space<hbm>>)
        } else {
        }
        %mul3A_272 = arith.constant 128 : i32
        %mul3A_273 = arith.muli %add3A_200, %mul3A_272 : i32
        %dma_wait3A_274 = arith.constant 4 : i32
        %dma_wait3A_275 = arith.constant 4 : i32
        %dma_wait3A_276 = arith.constant 0 : i32
        %dma_wait3A_277 = tpu.memref_slice %arg5[%dma_wait3A_274, %dma_wait3A_276] : memref<6x128xi32, #tpu.memory_space<vmem>> -> memref<1x128xi32, #tpu.memory_space<vmem>>
        %dma_wait3A_278 = tpu.memref_squeeze %dma_wait3A_277 : memref<1x128xi32, #tpu.memory_space<vmem>> -> memref<128xi32, #tpu.memory_space<vmem>>
        %dma_wait3A_279 = tpu.memref_slice %arg3[%mul3A_273] : memref<320000xi32, #tpu.memory_space<hbm>> -> memref<128xi32, #tpu.memory_space<hbm>>
        %dma_wait3A_280 = tpu.memref_slice %arg7[%dma_wait3A_275] : memref<6x!tpu.dma_semaphore, #tpu.memory_space<semaphore_mem>> -> memref<1x!tpu.dma_semaphore, #tpu.memory_space<semaphore_mem>>
        %dma_wait3A_281 = tpu.memref_squeeze %dma_wait3A_280 : memref<1x!tpu.dma_semaphore, #tpu.memory_space<semaphore_mem>> -> memref<!tpu.dma_semaphore, #tpu.memory_space<semaphore_mem>>
        %dma_wait3A_282 = arith.constant 0 : i32
        %dma_wait3A_283 = tpu.memref_slice %arg5[%dma_wait3A_274, %dma_wait3A_282] : memref<6x128xi32, #tpu.memory_space<vmem>> -> memref<1x128xi32, #tpu.memory_space<vmem>>
        %dma_wait3A_284 = tpu.memref_squeeze %dma_wait3A_283 : memref<1x128xi32, #tpu.memory_space<vmem>> -> memref<128xi32, #tpu.memory_space<vmem>>
        %dma_wait3A_285 = tpu.memref_slice %arg3[%mul3A_273] : memref<320000xi32, #tpu.memory_space<hbm>> -> memref<128xi32, #tpu.memory_space<hbm>>
        tpu.wait_dma2 semaphore(%dma_wait3A_281 : memref<!tpu.dma_semaphore, #tpu.memory_space<semaphore_mem>>) src(%dma_wait3A_285 : memref<128xi32, #tpu.memory_space<hbm>>) dst(%dma_wait3A_284 : memref<128xi32, #tpu.memory_space<vmem>>)
        %dma_start3A = arith.constant 4 : i32
        %dma_start3A_286 = arith.constant 4 : i32
        %dma_start3A_287 = arith.constant 4 : i32
        %dma_start3A_288 = arith.constant 0 : i32
        %dma_start3A_289 = arith.constant 0 : i32
        %dma_start3A_290 = tpu.memref_slice %arg6[%dma_start3A_286, %dma_start3A_288, %dma_start3A_289] : memref<6x128x128xf32, #tpu.memory_space<vmem>> -> memref<1x128x128xf32, #tpu.memory_space<vmem>>
        %dma_start3A_291 = tpu.memref_squeeze %dma_start3A_290 : memref<1x128x128xf32, #tpu.memory_space<vmem>> -> memref<128x128xf32, #tpu.memory_space<vmem>>
        %dma_start3A_292 = arith.constant 0 : i32
        %dma_start3A_293 = tpu.memref_slice %arg5[%dma_start3A, %dma_start3A_292] : memref<6x128xi32, #tpu.memory_space<vmem>> -> memref<1x128xi32, #tpu.memory_space<vmem>>
        %dma_start3A_294 = tpu.memref_squeeze %dma_start3A_293 : memref<1x128xi32, #tpu.memory_space<vmem>> -> memref<128xi32, #tpu.memory_space<vmem>>
        %dma_start3A_295 = arith.constant 0 : i32
        %dma_start3A_296 = arith.constant 0 : i32
        %dma_start3A_297 = tpu.memref_slice %arg2[%dma_start3A_295, %dma_start3A_296] : memref<20000x128xf32, #tpu.memory_space<hbm>> -> memref<20000x128xf32, #tpu.memory_space<hbm>>
        %dma_start3A_298 = tpu.memref_slice %arg8[%dma_start3A_287] : memref<6x!tpu.dma_semaphore, #tpu.memory_space<semaphore_mem>> -> memref<1x!tpu.dma_semaphore, #tpu.memory_space<semaphore_mem>>
        %dma_start3A_299 = tpu.memref_squeeze %dma_start3A_298 : memref<1x!tpu.dma_semaphore, #tpu.memory_space<semaphore_mem>> -> memref<!tpu.dma_semaphore, #tpu.memory_space<semaphore_mem>>
        tpu.enqueue_indirect_dma source(%dma_start3A_297 : memref<20000x128xf32, #tpu.memory_space<hbm>>) target(%dma_start3A_291 : memref<128x128xf32, #tpu.memory_space<vmem>>) offsets(%dma_start3A_294 : memref<128xi32, #tpu.memory_space<vmem>>) semaphore(%dma_start3A_299 : memref<!tpu.dma_semaphore, #tpu.memory_space<semaphore_mem>>)
      } else {
      }
      %mul3A_205 = arith.constant 6 : i32
      %mul3A_206 = arith.muli %add3A_159, %mul3A_205 : i32
      %add3A_207 = arith.addi %add3A_4, %mul3A_206 : i32
      %add3A_208 = arith.constant 5 : i32
      %add3A_209 = arith.addi %add3A_207, %add3A_208 : i32
      %lt3A_210 = arith.cmpi slt, %add3A_209, %add3A_9 : i32
      %convert_element_type3A_211 = arith.extui %lt3A_210 : i1 to i32
      %cond3A_212 = arith.constant 0 : i32
      %cond3A_213 = arith.cmpi ne, %convert_element_type3A_211, %cond3A_212 : i32
      scf.if %cond3A_213 {
        %gt3A = arith.constant 0 : i32
        %gt3A_268 = arith.cmpi sgt, %add3A_159, %gt3A : i32
        %convert_element_type3A_269 = arith.extui %gt3A_268 : i1 to i32
        %cond3A_270 = arith.constant 0 : i32
        %cond3A_271 = arith.cmpi ne, %convert_element_type3A_269, %cond3A_270 : i32
        scf.if %cond3A_271 {
          %mul3A_300 = arith.constant 128 : i32
          %mul3A_301 = arith.muli %add3A_209, %mul3A_300 : i32
          %dma_wait3A_302 = arith.constant 5 : i32
          %dma_wait3A_303 = arith.constant 5 : i32
          %dma_wait3A_304 = arith.constant 0 : i32
          %dma_wait3A_305 = arith.constant 0 : i32
          %dma_wait3A_306 = tpu.memref_slice %arg6[%dma_wait3A_302, %dma_wait3A_304, %dma_wait3A_305] : memref<6x128x128xf32, #tpu.memory_space<vmem>> -> memref<1x128x128xf32, #tpu.memory_space<vmem>>
          %dma_wait3A_307 = tpu.memref_squeeze %dma_wait3A_306 : memref<1x128x128xf32, #tpu.memory_space<vmem>> -> memref<128x128xf32, #tpu.memory_space<vmem>>
          %dma_wait3A_308 = arith.constant 0 : i32
          %dma_wait3A_309 = tpu.memref_slice %arg4[%mul3A_301, %dma_wait3A_308] : memref<320000x128xf32, #tpu.memory_space<hbm>> -> memref<128x128xf32, #tpu.memory_space<hbm>>
          %dma_wait3A_310 = tpu.memref_slice %arg9[%dma_wait3A_303] : memref<6x!tpu.dma_semaphore, #tpu.memory_space<semaphore_mem>> -> memref<1x!tpu.dma_semaphore, #tpu.memory_space<semaphore_mem>>
          %dma_wait3A_311 = tpu.memref_squeeze %dma_wait3A_310 : memref<1x!tpu.dma_semaphore, #tpu.memory_space<semaphore_mem>> -> memref<!tpu.dma_semaphore, #tpu.memory_space<semaphore_mem>>
          %dma_wait3A_312 = arith.constant 0 : i32
          %dma_wait3A_313 = tpu.memref_slice %arg4[%mul3A_301, %dma_wait3A_312] : memref<320000x128xf32, #tpu.memory_space<hbm>> -> memref<128x128xf32, #tpu.memory_space<hbm>>
          %dma_wait3A_314 = arith.constant 0 : i32
          %dma_wait3A_315 = arith.constant 0 : i32
          %dma_wait3A_316 = tpu.memref_slice %arg6[%dma_wait3A_302, %dma_wait3A_314, %dma_wait3A_315] : memref<6x128x128xf32, #tpu.memory_space<vmem>> -> memref<1x128x128xf32, #tpu.memory_space<vmem>>
          %dma_wait3A_317 = tpu.memref_squeeze %dma_wait3A_316 : memref<1x128x128xf32, #tpu.memory_space<vmem>> -> memref<128x128xf32, #tpu.memory_space<vmem>>
          tpu.wait_dma2 semaphore(%dma_wait3A_311 : memref<!tpu.dma_semaphore, #tpu.memory_space<semaphore_mem>>) src(%dma_wait3A_317 : memref<128x128xf32, #tpu.memory_space<vmem>>) dst(%dma_wait3A_313 : memref<128x128xf32, #tpu.memory_space<hbm>>)
        } else {
        }
        %mul3A_272 = arith.constant 128 : i32
        %mul3A_273 = arith.muli %add3A_209, %mul3A_272 : i32
        %dma_wait3A_274 = arith.constant 5 : i32
        %dma_wait3A_275 = arith.constant 5 : i32
        %dma_wait3A_276 = arith.constant 0 : i32
        %dma_wait3A_277 = tpu.memref_slice %arg5[%dma_wait3A_274, %dma_wait3A_276] : memref<6x128xi32, #tpu.memory_space<vmem>> -> memref<1x128xi32, #tpu.memory_space<vmem>>
        %dma_wait3A_278 = tpu.memref_squeeze %dma_wait3A_277 : memref<1x128xi32, #tpu.memory_space<vmem>> -> memref<128xi32, #tpu.memory_space<vmem>>
        %dma_wait3A_279 = tpu.memref_slice %arg3[%mul3A_273] : memref<320000xi32, #tpu.memory_space<hbm>> -> memref<128xi32, #tpu.memory_space<hbm>>
        %dma_wait3A_280 = tpu.memref_slice %arg7[%dma_wait3A_275] : memref<6x!tpu.dma_semaphore, #tpu.memory_space<semaphore_mem>> -> memref<1x!tpu.dma_semaphore, #tpu.memory_space<semaphore_mem>>
        %dma_wait3A_281 = tpu.memref_squeeze %dma_wait3A_280 : memref<1x!tpu.dma_semaphore, #tpu.memory_space<semaphore_mem>> -> memref<!tpu.dma_semaphore, #tpu.memory_space<semaphore_mem>>
        %dma_wait3A_282 = arith.constant 0 : i32
        %dma_wait3A_283 = tpu.memref_slice %arg5[%dma_wait3A_274, %dma_wait3A_282] : memref<6x128xi32, #tpu.memory_space<vmem>> -> memref<1x128xi32, #tpu.memory_space<vmem>>
        %dma_wait3A_284 = tpu.memref_squeeze %dma_wait3A_283 : memref<1x128xi32, #tpu.memory_space<vmem>> -> memref<128xi32, #tpu.memory_space<vmem>>
        %dma_wait3A_285 = tpu.memref_slice %arg3[%mul3A_273] : memref<320000xi32, #tpu.memory_space<hbm>> -> memref<128xi32, #tpu.memory_space<hbm>>
        tpu.wait_dma2 semaphore(%dma_wait3A_281 : memref<!tpu.dma_semaphore, #tpu.memory_space<semaphore_mem>>) src(%dma_wait3A_285 : memref<128xi32, #tpu.memory_space<hbm>>) dst(%dma_wait3A_284 : memref<128xi32, #tpu.memory_space<vmem>>)
        %dma_start3A = arith.constant 5 : i32
        %dma_start3A_286 = arith.constant 5 : i32
        %dma_start3A_287 = arith.constant 5 : i32
        %dma_start3A_288 = arith.constant 0 : i32
        %dma_start3A_289 = arith.constant 0 : i32
        %dma_start3A_290 = tpu.memref_slice %arg6[%dma_start3A_286, %dma_start3A_288, %dma_start3A_289] : memref<6x128x128xf32, #tpu.memory_space<vmem>> -> memref<1x128x128xf32, #tpu.memory_space<vmem>>
        %dma_start3A_291 = tpu.memref_squeeze %dma_start3A_290 : memref<1x128x128xf32, #tpu.memory_space<vmem>> -> memref<128x128xf32, #tpu.memory_space<vmem>>
        %dma_start3A_292 = arith.constant 0 : i32
        %dma_start3A_293 = tpu.memref_slice %arg5[%dma_start3A, %dma_start3A_292] : memref<6x128xi32, #tpu.memory_space<vmem>> -> memref<1x128xi32, #tpu.memory_space<vmem>>
        %dma_start3A_294 = tpu.memref_squeeze %dma_start3A_293 : memref<1x128xi32, #tpu.memory_space<vmem>> -> memref<128xi32, #tpu.memory_space<vmem>>
        %dma_start3A_295 = arith.constant 0 : i32
        %dma_start3A_296 = arith.constant 0 : i32
        %dma_start3A_297 = tpu.memref_slice %arg2[%dma_start3A_295, %dma_start3A_296] : memref<20000x128xf32, #tpu.memory_space<hbm>> -> memref<20000x128xf32, #tpu.memory_space<hbm>>
        %dma_start3A_298 = tpu.memref_slice %arg8[%dma_start3A_287] : memref<6x!tpu.dma_semaphore, #tpu.memory_space<semaphore_mem>> -> memref<1x!tpu.dma_semaphore, #tpu.memory_space<semaphore_mem>>
        %dma_start3A_299 = tpu.memref_squeeze %dma_start3A_298 : memref<1x!tpu.dma_semaphore, #tpu.memory_space<semaphore_mem>> -> memref<!tpu.dma_semaphore, #tpu.memory_space<semaphore_mem>>
        tpu.enqueue_indirect_dma source(%dma_start3A_297 : memref<20000x128xf32, #tpu.memory_space<hbm>>) target(%dma_start3A_291 : memref<128x128xf32, #tpu.memory_space<vmem>>) offsets(%dma_start3A_294 : memref<128xi32, #tpu.memory_space<vmem>>) semaphore(%dma_start3A_299 : memref<!tpu.dma_semaphore, #tpu.memory_space<semaphore_mem>>)
      } else {
      }
      %mul3A_214 = arith.constant 6 : i32
      %mul3A_215 = arith.muli %add3A_159, %mul3A_214 : i32
      %add3A_216 = arith.addi %add3A_4, %mul3A_215 : i32
      %add3A_217 = arith.constant 0 : i32
      %add3A_218 = arith.addi %add3A_216, %add3A_217 : i32
      %lt3A_219 = arith.cmpi slt, %add3A_218, %add3A_9 : i32
      %convert_element_type3A_220 = arith.extui %lt3A_219 : i1 to i32
      %cond3A_221 = arith.constant 0 : i32
      %cond3A_222 = arith.cmpi ne, %convert_element_type3A_220, %cond3A_221 : i32
      scf.if %cond3A_222 {
        %dma_wait3A_268 = arith.constant 0 : i32
        %dma_wait3A_269 = arith.constant 0 : i32
        %dma_wait3A_270 = arith.constant 0 : i32
        %dma_wait3A_271 = arith.constant 0 : i32
        %dma_wait3A_272 = arith.constant 0 : i32
        %dma_wait3A_273 = tpu.memref_slice %arg6[%dma_wait3A_269, %dma_wait3A_271, %dma_wait3A_272] : memref<6x128x128xf32, #tpu.memory_space<vmem>> -> memref<1x128x128xf32, #tpu.memory_space<vmem>>
        %dma_wait3A_274 = tpu.memref_squeeze %dma_wait3A_273 : memref<1x128x128xf32, #tpu.memory_space<vmem>> -> memref<128x128xf32, #tpu.memory_space<vmem>>
        %dma_wait3A_275 = arith.constant 0 : i32
        %dma_wait3A_276 = tpu.memref_slice %arg5[%dma_wait3A_268, %dma_wait3A_275] : memref<6x128xi32, #tpu.memory_space<vmem>> -> memref<1x128xi32, #tpu.memory_space<vmem>>
        %dma_wait3A_277 = tpu.memref_squeeze %dma_wait3A_276 : memref<1x128xi32, #tpu.memory_space<vmem>> -> memref<128xi32, #tpu.memory_space<vmem>>
        %dma_wait3A_278 = arith.constant 0 : i32
        %dma_wait3A_279 = arith.constant 0 : i32
        %dma_wait3A_280 = tpu.memref_slice %arg2[%dma_wait3A_278, %dma_wait3A_279] : memref<20000x128xf32, #tpu.memory_space<hbm>> -> memref<20000x128xf32, #tpu.memory_space<hbm>>
        %dma_wait3A_281 = tpu.memref_slice %arg8[%dma_wait3A_270] : memref<6x!tpu.dma_semaphore, #tpu.memory_space<semaphore_mem>> -> memref<1x!tpu.dma_semaphore, #tpu.memory_space<semaphore_mem>>
        %dma_wait3A_282 = tpu.memref_squeeze %dma_wait3A_281 : memref<1x!tpu.dma_semaphore, #tpu.memory_space<semaphore_mem>> -> memref<!tpu.dma_semaphore, #tpu.memory_space<semaphore_mem>>
        tpu.wait_indirect_dma semaphore(%dma_wait3A_282 : memref<!tpu.dma_semaphore, #tpu.memory_space<semaphore_mem>>) src(%dma_wait3A_280 : memref<20000x128xf32, #tpu.memory_space<hbm>>) dst(%dma_wait3A_274 : memref<128x128xf32, #tpu.memory_space<vmem>>)
        %add3A_283 = arith.constant 6 : i32
        %add3A_284 = arith.addi %add3A_218, %add3A_283 : i32
        %lt3A_285 = arith.cmpi slt, %add3A_284, %add3A_9 : i32
        %convert_element_type3A_286 = arith.extui %lt3A_285 : i1 to i32
        %cond3A_287 = arith.constant 0 : i32
        %cond3A_288 = arith.cmpi ne, %convert_element_type3A_286, %cond3A_287 : i32
        scf.if %cond3A_288 {
          %mul3A_306 = arith.constant 128 : i32
          %mul3A_307 = arith.muli %add3A_284, %mul3A_306 : i32
          %dma_start3A_308 = arith.constant 0 : i32
          %dma_start3A_309 = arith.constant 0 : i32
          %dma_start3A_310 = arith.constant 0 : i32
          %dma_start3A_311 = tpu.memref_slice %arg5[%dma_start3A_308, %dma_start3A_310] : memref<6x128xi32, #tpu.memory_space<vmem>> -> memref<1x128xi32, #tpu.memory_space<vmem>>
          %dma_start3A_312 = tpu.memref_squeeze %dma_start3A_311 : memref<1x128xi32, #tpu.memory_space<vmem>> -> memref<128xi32, #tpu.memory_space<vmem>>
          %dma_start3A_313 = tpu.memref_slice %arg3[%mul3A_307] : memref<320000xi32, #tpu.memory_space<hbm>> -> memref<128xi32, #tpu.memory_space<hbm>>
          %dma_start3A_314 = tpu.memref_slice %arg7[%dma_start3A_309] : memref<6x!tpu.dma_semaphore, #tpu.memory_space<semaphore_mem>> -> memref<1x!tpu.dma_semaphore, #tpu.memory_space<semaphore_mem>>
          %dma_start3A_315 = tpu.memref_squeeze %dma_start3A_314 : memref<1x!tpu.dma_semaphore, #tpu.memory_space<semaphore_mem>> -> memref<!tpu.dma_semaphore, #tpu.memory_space<semaphore_mem>>
          %dma_start3A_316 = arith.constant 0 : i32
          %dma_start3A_317 = tpu.memref_slice %arg5[%dma_start3A_308, %dma_start3A_316] : memref<6x128xi32, #tpu.memory_space<vmem>> -> memref<1x128xi32, #tpu.memory_space<vmem>>
          %dma_start3A_318 = tpu.memref_squeeze %dma_start3A_317 : memref<1x128xi32, #tpu.memory_space<vmem>> -> memref<128xi32, #tpu.memory_space<vmem>>
          %dma_start3A_319 = tpu.memref_slice %arg3[%mul3A_307] : memref<320000xi32, #tpu.memory_space<hbm>> -> memref<128xi32, #tpu.memory_space<hbm>>
          tpu.enqueue_dma source(%dma_start3A_319 : memref<128xi32, #tpu.memory_space<hbm>>) target(%dma_start3A_318 : memref<128xi32, #tpu.memory_space<vmem>>) target_semaphore(%dma_start3A_315 : memref<!tpu.dma_semaphore, #tpu.memory_space<semaphore_mem>>)
        } else {
        }
        %mul3A_289 = arith.constant 128 : i32
        %mul3A_290 = arith.muli %add3A_218, %mul3A_289 : i32
        %dma_start3A = arith.constant 0 : i32
        %dma_start3A_291 = arith.constant 0 : i32
        %dma_start3A_292 = arith.constant 0 : i32
        %dma_start3A_293 = arith.constant 0 : i32
        %dma_start3A_294 = tpu.memref_slice %arg6[%dma_start3A, %dma_start3A_292, %dma_start3A_293] : memref<6x128x128xf32, #tpu.memory_space<vmem>> -> memref<1x128x128xf32, #tpu.memory_space<vmem>>
        %dma_start3A_295 = tpu.memref_squeeze %dma_start3A_294 : memref<1x128x128xf32, #tpu.memory_space<vmem>> -> memref<128x128xf32, #tpu.memory_space<vmem>>
        %dma_start3A_296 = arith.constant 0 : i32
        %dma_start3A_297 = tpu.memref_slice %arg4[%mul3A_290, %dma_start3A_296] : memref<320000x128xf32, #tpu.memory_space<hbm>> -> memref<128x128xf32, #tpu.memory_space<hbm>>
        %dma_start3A_298 = tpu.memref_slice %arg9[%dma_start3A_291] : memref<6x!tpu.dma_semaphore, #tpu.memory_space<semaphore_mem>> -> memref<1x!tpu.dma_semaphore, #tpu.memory_space<semaphore_mem>>
        %dma_start3A_299 = tpu.memref_squeeze %dma_start3A_298 : memref<1x!tpu.dma_semaphore, #tpu.memory_space<semaphore_mem>> -> memref<!tpu.dma_semaphore, #tpu.memory_space<semaphore_mem>>
        %dma_start3A_300 = arith.constant 0 : i32
        %dma_start3A_301 = tpu.memref_slice %arg4[%mul3A_290, %dma_start3A_300] : memref<320000x128xf32, #tpu.memory_space<hbm>> -> memref<128x128xf32, #tpu.memory_space<hbm>>
        %dma_start3A_302 = arith.constant 0 : i32
        %dma_start3A_303 = arith.constant 0 : i32
        %dma_start3A_304 = tpu.memref_slice %arg6[%dma_start3A, %dma_start3A_302, %dma_start3A_303] : memref<6x128x128xf32, #tpu.memory_space<vmem>> -> memref<1x128x128xf32, #tpu.memory_space<vmem>>
        %dma_start3A_305 = tpu.memref_squeeze %dma_start3A_304 : memref<1x128x128xf32, #tpu.memory_space<vmem>> -> memref<128x128xf32, #tpu.memory_space<vmem>>
        tpu.enqueue_dma source(%dma_start3A_305 : memref<128x128xf32, #tpu.memory_space<vmem>>) target(%dma_start3A_301 : memref<128x128xf32, #tpu.memory_space<hbm>>) target_semaphore(%dma_start3A_299 : memref<!tpu.dma_semaphore, #tpu.memory_space<semaphore_mem>>)
      } else {
      }
      %mul3A_223 = arith.constant 6 : i32
      %mul3A_224 = arith.muli %add3A_159, %mul3A_223 : i32
      %add3A_225 = arith.addi %add3A_4, %mul3A_224 : i32
      %add3A_226 = arith.constant 1 : i32
      %add3A_227 = arith.addi %add3A_225, %add3A_226 : i32
      %lt3A_228 = arith.cmpi slt, %add3A_227, %add3A_9 : i32
      %convert_element_type3A_229 = arith.extui %lt3A_228 : i1 to i32
      %cond3A_230 = arith.constant 0 : i32
      %cond3A_231 = arith.cmpi ne, %convert_element_type3A_229, %cond3A_230 : i32
      scf.if %cond3A_231 {
        %dma_wait3A_268 = arith.constant 1 : i32
        %dma_wait3A_269 = arith.constant 1 : i32
        %dma_wait3A_270 = arith.constant 1 : i32
        %dma_wait3A_271 = arith.constant 0 : i32
        %dma_wait3A_272 = arith.constant 0 : i32
        %dma_wait3A_273 = tpu.memref_slice %arg6[%dma_wait3A_269, %dma_wait3A_271, %dma_wait3A_272] : memref<6x128x128xf32, #tpu.memory_space<vmem>> -> memref<1x128x128xf32, #tpu.memory_space<vmem>>
        %dma_wait3A_274 = tpu.memref_squeeze %dma_wait3A_273 : memref<1x128x128xf32, #tpu.memory_space<vmem>> -> memref<128x128xf32, #tpu.memory_space<vmem>>
        %dma_wait3A_275 = arith.constant 0 : i32
        %dma_wait3A_276 = tpu.memref_slice %arg5[%dma_wait3A_268, %dma_wait3A_275] : memref<6x128xi32, #tpu.memory_space<vmem>> -> memref<1x128xi32, #tpu.memory_space<vmem>>
        %dma_wait3A_277 = tpu.memref_squeeze %dma_wait3A_276 : memref<1x128xi32, #tpu.memory_space<vmem>> -> memref<128xi32, #tpu.memory_space<vmem>>
        %dma_wait3A_278 = arith.constant 0 : i32
        %dma_wait3A_279 = arith.constant 0 : i32
        %dma_wait3A_280 = tpu.memref_slice %arg2[%dma_wait3A_278, %dma_wait3A_279] : memref<20000x128xf32, #tpu.memory_space<hbm>> -> memref<20000x128xf32, #tpu.memory_space<hbm>>
        %dma_wait3A_281 = tpu.memref_slice %arg8[%dma_wait3A_270] : memref<6x!tpu.dma_semaphore, #tpu.memory_space<semaphore_mem>> -> memref<1x!tpu.dma_semaphore, #tpu.memory_space<semaphore_mem>>
        %dma_wait3A_282 = tpu.memref_squeeze %dma_wait3A_281 : memref<1x!tpu.dma_semaphore, #tpu.memory_space<semaphore_mem>> -> memref<!tpu.dma_semaphore, #tpu.memory_space<semaphore_mem>>
        tpu.wait_indirect_dma semaphore(%dma_wait3A_282 : memref<!tpu.dma_semaphore, #tpu.memory_space<semaphore_mem>>) src(%dma_wait3A_280 : memref<20000x128xf32, #tpu.memory_space<hbm>>) dst(%dma_wait3A_274 : memref<128x128xf32, #tpu.memory_space<vmem>>)
        %add3A_283 = arith.constant 6 : i32
        %add3A_284 = arith.addi %add3A_227, %add3A_283 : i32
        %lt3A_285 = arith.cmpi slt, %add3A_284, %add3A_9 : i32
        %convert_element_type3A_286 = arith.extui %lt3A_285 : i1 to i32
        %cond3A_287 = arith.constant 0 : i32
        %cond3A_288 = arith.cmpi ne, %convert_element_type3A_286, %cond3A_287 : i32
        scf.if %cond3A_288 {
          %mul3A_306 = arith.constant 128 : i32
          %mul3A_307 = arith.muli %add3A_284, %mul3A_306 : i32
          %dma_start3A_308 = arith.constant 1 : i32
          %dma_start3A_309 = arith.constant 1 : i32
          %dma_start3A_310 = arith.constant 0 : i32
          %dma_start3A_311 = tpu.memref_slice %arg5[%dma_start3A_308, %dma_start3A_310] : memref<6x128xi32, #tpu.memory_space<vmem>> -> memref<1x128xi32, #tpu.memory_space<vmem>>
          %dma_start3A_312 = tpu.memref_squeeze %dma_start3A_311 : memref<1x128xi32, #tpu.memory_space<vmem>> -> memref<128xi32, #tpu.memory_space<vmem>>
          %dma_start3A_313 = tpu.memref_slice %arg3[%mul3A_307] : memref<320000xi32, #tpu.memory_space<hbm>> -> memref<128xi32, #tpu.memory_space<hbm>>
          %dma_start3A_314 = tpu.memref_slice %arg7[%dma_start3A_309] : memref<6x!tpu.dma_semaphore, #tpu.memory_space<semaphore_mem>> -> memref<1x!tpu.dma_semaphore, #tpu.memory_space<semaphore_mem>>
          %dma_start3A_315 = tpu.memref_squeeze %dma_start3A_314 : memref<1x!tpu.dma_semaphore, #tpu.memory_space<semaphore_mem>> -> memref<!tpu.dma_semaphore, #tpu.memory_space<semaphore_mem>>
          %dma_start3A_316 = arith.constant 0 : i32
          %dma_start3A_317 = tpu.memref_slice %arg5[%dma_start3A_308, %dma_start3A_316] : memref<6x128xi32, #tpu.memory_space<vmem>> -> memref<1x128xi32, #tpu.memory_space<vmem>>
          %dma_start3A_318 = tpu.memref_squeeze %dma_start3A_317 : memref<1x128xi32, #tpu.memory_space<vmem>> -> memref<128xi32, #tpu.memory_space<vmem>>
          %dma_start3A_319 = tpu.memref_slice %arg3[%mul3A_307] : memref<320000xi32, #tpu.memory_space<hbm>> -> memref<128xi32, #tpu.memory_space<hbm>>
          tpu.enqueue_dma source(%dma_start3A_319 : memref<128xi32, #tpu.memory_space<hbm>>) target(%dma_start3A_318 : memref<128xi32, #tpu.memory_space<vmem>>) target_semaphore(%dma_start3A_315 : memref<!tpu.dma_semaphore, #tpu.memory_space<semaphore_mem>>)
        } else {
        }
        %mul3A_289 = arith.constant 128 : i32
        %mul3A_290 = arith.muli %add3A_227, %mul3A_289 : i32
        %dma_start3A = arith.constant 1 : i32
        %dma_start3A_291 = arith.constant 1 : i32
        %dma_start3A_292 = arith.constant 0 : i32
        %dma_start3A_293 = arith.constant 0 : i32
        %dma_start3A_294 = tpu.memref_slice %arg6[%dma_start3A, %dma_start3A_292, %dma_start3A_293] : memref<6x128x128xf32, #tpu.memory_space<vmem>> -> memref<1x128x128xf32, #tpu.memory_space<vmem>>
        %dma_start3A_295 = tpu.memref_squeeze %dma_start3A_294 : memref<1x128x128xf32, #tpu.memory_space<vmem>> -> memref<128x128xf32, #tpu.memory_space<vmem>>
        %dma_start3A_296 = arith.constant 0 : i32
        %dma_start3A_297 = tpu.memref_slice %arg4[%mul3A_290, %dma_start3A_296] : memref<320000x128xf32, #tpu.memory_space<hbm>> -> memref<128x128xf32, #tpu.memory_space<hbm>>
        %dma_start3A_298 = tpu.memref_slice %arg9[%dma_start3A_291] : memref<6x!tpu.dma_semaphore, #tpu.memory_space<semaphore_mem>> -> memref<1x!tpu.dma_semaphore, #tpu.memory_space<semaphore_mem>>
        %dma_start3A_299 = tpu.memref_squeeze %dma_start3A_298 : memref<1x!tpu.dma_semaphore, #tpu.memory_space<semaphore_mem>> -> memref<!tpu.dma_semaphore, #tpu.memory_space<semaphore_mem>>
        %dma_start3A_300 = arith.constant 0 : i32
        %dma_start3A_301 = tpu.memref_slice %arg4[%mul3A_290, %dma_start3A_300] : memref<320000x128xf32, #tpu.memory_space<hbm>> -> memref<128x128xf32, #tpu.memory_space<hbm>>
        %dma_start3A_302 = arith.constant 0 : i32
        %dma_start3A_303 = arith.constant 0 : i32
        %dma_start3A_304 = tpu.memref_slice %arg6[%dma_start3A, %dma_start3A_302, %dma_start3A_303] : memref<6x128x128xf32, #tpu.memory_space<vmem>> -> memref<1x128x128xf32, #tpu.memory_space<vmem>>
        %dma_start3A_305 = tpu.memref_squeeze %dma_start3A_304 : memref<1x128x128xf32, #tpu.memory_space<vmem>> -> memref<128x128xf32, #tpu.memory_space<vmem>>
        tpu.enqueue_dma source(%dma_start3A_305 : memref<128x128xf32, #tpu.memory_space<vmem>>) target(%dma_start3A_301 : memref<128x128xf32, #tpu.memory_space<hbm>>) target_semaphore(%dma_start3A_299 : memref<!tpu.dma_semaphore, #tpu.memory_space<semaphore_mem>>)
      } else {
      }
      %mul3A_232 = arith.constant 6 : i32
      %mul3A_233 = arith.muli %add3A_159, %mul3A_232 : i32
      %add3A_234 = arith.addi %add3A_4, %mul3A_233 : i32
      %add3A_235 = arith.constant 2 : i32
      %add3A_236 = arith.addi %add3A_234, %add3A_235 : i32
      %lt3A_237 = arith.cmpi slt, %add3A_236, %add3A_9 : i32
      %convert_element_type3A_238 = arith.extui %lt3A_237 : i1 to i32
      %cond3A_239 = arith.constant 0 : i32
      %cond3A_240 = arith.cmpi ne, %convert_element_type3A_238, %cond3A_239 : i32
      scf.if %cond3A_240 {
        %dma_wait3A_268 = arith.constant 2 : i32
        %dma_wait3A_269 = arith.constant 2 : i32
        %dma_wait3A_270 = arith.constant 2 : i32
        %dma_wait3A_271 = arith.constant 0 : i32
        %dma_wait3A_272 = arith.constant 0 : i32
        %dma_wait3A_273 = tpu.memref_slice %arg6[%dma_wait3A_269, %dma_wait3A_271, %dma_wait3A_272] : memref<6x128x128xf32, #tpu.memory_space<vmem>> -> memref<1x128x128xf32, #tpu.memory_space<vmem>>
        %dma_wait3A_274 = tpu.memref_squeeze %dma_wait3A_273 : memref<1x128x128xf32, #tpu.memory_space<vmem>> -> memref<128x128xf32, #tpu.memory_space<vmem>>
        %dma_wait3A_275 = arith.constant 0 : i32
        %dma_wait3A_276 = tpu.memref_slice %arg5[%dma_wait3A_268, %dma_wait3A_275] : memref<6x128xi32, #tpu.memory_space<vmem>> -> memref<1x128xi32, #tpu.memory_space<vmem>>
        %dma_wait3A_277 = tpu.memref_squeeze %dma_wait3A_276 : memref<1x128xi32, #tpu.memory_space<vmem>> -> memref<128xi32, #tpu.memory_space<vmem>>
        %dma_wait3A_278 = arith.constant 0 : i32
        %dma_wait3A_279 = arith.constant 0 : i32
        %dma_wait3A_280 = tpu.memref_slice %arg2[%dma_wait3A_278, %dma_wait3A_279] : memref<20000x128xf32, #tpu.memory_space<hbm>> -> memref<20000x128xf32, #tpu.memory_space<hbm>>
        %dma_wait3A_281 = tpu.memref_slice %arg8[%dma_wait3A_270] : memref<6x!tpu.dma_semaphore, #tpu.memory_space<semaphore_mem>> -> memref<1x!tpu.dma_semaphore, #tpu.memory_space<semaphore_mem>>
        %dma_wait3A_282 = tpu.memref_squeeze %dma_wait3A_281 : memref<1x!tpu.dma_semaphore, #tpu.memory_space<semaphore_mem>> -> memref<!tpu.dma_semaphore, #tpu.memory_space<semaphore_mem>>
        tpu.wait_indirect_dma semaphore(%dma_wait3A_282 : memref<!tpu.dma_semaphore, #tpu.memory_space<semaphore_mem>>) src(%dma_wait3A_280 : memref<20000x128xf32, #tpu.memory_space<hbm>>) dst(%dma_wait3A_274 : memref<128x128xf32, #tpu.memory_space<vmem>>)
        %add3A_283 = arith.constant 6 : i32
        %add3A_284 = arith.addi %add3A_236, %add3A_283 : i32
        %lt3A_285 = arith.cmpi slt, %add3A_284, %add3A_9 : i32
        %convert_element_type3A_286 = arith.extui %lt3A_285 : i1 to i32
        %cond3A_287 = arith.constant 0 : i32
        %cond3A_288 = arith.cmpi ne, %convert_element_type3A_286, %cond3A_287 : i32
        scf.if %cond3A_288 {
          %mul3A_306 = arith.constant 128 : i32
          %mul3A_307 = arith.muli %add3A_284, %mul3A_306 : i32
          %dma_start3A_308 = arith.constant 2 : i32
          %dma_start3A_309 = arith.constant 2 : i32
          %dma_start3A_310 = arith.constant 0 : i32
          %dma_start3A_311 = tpu.memref_slice %arg5[%dma_start3A_308, %dma_start3A_310] : memref<6x128xi32, #tpu.memory_space<vmem>> -> memref<1x128xi32, #tpu.memory_space<vmem>>
          %dma_start3A_312 = tpu.memref_squeeze %dma_start3A_311 : memref<1x128xi32, #tpu.memory_space<vmem>> -> memref<128xi32, #tpu.memory_space<vmem>>
          %dma_start3A_313 = tpu.memref_slice %arg3[%mul3A_307] : memref<320000xi32, #tpu.memory_space<hbm>> -> memref<128xi32, #tpu.memory_space<hbm>>
          %dma_start3A_314 = tpu.memref_slice %arg7[%dma_start3A_309] : memref<6x!tpu.dma_semaphore, #tpu.memory_space<semaphore_mem>> -> memref<1x!tpu.dma_semaphore, #tpu.memory_space<semaphore_mem>>
          %dma_start3A_315 = tpu.memref_squeeze %dma_start3A_314 : memref<1x!tpu.dma_semaphore, #tpu.memory_space<semaphore_mem>> -> memref<!tpu.dma_semaphore, #tpu.memory_space<semaphore_mem>>
          %dma_start3A_316 = arith.constant 0 : i32
          %dma_start3A_317 = tpu.memref_slice %arg5[%dma_start3A_308, %dma_start3A_316] : memref<6x128xi32, #tpu.memory_space<vmem>> -> memref<1x128xi32, #tpu.memory_space<vmem>>
          %dma_start3A_318 = tpu.memref_squeeze %dma_start3A_317 : memref<1x128xi32, #tpu.memory_space<vmem>> -> memref<128xi32, #tpu.memory_space<vmem>>
          %dma_start3A_319 = tpu.memref_slice %arg3[%mul3A_307] : memref<320000xi32, #tpu.memory_space<hbm>> -> memref<128xi32, #tpu.memory_space<hbm>>
          tpu.enqueue_dma source(%dma_start3A_319 : memref<128xi32, #tpu.memory_space<hbm>>) target(%dma_start3A_318 : memref<128xi32, #tpu.memory_space<vmem>>) target_semaphore(%dma_start3A_315 : memref<!tpu.dma_semaphore, #tpu.memory_space<semaphore_mem>>)
        } else {
        }
        %mul3A_289 = arith.constant 128 : i32
        %mul3A_290 = arith.muli %add3A_236, %mul3A_289 : i32
        %dma_start3A = arith.constant 2 : i32
        %dma_start3A_291 = arith.constant 2 : i32
        %dma_start3A_292 = arith.constant 0 : i32
        %dma_start3A_293 = arith.constant 0 : i32
        %dma_start3A_294 = tpu.memref_slice %arg6[%dma_start3A, %dma_start3A_292, %dma_start3A_293] : memref<6x128x128xf32, #tpu.memory_space<vmem>> -> memref<1x128x128xf32, #tpu.memory_space<vmem>>
        %dma_start3A_295 = tpu.memref_squeeze %dma_start3A_294 : memref<1x128x128xf32, #tpu.memory_space<vmem>> -> memref<128x128xf32, #tpu.memory_space<vmem>>
        %dma_start3A_296 = arith.constant 0 : i32
        %dma_start3A_297 = tpu.memref_slice %arg4[%mul3A_290, %dma_start3A_296] : memref<320000x128xf32, #tpu.memory_space<hbm>> -> memref<128x128xf32, #tpu.memory_space<hbm>>
        %dma_start3A_298 = tpu.memref_slice %arg9[%dma_start3A_291] : memref<6x!tpu.dma_semaphore, #tpu.memory_space<semaphore_mem>> -> memref<1x!tpu.dma_semaphore, #tpu.memory_space<semaphore_mem>>
        %dma_start3A_299 = tpu.memref_squeeze %dma_start3A_298 : memref<1x!tpu.dma_semaphore, #tpu.memory_space<semaphore_mem>> -> memref<!tpu.dma_semaphore, #tpu.memory_space<semaphore_mem>>
        %dma_start3A_300 = arith.constant 0 : i32
        %dma_start3A_301 = tpu.memref_slice %arg4[%mul3A_290, %dma_start3A_300] : memref<320000x128xf32, #tpu.memory_space<hbm>> -> memref<128x128xf32, #tpu.memory_space<hbm>>
        %dma_start3A_302 = arith.constant 0 : i32
        %dma_start3A_303 = arith.constant 0 : i32
        %dma_start3A_304 = tpu.memref_slice %arg6[%dma_start3A, %dma_start3A_302, %dma_start3A_303] : memref<6x128x128xf32, #tpu.memory_space<vmem>> -> memref<1x128x128xf32, #tpu.memory_space<vmem>>
        %dma_start3A_305 = tpu.memref_squeeze %dma_start3A_304 : memref<1x128x128xf32, #tpu.memory_space<vmem>> -> memref<128x128xf32, #tpu.memory_space<vmem>>
        tpu.enqueue_dma source(%dma_start3A_305 : memref<128x128xf32, #tpu.memory_space<vmem>>) target(%dma_start3A_301 : memref<128x128xf32, #tpu.memory_space<hbm>>) target_semaphore(%dma_start3A_299 : memref<!tpu.dma_semaphore, #tpu.memory_space<semaphore_mem>>)
      } else {
      }
      %mul3A_241 = arith.constant 6 : i32
      %mul3A_242 = arith.muli %add3A_159, %mul3A_241 : i32
      %add3A_243 = arith.addi %add3A_4, %mul3A_242 : i32
      %add3A_244 = arith.constant 3 : i32
      %add3A_245 = arith.addi %add3A_243, %add3A_244 : i32
      %lt3A_246 = arith.cmpi slt, %add3A_245, %add3A_9 : i32
      %convert_element_type3A_247 = arith.extui %lt3A_246 : i1 to i32
      %cond3A_248 = arith.constant 0 : i32
      %cond3A_249 = arith.cmpi ne, %convert_element_type3A_247, %cond3A_248 : i32
      scf.if %cond3A_249 {
        %dma_wait3A_268 = arith.constant 3 : i32
        %dma_wait3A_269 = arith.constant 3 : i32
        %dma_wait3A_270 = arith.constant 3 : i32
        %dma_wait3A_271 = arith.constant 0 : i32
        %dma_wait3A_272 = arith.constant 0 : i32
        %dma_wait3A_273 = tpu.memref_slice %arg6[%dma_wait3A_269, %dma_wait3A_271, %dma_wait3A_272] : memref<6x128x128xf32, #tpu.memory_space<vmem>> -> memref<1x128x128xf32, #tpu.memory_space<vmem>>
        %dma_wait3A_274 = tpu.memref_squeeze %dma_wait3A_273 : memref<1x128x128xf32, #tpu.memory_space<vmem>> -> memref<128x128xf32, #tpu.memory_space<vmem>>
        %dma_wait3A_275 = arith.constant 0 : i32
        %dma_wait3A_276 = tpu.memref_slice %arg5[%dma_wait3A_268, %dma_wait3A_275] : memref<6x128xi32, #tpu.memory_space<vmem>> -> memref<1x128xi32, #tpu.memory_space<vmem>>
        %dma_wait3A_277 = tpu.memref_squeeze %dma_wait3A_276 : memref<1x128xi32, #tpu.memory_space<vmem>> -> memref<128xi32, #tpu.memory_space<vmem>>
        %dma_wait3A_278 = arith.constant 0 : i32
        %dma_wait3A_279 = arith.constant 0 : i32
        %dma_wait3A_280 = tpu.memref_slice %arg2[%dma_wait3A_278, %dma_wait3A_279] : memref<20000x128xf32, #tpu.memory_space<hbm>> -> memref<20000x128xf32, #tpu.memory_space<hbm>>
        %dma_wait3A_281 = tpu.memref_slice %arg8[%dma_wait3A_270] : memref<6x!tpu.dma_semaphore, #tpu.memory_space<semaphore_mem>> -> memref<1x!tpu.dma_semaphore, #tpu.memory_space<semaphore_mem>>
        %dma_wait3A_282 = tpu.memref_squeeze %dma_wait3A_281 : memref<1x!tpu.dma_semaphore, #tpu.memory_space<semaphore_mem>> -> memref<!tpu.dma_semaphore, #tpu.memory_space<semaphore_mem>>
        tpu.wait_indirect_dma semaphore(%dma_wait3A_282 : memref<!tpu.dma_semaphore, #tpu.memory_space<semaphore_mem>>) src(%dma_wait3A_280 : memref<20000x128xf32, #tpu.memory_space<hbm>>) dst(%dma_wait3A_274 : memref<128x128xf32, #tpu.memory_space<vmem>>)
        %add3A_283 = arith.constant 6 : i32
        %add3A_284 = arith.addi %add3A_245, %add3A_283 : i32
        %lt3A_285 = arith.cmpi slt, %add3A_284, %add3A_9 : i32
        %convert_element_type3A_286 = arith.extui %lt3A_285 : i1 to i32
        %cond3A_287 = arith.constant 0 : i32
        %cond3A_288 = arith.cmpi ne, %convert_element_type3A_286, %cond3A_287 : i32
        scf.if %cond3A_288 {
          %mul3A_306 = arith.constant 128 : i32
          %mul3A_307 = arith.muli %add3A_284, %mul3A_306 : i32
          %dma_start3A_308 = arith.constant 3 : i32
          %dma_start3A_309 = arith.constant 3 : i32
          %dma_start3A_310 = arith.constant 0 : i32
          %dma_start3A_311 = tpu.memref_slice %arg5[%dma_start3A_308, %dma_start3A_310] : memref<6x128xi32, #tpu.memory_space<vmem>> -> memref<1x128xi32, #tpu.memory_space<vmem>>
          %dma_start3A_312 = tpu.memref_squeeze %dma_start3A_311 : memref<1x128xi32, #tpu.memory_space<vmem>> -> memref<128xi32, #tpu.memory_space<vmem>>
          %dma_start3A_313 = tpu.memref_slice %arg3[%mul3A_307] : memref<320000xi32, #tpu.memory_space<hbm>> -> memref<128xi32, #tpu.memory_space<hbm>>
          %dma_start3A_314 = tpu.memref_slice %arg7[%dma_start3A_309] : memref<6x!tpu.dma_semaphore, #tpu.memory_space<semaphore_mem>> -> memref<1x!tpu.dma_semaphore, #tpu.memory_space<semaphore_mem>>
          %dma_start3A_315 = tpu.memref_squeeze %dma_start3A_314 : memref<1x!tpu.dma_semaphore, #tpu.memory_space<semaphore_mem>> -> memref<!tpu.dma_semaphore, #tpu.memory_space<semaphore_mem>>
          %dma_start3A_316 = arith.constant 0 : i32
          %dma_start3A_317 = tpu.memref_slice %arg5[%dma_start3A_308, %dma_start3A_316] : memref<6x128xi32, #tpu.memory_space<vmem>> -> memref<1x128xi32, #tpu.memory_space<vmem>>
          %dma_start3A_318 = tpu.memref_squeeze %dma_start3A_317 : memref<1x128xi32, #tpu.memory_space<vmem>> -> memref<128xi32, #tpu.memory_space<vmem>>
          %dma_start3A_319 = tpu.memref_slice %arg3[%mul3A_307] : memref<320000xi32, #tpu.memory_space<hbm>> -> memref<128xi32, #tpu.memory_space<hbm>>
          tpu.enqueue_dma source(%dma_start3A_319 : memref<128xi32, #tpu.memory_space<hbm>>) target(%dma_start3A_318 : memref<128xi32, #tpu.memory_space<vmem>>) target_semaphore(%dma_start3A_315 : memref<!tpu.dma_semaphore, #tpu.memory_space<semaphore_mem>>)
        } else {
        }
        %mul3A_289 = arith.constant 128 : i32
        %mul3A_290 = arith.muli %add3A_245, %mul3A_289 : i32
        %dma_start3A = arith.constant 3 : i32
        %dma_start3A_291 = arith.constant 3 : i32
        %dma_start3A_292 = arith.constant 0 : i32
        %dma_start3A_293 = arith.constant 0 : i32
        %dma_start3A_294 = tpu.memref_slice %arg6[%dma_start3A, %dma_start3A_292, %dma_start3A_293] : memref<6x128x128xf32, #tpu.memory_space<vmem>> -> memref<1x128x128xf32, #tpu.memory_space<vmem>>
        %dma_start3A_295 = tpu.memref_squeeze %dma_start3A_294 : memref<1x128x128xf32, #tpu.memory_space<vmem>> -> memref<128x128xf32, #tpu.memory_space<vmem>>
        %dma_start3A_296 = arith.constant 0 : i32
        %dma_start3A_297 = tpu.memref_slice %arg4[%mul3A_290, %dma_start3A_296] : memref<320000x128xf32, #tpu.memory_space<hbm>> -> memref<128x128xf32, #tpu.memory_space<hbm>>
        %dma_start3A_298 = tpu.memref_slice %arg9[%dma_start3A_291] : memref<6x!tpu.dma_semaphore, #tpu.memory_space<semaphore_mem>> -> memref<1x!tpu.dma_semaphore, #tpu.memory_space<semaphore_mem>>
        %dma_start3A_299 = tpu.memref_squeeze %dma_start3A_298 : memref<1x!tpu.dma_semaphore, #tpu.memory_space<semaphore_mem>> -> memref<!tpu.dma_semaphore, #tpu.memory_space<semaphore_mem>>
        %dma_start3A_300 = arith.constant 0 : i32
        %dma_start3A_301 = tpu.memref_slice %arg4[%mul3A_290, %dma_start3A_300] : memref<320000x128xf32, #tpu.memory_space<hbm>> -> memref<128x128xf32, #tpu.memory_space<hbm>>
        %dma_start3A_302 = arith.constant 0 : i32
        %dma_start3A_303 = arith.constant 0 : i32
        %dma_start3A_304 = tpu.memref_slice %arg6[%dma_start3A, %dma_start3A_302, %dma_start3A_303] : memref<6x128x128xf32, #tpu.memory_space<vmem>> -> memref<1x128x128xf32, #tpu.memory_space<vmem>>
        %dma_start3A_305 = tpu.memref_squeeze %dma_start3A_304 : memref<1x128x128xf32, #tpu.memory_space<vmem>> -> memref<128x128xf32, #tpu.memory_space<vmem>>
        tpu.enqueue_dma source(%dma_start3A_305 : memref<128x128xf32, #tpu.memory_space<vmem>>) target(%dma_start3A_301 : memref<128x128xf32, #tpu.memory_space<hbm>>) target_semaphore(%dma_start3A_299 : memref<!tpu.dma_semaphore, #tpu.memory_space<semaphore_mem>>)
      } else {
      }
      %mul3A_250 = arith.constant 6 : i32
      %mul3A_251 = arith.muli %add3A_159, %mul3A_250 : i32
      %add3A_252 = arith.addi %add3A_4, %mul3A_251 : i32
      %add3A_253 = arith.constant 4 : i32
      %add3A_254 = arith.addi %add3A_252, %add3A_253 : i32
      %lt3A_255 = arith.cmpi slt, %add3A_254, %add3A_9 : i32
      %convert_element_type3A_256 = arith.extui %lt3A_255 : i1 to i32
      %cond3A_257 = arith.constant 0 : i32
      %cond3A_258 = arith.cmpi ne, %convert_element_type3A_256, %cond3A_257 : i32
      scf.if %cond3A_258 {
        %dma_wait3A_268 = arith.constant 4 : i32
        %dma_wait3A_269 = arith.constant 4 : i32
        %dma_wait3A_270 = arith.constant 4 : i32
        %dma_wait3A_271 = arith.constant 0 : i32
        %dma_wait3A_272 = arith.constant 0 : i32
        %dma_wait3A_273 = tpu.memref_slice %arg6[%dma_wait3A_269, %dma_wait3A_271, %dma_wait3A_272] : memref<6x128x128xf32, #tpu.memory_space<vmem>> -> memref<1x128x128xf32, #tpu.memory_space<vmem>>
        %dma_wait3A_274 = tpu.memref_squeeze %dma_wait3A_273 : memref<1x128x128xf32, #tpu.memory_space<vmem>> -> memref<128x128xf32, #tpu.memory_space<vmem>>
        %dma_wait3A_275 = arith.constant 0 : i32
        %dma_wait3A_276 = tpu.memref_slice %arg5[%dma_wait3A_268, %dma_wait3A_275] : memref<6x128xi32, #tpu.memory_space<vmem>> -> memref<1x128xi32, #tpu.memory_space<vmem>>
        %dma_wait3A_277 = tpu.memref_squeeze %dma_wait3A_276 : memref<1x128xi32, #tpu.memory_space<vmem>> -> memref<128xi32, #tpu.memory_space<vmem>>
        %dma_wait3A_278 = arith.constant 0 : i32
        %dma_wait3A_279 = arith.constant 0 : i32
        %dma_wait3A_280 = tpu.memref_slice %arg2[%dma_wait3A_278, %dma_wait3A_279] : memref<20000x128xf32, #tpu.memory_space<hbm>> -> memref<20000x128xf32, #tpu.memory_space<hbm>>
        %dma_wait3A_281 = tpu.memref_slice %arg8[%dma_wait3A_270] : memref<6x!tpu.dma_semaphore, #tpu.memory_space<semaphore_mem>> -> memref<1x!tpu.dma_semaphore, #tpu.memory_space<semaphore_mem>>
        %dma_wait3A_282 = tpu.memref_squeeze %dma_wait3A_281 : memref<1x!tpu.dma_semaphore, #tpu.memory_space<semaphore_mem>> -> memref<!tpu.dma_semaphore, #tpu.memory_space<semaphore_mem>>
        tpu.wait_indirect_dma semaphore(%dma_wait3A_282 : memref<!tpu.dma_semaphore, #tpu.memory_space<semaphore_mem>>) src(%dma_wait3A_280 : memref<20000x128xf32, #tpu.memory_space<hbm>>) dst(%dma_wait3A_274 : memref<128x128xf32, #tpu.memory_space<vmem>>)
        %add3A_283 = arith.constant 6 : i32
        %add3A_284 = arith.addi %add3A_254, %add3A_283 : i32
        %lt3A_285 = arith.cmpi slt, %add3A_284, %add3A_9 : i32
        %convert_element_type3A_286 = arith.extui %lt3A_285 : i1 to i32
        %cond3A_287 = arith.constant 0 : i32
        %cond3A_288 = arith.cmpi ne, %convert_element_type3A_286, %cond3A_287 : i32
        scf.if %cond3A_288 {
          %mul3A_306 = arith.constant 128 : i32
          %mul3A_307 = arith.muli %add3A_284, %mul3A_306 : i32
          %dma_start3A_308 = arith.constant 4 : i32
          %dma_start3A_309 = arith.constant 4 : i32
          %dma_start3A_310 = arith.constant 0 : i32
          %dma_start3A_311 = tpu.memref_slice %arg5[%dma_start3A_308, %dma_start3A_310] : memref<6x128xi32, #tpu.memory_space<vmem>> -> memref<1x128xi32, #tpu.memory_space<vmem>>
          %dma_start3A_312 = tpu.memref_squeeze %dma_start3A_311 : memref<1x128xi32, #tpu.memory_space<vmem>> -> memref<128xi32, #tpu.memory_space<vmem>>
          %dma_start3A_313 = tpu.memref_slice %arg3[%mul3A_307] : memref<320000xi32, #tpu.memory_space<hbm>> -> memref<128xi32, #tpu.memory_space<hbm>>
          %dma_start3A_314 = tpu.memref_slice %arg7[%dma_start3A_309] : memref<6x!tpu.dma_semaphore, #tpu.memory_space<semaphore_mem>> -> memref<1x!tpu.dma_semaphore, #tpu.memory_space<semaphore_mem>>
          %dma_start3A_315 = tpu.memref_squeeze %dma_start3A_314 : memref<1x!tpu.dma_semaphore, #tpu.memory_space<semaphore_mem>> -> memref<!tpu.dma_semaphore, #tpu.memory_space<semaphore_mem>>
          %dma_start3A_316 = arith.constant 0 : i32
          %dma_start3A_317 = tpu.memref_slice %arg5[%dma_start3A_308, %dma_start3A_316] : memref<6x128xi32, #tpu.memory_space<vmem>> -> memref<1x128xi32, #tpu.memory_space<vmem>>
          %dma_start3A_318 = tpu.memref_squeeze %dma_start3A_317 : memref<1x128xi32, #tpu.memory_space<vmem>> -> memref<128xi32, #tpu.memory_space<vmem>>
          %dma_start3A_319 = tpu.memref_slice %arg3[%mul3A_307] : memref<320000xi32, #tpu.memory_space<hbm>> -> memref<128xi32, #tpu.memory_space<hbm>>
          tpu.enqueue_dma source(%dma_start3A_319 : memref<128xi32, #tpu.memory_space<hbm>>) target(%dma_start3A_318 : memref<128xi32, #tpu.memory_space<vmem>>) target_semaphore(%dma_start3A_315 : memref<!tpu.dma_semaphore, #tpu.memory_space<semaphore_mem>>)
        } else {
        }
        %mul3A_289 = arith.constant 128 : i32
        %mul3A_290 = arith.muli %add3A_254, %mul3A_289 : i32
        %dma_start3A = arith.constant 4 : i32
        %dma_start3A_291 = arith.constant 4 : i32
        %dma_start3A_292 = arith.constant 0 : i32
        %dma_start3A_293 = arith.constant 0 : i32
        %dma_start3A_294 = tpu.memref_slice %arg6[%dma_start3A, %dma_start3A_292, %dma_start3A_293] : memref<6x128x128xf32, #tpu.memory_space<vmem>> -> memref<1x128x128xf32, #tpu.memory_space<vmem>>
        %dma_start3A_295 = tpu.memref_squeeze %dma_start3A_294 : memref<1x128x128xf32, #tpu.memory_space<vmem>> -> memref<128x128xf32, #tpu.memory_space<vmem>>
        %dma_start3A_296 = arith.constant 0 : i32
        %dma_start3A_297 = tpu.memref_slice %arg4[%mul3A_290, %dma_start3A_296] : memref<320000x128xf32, #tpu.memory_space<hbm>> -> memref<128x128xf32, #tpu.memory_space<hbm>>
        %dma_start3A_298 = tpu.memref_slice %arg9[%dma_start3A_291] : memref<6x!tpu.dma_semaphore, #tpu.memory_space<semaphore_mem>> -> memref<1x!tpu.dma_semaphore, #tpu.memory_space<semaphore_mem>>
        %dma_start3A_299 = tpu.memref_squeeze %dma_start3A_298 : memref<1x!tpu.dma_semaphore, #tpu.memory_space<semaphore_mem>> -> memref<!tpu.dma_semaphore, #tpu.memory_space<semaphore_mem>>
        %dma_start3A_300 = arith.constant 0 : i32
        %dma_start3A_301 = tpu.memref_slice %arg4[%mul3A_290, %dma_start3A_300] : memref<320000x128xf32, #tpu.memory_space<hbm>> -> memref<128x128xf32, #tpu.memory_space<hbm>>
        %dma_start3A_302 = arith.constant 0 : i32
        %dma_start3A_303 = arith.constant 0 : i32
        %dma_start3A_304 = tpu.memref_slice %arg6[%dma_start3A, %dma_start3A_302, %dma_start3A_303] : memref<6x128x128xf32, #tpu.memory_space<vmem>> -> memref<1x128x128xf32, #tpu.memory_space<vmem>>
        %dma_start3A_305 = tpu.memref_squeeze %dma_start3A_304 : memref<1x128x128xf32, #tpu.memory_space<vmem>> -> memref<128x128xf32, #tpu.memory_space<vmem>>
        tpu.enqueue_dma source(%dma_start3A_305 : memref<128x128xf32, #tpu.memory_space<vmem>>) target(%dma_start3A_301 : memref<128x128xf32, #tpu.memory_space<hbm>>) target_semaphore(%dma_start3A_299 : memref<!tpu.dma_semaphore, #tpu.memory_space<semaphore_mem>>)
      } else {
      }
      %mul3A_259 = arith.constant 6 : i32
      %mul3A_260 = arith.muli %add3A_159, %mul3A_259 : i32
      %add3A_261 = arith.addi %add3A_4, %mul3A_260 : i32
      %add3A_262 = arith.constant 5 : i32
      %add3A_263 = arith.addi %add3A_261, %add3A_262 : i32
      %lt3A_264 = arith.cmpi slt, %add3A_263, %add3A_9 : i32
      %convert_element_type3A_265 = arith.extui %lt3A_264 : i1 to i32
      %cond3A_266 = arith.constant 0 : i32
      %cond3A_267 = arith.cmpi ne, %convert_element_type3A_265, %cond3A_266 : i32
      scf.if %cond3A_267 {
        %dma_wait3A_268 = arith.constant 5 : i32
        %dma_wait3A_269 = arith.constant 5 : i32
        %dma_wait3A_270 = arith.constant 5 : i32
        %dma_wait3A_271 = arith.constant 0 : i32
        %dma_wait3A_272 = arith.constant 0 : i32
        %dma_wait3A_273 = tpu.memref_slice %arg6[%dma_wait3A_269, %dma_wait3A_271, %dma_wait3A_272] : memref<6x128x128xf32, #tpu.memory_space<vmem>> -> memref<1x128x128xf32, #tpu.memory_space<vmem>>
        %dma_wait3A_274 = tpu.memref_squeeze %dma_wait3A_273 : memref<1x128x128xf32, #tpu.memory_space<vmem>> -> memref<128x128xf32, #tpu.memory_space<vmem>>
        %dma_wait3A_275 = arith.constant 0 : i32
        %dma_wait3A_276 = tpu.memref_slice %arg5[%dma_wait3A_268, %dma_wait3A_275] : memref<6x128xi32, #tpu.memory_space<vmem>> -> memref<1x128xi32, #tpu.memory_space<vmem>>
        %dma_wait3A_277 = tpu.memref_squeeze %dma_wait3A_276 : memref<1x128xi32, #tpu.memory_space<vmem>> -> memref<128xi32, #tpu.memory_space<vmem>>
        %dma_wait3A_278 = arith.constant 0 : i32
        %dma_wait3A_279 = arith.constant 0 : i32
        %dma_wait3A_280 = tpu.memref_slice %arg2[%dma_wait3A_278, %dma_wait3A_279] : memref<20000x128xf32, #tpu.memory_space<hbm>> -> memref<20000x128xf32, #tpu.memory_space<hbm>>
        %dma_wait3A_281 = tpu.memref_slice %arg8[%dma_wait3A_270] : memref<6x!tpu.dma_semaphore, #tpu.memory_space<semaphore_mem>> -> memref<1x!tpu.dma_semaphore, #tpu.memory_space<semaphore_mem>>
        %dma_wait3A_282 = tpu.memref_squeeze %dma_wait3A_281 : memref<1x!tpu.dma_semaphore, #tpu.memory_space<semaphore_mem>> -> memref<!tpu.dma_semaphore, #tpu.memory_space<semaphore_mem>>
        tpu.wait_indirect_dma semaphore(%dma_wait3A_282 : memref<!tpu.dma_semaphore, #tpu.memory_space<semaphore_mem>>) src(%dma_wait3A_280 : memref<20000x128xf32, #tpu.memory_space<hbm>>) dst(%dma_wait3A_274 : memref<128x128xf32, #tpu.memory_space<vmem>>)
        %add3A_283 = arith.constant 6 : i32
        %add3A_284 = arith.addi %add3A_263, %add3A_283 : i32
        %lt3A_285 = arith.cmpi slt, %add3A_284, %add3A_9 : i32
        %convert_element_type3A_286 = arith.extui %lt3A_285 : i1 to i32
        %cond3A_287 = arith.constant 0 : i32
        %cond3A_288 = arith.cmpi ne, %convert_element_type3A_286, %cond3A_287 : i32
        scf.if %cond3A_288 {
          %mul3A_306 = arith.constant 128 : i32
          %mul3A_307 = arith.muli %add3A_284, %mul3A_306 : i32
          %dma_start3A_308 = arith.constant 5 : i32
          %dma_start3A_309 = arith.constant 5 : i32
          %dma_start3A_310 = arith.constant 0 : i32
          %dma_start3A_311 = tpu.memref_slice %arg5[%dma_start3A_308, %dma_start3A_310] : memref<6x128xi32, #tpu.memory_space<vmem>> -> memref<1x128xi32, #tpu.memory_space<vmem>>
          %dma_start3A_312 = tpu.memref_squeeze %dma_start3A_311 : memref<1x128xi32, #tpu.memory_space<vmem>> -> memref<128xi32, #tpu.memory_space<vmem>>
          %dma_start3A_313 = tpu.memref_slice %arg3[%mul3A_307] : memref<320000xi32, #tpu.memory_space<hbm>> -> memref<128xi32, #tpu.memory_space<hbm>>
          %dma_start3A_314 = tpu.memref_slice %arg7[%dma_start3A_309] : memref<6x!tpu.dma_semaphore, #tpu.memory_space<semaphore_mem>> -> memref<1x!tpu.dma_semaphore, #tpu.memory_space<semaphore_mem>>
          %dma_start3A_315 = tpu.memref_squeeze %dma_start3A_314 : memref<1x!tpu.dma_semaphore, #tpu.memory_space<semaphore_mem>> -> memref<!tpu.dma_semaphore, #tpu.memory_space<semaphore_mem>>
          %dma_start3A_316 = arith.constant 0 : i32
          %dma_start3A_317 = tpu.memref_slice %arg5[%dma_start3A_308, %dma_start3A_316] : memref<6x128xi32, #tpu.memory_space<vmem>> -> memref<1x128xi32, #tpu.memory_space<vmem>>
          %dma_start3A_318 = tpu.memref_squeeze %dma_start3A_317 : memref<1x128xi32, #tpu.memory_space<vmem>> -> memref<128xi32, #tpu.memory_space<vmem>>
          %dma_start3A_319 = tpu.memref_slice %arg3[%mul3A_307] : memref<320000xi32, #tpu.memory_space<hbm>> -> memref<128xi32, #tpu.memory_space<hbm>>
          tpu.enqueue_dma source(%dma_start3A_319 : memref<128xi32, #tpu.memory_space<hbm>>) target(%dma_start3A_318 : memref<128xi32, #tpu.memory_space<vmem>>) target_semaphore(%dma_start3A_315 : memref<!tpu.dma_semaphore, #tpu.memory_space<semaphore_mem>>)
        } else {
        }
        %mul3A_289 = arith.constant 128 : i32
        %mul3A_290 = arith.muli %add3A_263, %mul3A_289 : i32
        %dma_start3A = arith.constant 5 : i32
        %dma_start3A_291 = arith.constant 5 : i32
        %dma_start3A_292 = arith.constant 0 : i32
        %dma_start3A_293 = arith.constant 0 : i32
        %dma_start3A_294 = tpu.memref_slice %arg6[%dma_start3A, %dma_start3A_292, %dma_start3A_293] : memref<6x128x128xf32, #tpu.memory_space<vmem>> -> memref<1x128x128xf32, #tpu.memory_space<vmem>>
        %dma_start3A_295 = tpu.memref_squeeze %dma_start3A_294 : memref<1x128x128xf32, #tpu.memory_space<vmem>> -> memref<128x128xf32, #tpu.memory_space<vmem>>
        %dma_start3A_296 = arith.constant 0 : i32
        %dma_start3A_297 = tpu.memref_slice %arg4[%mul3A_290, %dma_start3A_296] : memref<320000x128xf32, #tpu.memory_space<hbm>> -> memref<128x128xf32, #tpu.memory_space<hbm>>
        %dma_start3A_298 = tpu.memref_slice %arg9[%dma_start3A_291] : memref<6x!tpu.dma_semaphore, #tpu.memory_space<semaphore_mem>> -> memref<1x!tpu.dma_semaphore, #tpu.memory_space<semaphore_mem>>
        %dma_start3A_299 = tpu.memref_squeeze %dma_start3A_298 : memref<1x!tpu.dma_semaphore, #tpu.memory_space<semaphore_mem>> -> memref<!tpu.dma_semaphore, #tpu.memory_space<semaphore_mem>>
        %dma_start3A_300 = arith.constant 0 : i32
        %dma_start3A_301 = tpu.memref_slice %arg4[%mul3A_290, %dma_start3A_300] : memref<320000x128xf32, #tpu.memory_space<hbm>> -> memref<128x128xf32, #tpu.memory_space<hbm>>
        %dma_start3A_302 = arith.constant 0 : i32
        %dma_start3A_303 = arith.constant 0 : i32
        %dma_start3A_304 = tpu.memref_slice %arg6[%dma_start3A, %dma_start3A_302, %dma_start3A_303] : memref<6x128x128xf32, #tpu.memory_space<vmem>> -> memref<1x128x128xf32, #tpu.memory_space<vmem>>
        %dma_start3A_305 = tpu.memref_squeeze %dma_start3A_304 : memref<1x128x128xf32, #tpu.memory_space<vmem>> -> memref<128x128xf32, #tpu.memory_space<vmem>>
        tpu.enqueue_dma source(%dma_start3A_305 : memref<128x128xf32, #tpu.memory_space<vmem>>) target(%dma_start3A_301 : memref<128x128xf32, #tpu.memory_space<hbm>>) target_semaphore(%dma_start3A_299 : memref<!tpu.dma_semaphore, #tpu.memory_space<semaphore_mem>>)
      } else {
      }
    }
    %scan3A_47 = arith.constant 14 : i32
    %mul3A_48 = arith.constant 128 : i32
    %mul3A_49 = arith.muli %add3A_4, %mul3A_48 : i32
    %dma_wait3A = arith.constant 0 : i32
    %dma_wait3A_50 = arith.constant 0 : i32
    %dma_wait3A_51 = arith.constant 0 : i32
    %dma_wait3A_52 = arith.constant 0 : i32
    %dma_wait3A_53 = tpu.memref_slice %arg6[%dma_wait3A, %dma_wait3A_51, %dma_wait3A_52] : memref<6x128x128xf32, #tpu.memory_space<vmem>> -> memref<1x128x128xf32, #tpu.memory_space<vmem>>
    %dma_wait3A_54 = tpu.memref_squeeze %dma_wait3A_53 : memref<1x128x128xf32, #tpu.memory_space<vmem>> -> memref<128x128xf32, #tpu.memory_space<vmem>>
    %dma_wait3A_55 = arith.constant 0 : i32
    %dma_wait3A_56 = tpu.memref_slice %arg4[%mul3A_49, %dma_wait3A_55] : memref<320000x128xf32, #tpu.memory_space<hbm>> -> memref<128x128xf32, #tpu.memory_space<hbm>>
    %dma_wait3A_57 = tpu.memref_slice %arg9[%dma_wait3A_50] : memref<6x!tpu.dma_semaphore, #tpu.memory_space<semaphore_mem>> -> memref<1x!tpu.dma_semaphore, #tpu.memory_space<semaphore_mem>>
    %dma_wait3A_58 = tpu.memref_squeeze %dma_wait3A_57 : memref<1x!tpu.dma_semaphore, #tpu.memory_space<semaphore_mem>> -> memref<!tpu.dma_semaphore, #tpu.memory_space<semaphore_mem>>
    %dma_wait3A_59 = arith.constant 0 : i32
    %dma_wait3A_60 = tpu.memref_slice %arg4[%mul3A_49, %dma_wait3A_59] : memref<320000x128xf32, #tpu.memory_space<hbm>> -> memref<128x128xf32, #tpu.memory_space<hbm>>
    %dma_wait3A_61 = arith.constant 0 : i32
    %dma_wait3A_62 = arith.constant 0 : i32
    %dma_wait3A_63 = tpu.memref_slice %arg6[%dma_wait3A, %dma_wait3A_61, %dma_wait3A_62] : memref<6x128x128xf32, #tpu.memory_space<vmem>> -> memref<1x128x128xf32, #tpu.memory_space<vmem>>
    %dma_wait3A_64 = tpu.memref_squeeze %dma_wait3A_63 : memref<1x128x128xf32, #tpu.memory_space<vmem>> -> memref<128x128xf32, #tpu.memory_space<vmem>>
    tpu.wait_dma2 semaphore(%dma_wait3A_58 : memref<!tpu.dma_semaphore, #tpu.memory_space<semaphore_mem>>) src(%dma_wait3A_64 : memref<128x128xf32, #tpu.memory_space<vmem>>) dst(%dma_wait3A_60 : memref<128x128xf32, #tpu.memory_space<hbm>>)
    %mul3A_65 = arith.constant 128 : i32
    %mul3A_66 = arith.muli %add3A_4, %mul3A_65 : i32
    %dma_wait3A_67 = arith.constant 1 : i32
    %dma_wait3A_68 = arith.constant 1 : i32
    %dma_wait3A_69 = arith.constant 0 : i32
    %dma_wait3A_70 = arith.constant 0 : i32
    %dma_wait3A_71 = tpu.memref_slice %arg6[%dma_wait3A_67, %dma_wait3A_69, %dma_wait3A_70] : memref<6x128x128xf32, #tpu.memory_space<vmem>> -> memref<1x128x128xf32, #tpu.memory_space<vmem>>
    %dma_wait3A_72 = tpu.memref_squeeze %dma_wait3A_71 : memref<1x128x128xf32, #tpu.memory_space<vmem>> -> memref<128x128xf32, #tpu.memory_space<vmem>>
    %dma_wait3A_73 = arith.constant 0 : i32
    %dma_wait3A_74 = tpu.memref_slice %arg4[%mul3A_66, %dma_wait3A_73] : memref<320000x128xf32, #tpu.memory_space<hbm>> -> memref<128x128xf32, #tpu.memory_space<hbm>>
    %dma_wait3A_75 = tpu.memref_slice %arg9[%dma_wait3A_68] : memref<6x!tpu.dma_semaphore, #tpu.memory_space<semaphore_mem>> -> memref<1x!tpu.dma_semaphore, #tpu.memory_space<semaphore_mem>>
    %dma_wait3A_76 = tpu.memref_squeeze %dma_wait3A_75 : memref<1x!tpu.dma_semaphore, #tpu.memory_space<semaphore_mem>> -> memref<!tpu.dma_semaphore, #tpu.memory_space<semaphore_mem>>
    %dma_wait3A_77 = arith.constant 0 : i32
    %dma_wait3A_78 = tpu.memref_slice %arg4[%mul3A_66, %dma_wait3A_77] : memref<320000x128xf32, #tpu.memory_space<hbm>> -> memref<128x128xf32, #tpu.memory_space<hbm>>
    %dma_wait3A_79 = arith.constant 0 : i32
    %dma_wait3A_80 = arith.constant 0 : i32
    %dma_wait3A_81 = tpu.memref_slice %arg6[%dma_wait3A_67, %dma_wait3A_79, %dma_wait3A_80] : memref<6x128x128xf32, #tpu.memory_space<vmem>> -> memref<1x128x128xf32, #tpu.memory_space<vmem>>
    %dma_wait3A_82 = tpu.memref_squeeze %dma_wait3A_81 : memref<1x128x128xf32, #tpu.memory_space<vmem>> -> memref<128x128xf32, #tpu.memory_space<vmem>>
    tpu.wait_dma2 semaphore(%dma_wait3A_76 : memref<!tpu.dma_semaphore, #tpu.memory_space<semaphore_mem>>) src(%dma_wait3A_82 : memref<128x128xf32, #tpu.memory_space<vmem>>) dst(%dma_wait3A_78 : memref<128x128xf32, #tpu.memory_space<hbm>>)
    %mul3A_83 = arith.constant 128 : i32
    %mul3A_84 = arith.muli %add3A_4, %mul3A_83 : i32
    %dma_wait3A_85 = arith.constant 2 : i32
    %dma_wait3A_86 = arith.constant 2 : i32
    %dma_wait3A_87 = arith.constant 0 : i32
    %dma_wait3A_88 = arith.constant 0 : i32
    %dma_wait3A_89 = tpu.memref_slice %arg6[%dma_wait3A_85, %dma_wait3A_87, %dma_wait3A_88] : memref<6x128x128xf32, #tpu.memory_space<vmem>> -> memref<1x128x128xf32, #tpu.memory_space<vmem>>
    %dma_wait3A_90 = tpu.memref_squeeze %dma_wait3A_89 : memref<1x128x128xf32, #tpu.memory_space<vmem>> -> memref<128x128xf32, #tpu.memory_space<vmem>>
    %dma_wait3A_91 = arith.constant 0 : i32
    %dma_wait3A_92 = tpu.memref_slice %arg4[%mul3A_84, %dma_wait3A_91] : memref<320000x128xf32, #tpu.memory_space<hbm>> -> memref<128x128xf32, #tpu.memory_space<hbm>>
    %dma_wait3A_93 = tpu.memref_slice %arg9[%dma_wait3A_86] : memref<6x!tpu.dma_semaphore, #tpu.memory_space<semaphore_mem>> -> memref<1x!tpu.dma_semaphore, #tpu.memory_space<semaphore_mem>>
    %dma_wait3A_94 = tpu.memref_squeeze %dma_wait3A_93 : memref<1x!tpu.dma_semaphore, #tpu.memory_space<semaphore_mem>> -> memref<!tpu.dma_semaphore, #tpu.memory_space<semaphore_mem>>
    %dma_wait3A_95 = arith.constant 0 : i32
    %dma_wait3A_96 = tpu.memref_slice %arg4[%mul3A_84, %dma_wait3A_95] : memref<320000x128xf32, #tpu.memory_space<hbm>> -> memref<128x128xf32, #tpu.memory_space<hbm>>
    %dma_wait3A_97 = arith.constant 0 : i32
    %dma_wait3A_98 = arith.constant 0 : i32
    %dma_wait3A_99 = tpu.memref_slice %arg6[%dma_wait3A_85, %dma_wait3A_97, %dma_wait3A_98] : memref<6x128x128xf32, #tpu.memory_space<vmem>> -> memref<1x128x128xf32, #tpu.memory_space<vmem>>
    %dma_wait3A_100 = tpu.memref_squeeze %dma_wait3A_99 : memref<1x128x128xf32, #tpu.memory_space<vmem>> -> memref<128x128xf32, #tpu.memory_space<vmem>>
    tpu.wait_dma2 semaphore(%dma_wait3A_94 : memref<!tpu.dma_semaphore, #tpu.memory_space<semaphore_mem>>) src(%dma_wait3A_100 : memref<128x128xf32, #tpu.memory_space<vmem>>) dst(%dma_wait3A_96 : memref<128x128xf32, #tpu.memory_space<hbm>>)
    %mul3A_101 = arith.constant 128 : i32
    %mul3A_102 = arith.muli %add3A_4, %mul3A_101 : i32
    %dma_wait3A_103 = arith.constant 3 : i32
    %dma_wait3A_104 = arith.constant 3 : i32
    %dma_wait3A_105 = arith.constant 0 : i32
    %dma_wait3A_106 = arith.constant 0 : i32
    %dma_wait3A_107 = tpu.memref_slice %arg6[%dma_wait3A_103, %dma_wait3A_105, %dma_wait3A_106] : memref<6x128x128xf32, #tpu.memory_space<vmem>> -> memref<1x128x128xf32, #tpu.memory_space<vmem>>
    %dma_wait3A_108 = tpu.memref_squeeze %dma_wait3A_107 : memref<1x128x128xf32, #tpu.memory_space<vmem>> -> memref<128x128xf32, #tpu.memory_space<vmem>>
    %dma_wait3A_109 = arith.constant 0 : i32
    %dma_wait3A_110 = tpu.memref_slice %arg4[%mul3A_102, %dma_wait3A_109] : memref<320000x128xf32, #tpu.memory_space<hbm>> -> memref<128x128xf32, #tpu.memory_space<hbm>>
    %dma_wait3A_111 = tpu.memref_slice %arg9[%dma_wait3A_104] : memref<6x!tpu.dma_semaphore, #tpu.memory_space<semaphore_mem>> -> memref<1x!tpu.dma_semaphore, #tpu.memory_space<semaphore_mem>>
    %dma_wait3A_112 = tpu.memref_squeeze %dma_wait3A_111 : memref<1x!tpu.dma_semaphore, #tpu.memory_space<semaphore_mem>> -> memref<!tpu.dma_semaphore, #tpu.memory_space<semaphore_mem>>
    %dma_wait3A_113 = arith.constant 0 : i32
    %dma_wait3A_114 = tpu.memref_slice %arg4[%mul3A_102, %dma_wait3A_113] : memref<320000x128xf32, #tpu.memory_space<hbm>> -> memref<128x128xf32, #tpu.memory_space<hbm>>
    %dma_wait3A_115 = arith.constant 0 : i32
    %dma_wait3A_116 = arith.constant 0 : i32
    %dma_wait3A_117 = tpu.memref_slice %arg6[%dma_wait3A_103, %dma_wait3A_115, %dma_wait3A_116] : memref<6x128x128xf32, #tpu.memory_space<vmem>> -> memref<1x128x128xf32, #tpu.memory_space<vmem>>
    %dma_wait3A_118 = tpu.memref_squeeze %dma_wait3A_117 : memref<1x128x128xf32, #tpu.memory_space<vmem>> -> memref<128x128xf32, #tpu.memory_space<vmem>>
    tpu.wait_dma2 semaphore(%dma_wait3A_112 : memref<!tpu.dma_semaphore, #tpu.memory_space<semaphore_mem>>) src(%dma_wait3A_118 : memref<128x128xf32, #tpu.memory_space<vmem>>) dst(%dma_wait3A_114 : memref<128x128xf32, #tpu.memory_space<hbm>>)
    %mul3A_119 = arith.constant 128 : i32
    %mul3A_120 = arith.muli %add3A_4, %mul3A_119 : i32
    %dma_wait3A_121 = arith.constant 4 : i32
    %dma_wait3A_122 = arith.constant 4 : i32
    %dma_wait3A_123 = arith.constant 0 : i32
    %dma_wait3A_124 = arith.constant 0 : i32
    %dma_wait3A_125 = tpu.memref_slice %arg6[%dma_wait3A_121, %dma_wait3A_123, %dma_wait3A_124] : memref<6x128x128xf32, #tpu.memory_space<vmem>> -> memref<1x128x128xf32, #tpu.memory_space<vmem>>
    %dma_wait3A_126 = tpu.memref_squeeze %dma_wait3A_125 : memref<1x128x128xf32, #tpu.memory_space<vmem>> -> memref<128x128xf32, #tpu.memory_space<vmem>>
    %dma_wait3A_127 = arith.constant 0 : i32
    %dma_wait3A_128 = tpu.memref_slice %arg4[%mul3A_120, %dma_wait3A_127] : memref<320000x128xf32, #tpu.memory_space<hbm>> -> memref<128x128xf32, #tpu.memory_space<hbm>>
    %dma_wait3A_129 = tpu.memref_slice %arg9[%dma_wait3A_122] : memref<6x!tpu.dma_semaphore, #tpu.memory_space<semaphore_mem>> -> memref<1x!tpu.dma_semaphore, #tpu.memory_space<semaphore_mem>>
    %dma_wait3A_130 = tpu.memref_squeeze %dma_wait3A_129 : memref<1x!tpu.dma_semaphore, #tpu.memory_space<semaphore_mem>> -> memref<!tpu.dma_semaphore, #tpu.memory_space<semaphore_mem>>
    %dma_wait3A_131 = arith.constant 0 : i32
    %dma_wait3A_132 = tpu.memref_slice %arg4[%mul3A_120, %dma_wait3A_131] : memref<320000x128xf32, #tpu.memory_space<hbm>> -> memref<128x128xf32, #tpu.memory_space<hbm>>
    %dma_wait3A_133 = arith.constant 0 : i32
    %dma_wait3A_134 = arith.constant 0 : i32
    %dma_wait3A_135 = tpu.memref_slice %arg6[%dma_wait3A_121, %dma_wait3A_133, %dma_wait3A_134] : memref<6x128x128xf32, #tpu.memory_space<vmem>> -> memref<1x128x128xf32, #tpu.memory_space<vmem>>
    %dma_wait3A_136 = tpu.memref_squeeze %dma_wait3A_135 : memref<1x128x128xf32, #tpu.memory_space<vmem>> -> memref<128x128xf32, #tpu.memory_space<vmem>>
    tpu.wait_dma2 semaphore(%dma_wait3A_130 : memref<!tpu.dma_semaphore, #tpu.memory_space<semaphore_mem>>) src(%dma_wait3A_136 : memref<128x128xf32, #tpu.memory_space<vmem>>) dst(%dma_wait3A_132 : memref<128x128xf32, #tpu.memory_space<hbm>>)
    %mul3A_137 = arith.constant 128 : i32
    %mul3A_138 = arith.muli %add3A_4, %mul3A_137 : i32
    %dma_wait3A_139 = arith.constant 5 : i32
    %dma_wait3A_140 = arith.constant 5 : i32
    %dma_wait3A_141 = arith.constant 0 : i32
    %dma_wait3A_142 = arith.constant 0 : i32
    %dma_wait3A_143 = tpu.memref_slice %arg6[%dma_wait3A_139, %dma_wait3A_141, %dma_wait3A_142] : memref<6x128x128xf32, #tpu.memory_space<vmem>> -> memref<1x128x128xf32, #tpu.memory_space<vmem>>
    %dma_wait3A_144 = tpu.memref_squeeze %dma_wait3A_143 : memref<1x128x128xf32, #tpu.memory_space<vmem>> -> memref<128x128xf32, #tpu.memory_space<vmem>>
    %dma_wait3A_145 = arith.constant 0 : i32
    %dma_wait3A_146 = tpu.memref_slice %arg4[%mul3A_138, %dma_wait3A_145] : memref<320000x128xf32, #tpu.memory_space<hbm>> -> memref<128x128xf32, #tpu.memory_space<hbm>>
    %dma_wait3A_147 = tpu.memref_slice %arg9[%dma_wait3A_140] : memref<6x!tpu.dma_semaphore, #tpu.memory_space<semaphore_mem>> -> memref<1x!tpu.dma_semaphore, #tpu.memory_space<semaphore_mem>>
    %dma_wait3A_148 = tpu.memref_squeeze %dma_wait3A_147 : memref<1x!tpu.dma_semaphore, #tpu.memory_space<semaphore_mem>> -> memref<!tpu.dma_semaphore, #tpu.memory_space<semaphore_mem>>
    %dma_wait3A_149 = arith.constant 0 : i32
    %dma_wait3A_150 = tpu.memref_slice %arg4[%mul3A_138, %dma_wait3A_149] : memref<320000x128xf32, #tpu.memory_space<hbm>> -> memref<128x128xf32, #tpu.memory_space<hbm>>
    %dma_wait3A_151 = arith.constant 0 : i32
    %dma_wait3A_152 = arith.constant 0 : i32
    %dma_wait3A_153 = tpu.memref_slice %arg6[%dma_wait3A_139, %dma_wait3A_151, %dma_wait3A_152] : memref<6x128x128xf32, #tpu.memory_space<vmem>> -> memref<1x128x128xf32, #tpu.memory_space<vmem>>
    %dma_wait3A_154 = tpu.memref_squeeze %dma_wait3A_153 : memref<1x128x128xf32, #tpu.memory_space<vmem>> -> memref<128x128xf32, #tpu.memory_space<vmem>>
    tpu.wait_dma2 semaphore(%dma_wait3A_148 : memref<!tpu.dma_semaphore, #tpu.memory_space<semaphore_mem>>) src(%dma_wait3A_154 : memref<128x128xf32, #tpu.memory_space<vmem>>) dst(%dma_wait3A_150 : memref<128x128xf32, #tpu.memory_space<hbm>>)
    return
  }
}

#map = affine_map<(d0, d1) -> (0, 0)>
#map1 = affine_map<(d0, d1) -> (0)>
module attributes {stable_mosaic.version = 14 : i64} {
  func.func @k(%arg0: i32, %arg1: i32, %arg2: memref<20000x128xf32, #tpu.memory_space<hbm>>, %arg3: memref<640000xi32, #tpu.memory_space<hbm>>, %arg4: memref<640000x128xf32, #tpu.memory_space<hbm>>, %arg5: memref<6x128xi32, #tpu.memory_space<vmem>>, %arg6: memref<6x128x128xf32, #tpu.memory_space<vmem>>, %arg7: memref<6x!tpu.dma_semaphore, #tpu.memory_space<semaphore_mem>>, %arg8: memref<6x!tpu.dma_semaphore, #tpu.memory_space<semaphore_mem>>, %arg9: memref<6x!tpu.dma_semaphore, #tpu.memory_space<semaphore_mem>>) attributes {dimension_semantics = [#tpu.dimension_semantics<core_parallel>, #tpu.dimension_semantics<subcore_parallel>], iteration_bounds = array<i64: 2, 16>, scalar_prefetch = 0 : i64, scratch_operands = 5 : i64, tpu.core_type = #tpu.core_type<sc_vector_subcore>, window_params = [{transform_indices = #map}, {transform_indices = #map1}, {transform_indices = #map}]} {
    %mul3A = arith.constant 2 : i32
    %mul3A_0 = arith.muli %arg1, %mul3A : i32
    %add3A = arith.addi %mul3A_0, %arg0 : i32
    %mul3A_1 = arith.constant 156 : i32
    %mul3A_2 = arith.muli %add3A, %mul3A_1 : i32
    %min3A = arith.constant 8 : i32
    %min3A_3 = arith.minsi %add3A, %min3A : i32
    %add3A_4 = arith.addi %mul3A_2, %min3A_3 : i32
    %add3A_5 = arith.constant 156 : i32
    %add3A_6 = arith.addi %add3A_4, %add3A_5 : i32
    %lt3A = arith.constant 8 : i32
    %lt3A_7 = arith.cmpi slt, %add3A, %lt3A : i32
    %jit3A = arith.constant 1 : i32
    %jit3A_8 = arith.constant 0 : i32
    %select_n3A = arith.select %lt3A_7, %jit3A, %jit3A_8 : i32
    %add3A_9 = arith.addi %add3A_6, %select_n3A : i32
    %add3A_10 = arith.constant 0 : i32
    %add3A_11 = arith.addi %add3A_4, %add3A_10 : i32
    %lt3A_12 = arith.cmpi slt, %add3A_11, %add3A_9 : i32
    %convert_element_type3A = arith.extui %lt3A_12 : i1 to i32
    %cond3A = arith.constant 0 : i32
    %cond3A_13 = arith.cmpi ne, %convert_element_type3A, %cond3A : i32
    scf.if %cond3A_13 {
      %mul3A_155 = arith.constant 128 : i32
      %mul3A_156 = arith.muli %add3A_11, %mul3A_155 : i32
      %dma_start3A = arith.constant 0 : i32
      %dma_start3A_157 = arith.constant 0 : i32
      %dma_start3A_158 = arith.constant 0 : i32
      %dma_start3A_159 = tpu.memref_slice %arg5[%dma_start3A, %dma_start3A_158] : memref<6x128xi32, #tpu.memory_space<vmem>> -> memref<1x128xi32, #tpu.memory_space<vmem>>
      %dma_start3A_160 = tpu.memref_squeeze %dma_start3A_159 : memref<1x128xi32, #tpu.memory_space<vmem>> -> memref<128xi32, #tpu.memory_space<vmem>>
      %dma_start3A_161 = tpu.memref_slice %arg3[%mul3A_156] : memref<640000xi32, #tpu.memory_space<hbm>> -> memref<128xi32, #tpu.memory_space<hbm>>
      %dma_start3A_162 = tpu.memref_slice %arg7[%dma_start3A_157] : memref<6x!tpu.dma_semaphore, #tpu.memory_space<semaphore_mem>> -> memref<1x!tpu.dma_semaphore, #tpu.memory_space<semaphore_mem>>
      %dma_start3A_163 = tpu.memref_squeeze %dma_start3A_162 : memref<1x!tpu.dma_semaphore, #tpu.memory_space<semaphore_mem>> -> memref<!tpu.dma_semaphore, #tpu.memory_space<semaphore_mem>>
      %dma_start3A_164 = arith.constant 0 : i32
      %dma_start3A_165 = tpu.memref_slice %arg5[%dma_start3A, %dma_start3A_164] : memref<6x128xi32, #tpu.memory_space<vmem>> -> memref<1x128xi32, #tpu.memory_space<vmem>>
      %dma_start3A_166 = tpu.memref_squeeze %dma_start3A_165 : memref<1x128xi32, #tpu.memory_space<vmem>> -> memref<128xi32, #tpu.memory_space<vmem>>
      %dma_start3A_167 = tpu.memref_slice %arg3[%mul3A_156] : memref<640000xi32, #tpu.memory_space<hbm>> -> memref<128xi32, #tpu.memory_space<hbm>>
      tpu.enqueue_dma source(%dma_start3A_167 : memref<128xi32, #tpu.memory_space<hbm>>) target(%dma_start3A_166 : memref<128xi32, #tpu.memory_space<vmem>>) target_semaphore(%dma_start3A_163 : memref<!tpu.dma_semaphore, #tpu.memory_space<semaphore_mem>>)
    } else {
    }
    %add3A_14 = arith.constant 1 : i32
    %add3A_15 = arith.addi %add3A_4, %add3A_14 : i32
    %lt3A_16 = arith.cmpi slt, %add3A_15, %add3A_9 : i32
    %convert_element_type3A_17 = arith.extui %lt3A_16 : i1 to i32
    %cond3A_18 = arith.constant 0 : i32
    %cond3A_19 = arith.cmpi ne, %convert_element_type3A_17, %cond3A_18 : i32
    scf.if %cond3A_19 {
      %mul3A_155 = arith.constant 128 : i32
      %mul3A_156 = arith.muli %add3A_15, %mul3A_155 : i32
      %dma_start3A = arith.constant 1 : i32
      %dma_start3A_157 = arith.constant 1 : i32
      %dma_start3A_158 = arith.constant 0 : i32
      %dma_start3A_159 = tpu.memref_slice %arg5[%dma_start3A, %dma_start3A_158] : memref<6x128xi32, #tpu.memory_space<vmem>> -> memref<1x128xi32, #tpu.memory_space<vmem>>
      %dma_start3A_160 = tpu.memref_squeeze %dma_start3A_159 : memref<1x128xi32, #tpu.memory_space<vmem>> -> memref<128xi32, #tpu.memory_space<vmem>>
      %dma_start3A_161 = tpu.memref_slice %arg3[%mul3A_156] : memref<640000xi32, #tpu.memory_space<hbm>> -> memref<128xi32, #tpu.memory_space<hbm>>
      %dma_start3A_162 = tpu.memref_slice %arg7[%dma_start3A_157] : memref<6x!tpu.dma_semaphore, #tpu.memory_space<semaphore_mem>> -> memref<1x!tpu.dma_semaphore, #tpu.memory_space<semaphore_mem>>
      %dma_start3A_163 = tpu.memref_squeeze %dma_start3A_162 : memref<1x!tpu.dma_semaphore, #tpu.memory_space<semaphore_mem>> -> memref<!tpu.dma_semaphore, #tpu.memory_space<semaphore_mem>>
      %dma_start3A_164 = arith.constant 0 : i32
      %dma_start3A_165 = tpu.memref_slice %arg5[%dma_start3A, %dma_start3A_164] : memref<6x128xi32, #tpu.memory_space<vmem>> -> memref<1x128xi32, #tpu.memory_space<vmem>>
      %dma_start3A_166 = tpu.memref_squeeze %dma_start3A_165 : memref<1x128xi32, #tpu.memory_space<vmem>> -> memref<128xi32, #tpu.memory_space<vmem>>
      %dma_start3A_167 = tpu.memref_slice %arg3[%mul3A_156] : memref<640000xi32, #tpu.memory_space<hbm>> -> memref<128xi32, #tpu.memory_space<hbm>>
      tpu.enqueue_dma source(%dma_start3A_167 : memref<128xi32, #tpu.memory_space<hbm>>) target(%dma_start3A_166 : memref<128xi32, #tpu.memory_space<vmem>>) target_semaphore(%dma_start3A_163 : memref<!tpu.dma_semaphore, #tpu.memory_space<semaphore_mem>>)
    } else {
    }
    %add3A_20 = arith.constant 2 : i32
    %add3A_21 = arith.addi %add3A_4, %add3A_20 : i32
    %lt3A_22 = arith.cmpi slt, %add3A_21, %add3A_9 : i32
    %convert_element_type3A_23 = arith.extui %lt3A_22 : i1 to i32
    %cond3A_24 = arith.constant 0 : i32
    %cond3A_25 = arith.cmpi ne, %convert_element_type3A_23, %cond3A_24 : i32
    scf.if %cond3A_25 {
      %mul3A_155 = arith.constant 128 : i32
      %mul3A_156 = arith.muli %add3A_21, %mul3A_155 : i32
      %dma_start3A = arith.constant 2 : i32
      %dma_start3A_157 = arith.constant 2 : i32
      %dma_start3A_158 = arith.constant 0 : i32
      %dma_start3A_159 = tpu.memref_slice %arg5[%dma_start3A, %dma_start3A_158] : memref<6x128xi32, #tpu.memory_space<vmem>> -> memref<1x128xi32, #tpu.memory_space<vmem>>
      %dma_start3A_160 = tpu.memref_squeeze %dma_start3A_159 : memref<1x128xi32, #tpu.memory_space<vmem>> -> memref<128xi32, #tpu.memory_space<vmem>>
      %dma_start3A_161 = tpu.memref_slice %arg3[%mul3A_156] : memref<640000xi32, #tpu.memory_space<hbm>> -> memref<128xi32, #tpu.memory_space<hbm>>
      %dma_start3A_162 = tpu.memref_slice %arg7[%dma_start3A_157] : memref<6x!tpu.dma_semaphore, #tpu.memory_space<semaphore_mem>> -> memref<1x!tpu.dma_semaphore, #tpu.memory_space<semaphore_mem>>
      %dma_start3A_163 = tpu.memref_squeeze %dma_start3A_162 : memref<1x!tpu.dma_semaphore, #tpu.memory_space<semaphore_mem>> -> memref<!tpu.dma_semaphore, #tpu.memory_space<semaphore_mem>>
      %dma_start3A_164 = arith.constant 0 : i32
      %dma_start3A_165 = tpu.memref_slice %arg5[%dma_start3A, %dma_start3A_164] : memref<6x128xi32, #tpu.memory_space<vmem>> -> memref<1x128xi32, #tpu.memory_space<vmem>>
      %dma_start3A_166 = tpu.memref_squeeze %dma_start3A_165 : memref<1x128xi32, #tpu.memory_space<vmem>> -> memref<128xi32, #tpu.memory_space<vmem>>
      %dma_start3A_167 = tpu.memref_slice %arg3[%mul3A_156] : memref<640000xi32, #tpu.memory_space<hbm>> -> memref<128xi32, #tpu.memory_space<hbm>>
      tpu.enqueue_dma source(%dma_start3A_167 : memref<128xi32, #tpu.memory_space<hbm>>) target(%dma_start3A_166 : memref<128xi32, #tpu.memory_space<vmem>>) target_semaphore(%dma_start3A_163 : memref<!tpu.dma_semaphore, #tpu.memory_space<semaphore_mem>>)
    } else {
    }
    %add3A_26 = arith.constant 3 : i32
    %add3A_27 = arith.addi %add3A_4, %add3A_26 : i32
    %lt3A_28 = arith.cmpi slt, %add3A_27, %add3A_9 : i32
    %convert_element_type3A_29 = arith.extui %lt3A_28 : i1 to i32
    %cond3A_30 = arith.constant 0 : i32
    %cond3A_31 = arith.cmpi ne, %convert_element_type3A_29, %cond3A_30 : i32
    scf.if %cond3A_31 {
      %mul3A_155 = arith.constant 128 : i32
      %mul3A_156 = arith.muli %add3A_27, %mul3A_155 : i32
      %dma_start3A = arith.constant 3 : i32
      %dma_start3A_157 = arith.constant 3 : i32
      %dma_start3A_158 = arith.constant 0 : i32
      %dma_start3A_159 = tpu.memref_slice %arg5[%dma_start3A, %dma_start3A_158] : memref<6x128xi32, #tpu.memory_space<vmem>> -> memref<1x128xi32, #tpu.memory_space<vmem>>
      %dma_start3A_160 = tpu.memref_squeeze %dma_start3A_159 : memref<1x128xi32, #tpu.memory_space<vmem>> -> memref<128xi32, #tpu.memory_space<vmem>>
      %dma_start3A_161 = tpu.memref_slice %arg3[%mul3A_156] : memref<640000xi32, #tpu.memory_space<hbm>> -> memref<128xi32, #tpu.memory_space<hbm>>
      %dma_start3A_162 = tpu.memref_slice %arg7[%dma_start3A_157] : memref<6x!tpu.dma_semaphore, #tpu.memory_space<semaphore_mem>> -> memref<1x!tpu.dma_semaphore, #tpu.memory_space<semaphore_mem>>
      %dma_start3A_163 = tpu.memref_squeeze %dma_start3A_162 : memref<1x!tpu.dma_semaphore, #tpu.memory_space<semaphore_mem>> -> memref<!tpu.dma_semaphore, #tpu.memory_space<semaphore_mem>>
      %dma_start3A_164 = arith.constant 0 : i32
      %dma_start3A_165 = tpu.memref_slice %arg5[%dma_start3A, %dma_start3A_164] : memref<6x128xi32, #tpu.memory_space<vmem>> -> memref<1x128xi32, #tpu.memory_space<vmem>>
      %dma_start3A_166 = tpu.memref_squeeze %dma_start3A_165 : memref<1x128xi32, #tpu.memory_space<vmem>> -> memref<128xi32, #tpu.memory_space<vmem>>
      %dma_start3A_167 = tpu.memref_slice %arg3[%mul3A_156] : memref<640000xi32, #tpu.memory_space<hbm>> -> memref<128xi32, #tpu.memory_space<hbm>>
      tpu.enqueue_dma source(%dma_start3A_167 : memref<128xi32, #tpu.memory_space<hbm>>) target(%dma_start3A_166 : memref<128xi32, #tpu.memory_space<vmem>>) target_semaphore(%dma_start3A_163 : memref<!tpu.dma_semaphore, #tpu.memory_space<semaphore_mem>>)
    } else {
    }
    %add3A_32 = arith.constant 4 : i32
    %add3A_33 = arith.addi %add3A_4, %add3A_32 : i32
    %lt3A_34 = arith.cmpi slt, %add3A_33, %add3A_9 : i32
    %convert_element_type3A_35 = arith.extui %lt3A_34 : i1 to i32
    %cond3A_36 = arith.constant 0 : i32
    %cond3A_37 = arith.cmpi ne, %convert_element_type3A_35, %cond3A_36 : i32
    scf.if %cond3A_37 {
      %mul3A_155 = arith.constant 128 : i32
      %mul3A_156 = arith.muli %add3A_33, %mul3A_155 : i32
      %dma_start3A = arith.constant 4 : i32
      %dma_start3A_157 = arith.constant 4 : i32
      %dma_start3A_158 = arith.constant 0 : i32
      %dma_start3A_159 = tpu.memref_slice %arg5[%dma_start3A, %dma_start3A_158] : memref<6x128xi32, #tpu.memory_space<vmem>> -> memref<1x128xi32, #tpu.memory_space<vmem>>
      %dma_start3A_160 = tpu.memref_squeeze %dma_start3A_159 : memref<1x128xi32, #tpu.memory_space<vmem>> -> memref<128xi32, #tpu.memory_space<vmem>>
      %dma_start3A_161 = tpu.memref_slice %arg3[%mul3A_156] : memref<640000xi32, #tpu.memory_space<hbm>> -> memref<128xi32, #tpu.memory_space<hbm>>
      %dma_start3A_162 = tpu.memref_slice %arg7[%dma_start3A_157] : memref<6x!tpu.dma_semaphore, #tpu.memory_space<semaphore_mem>> -> memref<1x!tpu.dma_semaphore, #tpu.memory_space<semaphore_mem>>
      %dma_start3A_163 = tpu.memref_squeeze %dma_start3A_162 : memref<1x!tpu.dma_semaphore, #tpu.memory_space<semaphore_mem>> -> memref<!tpu.dma_semaphore, #tpu.memory_space<semaphore_mem>>
      %dma_start3A_164 = arith.constant 0 : i32
      %dma_start3A_165 = tpu.memref_slice %arg5[%dma_start3A, %dma_start3A_164] : memref<6x128xi32, #tpu.memory_space<vmem>> -> memref<1x128xi32, #tpu.memory_space<vmem>>
      %dma_start3A_166 = tpu.memref_squeeze %dma_start3A_165 : memref<1x128xi32, #tpu.memory_space<vmem>> -> memref<128xi32, #tpu.memory_space<vmem>>
      %dma_start3A_167 = tpu.memref_slice %arg3[%mul3A_156] : memref<640000xi32, #tpu.memory_space<hbm>> -> memref<128xi32, #tpu.memory_space<hbm>>
      tpu.enqueue_dma source(%dma_start3A_167 : memref<128xi32, #tpu.memory_space<hbm>>) target(%dma_start3A_166 : memref<128xi32, #tpu.memory_space<vmem>>) target_semaphore(%dma_start3A_163 : memref<!tpu.dma_semaphore, #tpu.memory_space<semaphore_mem>>)
    } else {
    }
    %add3A_38 = arith.constant 5 : i32
    %add3A_39 = arith.addi %add3A_4, %add3A_38 : i32
    %lt3A_40 = arith.cmpi slt, %add3A_39, %add3A_9 : i32
    %convert_element_type3A_41 = arith.extui %lt3A_40 : i1 to i32
    %cond3A_42 = arith.constant 0 : i32
    %cond3A_43 = arith.cmpi ne, %convert_element_type3A_41, %cond3A_42 : i32
    scf.if %cond3A_43 {
      %mul3A_155 = arith.constant 128 : i32
      %mul3A_156 = arith.muli %add3A_39, %mul3A_155 : i32
      %dma_start3A = arith.constant 5 : i32
      %dma_start3A_157 = arith.constant 5 : i32
      %dma_start3A_158 = arith.constant 0 : i32
      %dma_start3A_159 = tpu.memref_slice %arg5[%dma_start3A, %dma_start3A_158] : memref<6x128xi32, #tpu.memory_space<vmem>> -> memref<1x128xi32, #tpu.memory_space<vmem>>
      %dma_start3A_160 = tpu.memref_squeeze %dma_start3A_159 : memref<1x128xi32, #tpu.memory_space<vmem>> -> memref<128xi32, #tpu.memory_space<vmem>>
      %dma_start3A_161 = tpu.memref_slice %arg3[%mul3A_156] : memref<640000xi32, #tpu.memory_space<hbm>> -> memref<128xi32, #tpu.memory_space<hbm>>
      %dma_start3A_162 = tpu.memref_slice %arg7[%dma_start3A_157] : memref<6x!tpu.dma_semaphore, #tpu.memory_space<semaphore_mem>> -> memref<1x!tpu.dma_semaphore, #tpu.memory_space<semaphore_mem>>
      %dma_start3A_163 = tpu.memref_squeeze %dma_start3A_162 : memref<1x!tpu.dma_semaphore, #tpu.memory_space<semaphore_mem>> -> memref<!tpu.dma_semaphore, #tpu.memory_space<semaphore_mem>>
      %dma_start3A_164 = arith.constant 0 : i32
      %dma_start3A_165 = tpu.memref_slice %arg5[%dma_start3A, %dma_start3A_164] : memref<6x128xi32, #tpu.memory_space<vmem>> -> memref<1x128xi32, #tpu.memory_space<vmem>>
      %dma_start3A_166 = tpu.memref_squeeze %dma_start3A_165 : memref<1x128xi32, #tpu.memory_space<vmem>> -> memref<128xi32, #tpu.memory_space<vmem>>
      %dma_start3A_167 = tpu.memref_slice %arg3[%mul3A_156] : memref<640000xi32, #tpu.memory_space<hbm>> -> memref<128xi32, #tpu.memory_space<hbm>>
      tpu.enqueue_dma source(%dma_start3A_167 : memref<128xi32, #tpu.memory_space<hbm>>) target(%dma_start3A_166 : memref<128xi32, #tpu.memory_space<vmem>>) target_semaphore(%dma_start3A_163 : memref<!tpu.dma_semaphore, #tpu.memory_space<semaphore_mem>>)
    } else {
    }
    %scan3A = arith.constant 0 : i32
    %scan3A_44 = arith.constant 27 : i32
    %scan3A_45 = arith.addi %scan3A, %scan3A_44 : i32
    %scan3A_46 = arith.constant 1 : i32
    scf.for %scan3A_155 = %scan3A to %scan3A_45 step %scan3A_46  : i32 {
      %mul3A_156 = arith.constant 1 : i32
      %mul3A_157 = arith.muli %scan3A_155, %mul3A_156 : i32
      %add3A_158 = arith.constant 0 : i32
      %add3A_159 = arith.addi %add3A_158, %mul3A_157 : i32
      %mul3A_160 = arith.constant 6 : i32
      %mul3A_161 = arith.muli %add3A_159, %mul3A_160 : i32
      %add3A_162 = arith.addi %add3A_4, %mul3A_161 : i32
      %add3A_163 = arith.constant 0 : i32
      %add3A_164 = arith.addi %add3A_162, %add3A_163 : i32
      %lt3A_165 = arith.cmpi slt, %add3A_164, %add3A_9 : i32
      %convert_element_type3A_166 = arith.extui %lt3A_165 : i1 to i32
      %cond3A_167 = arith.constant 0 : i32
      %cond3A_168 = arith.cmpi ne, %convert_element_type3A_166, %cond3A_167 : i32
      scf.if %cond3A_168 {
        %gt3A = arith.constant 0 : i32
        %gt3A_268 = arith.cmpi sgt, %add3A_159, %gt3A : i32
        %convert_element_type3A_269 = arith.extui %gt3A_268 : i1 to i32
        %cond3A_270 = arith.constant 0 : i32
        %cond3A_271 = arith.cmpi ne, %convert_element_type3A_269, %cond3A_270 : i32
        scf.if %cond3A_271 {
          %mul3A_300 = arith.constant 128 : i32
          %mul3A_301 = arith.muli %add3A_164, %mul3A_300 : i32
          %dma_wait3A_302 = arith.constant 0 : i32
          %dma_wait3A_303 = arith.constant 0 : i32
          %dma_wait3A_304 = arith.constant 0 : i32
          %dma_wait3A_305 = arith.constant 0 : i32
          %dma_wait3A_306 = tpu.memref_slice %arg6[%dma_wait3A_302, %dma_wait3A_304, %dma_wait3A_305] : memref<6x128x128xf32, #tpu.memory_space<vmem>> -> memref<1x128x128xf32, #tpu.memory_space<vmem>>
          %dma_wait3A_307 = tpu.memref_squeeze %dma_wait3A_306 : memref<1x128x128xf32, #tpu.memory_space<vmem>> -> memref<128x128xf32, #tpu.memory_space<vmem>>
          %dma_wait3A_308 = arith.constant 0 : i32
          %dma_wait3A_309 = tpu.memref_slice %arg4[%mul3A_301, %dma_wait3A_308] : memref<640000x128xf32, #tpu.memory_space<hbm>> -> memref<128x128xf32, #tpu.memory_space<hbm>>
          %dma_wait3A_310 = tpu.memref_slice %arg9[%dma_wait3A_303] : memref<6x!tpu.dma_semaphore, #tpu.memory_space<semaphore_mem>> -> memref<1x!tpu.dma_semaphore, #tpu.memory_space<semaphore_mem>>
          %dma_wait3A_311 = tpu.memref_squeeze %dma_wait3A_310 : memref<1x!tpu.dma_semaphore, #tpu.memory_space<semaphore_mem>> -> memref<!tpu.dma_semaphore, #tpu.memory_space<semaphore_mem>>
          %dma_wait3A_312 = arith.constant 0 : i32
          %dma_wait3A_313 = tpu.memref_slice %arg4[%mul3A_301, %dma_wait3A_312] : memref<640000x128xf32, #tpu.memory_space<hbm>> -> memref<128x128xf32, #tpu.memory_space<hbm>>
          %dma_wait3A_314 = arith.constant 0 : i32
          %dma_wait3A_315 = arith.constant 0 : i32
          %dma_wait3A_316 = tpu.memref_slice %arg6[%dma_wait3A_302, %dma_wait3A_314, %dma_wait3A_315] : memref<6x128x128xf32, #tpu.memory_space<vmem>> -> memref<1x128x128xf32, #tpu.memory_space<vmem>>
          %dma_wait3A_317 = tpu.memref_squeeze %dma_wait3A_316 : memref<1x128x128xf32, #tpu.memory_space<vmem>> -> memref<128x128xf32, #tpu.memory_space<vmem>>
          tpu.wait_dma2 semaphore(%dma_wait3A_311 : memref<!tpu.dma_semaphore, #tpu.memory_space<semaphore_mem>>) src(%dma_wait3A_317 : memref<128x128xf32, #tpu.memory_space<vmem>>) dst(%dma_wait3A_313 : memref<128x128xf32, #tpu.memory_space<hbm>>)
        } else {
        }
        %mul3A_272 = arith.constant 128 : i32
        %mul3A_273 = arith.muli %add3A_164, %mul3A_272 : i32
        %dma_wait3A_274 = arith.constant 0 : i32
        %dma_wait3A_275 = arith.constant 0 : i32
        %dma_wait3A_276 = arith.constant 0 : i32
        %dma_wait3A_277 = tpu.memref_slice %arg5[%dma_wait3A_274, %dma_wait3A_276] : memref<6x128xi32, #tpu.memory_space<vmem>> -> memref<1x128xi32, #tpu.memory_space<vmem>>
        %dma_wait3A_278 = tpu.memref_squeeze %dma_wait3A_277 : memref<1x128xi32, #tpu.memory_space<vmem>> -> memref<128xi32, #tpu.memory_space<vmem>>
        %dma_wait3A_279 = tpu.memref_slice %arg3[%mul3A_273] : memref<640000xi32, #tpu.memory_space<hbm>> -> memref<128xi32, #tpu.memory_space<hbm>>
        %dma_wait3A_280 = tpu.memref_slice %arg7[%dma_wait3A_275] : memref<6x!tpu.dma_semaphore, #tpu.memory_space<semaphore_mem>> -> memref<1x!tpu.dma_semaphore, #tpu.memory_space<semaphore_mem>>
        %dma_wait3A_281 = tpu.memref_squeeze %dma_wait3A_280 : memref<1x!tpu.dma_semaphore, #tpu.memory_space<semaphore_mem>> -> memref<!tpu.dma_semaphore, #tpu.memory_space<semaphore_mem>>
        %dma_wait3A_282 = arith.constant 0 : i32
        %dma_wait3A_283 = tpu.memref_slice %arg5[%dma_wait3A_274, %dma_wait3A_282] : memref<6x128xi32, #tpu.memory_space<vmem>> -> memref<1x128xi32, #tpu.memory_space<vmem>>
        %dma_wait3A_284 = tpu.memref_squeeze %dma_wait3A_283 : memref<1x128xi32, #tpu.memory_space<vmem>> -> memref<128xi32, #tpu.memory_space<vmem>>
        %dma_wait3A_285 = tpu.memref_slice %arg3[%mul3A_273] : memref<640000xi32, #tpu.memory_space<hbm>> -> memref<128xi32, #tpu.memory_space<hbm>>
        tpu.wait_dma2 semaphore(%dma_wait3A_281 : memref<!tpu.dma_semaphore, #tpu.memory_space<semaphore_mem>>) src(%dma_wait3A_285 : memref<128xi32, #tpu.memory_space<hbm>>) dst(%dma_wait3A_284 : memref<128xi32, #tpu.memory_space<vmem>>)
        %dma_start3A = arith.constant 0 : i32
        %dma_start3A_286 = arith.constant 0 : i32
        %dma_start3A_287 = arith.constant 0 : i32
        %dma_start3A_288 = arith.constant 0 : i32
        %dma_start3A_289 = arith.constant 0 : i32
        %dma_start3A_290 = tpu.memref_slice %arg6[%dma_start3A_286, %dma_start3A_288, %dma_start3A_289] : memref<6x128x128xf32, #tpu.memory_space<vmem>> -> memref<1x128x128xf32, #tpu.memory_space<vmem>>
        %dma_start3A_291 = tpu.memref_squeeze %dma_start3A_290 : memref<1x128x128xf32, #tpu.memory_space<vmem>> -> memref<128x128xf32, #tpu.memory_space<vmem>>
        %dma_start3A_292 = arith.constant 0 : i32
        %dma_start3A_293 = tpu.memref_slice %arg5[%dma_start3A, %dma_start3A_292] : memref<6x128xi32, #tpu.memory_space<vmem>> -> memref<1x128xi32, #tpu.memory_space<vmem>>
        %dma_start3A_294 = tpu.memref_squeeze %dma_start3A_293 : memref<1x128xi32, #tpu.memory_space<vmem>> -> memref<128xi32, #tpu.memory_space<vmem>>
        %dma_start3A_295 = arith.constant 0 : i32
        %dma_start3A_296 = arith.constant 0 : i32
        %dma_start3A_297 = tpu.memref_slice %arg2[%dma_start3A_295, %dma_start3A_296] : memref<20000x128xf32, #tpu.memory_space<hbm>> -> memref<20000x128xf32, #tpu.memory_space<hbm>>
        %dma_start3A_298 = tpu.memref_slice %arg8[%dma_start3A_287] : memref<6x!tpu.dma_semaphore, #tpu.memory_space<semaphore_mem>> -> memref<1x!tpu.dma_semaphore, #tpu.memory_space<semaphore_mem>>
        %dma_start3A_299 = tpu.memref_squeeze %dma_start3A_298 : memref<1x!tpu.dma_semaphore, #tpu.memory_space<semaphore_mem>> -> memref<!tpu.dma_semaphore, #tpu.memory_space<semaphore_mem>>
        tpu.enqueue_indirect_dma source(%dma_start3A_297 : memref<20000x128xf32, #tpu.memory_space<hbm>>) target(%dma_start3A_291 : memref<128x128xf32, #tpu.memory_space<vmem>>) offsets(%dma_start3A_294 : memref<128xi32, #tpu.memory_space<vmem>>) semaphore(%dma_start3A_299 : memref<!tpu.dma_semaphore, #tpu.memory_space<semaphore_mem>>)
      } else {
      }
      %mul3A_169 = arith.constant 6 : i32
      %mul3A_170 = arith.muli %add3A_159, %mul3A_169 : i32
      %add3A_171 = arith.addi %add3A_4, %mul3A_170 : i32
      %add3A_172 = arith.constant 1 : i32
      %add3A_173 = arith.addi %add3A_171, %add3A_172 : i32
      %lt3A_174 = arith.cmpi slt, %add3A_173, %add3A_9 : i32
      %convert_element_type3A_175 = arith.extui %lt3A_174 : i1 to i32
      %cond3A_176 = arith.constant 0 : i32
      %cond3A_177 = arith.cmpi ne, %convert_element_type3A_175, %cond3A_176 : i32
      scf.if %cond3A_177 {
        %gt3A = arith.constant 0 : i32
        %gt3A_268 = arith.cmpi sgt, %add3A_159, %gt3A : i32
        %convert_element_type3A_269 = arith.extui %gt3A_268 : i1 to i32
        %cond3A_270 = arith.constant 0 : i32
        %cond3A_271 = arith.cmpi ne, %convert_element_type3A_269, %cond3A_270 : i32
        scf.if %cond3A_271 {
          %mul3A_300 = arith.constant 128 : i32
          %mul3A_301 = arith.muli %add3A_173, %mul3A_300 : i32
          %dma_wait3A_302 = arith.constant 1 : i32
          %dma_wait3A_303 = arith.constant 1 : i32
          %dma_wait3A_304 = arith.constant 0 : i32
          %dma_wait3A_305 = arith.constant 0 : i32
          %dma_wait3A_306 = tpu.memref_slice %arg6[%dma_wait3A_302, %dma_wait3A_304, %dma_wait3A_305] : memref<6x128x128xf32, #tpu.memory_space<vmem>> -> memref<1x128x128xf32, #tpu.memory_space<vmem>>
          %dma_wait3A_307 = tpu.memref_squeeze %dma_wait3A_306 : memref<1x128x128xf32, #tpu.memory_space<vmem>> -> memref<128x128xf32, #tpu.memory_space<vmem>>
          %dma_wait3A_308 = arith.constant 0 : i32
          %dma_wait3A_309 = tpu.memref_slice %arg4[%mul3A_301, %dma_wait3A_308] : memref<640000x128xf32, #tpu.memory_space<hbm>> -> memref<128x128xf32, #tpu.memory_space<hbm>>
          %dma_wait3A_310 = tpu.memref_slice %arg9[%dma_wait3A_303] : memref<6x!tpu.dma_semaphore, #tpu.memory_space<semaphore_mem>> -> memref<1x!tpu.dma_semaphore, #tpu.memory_space<semaphore_mem>>
          %dma_wait3A_311 = tpu.memref_squeeze %dma_wait3A_310 : memref<1x!tpu.dma_semaphore, #tpu.memory_space<semaphore_mem>> -> memref<!tpu.dma_semaphore, #tpu.memory_space<semaphore_mem>>
          %dma_wait3A_312 = arith.constant 0 : i32
          %dma_wait3A_313 = tpu.memref_slice %arg4[%mul3A_301, %dma_wait3A_312] : memref<640000x128xf32, #tpu.memory_space<hbm>> -> memref<128x128xf32, #tpu.memory_space<hbm>>
          %dma_wait3A_314 = arith.constant 0 : i32
          %dma_wait3A_315 = arith.constant 0 : i32
          %dma_wait3A_316 = tpu.memref_slice %arg6[%dma_wait3A_302, %dma_wait3A_314, %dma_wait3A_315] : memref<6x128x128xf32, #tpu.memory_space<vmem>> -> memref<1x128x128xf32, #tpu.memory_space<vmem>>
          %dma_wait3A_317 = tpu.memref_squeeze %dma_wait3A_316 : memref<1x128x128xf32, #tpu.memory_space<vmem>> -> memref<128x128xf32, #tpu.memory_space<vmem>>
          tpu.wait_dma2 semaphore(%dma_wait3A_311 : memref<!tpu.dma_semaphore, #tpu.memory_space<semaphore_mem>>) src(%dma_wait3A_317 : memref<128x128xf32, #tpu.memory_space<vmem>>) dst(%dma_wait3A_313 : memref<128x128xf32, #tpu.memory_space<hbm>>)
        } else {
        }
        %mul3A_272 = arith.constant 128 : i32
        %mul3A_273 = arith.muli %add3A_173, %mul3A_272 : i32
        %dma_wait3A_274 = arith.constant 1 : i32
        %dma_wait3A_275 = arith.constant 1 : i32
        %dma_wait3A_276 = arith.constant 0 : i32
        %dma_wait3A_277 = tpu.memref_slice %arg5[%dma_wait3A_274, %dma_wait3A_276] : memref<6x128xi32, #tpu.memory_space<vmem>> -> memref<1x128xi32, #tpu.memory_space<vmem>>
        %dma_wait3A_278 = tpu.memref_squeeze %dma_wait3A_277 : memref<1x128xi32, #tpu.memory_space<vmem>> -> memref<128xi32, #tpu.memory_space<vmem>>
        %dma_wait3A_279 = tpu.memref_slice %arg3[%mul3A_273] : memref<640000xi32, #tpu.memory_space<hbm>> -> memref<128xi32, #tpu.memory_space<hbm>>
        %dma_wait3A_280 = tpu.memref_slice %arg7[%dma_wait3A_275] : memref<6x!tpu.dma_semaphore, #tpu.memory_space<semaphore_mem>> -> memref<1x!tpu.dma_semaphore, #tpu.memory_space<semaphore_mem>>
        %dma_wait3A_281 = tpu.memref_squeeze %dma_wait3A_280 : memref<1x!tpu.dma_semaphore, #tpu.memory_space<semaphore_mem>> -> memref<!tpu.dma_semaphore, #tpu.memory_space<semaphore_mem>>
        %dma_wait3A_282 = arith.constant 0 : i32
        %dma_wait3A_283 = tpu.memref_slice %arg5[%dma_wait3A_274, %dma_wait3A_282] : memref<6x128xi32, #tpu.memory_space<vmem>> -> memref<1x128xi32, #tpu.memory_space<vmem>>
        %dma_wait3A_284 = tpu.memref_squeeze %dma_wait3A_283 : memref<1x128xi32, #tpu.memory_space<vmem>> -> memref<128xi32, #tpu.memory_space<vmem>>
        %dma_wait3A_285 = tpu.memref_slice %arg3[%mul3A_273] : memref<640000xi32, #tpu.memory_space<hbm>> -> memref<128xi32, #tpu.memory_space<hbm>>
        tpu.wait_dma2 semaphore(%dma_wait3A_281 : memref<!tpu.dma_semaphore, #tpu.memory_space<semaphore_mem>>) src(%dma_wait3A_285 : memref<128xi32, #tpu.memory_space<hbm>>) dst(%dma_wait3A_284 : memref<128xi32, #tpu.memory_space<vmem>>)
        %dma_start3A = arith.constant 1 : i32
        %dma_start3A_286 = arith.constant 1 : i32
        %dma_start3A_287 = arith.constant 1 : i32
        %dma_start3A_288 = arith.constant 0 : i32
        %dma_start3A_289 = arith.constant 0 : i32
        %dma_start3A_290 = tpu.memref_slice %arg6[%dma_start3A_286, %dma_start3A_288, %dma_start3A_289] : memref<6x128x128xf32, #tpu.memory_space<vmem>> -> memref<1x128x128xf32, #tpu.memory_space<vmem>>
        %dma_start3A_291 = tpu.memref_squeeze %dma_start3A_290 : memref<1x128x128xf32, #tpu.memory_space<vmem>> -> memref<128x128xf32, #tpu.memory_space<vmem>>
        %dma_start3A_292 = arith.constant 0 : i32
        %dma_start3A_293 = tpu.memref_slice %arg5[%dma_start3A, %dma_start3A_292] : memref<6x128xi32, #tpu.memory_space<vmem>> -> memref<1x128xi32, #tpu.memory_space<vmem>>
        %dma_start3A_294 = tpu.memref_squeeze %dma_start3A_293 : memref<1x128xi32, #tpu.memory_space<vmem>> -> memref<128xi32, #tpu.memory_space<vmem>>
        %dma_start3A_295 = arith.constant 0 : i32
        %dma_start3A_296 = arith.constant 0 : i32
        %dma_start3A_297 = tpu.memref_slice %arg2[%dma_start3A_295, %dma_start3A_296] : memref<20000x128xf32, #tpu.memory_space<hbm>> -> memref<20000x128xf32, #tpu.memory_space<hbm>>
        %dma_start3A_298 = tpu.memref_slice %arg8[%dma_start3A_287] : memref<6x!tpu.dma_semaphore, #tpu.memory_space<semaphore_mem>> -> memref<1x!tpu.dma_semaphore, #tpu.memory_space<semaphore_mem>>
        %dma_start3A_299 = tpu.memref_squeeze %dma_start3A_298 : memref<1x!tpu.dma_semaphore, #tpu.memory_space<semaphore_mem>> -> memref<!tpu.dma_semaphore, #tpu.memory_space<semaphore_mem>>
        tpu.enqueue_indirect_dma source(%dma_start3A_297 : memref<20000x128xf32, #tpu.memory_space<hbm>>) target(%dma_start3A_291 : memref<128x128xf32, #tpu.memory_space<vmem>>) offsets(%dma_start3A_294 : memref<128xi32, #tpu.memory_space<vmem>>) semaphore(%dma_start3A_299 : memref<!tpu.dma_semaphore, #tpu.memory_space<semaphore_mem>>)
      } else {
      }
      %mul3A_178 = arith.constant 6 : i32
      %mul3A_179 = arith.muli %add3A_159, %mul3A_178 : i32
      %add3A_180 = arith.addi %add3A_4, %mul3A_179 : i32
      %add3A_181 = arith.constant 2 : i32
      %add3A_182 = arith.addi %add3A_180, %add3A_181 : i32
      %lt3A_183 = arith.cmpi slt, %add3A_182, %add3A_9 : i32
      %convert_element_type3A_184 = arith.extui %lt3A_183 : i1 to i32
      %cond3A_185 = arith.constant 0 : i32
      %cond3A_186 = arith.cmpi ne, %convert_element_type3A_184, %cond3A_185 : i32
      scf.if %cond3A_186 {
        %gt3A = arith.constant 0 : i32
        %gt3A_268 = arith.cmpi sgt, %add3A_159, %gt3A : i32
        %convert_element_type3A_269 = arith.extui %gt3A_268 : i1 to i32
        %cond3A_270 = arith.constant 0 : i32
        %cond3A_271 = arith.cmpi ne, %convert_element_type3A_269, %cond3A_270 : i32
        scf.if %cond3A_271 {
          %mul3A_300 = arith.constant 128 : i32
          %mul3A_301 = arith.muli %add3A_182, %mul3A_300 : i32
          %dma_wait3A_302 = arith.constant 2 : i32
          %dma_wait3A_303 = arith.constant 2 : i32
          %dma_wait3A_304 = arith.constant 0 : i32
          %dma_wait3A_305 = arith.constant 0 : i32
          %dma_wait3A_306 = tpu.memref_slice %arg6[%dma_wait3A_302, %dma_wait3A_304, %dma_wait3A_305] : memref<6x128x128xf32, #tpu.memory_space<vmem>> -> memref<1x128x128xf32, #tpu.memory_space<vmem>>
          %dma_wait3A_307 = tpu.memref_squeeze %dma_wait3A_306 : memref<1x128x128xf32, #tpu.memory_space<vmem>> -> memref<128x128xf32, #tpu.memory_space<vmem>>
          %dma_wait3A_308 = arith.constant 0 : i32
          %dma_wait3A_309 = tpu.memref_slice %arg4[%mul3A_301, %dma_wait3A_308] : memref<640000x128xf32, #tpu.memory_space<hbm>> -> memref<128x128xf32, #tpu.memory_space<hbm>>
          %dma_wait3A_310 = tpu.memref_slice %arg9[%dma_wait3A_303] : memref<6x!tpu.dma_semaphore, #tpu.memory_space<semaphore_mem>> -> memref<1x!tpu.dma_semaphore, #tpu.memory_space<semaphore_mem>>
          %dma_wait3A_311 = tpu.memref_squeeze %dma_wait3A_310 : memref<1x!tpu.dma_semaphore, #tpu.memory_space<semaphore_mem>> -> memref<!tpu.dma_semaphore, #tpu.memory_space<semaphore_mem>>
          %dma_wait3A_312 = arith.constant 0 : i32
          %dma_wait3A_313 = tpu.memref_slice %arg4[%mul3A_301, %dma_wait3A_312] : memref<640000x128xf32, #tpu.memory_space<hbm>> -> memref<128x128xf32, #tpu.memory_space<hbm>>
          %dma_wait3A_314 = arith.constant 0 : i32
          %dma_wait3A_315 = arith.constant 0 : i32
          %dma_wait3A_316 = tpu.memref_slice %arg6[%dma_wait3A_302, %dma_wait3A_314, %dma_wait3A_315] : memref<6x128x128xf32, #tpu.memory_space<vmem>> -> memref<1x128x128xf32, #tpu.memory_space<vmem>>
          %dma_wait3A_317 = tpu.memref_squeeze %dma_wait3A_316 : memref<1x128x128xf32, #tpu.memory_space<vmem>> -> memref<128x128xf32, #tpu.memory_space<vmem>>
          tpu.wait_dma2 semaphore(%dma_wait3A_311 : memref<!tpu.dma_semaphore, #tpu.memory_space<semaphore_mem>>) src(%dma_wait3A_317 : memref<128x128xf32, #tpu.memory_space<vmem>>) dst(%dma_wait3A_313 : memref<128x128xf32, #tpu.memory_space<hbm>>)
        } else {
        }
        %mul3A_272 = arith.constant 128 : i32
        %mul3A_273 = arith.muli %add3A_182, %mul3A_272 : i32
        %dma_wait3A_274 = arith.constant 2 : i32
        %dma_wait3A_275 = arith.constant 2 : i32
        %dma_wait3A_276 = arith.constant 0 : i32
        %dma_wait3A_277 = tpu.memref_slice %arg5[%dma_wait3A_274, %dma_wait3A_276] : memref<6x128xi32, #tpu.memory_space<vmem>> -> memref<1x128xi32, #tpu.memory_space<vmem>>
        %dma_wait3A_278 = tpu.memref_squeeze %dma_wait3A_277 : memref<1x128xi32, #tpu.memory_space<vmem>> -> memref<128xi32, #tpu.memory_space<vmem>>
        %dma_wait3A_279 = tpu.memref_slice %arg3[%mul3A_273] : memref<640000xi32, #tpu.memory_space<hbm>> -> memref<128xi32, #tpu.memory_space<hbm>>
        %dma_wait3A_280 = tpu.memref_slice %arg7[%dma_wait3A_275] : memref<6x!tpu.dma_semaphore, #tpu.memory_space<semaphore_mem>> -> memref<1x!tpu.dma_semaphore, #tpu.memory_space<semaphore_mem>>
        %dma_wait3A_281 = tpu.memref_squeeze %dma_wait3A_280 : memref<1x!tpu.dma_semaphore, #tpu.memory_space<semaphore_mem>> -> memref<!tpu.dma_semaphore, #tpu.memory_space<semaphore_mem>>
        %dma_wait3A_282 = arith.constant 0 : i32
        %dma_wait3A_283 = tpu.memref_slice %arg5[%dma_wait3A_274, %dma_wait3A_282] : memref<6x128xi32, #tpu.memory_space<vmem>> -> memref<1x128xi32, #tpu.memory_space<vmem>>
        %dma_wait3A_284 = tpu.memref_squeeze %dma_wait3A_283 : memref<1x128xi32, #tpu.memory_space<vmem>> -> memref<128xi32, #tpu.memory_space<vmem>>
        %dma_wait3A_285 = tpu.memref_slice %arg3[%mul3A_273] : memref<640000xi32, #tpu.memory_space<hbm>> -> memref<128xi32, #tpu.memory_space<hbm>>
        tpu.wait_dma2 semaphore(%dma_wait3A_281 : memref<!tpu.dma_semaphore, #tpu.memory_space<semaphore_mem>>) src(%dma_wait3A_285 : memref<128xi32, #tpu.memory_space<hbm>>) dst(%dma_wait3A_284 : memref<128xi32, #tpu.memory_space<vmem>>)
        %dma_start3A = arith.constant 2 : i32
        %dma_start3A_286 = arith.constant 2 : i32
        %dma_start3A_287 = arith.constant 2 : i32
        %dma_start3A_288 = arith.constant 0 : i32
        %dma_start3A_289 = arith.constant 0 : i32
        %dma_start3A_290 = tpu.memref_slice %arg6[%dma_start3A_286, %dma_start3A_288, %dma_start3A_289] : memref<6x128x128xf32, #tpu.memory_space<vmem>> -> memref<1x128x128xf32, #tpu.memory_space<vmem>>
        %dma_start3A_291 = tpu.memref_squeeze %dma_start3A_290 : memref<1x128x128xf32, #tpu.memory_space<vmem>> -> memref<128x128xf32, #tpu.memory_space<vmem>>
        %dma_start3A_292 = arith.constant 0 : i32
        %dma_start3A_293 = tpu.memref_slice %arg5[%dma_start3A, %dma_start3A_292] : memref<6x128xi32, #tpu.memory_space<vmem>> -> memref<1x128xi32, #tpu.memory_space<vmem>>
        %dma_start3A_294 = tpu.memref_squeeze %dma_start3A_293 : memref<1x128xi32, #tpu.memory_space<vmem>> -> memref<128xi32, #tpu.memory_space<vmem>>
        %dma_start3A_295 = arith.constant 0 : i32
        %dma_start3A_296 = arith.constant 0 : i32
        %dma_start3A_297 = tpu.memref_slice %arg2[%dma_start3A_295, %dma_start3A_296] : memref<20000x128xf32, #tpu.memory_space<hbm>> -> memref<20000x128xf32, #tpu.memory_space<hbm>>
        %dma_start3A_298 = tpu.memref_slice %arg8[%dma_start3A_287] : memref<6x!tpu.dma_semaphore, #tpu.memory_space<semaphore_mem>> -> memref<1x!tpu.dma_semaphore, #tpu.memory_space<semaphore_mem>>
        %dma_start3A_299 = tpu.memref_squeeze %dma_start3A_298 : memref<1x!tpu.dma_semaphore, #tpu.memory_space<semaphore_mem>> -> memref<!tpu.dma_semaphore, #tpu.memory_space<semaphore_mem>>
        tpu.enqueue_indirect_dma source(%dma_start3A_297 : memref<20000x128xf32, #tpu.memory_space<hbm>>) target(%dma_start3A_291 : memref<128x128xf32, #tpu.memory_space<vmem>>) offsets(%dma_start3A_294 : memref<128xi32, #tpu.memory_space<vmem>>) semaphore(%dma_start3A_299 : memref<!tpu.dma_semaphore, #tpu.memory_space<semaphore_mem>>)
      } else {
      }
      %mul3A_187 = arith.constant 6 : i32
      %mul3A_188 = arith.muli %add3A_159, %mul3A_187 : i32
      %add3A_189 = arith.addi %add3A_4, %mul3A_188 : i32
      %add3A_190 = arith.constant 3 : i32
      %add3A_191 = arith.addi %add3A_189, %add3A_190 : i32
      %lt3A_192 = arith.cmpi slt, %add3A_191, %add3A_9 : i32
      %convert_element_type3A_193 = arith.extui %lt3A_192 : i1 to i32
      %cond3A_194 = arith.constant 0 : i32
      %cond3A_195 = arith.cmpi ne, %convert_element_type3A_193, %cond3A_194 : i32
      scf.if %cond3A_195 {
        %gt3A = arith.constant 0 : i32
        %gt3A_268 = arith.cmpi sgt, %add3A_159, %gt3A : i32
        %convert_element_type3A_269 = arith.extui %gt3A_268 : i1 to i32
        %cond3A_270 = arith.constant 0 : i32
        %cond3A_271 = arith.cmpi ne, %convert_element_type3A_269, %cond3A_270 : i32
        scf.if %cond3A_271 {
          %mul3A_300 = arith.constant 128 : i32
          %mul3A_301 = arith.muli %add3A_191, %mul3A_300 : i32
          %dma_wait3A_302 = arith.constant 3 : i32
          %dma_wait3A_303 = arith.constant 3 : i32
          %dma_wait3A_304 = arith.constant 0 : i32
          %dma_wait3A_305 = arith.constant 0 : i32
          %dma_wait3A_306 = tpu.memref_slice %arg6[%dma_wait3A_302, %dma_wait3A_304, %dma_wait3A_305] : memref<6x128x128xf32, #tpu.memory_space<vmem>> -> memref<1x128x128xf32, #tpu.memory_space<vmem>>
          %dma_wait3A_307 = tpu.memref_squeeze %dma_wait3A_306 : memref<1x128x128xf32, #tpu.memory_space<vmem>> -> memref<128x128xf32, #tpu.memory_space<vmem>>
          %dma_wait3A_308 = arith.constant 0 : i32
          %dma_wait3A_309 = tpu.memref_slice %arg4[%mul3A_301, %dma_wait3A_308] : memref<640000x128xf32, #tpu.memory_space<hbm>> -> memref<128x128xf32, #tpu.memory_space<hbm>>
          %dma_wait3A_310 = tpu.memref_slice %arg9[%dma_wait3A_303] : memref<6x!tpu.dma_semaphore, #tpu.memory_space<semaphore_mem>> -> memref<1x!tpu.dma_semaphore, #tpu.memory_space<semaphore_mem>>
          %dma_wait3A_311 = tpu.memref_squeeze %dma_wait3A_310 : memref<1x!tpu.dma_semaphore, #tpu.memory_space<semaphore_mem>> -> memref<!tpu.dma_semaphore, #tpu.memory_space<semaphore_mem>>
          %dma_wait3A_312 = arith.constant 0 : i32
          %dma_wait3A_313 = tpu.memref_slice %arg4[%mul3A_301, %dma_wait3A_312] : memref<640000x128xf32, #tpu.memory_space<hbm>> -> memref<128x128xf32, #tpu.memory_space<hbm>>
          %dma_wait3A_314 = arith.constant 0 : i32
          %dma_wait3A_315 = arith.constant 0 : i32
          %dma_wait3A_316 = tpu.memref_slice %arg6[%dma_wait3A_302, %dma_wait3A_314, %dma_wait3A_315] : memref<6x128x128xf32, #tpu.memory_space<vmem>> -> memref<1x128x128xf32, #tpu.memory_space<vmem>>
          %dma_wait3A_317 = tpu.memref_squeeze %dma_wait3A_316 : memref<1x128x128xf32, #tpu.memory_space<vmem>> -> memref<128x128xf32, #tpu.memory_space<vmem>>
          tpu.wait_dma2 semaphore(%dma_wait3A_311 : memref<!tpu.dma_semaphore, #tpu.memory_space<semaphore_mem>>) src(%dma_wait3A_317 : memref<128x128xf32, #tpu.memory_space<vmem>>) dst(%dma_wait3A_313 : memref<128x128xf32, #tpu.memory_space<hbm>>)
        } else {
        }
        %mul3A_272 = arith.constant 128 : i32
        %mul3A_273 = arith.muli %add3A_191, %mul3A_272 : i32
        %dma_wait3A_274 = arith.constant 3 : i32
        %dma_wait3A_275 = arith.constant 3 : i32
        %dma_wait3A_276 = arith.constant 0 : i32
        %dma_wait3A_277 = tpu.memref_slice %arg5[%dma_wait3A_274, %dma_wait3A_276] : memref<6x128xi32, #tpu.memory_space<vmem>> -> memref<1x128xi32, #tpu.memory_space<vmem>>
        %dma_wait3A_278 = tpu.memref_squeeze %dma_wait3A_277 : memref<1x128xi32, #tpu.memory_space<vmem>> -> memref<128xi32, #tpu.memory_space<vmem>>
        %dma_wait3A_279 = tpu.memref_slice %arg3[%mul3A_273] : memref<640000xi32, #tpu.memory_space<hbm>> -> memref<128xi32, #tpu.memory_space<hbm>>
        %dma_wait3A_280 = tpu.memref_slice %arg7[%dma_wait3A_275] : memref<6x!tpu.dma_semaphore, #tpu.memory_space<semaphore_mem>> -> memref<1x!tpu.dma_semaphore, #tpu.memory_space<semaphore_mem>>
        %dma_wait3A_281 = tpu.memref_squeeze %dma_wait3A_280 : memref<1x!tpu.dma_semaphore, #tpu.memory_space<semaphore_mem>> -> memref<!tpu.dma_semaphore, #tpu.memory_space<semaphore_mem>>
        %dma_wait3A_282 = arith.constant 0 : i32
        %dma_wait3A_283 = tpu.memref_slice %arg5[%dma_wait3A_274, %dma_wait3A_282] : memref<6x128xi32, #tpu.memory_space<vmem>> -> memref<1x128xi32, #tpu.memory_space<vmem>>
        %dma_wait3A_284 = tpu.memref_squeeze %dma_wait3A_283 : memref<1x128xi32, #tpu.memory_space<vmem>> -> memref<128xi32, #tpu.memory_space<vmem>>
        %dma_wait3A_285 = tpu.memref_slice %arg3[%mul3A_273] : memref<640000xi32, #tpu.memory_space<hbm>> -> memref<128xi32, #tpu.memory_space<hbm>>
        tpu.wait_dma2 semaphore(%dma_wait3A_281 : memref<!tpu.dma_semaphore, #tpu.memory_space<semaphore_mem>>) src(%dma_wait3A_285 : memref<128xi32, #tpu.memory_space<hbm>>) dst(%dma_wait3A_284 : memref<128xi32, #tpu.memory_space<vmem>>)
        %dma_start3A = arith.constant 3 : i32
        %dma_start3A_286 = arith.constant 3 : i32
        %dma_start3A_287 = arith.constant 3 : i32
        %dma_start3A_288 = arith.constant 0 : i32
        %dma_start3A_289 = arith.constant 0 : i32
        %dma_start3A_290 = tpu.memref_slice %arg6[%dma_start3A_286, %dma_start3A_288, %dma_start3A_289] : memref<6x128x128xf32, #tpu.memory_space<vmem>> -> memref<1x128x128xf32, #tpu.memory_space<vmem>>
        %dma_start3A_291 = tpu.memref_squeeze %dma_start3A_290 : memref<1x128x128xf32, #tpu.memory_space<vmem>> -> memref<128x128xf32, #tpu.memory_space<vmem>>
        %dma_start3A_292 = arith.constant 0 : i32
        %dma_start3A_293 = tpu.memref_slice %arg5[%dma_start3A, %dma_start3A_292] : memref<6x128xi32, #tpu.memory_space<vmem>> -> memref<1x128xi32, #tpu.memory_space<vmem>>
        %dma_start3A_294 = tpu.memref_squeeze %dma_start3A_293 : memref<1x128xi32, #tpu.memory_space<vmem>> -> memref<128xi32, #tpu.memory_space<vmem>>
        %dma_start3A_295 = arith.constant 0 : i32
        %dma_start3A_296 = arith.constant 0 : i32
        %dma_start3A_297 = tpu.memref_slice %arg2[%dma_start3A_295, %dma_start3A_296] : memref<20000x128xf32, #tpu.memory_space<hbm>> -> memref<20000x128xf32, #tpu.memory_space<hbm>>
        %dma_start3A_298 = tpu.memref_slice %arg8[%dma_start3A_287] : memref<6x!tpu.dma_semaphore, #tpu.memory_space<semaphore_mem>> -> memref<1x!tpu.dma_semaphore, #tpu.memory_space<semaphore_mem>>
        %dma_start3A_299 = tpu.memref_squeeze %dma_start3A_298 : memref<1x!tpu.dma_semaphore, #tpu.memory_space<semaphore_mem>> -> memref<!tpu.dma_semaphore, #tpu.memory_space<semaphore_mem>>
        tpu.enqueue_indirect_dma source(%dma_start3A_297 : memref<20000x128xf32, #tpu.memory_space<hbm>>) target(%dma_start3A_291 : memref<128x128xf32, #tpu.memory_space<vmem>>) offsets(%dma_start3A_294 : memref<128xi32, #tpu.memory_space<vmem>>) semaphore(%dma_start3A_299 : memref<!tpu.dma_semaphore, #tpu.memory_space<semaphore_mem>>)
      } else {
      }
      %mul3A_196 = arith.constant 6 : i32
      %mul3A_197 = arith.muli %add3A_159, %mul3A_196 : i32
      %add3A_198 = arith.addi %add3A_4, %mul3A_197 : i32
      %add3A_199 = arith.constant 4 : i32
      %add3A_200 = arith.addi %add3A_198, %add3A_199 : i32
      %lt3A_201 = arith.cmpi slt, %add3A_200, %add3A_9 : i32
      %convert_element_type3A_202 = arith.extui %lt3A_201 : i1 to i32
      %cond3A_203 = arith.constant 0 : i32
      %cond3A_204 = arith.cmpi ne, %convert_element_type3A_202, %cond3A_203 : i32
      scf.if %cond3A_204 {
        %gt3A = arith.constant 0 : i32
        %gt3A_268 = arith.cmpi sgt, %add3A_159, %gt3A : i32
        %convert_element_type3A_269 = arith.extui %gt3A_268 : i1 to i32
        %cond3A_270 = arith.constant 0 : i32
        %cond3A_271 = arith.cmpi ne, %convert_element_type3A_269, %cond3A_270 : i32
        scf.if %cond3A_271 {
          %mul3A_300 = arith.constant 128 : i32
          %mul3A_301 = arith.muli %add3A_200, %mul3A_300 : i32
          %dma_wait3A_302 = arith.constant 4 : i32
          %dma_wait3A_303 = arith.constant 4 : i32
          %dma_wait3A_304 = arith.constant 0 : i32
          %dma_wait3A_305 = arith.constant 0 : i32
          %dma_wait3A_306 = tpu.memref_slice %arg6[%dma_wait3A_302, %dma_wait3A_304, %dma_wait3A_305] : memref<6x128x128xf32, #tpu.memory_space<vmem>> -> memref<1x128x128xf32, #tpu.memory_space<vmem>>
          %dma_wait3A_307 = tpu.memref_squeeze %dma_wait3A_306 : memref<1x128x128xf32, #tpu.memory_space<vmem>> -> memref<128x128xf32, #tpu.memory_space<vmem>>
          %dma_wait3A_308 = arith.constant 0 : i32
          %dma_wait3A_309 = tpu.memref_slice %arg4[%mul3A_301, %dma_wait3A_308] : memref<640000x128xf32, #tpu.memory_space<hbm>> -> memref<128x128xf32, #tpu.memory_space<hbm>>
          %dma_wait3A_310 = tpu.memref_slice %arg9[%dma_wait3A_303] : memref<6x!tpu.dma_semaphore, #tpu.memory_space<semaphore_mem>> -> memref<1x!tpu.dma_semaphore, #tpu.memory_space<semaphore_mem>>
          %dma_wait3A_311 = tpu.memref_squeeze %dma_wait3A_310 : memref<1x!tpu.dma_semaphore, #tpu.memory_space<semaphore_mem>> -> memref<!tpu.dma_semaphore, #tpu.memory_space<semaphore_mem>>
          %dma_wait3A_312 = arith.constant 0 : i32
          %dma_wait3A_313 = tpu.memref_slice %arg4[%mul3A_301, %dma_wait3A_312] : memref<640000x128xf32, #tpu.memory_space<hbm>> -> memref<128x128xf32, #tpu.memory_space<hbm>>
          %dma_wait3A_314 = arith.constant 0 : i32
          %dma_wait3A_315 = arith.constant 0 : i32
          %dma_wait3A_316 = tpu.memref_slice %arg6[%dma_wait3A_302, %dma_wait3A_314, %dma_wait3A_315] : memref<6x128x128xf32, #tpu.memory_space<vmem>> -> memref<1x128x128xf32, #tpu.memory_space<vmem>>
          %dma_wait3A_317 = tpu.memref_squeeze %dma_wait3A_316 : memref<1x128x128xf32, #tpu.memory_space<vmem>> -> memref<128x128xf32, #tpu.memory_space<vmem>>
          tpu.wait_dma2 semaphore(%dma_wait3A_311 : memref<!tpu.dma_semaphore, #tpu.memory_space<semaphore_mem>>) src(%dma_wait3A_317 : memref<128x128xf32, #tpu.memory_space<vmem>>) dst(%dma_wait3A_313 : memref<128x128xf32, #tpu.memory_space<hbm>>)
        } else {
        }
        %mul3A_272 = arith.constant 128 : i32
        %mul3A_273 = arith.muli %add3A_200, %mul3A_272 : i32
        %dma_wait3A_274 = arith.constant 4 : i32
        %dma_wait3A_275 = arith.constant 4 : i32
        %dma_wait3A_276 = arith.constant 0 : i32
        %dma_wait3A_277 = tpu.memref_slice %arg5[%dma_wait3A_274, %dma_wait3A_276] : memref<6x128xi32, #tpu.memory_space<vmem>> -> memref<1x128xi32, #tpu.memory_space<vmem>>
        %dma_wait3A_278 = tpu.memref_squeeze %dma_wait3A_277 : memref<1x128xi32, #tpu.memory_space<vmem>> -> memref<128xi32, #tpu.memory_space<vmem>>
        %dma_wait3A_279 = tpu.memref_slice %arg3[%mul3A_273] : memref<640000xi32, #tpu.memory_space<hbm>> -> memref<128xi32, #tpu.memory_space<hbm>>
        %dma_wait3A_280 = tpu.memref_slice %arg7[%dma_wait3A_275] : memref<6x!tpu.dma_semaphore, #tpu.memory_space<semaphore_mem>> -> memref<1x!tpu.dma_semaphore, #tpu.memory_space<semaphore_mem>>
        %dma_wait3A_281 = tpu.memref_squeeze %dma_wait3A_280 : memref<1x!tpu.dma_semaphore, #tpu.memory_space<semaphore_mem>> -> memref<!tpu.dma_semaphore, #tpu.memory_space<semaphore_mem>>
        %dma_wait3A_282 = arith.constant 0 : i32
        %dma_wait3A_283 = tpu.memref_slice %arg5[%dma_wait3A_274, %dma_wait3A_282] : memref<6x128xi32, #tpu.memory_space<vmem>> -> memref<1x128xi32, #tpu.memory_space<vmem>>
        %dma_wait3A_284 = tpu.memref_squeeze %dma_wait3A_283 : memref<1x128xi32, #tpu.memory_space<vmem>> -> memref<128xi32, #tpu.memory_space<vmem>>
        %dma_wait3A_285 = tpu.memref_slice %arg3[%mul3A_273] : memref<640000xi32, #tpu.memory_space<hbm>> -> memref<128xi32, #tpu.memory_space<hbm>>
        tpu.wait_dma2 semaphore(%dma_wait3A_281 : memref<!tpu.dma_semaphore, #tpu.memory_space<semaphore_mem>>) src(%dma_wait3A_285 : memref<128xi32, #tpu.memory_space<hbm>>) dst(%dma_wait3A_284 : memref<128xi32, #tpu.memory_space<vmem>>)
        %dma_start3A = arith.constant 4 : i32
        %dma_start3A_286 = arith.constant 4 : i32
        %dma_start3A_287 = arith.constant 4 : i32
        %dma_start3A_288 = arith.constant 0 : i32
        %dma_start3A_289 = arith.constant 0 : i32
        %dma_start3A_290 = tpu.memref_slice %arg6[%dma_start3A_286, %dma_start3A_288, %dma_start3A_289] : memref<6x128x128xf32, #tpu.memory_space<vmem>> -> memref<1x128x128xf32, #tpu.memory_space<vmem>>
        %dma_start3A_291 = tpu.memref_squeeze %dma_start3A_290 : memref<1x128x128xf32, #tpu.memory_space<vmem>> -> memref<128x128xf32, #tpu.memory_space<vmem>>
        %dma_start3A_292 = arith.constant 0 : i32
        %dma_start3A_293 = tpu.memref_slice %arg5[%dma_start3A, %dma_start3A_292] : memref<6x128xi32, #tpu.memory_space<vmem>> -> memref<1x128xi32, #tpu.memory_space<vmem>>
        %dma_start3A_294 = tpu.memref_squeeze %dma_start3A_293 : memref<1x128xi32, #tpu.memory_space<vmem>> -> memref<128xi32, #tpu.memory_space<vmem>>
        %dma_start3A_295 = arith.constant 0 : i32
        %dma_start3A_296 = arith.constant 0 : i32
        %dma_start3A_297 = tpu.memref_slice %arg2[%dma_start3A_295, %dma_start3A_296] : memref<20000x128xf32, #tpu.memory_space<hbm>> -> memref<20000x128xf32, #tpu.memory_space<hbm>>
        %dma_start3A_298 = tpu.memref_slice %arg8[%dma_start3A_287] : memref<6x!tpu.dma_semaphore, #tpu.memory_space<semaphore_mem>> -> memref<1x!tpu.dma_semaphore, #tpu.memory_space<semaphore_mem>>
        %dma_start3A_299 = tpu.memref_squeeze %dma_start3A_298 : memref<1x!tpu.dma_semaphore, #tpu.memory_space<semaphore_mem>> -> memref<!tpu.dma_semaphore, #tpu.memory_space<semaphore_mem>>
        tpu.enqueue_indirect_dma source(%dma_start3A_297 : memref<20000x128xf32, #tpu.memory_space<hbm>>) target(%dma_start3A_291 : memref<128x128xf32, #tpu.memory_space<vmem>>) offsets(%dma_start3A_294 : memref<128xi32, #tpu.memory_space<vmem>>) semaphore(%dma_start3A_299 : memref<!tpu.dma_semaphore, #tpu.memory_space<semaphore_mem>>)
      } else {
      }
      %mul3A_205 = arith.constant 6 : i32
      %mul3A_206 = arith.muli %add3A_159, %mul3A_205 : i32
      %add3A_207 = arith.addi %add3A_4, %mul3A_206 : i32
      %add3A_208 = arith.constant 5 : i32
      %add3A_209 = arith.addi %add3A_207, %add3A_208 : i32
      %lt3A_210 = arith.cmpi slt, %add3A_209, %add3A_9 : i32
      %convert_element_type3A_211 = arith.extui %lt3A_210 : i1 to i32
      %cond3A_212 = arith.constant 0 : i32
      %cond3A_213 = arith.cmpi ne, %convert_element_type3A_211, %cond3A_212 : i32
      scf.if %cond3A_213 {
        %gt3A = arith.constant 0 : i32
        %gt3A_268 = arith.cmpi sgt, %add3A_159, %gt3A : i32
        %convert_element_type3A_269 = arith.extui %gt3A_268 : i1 to i32
        %cond3A_270 = arith.constant 0 : i32
        %cond3A_271 = arith.cmpi ne, %convert_element_type3A_269, %cond3A_270 : i32
        scf.if %cond3A_271 {
          %mul3A_300 = arith.constant 128 : i32
          %mul3A_301 = arith.muli %add3A_209, %mul3A_300 : i32
          %dma_wait3A_302 = arith.constant 5 : i32
          %dma_wait3A_303 = arith.constant 5 : i32
          %dma_wait3A_304 = arith.constant 0 : i32
          %dma_wait3A_305 = arith.constant 0 : i32
          %dma_wait3A_306 = tpu.memref_slice %arg6[%dma_wait3A_302, %dma_wait3A_304, %dma_wait3A_305] : memref<6x128x128xf32, #tpu.memory_space<vmem>> -> memref<1x128x128xf32, #tpu.memory_space<vmem>>
          %dma_wait3A_307 = tpu.memref_squeeze %dma_wait3A_306 : memref<1x128x128xf32, #tpu.memory_space<vmem>> -> memref<128x128xf32, #tpu.memory_space<vmem>>
          %dma_wait3A_308 = arith.constant 0 : i32
          %dma_wait3A_309 = tpu.memref_slice %arg4[%mul3A_301, %dma_wait3A_308] : memref<640000x128xf32, #tpu.memory_space<hbm>> -> memref<128x128xf32, #tpu.memory_space<hbm>>
          %dma_wait3A_310 = tpu.memref_slice %arg9[%dma_wait3A_303] : memref<6x!tpu.dma_semaphore, #tpu.memory_space<semaphore_mem>> -> memref<1x!tpu.dma_semaphore, #tpu.memory_space<semaphore_mem>>
          %dma_wait3A_311 = tpu.memref_squeeze %dma_wait3A_310 : memref<1x!tpu.dma_semaphore, #tpu.memory_space<semaphore_mem>> -> memref<!tpu.dma_semaphore, #tpu.memory_space<semaphore_mem>>
          %dma_wait3A_312 = arith.constant 0 : i32
          %dma_wait3A_313 = tpu.memref_slice %arg4[%mul3A_301, %dma_wait3A_312] : memref<640000x128xf32, #tpu.memory_space<hbm>> -> memref<128x128xf32, #tpu.memory_space<hbm>>
          %dma_wait3A_314 = arith.constant 0 : i32
          %dma_wait3A_315 = arith.constant 0 : i32
          %dma_wait3A_316 = tpu.memref_slice %arg6[%dma_wait3A_302, %dma_wait3A_314, %dma_wait3A_315] : memref<6x128x128xf32, #tpu.memory_space<vmem>> -> memref<1x128x128xf32, #tpu.memory_space<vmem>>
          %dma_wait3A_317 = tpu.memref_squeeze %dma_wait3A_316 : memref<1x128x128xf32, #tpu.memory_space<vmem>> -> memref<128x128xf32, #tpu.memory_space<vmem>>
          tpu.wait_dma2 semaphore(%dma_wait3A_311 : memref<!tpu.dma_semaphore, #tpu.memory_space<semaphore_mem>>) src(%dma_wait3A_317 : memref<128x128xf32, #tpu.memory_space<vmem>>) dst(%dma_wait3A_313 : memref<128x128xf32, #tpu.memory_space<hbm>>)
        } else {
        }
        %mul3A_272 = arith.constant 128 : i32
        %mul3A_273 = arith.muli %add3A_209, %mul3A_272 : i32
        %dma_wait3A_274 = arith.constant 5 : i32
        %dma_wait3A_275 = arith.constant 5 : i32
        %dma_wait3A_276 = arith.constant 0 : i32
        %dma_wait3A_277 = tpu.memref_slice %arg5[%dma_wait3A_274, %dma_wait3A_276] : memref<6x128xi32, #tpu.memory_space<vmem>> -> memref<1x128xi32, #tpu.memory_space<vmem>>
        %dma_wait3A_278 = tpu.memref_squeeze %dma_wait3A_277 : memref<1x128xi32, #tpu.memory_space<vmem>> -> memref<128xi32, #tpu.memory_space<vmem>>
        %dma_wait3A_279 = tpu.memref_slice %arg3[%mul3A_273] : memref<640000xi32, #tpu.memory_space<hbm>> -> memref<128xi32, #tpu.memory_space<hbm>>
        %dma_wait3A_280 = tpu.memref_slice %arg7[%dma_wait3A_275] : memref<6x!tpu.dma_semaphore, #tpu.memory_space<semaphore_mem>> -> memref<1x!tpu.dma_semaphore, #tpu.memory_space<semaphore_mem>>
        %dma_wait3A_281 = tpu.memref_squeeze %dma_wait3A_280 : memref<1x!tpu.dma_semaphore, #tpu.memory_space<semaphore_mem>> -> memref<!tpu.dma_semaphore, #tpu.memory_space<semaphore_mem>>
        %dma_wait3A_282 = arith.constant 0 : i32
        %dma_wait3A_283 = tpu.memref_slice %arg5[%dma_wait3A_274, %dma_wait3A_282] : memref<6x128xi32, #tpu.memory_space<vmem>> -> memref<1x128xi32, #tpu.memory_space<vmem>>
        %dma_wait3A_284 = tpu.memref_squeeze %dma_wait3A_283 : memref<1x128xi32, #tpu.memory_space<vmem>> -> memref<128xi32, #tpu.memory_space<vmem>>
        %dma_wait3A_285 = tpu.memref_slice %arg3[%mul3A_273] : memref<640000xi32, #tpu.memory_space<hbm>> -> memref<128xi32, #tpu.memory_space<hbm>>
        tpu.wait_dma2 semaphore(%dma_wait3A_281 : memref<!tpu.dma_semaphore, #tpu.memory_space<semaphore_mem>>) src(%dma_wait3A_285 : memref<128xi32, #tpu.memory_space<hbm>>) dst(%dma_wait3A_284 : memref<128xi32, #tpu.memory_space<vmem>>)
        %dma_start3A = arith.constant 5 : i32
        %dma_start3A_286 = arith.constant 5 : i32
        %dma_start3A_287 = arith.constant 5 : i32
        %dma_start3A_288 = arith.constant 0 : i32
        %dma_start3A_289 = arith.constant 0 : i32
        %dma_start3A_290 = tpu.memref_slice %arg6[%dma_start3A_286, %dma_start3A_288, %dma_start3A_289] : memref<6x128x128xf32, #tpu.memory_space<vmem>> -> memref<1x128x128xf32, #tpu.memory_space<vmem>>
        %dma_start3A_291 = tpu.memref_squeeze %dma_start3A_290 : memref<1x128x128xf32, #tpu.memory_space<vmem>> -> memref<128x128xf32, #tpu.memory_space<vmem>>
        %dma_start3A_292 = arith.constant 0 : i32
        %dma_start3A_293 = tpu.memref_slice %arg5[%dma_start3A, %dma_start3A_292] : memref<6x128xi32, #tpu.memory_space<vmem>> -> memref<1x128xi32, #tpu.memory_space<vmem>>
        %dma_start3A_294 = tpu.memref_squeeze %dma_start3A_293 : memref<1x128xi32, #tpu.memory_space<vmem>> -> memref<128xi32, #tpu.memory_space<vmem>>
        %dma_start3A_295 = arith.constant 0 : i32
        %dma_start3A_296 = arith.constant 0 : i32
        %dma_start3A_297 = tpu.memref_slice %arg2[%dma_start3A_295, %dma_start3A_296] : memref<20000x128xf32, #tpu.memory_space<hbm>> -> memref<20000x128xf32, #tpu.memory_space<hbm>>
        %dma_start3A_298 = tpu.memref_slice %arg8[%dma_start3A_287] : memref<6x!tpu.dma_semaphore, #tpu.memory_space<semaphore_mem>> -> memref<1x!tpu.dma_semaphore, #tpu.memory_space<semaphore_mem>>
        %dma_start3A_299 = tpu.memref_squeeze %dma_start3A_298 : memref<1x!tpu.dma_semaphore, #tpu.memory_space<semaphore_mem>> -> memref<!tpu.dma_semaphore, #tpu.memory_space<semaphore_mem>>
        tpu.enqueue_indirect_dma source(%dma_start3A_297 : memref<20000x128xf32, #tpu.memory_space<hbm>>) target(%dma_start3A_291 : memref<128x128xf32, #tpu.memory_space<vmem>>) offsets(%dma_start3A_294 : memref<128xi32, #tpu.memory_space<vmem>>) semaphore(%dma_start3A_299 : memref<!tpu.dma_semaphore, #tpu.memory_space<semaphore_mem>>)
      } else {
      }
      %mul3A_214 = arith.constant 6 : i32
      %mul3A_215 = arith.muli %add3A_159, %mul3A_214 : i32
      %add3A_216 = arith.addi %add3A_4, %mul3A_215 : i32
      %add3A_217 = arith.constant 0 : i32
      %add3A_218 = arith.addi %add3A_216, %add3A_217 : i32
      %lt3A_219 = arith.cmpi slt, %add3A_218, %add3A_9 : i32
      %convert_element_type3A_220 = arith.extui %lt3A_219 : i1 to i32
      %cond3A_221 = arith.constant 0 : i32
      %cond3A_222 = arith.cmpi ne, %convert_element_type3A_220, %cond3A_221 : i32
      scf.if %cond3A_222 {
        %dma_wait3A_268 = arith.constant 0 : i32
        %dma_wait3A_269 = arith.constant 0 : i32
        %dma_wait3A_270 = arith.constant 0 : i32
        %dma_wait3A_271 = arith.constant 0 : i32
        %dma_wait3A_272 = arith.constant 0 : i32
        %dma_wait3A_273 = tpu.memref_slice %arg6[%dma_wait3A_269, %dma_wait3A_271, %dma_wait3A_272] : memref<6x128x128xf32, #tpu.memory_space<vmem>> -> memref<1x128x128xf32, #tpu.memory_space<vmem>>
        %dma_wait3A_274 = tpu.memref_squeeze %dma_wait3A_273 : memref<1x128x128xf32, #tpu.memory_space<vmem>> -> memref<128x128xf32, #tpu.memory_space<vmem>>
        %dma_wait3A_275 = arith.constant 0 : i32
        %dma_wait3A_276 = tpu.memref_slice %arg5[%dma_wait3A_268, %dma_wait3A_275] : memref<6x128xi32, #tpu.memory_space<vmem>> -> memref<1x128xi32, #tpu.memory_space<vmem>>
        %dma_wait3A_277 = tpu.memref_squeeze %dma_wait3A_276 : memref<1x128xi32, #tpu.memory_space<vmem>> -> memref<128xi32, #tpu.memory_space<vmem>>
        %dma_wait3A_278 = arith.constant 0 : i32
        %dma_wait3A_279 = arith.constant 0 : i32
        %dma_wait3A_280 = tpu.memref_slice %arg2[%dma_wait3A_278, %dma_wait3A_279] : memref<20000x128xf32, #tpu.memory_space<hbm>> -> memref<20000x128xf32, #tpu.memory_space<hbm>>
        %dma_wait3A_281 = tpu.memref_slice %arg8[%dma_wait3A_270] : memref<6x!tpu.dma_semaphore, #tpu.memory_space<semaphore_mem>> -> memref<1x!tpu.dma_semaphore, #tpu.memory_space<semaphore_mem>>
        %dma_wait3A_282 = tpu.memref_squeeze %dma_wait3A_281 : memref<1x!tpu.dma_semaphore, #tpu.memory_space<semaphore_mem>> -> memref<!tpu.dma_semaphore, #tpu.memory_space<semaphore_mem>>
        tpu.wait_indirect_dma semaphore(%dma_wait3A_282 : memref<!tpu.dma_semaphore, #tpu.memory_space<semaphore_mem>>) src(%dma_wait3A_280 : memref<20000x128xf32, #tpu.memory_space<hbm>>) dst(%dma_wait3A_274 : memref<128x128xf32, #tpu.memory_space<vmem>>)
        %add3A_283 = arith.constant 6 : i32
        %add3A_284 = arith.addi %add3A_218, %add3A_283 : i32
        %lt3A_285 = arith.cmpi slt, %add3A_284, %add3A_9 : i32
        %convert_element_type3A_286 = arith.extui %lt3A_285 : i1 to i32
        %cond3A_287 = arith.constant 0 : i32
        %cond3A_288 = arith.cmpi ne, %convert_element_type3A_286, %cond3A_287 : i32
        scf.if %cond3A_288 {
          %mul3A_306 = arith.constant 128 : i32
          %mul3A_307 = arith.muli %add3A_284, %mul3A_306 : i32
          %dma_start3A_308 = arith.constant 0 : i32
          %dma_start3A_309 = arith.constant 0 : i32
          %dma_start3A_310 = arith.constant 0 : i32
          %dma_start3A_311 = tpu.memref_slice %arg5[%dma_start3A_308, %dma_start3A_310] : memref<6x128xi32, #tpu.memory_space<vmem>> -> memref<1x128xi32, #tpu.memory_space<vmem>>
          %dma_start3A_312 = tpu.memref_squeeze %dma_start3A_311 : memref<1x128xi32, #tpu.memory_space<vmem>> -> memref<128xi32, #tpu.memory_space<vmem>>
          %dma_start3A_313 = tpu.memref_slice %arg3[%mul3A_307] : memref<640000xi32, #tpu.memory_space<hbm>> -> memref<128xi32, #tpu.memory_space<hbm>>
          %dma_start3A_314 = tpu.memref_slice %arg7[%dma_start3A_309] : memref<6x!tpu.dma_semaphore, #tpu.memory_space<semaphore_mem>> -> memref<1x!tpu.dma_semaphore, #tpu.memory_space<semaphore_mem>>
          %dma_start3A_315 = tpu.memref_squeeze %dma_start3A_314 : memref<1x!tpu.dma_semaphore, #tpu.memory_space<semaphore_mem>> -> memref<!tpu.dma_semaphore, #tpu.memory_space<semaphore_mem>>
          %dma_start3A_316 = arith.constant 0 : i32
          %dma_start3A_317 = tpu.memref_slice %arg5[%dma_start3A_308, %dma_start3A_316] : memref<6x128xi32, #tpu.memory_space<vmem>> -> memref<1x128xi32, #tpu.memory_space<vmem>>
          %dma_start3A_318 = tpu.memref_squeeze %dma_start3A_317 : memref<1x128xi32, #tpu.memory_space<vmem>> -> memref<128xi32, #tpu.memory_space<vmem>>
          %dma_start3A_319 = tpu.memref_slice %arg3[%mul3A_307] : memref<640000xi32, #tpu.memory_space<hbm>> -> memref<128xi32, #tpu.memory_space<hbm>>
          tpu.enqueue_dma source(%dma_start3A_319 : memref<128xi32, #tpu.memory_space<hbm>>) target(%dma_start3A_318 : memref<128xi32, #tpu.memory_space<vmem>>) target_semaphore(%dma_start3A_315 : memref<!tpu.dma_semaphore, #tpu.memory_space<semaphore_mem>>)
        } else {
        }
        %mul3A_289 = arith.constant 128 : i32
        %mul3A_290 = arith.muli %add3A_218, %mul3A_289 : i32
        %dma_start3A = arith.constant 0 : i32
        %dma_start3A_291 = arith.constant 0 : i32
        %dma_start3A_292 = arith.constant 0 : i32
        %dma_start3A_293 = arith.constant 0 : i32
        %dma_start3A_294 = tpu.memref_slice %arg6[%dma_start3A, %dma_start3A_292, %dma_start3A_293] : memref<6x128x128xf32, #tpu.memory_space<vmem>> -> memref<1x128x128xf32, #tpu.memory_space<vmem>>
        %dma_start3A_295 = tpu.memref_squeeze %dma_start3A_294 : memref<1x128x128xf32, #tpu.memory_space<vmem>> -> memref<128x128xf32, #tpu.memory_space<vmem>>
        %dma_start3A_296 = arith.constant 0 : i32
        %dma_start3A_297 = tpu.memref_slice %arg4[%mul3A_290, %dma_start3A_296] : memref<640000x128xf32, #tpu.memory_space<hbm>> -> memref<128x128xf32, #tpu.memory_space<hbm>>
        %dma_start3A_298 = tpu.memref_slice %arg9[%dma_start3A_291] : memref<6x!tpu.dma_semaphore, #tpu.memory_space<semaphore_mem>> -> memref<1x!tpu.dma_semaphore, #tpu.memory_space<semaphore_mem>>
        %dma_start3A_299 = tpu.memref_squeeze %dma_start3A_298 : memref<1x!tpu.dma_semaphore, #tpu.memory_space<semaphore_mem>> -> memref<!tpu.dma_semaphore, #tpu.memory_space<semaphore_mem>>
        %dma_start3A_300 = arith.constant 0 : i32
        %dma_start3A_301 = tpu.memref_slice %arg4[%mul3A_290, %dma_start3A_300] : memref<640000x128xf32, #tpu.memory_space<hbm>> -> memref<128x128xf32, #tpu.memory_space<hbm>>
        %dma_start3A_302 = arith.constant 0 : i32
        %dma_start3A_303 = arith.constant 0 : i32
        %dma_start3A_304 = tpu.memref_slice %arg6[%dma_start3A, %dma_start3A_302, %dma_start3A_303] : memref<6x128x128xf32, #tpu.memory_space<vmem>> -> memref<1x128x128xf32, #tpu.memory_space<vmem>>
        %dma_start3A_305 = tpu.memref_squeeze %dma_start3A_304 : memref<1x128x128xf32, #tpu.memory_space<vmem>> -> memref<128x128xf32, #tpu.memory_space<vmem>>
        tpu.enqueue_dma source(%dma_start3A_305 : memref<128x128xf32, #tpu.memory_space<vmem>>) target(%dma_start3A_301 : memref<128x128xf32, #tpu.memory_space<hbm>>) target_semaphore(%dma_start3A_299 : memref<!tpu.dma_semaphore, #tpu.memory_space<semaphore_mem>>)
      } else {
      }
      %mul3A_223 = arith.constant 6 : i32
      %mul3A_224 = arith.muli %add3A_159, %mul3A_223 : i32
      %add3A_225 = arith.addi %add3A_4, %mul3A_224 : i32
      %add3A_226 = arith.constant 1 : i32
      %add3A_227 = arith.addi %add3A_225, %add3A_226 : i32
      %lt3A_228 = arith.cmpi slt, %add3A_227, %add3A_9 : i32
      %convert_element_type3A_229 = arith.extui %lt3A_228 : i1 to i32
      %cond3A_230 = arith.constant 0 : i32
      %cond3A_231 = arith.cmpi ne, %convert_element_type3A_229, %cond3A_230 : i32
      scf.if %cond3A_231 {
        %dma_wait3A_268 = arith.constant 1 : i32
        %dma_wait3A_269 = arith.constant 1 : i32
        %dma_wait3A_270 = arith.constant 1 : i32
        %dma_wait3A_271 = arith.constant 0 : i32
        %dma_wait3A_272 = arith.constant 0 : i32
        %dma_wait3A_273 = tpu.memref_slice %arg6[%dma_wait3A_269, %dma_wait3A_271, %dma_wait3A_272] : memref<6x128x128xf32, #tpu.memory_space<vmem>> -> memref<1x128x128xf32, #tpu.memory_space<vmem>>
        %dma_wait3A_274 = tpu.memref_squeeze %dma_wait3A_273 : memref<1x128x128xf32, #tpu.memory_space<vmem>> -> memref<128x128xf32, #tpu.memory_space<vmem>>
        %dma_wait3A_275 = arith.constant 0 : i32
        %dma_wait3A_276 = tpu.memref_slice %arg5[%dma_wait3A_268, %dma_wait3A_275] : memref<6x128xi32, #tpu.memory_space<vmem>> -> memref<1x128xi32, #tpu.memory_space<vmem>>
        %dma_wait3A_277 = tpu.memref_squeeze %dma_wait3A_276 : memref<1x128xi32, #tpu.memory_space<vmem>> -> memref<128xi32, #tpu.memory_space<vmem>>
        %dma_wait3A_278 = arith.constant 0 : i32
        %dma_wait3A_279 = arith.constant 0 : i32
        %dma_wait3A_280 = tpu.memref_slice %arg2[%dma_wait3A_278, %dma_wait3A_279] : memref<20000x128xf32, #tpu.memory_space<hbm>> -> memref<20000x128xf32, #tpu.memory_space<hbm>>
        %dma_wait3A_281 = tpu.memref_slice %arg8[%dma_wait3A_270] : memref<6x!tpu.dma_semaphore, #tpu.memory_space<semaphore_mem>> -> memref<1x!tpu.dma_semaphore, #tpu.memory_space<semaphore_mem>>
        %dma_wait3A_282 = tpu.memref_squeeze %dma_wait3A_281 : memref<1x!tpu.dma_semaphore, #tpu.memory_space<semaphore_mem>> -> memref<!tpu.dma_semaphore, #tpu.memory_space<semaphore_mem>>
        tpu.wait_indirect_dma semaphore(%dma_wait3A_282 : memref<!tpu.dma_semaphore, #tpu.memory_space<semaphore_mem>>) src(%dma_wait3A_280 : memref<20000x128xf32, #tpu.memory_space<hbm>>) dst(%dma_wait3A_274 : memref<128x128xf32, #tpu.memory_space<vmem>>)
        %add3A_283 = arith.constant 6 : i32
        %add3A_284 = arith.addi %add3A_227, %add3A_283 : i32
        %lt3A_285 = arith.cmpi slt, %add3A_284, %add3A_9 : i32
        %convert_element_type3A_286 = arith.extui %lt3A_285 : i1 to i32
        %cond3A_287 = arith.constant 0 : i32
        %cond3A_288 = arith.cmpi ne, %convert_element_type3A_286, %cond3A_287 : i32
        scf.if %cond3A_288 {
          %mul3A_306 = arith.constant 128 : i32
          %mul3A_307 = arith.muli %add3A_284, %mul3A_306 : i32
          %dma_start3A_308 = arith.constant 1 : i32
          %dma_start3A_309 = arith.constant 1 : i32
          %dma_start3A_310 = arith.constant 0 : i32
          %dma_start3A_311 = tpu.memref_slice %arg5[%dma_start3A_308, %dma_start3A_310] : memref<6x128xi32, #tpu.memory_space<vmem>> -> memref<1x128xi32, #tpu.memory_space<vmem>>
          %dma_start3A_312 = tpu.memref_squeeze %dma_start3A_311 : memref<1x128xi32, #tpu.memory_space<vmem>> -> memref<128xi32, #tpu.memory_space<vmem>>
          %dma_start3A_313 = tpu.memref_slice %arg3[%mul3A_307] : memref<640000xi32, #tpu.memory_space<hbm>> -> memref<128xi32, #tpu.memory_space<hbm>>
          %dma_start3A_314 = tpu.memref_slice %arg7[%dma_start3A_309] : memref<6x!tpu.dma_semaphore, #tpu.memory_space<semaphore_mem>> -> memref<1x!tpu.dma_semaphore, #tpu.memory_space<semaphore_mem>>
          %dma_start3A_315 = tpu.memref_squeeze %dma_start3A_314 : memref<1x!tpu.dma_semaphore, #tpu.memory_space<semaphore_mem>> -> memref<!tpu.dma_semaphore, #tpu.memory_space<semaphore_mem>>
          %dma_start3A_316 = arith.constant 0 : i32
          %dma_start3A_317 = tpu.memref_slice %arg5[%dma_start3A_308, %dma_start3A_316] : memref<6x128xi32, #tpu.memory_space<vmem>> -> memref<1x128xi32, #tpu.memory_space<vmem>>
          %dma_start3A_318 = tpu.memref_squeeze %dma_start3A_317 : memref<1x128xi32, #tpu.memory_space<vmem>> -> memref<128xi32, #tpu.memory_space<vmem>>
          %dma_start3A_319 = tpu.memref_slice %arg3[%mul3A_307] : memref<640000xi32, #tpu.memory_space<hbm>> -> memref<128xi32, #tpu.memory_space<hbm>>
          tpu.enqueue_dma source(%dma_start3A_319 : memref<128xi32, #tpu.memory_space<hbm>>) target(%dma_start3A_318 : memref<128xi32, #tpu.memory_space<vmem>>) target_semaphore(%dma_start3A_315 : memref<!tpu.dma_semaphore, #tpu.memory_space<semaphore_mem>>)
        } else {
        }
        %mul3A_289 = arith.constant 128 : i32
        %mul3A_290 = arith.muli %add3A_227, %mul3A_289 : i32
        %dma_start3A = arith.constant 1 : i32
        %dma_start3A_291 = arith.constant 1 : i32
        %dma_start3A_292 = arith.constant 0 : i32
        %dma_start3A_293 = arith.constant 0 : i32
        %dma_start3A_294 = tpu.memref_slice %arg6[%dma_start3A, %dma_start3A_292, %dma_start3A_293] : memref<6x128x128xf32, #tpu.memory_space<vmem>> -> memref<1x128x128xf32, #tpu.memory_space<vmem>>
        %dma_start3A_295 = tpu.memref_squeeze %dma_start3A_294 : memref<1x128x128xf32, #tpu.memory_space<vmem>> -> memref<128x128xf32, #tpu.memory_space<vmem>>
        %dma_start3A_296 = arith.constant 0 : i32
        %dma_start3A_297 = tpu.memref_slice %arg4[%mul3A_290, %dma_start3A_296] : memref<640000x128xf32, #tpu.memory_space<hbm>> -> memref<128x128xf32, #tpu.memory_space<hbm>>
        %dma_start3A_298 = tpu.memref_slice %arg9[%dma_start3A_291] : memref<6x!tpu.dma_semaphore, #tpu.memory_space<semaphore_mem>> -> memref<1x!tpu.dma_semaphore, #tpu.memory_space<semaphore_mem>>
        %dma_start3A_299 = tpu.memref_squeeze %dma_start3A_298 : memref<1x!tpu.dma_semaphore, #tpu.memory_space<semaphore_mem>> -> memref<!tpu.dma_semaphore, #tpu.memory_space<semaphore_mem>>
        %dma_start3A_300 = arith.constant 0 : i32
        %dma_start3A_301 = tpu.memref_slice %arg4[%mul3A_290, %dma_start3A_300] : memref<640000x128xf32, #tpu.memory_space<hbm>> -> memref<128x128xf32, #tpu.memory_space<hbm>>
        %dma_start3A_302 = arith.constant 0 : i32
        %dma_start3A_303 = arith.constant 0 : i32
        %dma_start3A_304 = tpu.memref_slice %arg6[%dma_start3A, %dma_start3A_302, %dma_start3A_303] : memref<6x128x128xf32, #tpu.memory_space<vmem>> -> memref<1x128x128xf32, #tpu.memory_space<vmem>>
        %dma_start3A_305 = tpu.memref_squeeze %dma_start3A_304 : memref<1x128x128xf32, #tpu.memory_space<vmem>> -> memref<128x128xf32, #tpu.memory_space<vmem>>
        tpu.enqueue_dma source(%dma_start3A_305 : memref<128x128xf32, #tpu.memory_space<vmem>>) target(%dma_start3A_301 : memref<128x128xf32, #tpu.memory_space<hbm>>) target_semaphore(%dma_start3A_299 : memref<!tpu.dma_semaphore, #tpu.memory_space<semaphore_mem>>)
      } else {
      }
      %mul3A_232 = arith.constant 6 : i32
      %mul3A_233 = arith.muli %add3A_159, %mul3A_232 : i32
      %add3A_234 = arith.addi %add3A_4, %mul3A_233 : i32
      %add3A_235 = arith.constant 2 : i32
      %add3A_236 = arith.addi %add3A_234, %add3A_235 : i32
      %lt3A_237 = arith.cmpi slt, %add3A_236, %add3A_9 : i32
      %convert_element_type3A_238 = arith.extui %lt3A_237 : i1 to i32
      %cond3A_239 = arith.constant 0 : i32
      %cond3A_240 = arith.cmpi ne, %convert_element_type3A_238, %cond3A_239 : i32
      scf.if %cond3A_240 {
        %dma_wait3A_268 = arith.constant 2 : i32
        %dma_wait3A_269 = arith.constant 2 : i32
        %dma_wait3A_270 = arith.constant 2 : i32
        %dma_wait3A_271 = arith.constant 0 : i32
        %dma_wait3A_272 = arith.constant 0 : i32
        %dma_wait3A_273 = tpu.memref_slice %arg6[%dma_wait3A_269, %dma_wait3A_271, %dma_wait3A_272] : memref<6x128x128xf32, #tpu.memory_space<vmem>> -> memref<1x128x128xf32, #tpu.memory_space<vmem>>
        %dma_wait3A_274 = tpu.memref_squeeze %dma_wait3A_273 : memref<1x128x128xf32, #tpu.memory_space<vmem>> -> memref<128x128xf32, #tpu.memory_space<vmem>>
        %dma_wait3A_275 = arith.constant 0 : i32
        %dma_wait3A_276 = tpu.memref_slice %arg5[%dma_wait3A_268, %dma_wait3A_275] : memref<6x128xi32, #tpu.memory_space<vmem>> -> memref<1x128xi32, #tpu.memory_space<vmem>>
        %dma_wait3A_277 = tpu.memref_squeeze %dma_wait3A_276 : memref<1x128xi32, #tpu.memory_space<vmem>> -> memref<128xi32, #tpu.memory_space<vmem>>
        %dma_wait3A_278 = arith.constant 0 : i32
        %dma_wait3A_279 = arith.constant 0 : i32
        %dma_wait3A_280 = tpu.memref_slice %arg2[%dma_wait3A_278, %dma_wait3A_279] : memref<20000x128xf32, #tpu.memory_space<hbm>> -> memref<20000x128xf32, #tpu.memory_space<hbm>>
        %dma_wait3A_281 = tpu.memref_slice %arg8[%dma_wait3A_270] : memref<6x!tpu.dma_semaphore, #tpu.memory_space<semaphore_mem>> -> memref<1x!tpu.dma_semaphore, #tpu.memory_space<semaphore_mem>>
        %dma_wait3A_282 = tpu.memref_squeeze %dma_wait3A_281 : memref<1x!tpu.dma_semaphore, #tpu.memory_space<semaphore_mem>> -> memref<!tpu.dma_semaphore, #tpu.memory_space<semaphore_mem>>
        tpu.wait_indirect_dma semaphore(%dma_wait3A_282 : memref<!tpu.dma_semaphore, #tpu.memory_space<semaphore_mem>>) src(%dma_wait3A_280 : memref<20000x128xf32, #tpu.memory_space<hbm>>) dst(%dma_wait3A_274 : memref<128x128xf32, #tpu.memory_space<vmem>>)
        %add3A_283 = arith.constant 6 : i32
        %add3A_284 = arith.addi %add3A_236, %add3A_283 : i32
        %lt3A_285 = arith.cmpi slt, %add3A_284, %add3A_9 : i32
        %convert_element_type3A_286 = arith.extui %lt3A_285 : i1 to i32
        %cond3A_287 = arith.constant 0 : i32
        %cond3A_288 = arith.cmpi ne, %convert_element_type3A_286, %cond3A_287 : i32
        scf.if %cond3A_288 {
          %mul3A_306 = arith.constant 128 : i32
          %mul3A_307 = arith.muli %add3A_284, %mul3A_306 : i32
          %dma_start3A_308 = arith.constant 2 : i32
          %dma_start3A_309 = arith.constant 2 : i32
          %dma_start3A_310 = arith.constant 0 : i32
          %dma_start3A_311 = tpu.memref_slice %arg5[%dma_start3A_308, %dma_start3A_310] : memref<6x128xi32, #tpu.memory_space<vmem>> -> memref<1x128xi32, #tpu.memory_space<vmem>>
          %dma_start3A_312 = tpu.memref_squeeze %dma_start3A_311 : memref<1x128xi32, #tpu.memory_space<vmem>> -> memref<128xi32, #tpu.memory_space<vmem>>
          %dma_start3A_313 = tpu.memref_slice %arg3[%mul3A_307] : memref<640000xi32, #tpu.memory_space<hbm>> -> memref<128xi32, #tpu.memory_space<hbm>>
          %dma_start3A_314 = tpu.memref_slice %arg7[%dma_start3A_309] : memref<6x!tpu.dma_semaphore, #tpu.memory_space<semaphore_mem>> -> memref<1x!tpu.dma_semaphore, #tpu.memory_space<semaphore_mem>>
          %dma_start3A_315 = tpu.memref_squeeze %dma_start3A_314 : memref<1x!tpu.dma_semaphore, #tpu.memory_space<semaphore_mem>> -> memref<!tpu.dma_semaphore, #tpu.memory_space<semaphore_mem>>
          %dma_start3A_316 = arith.constant 0 : i32
          %dma_start3A_317 = tpu.memref_slice %arg5[%dma_start3A_308, %dma_start3A_316] : memref<6x128xi32, #tpu.memory_space<vmem>> -> memref<1x128xi32, #tpu.memory_space<vmem>>
          %dma_start3A_318 = tpu.memref_squeeze %dma_start3A_317 : memref<1x128xi32, #tpu.memory_space<vmem>> -> memref<128xi32, #tpu.memory_space<vmem>>
          %dma_start3A_319 = tpu.memref_slice %arg3[%mul3A_307] : memref<640000xi32, #tpu.memory_space<hbm>> -> memref<128xi32, #tpu.memory_space<hbm>>
          tpu.enqueue_dma source(%dma_start3A_319 : memref<128xi32, #tpu.memory_space<hbm>>) target(%dma_start3A_318 : memref<128xi32, #tpu.memory_space<vmem>>) target_semaphore(%dma_start3A_315 : memref<!tpu.dma_semaphore, #tpu.memory_space<semaphore_mem>>)
        } else {
        }
        %mul3A_289 = arith.constant 128 : i32
        %mul3A_290 = arith.muli %add3A_236, %mul3A_289 : i32
        %dma_start3A = arith.constant 2 : i32
        %dma_start3A_291 = arith.constant 2 : i32
        %dma_start3A_292 = arith.constant 0 : i32
        %dma_start3A_293 = arith.constant 0 : i32
        %dma_start3A_294 = tpu.memref_slice %arg6[%dma_start3A, %dma_start3A_292, %dma_start3A_293] : memref<6x128x128xf32, #tpu.memory_space<vmem>> -> memref<1x128x128xf32, #tpu.memory_space<vmem>>
        %dma_start3A_295 = tpu.memref_squeeze %dma_start3A_294 : memref<1x128x128xf32, #tpu.memory_space<vmem>> -> memref<128x128xf32, #tpu.memory_space<vmem>>
        %dma_start3A_296 = arith.constant 0 : i32
        %dma_start3A_297 = tpu.memref_slice %arg4[%mul3A_290, %dma_start3A_296] : memref<640000x128xf32, #tpu.memory_space<hbm>> -> memref<128x128xf32, #tpu.memory_space<hbm>>
        %dma_start3A_298 = tpu.memref_slice %arg9[%dma_start3A_291] : memref<6x!tpu.dma_semaphore, #tpu.memory_space<semaphore_mem>> -> memref<1x!tpu.dma_semaphore, #tpu.memory_space<semaphore_mem>>
        %dma_start3A_299 = tpu.memref_squeeze %dma_start3A_298 : memref<1x!tpu.dma_semaphore, #tpu.memory_space<semaphore_mem>> -> memref<!tpu.dma_semaphore, #tpu.memory_space<semaphore_mem>>
        %dma_start3A_300 = arith.constant 0 : i32
        %dma_start3A_301 = tpu.memref_slice %arg4[%mul3A_290, %dma_start3A_300] : memref<640000x128xf32, #tpu.memory_space<hbm>> -> memref<128x128xf32, #tpu.memory_space<hbm>>
        %dma_start3A_302 = arith.constant 0 : i32
        %dma_start3A_303 = arith.constant 0 : i32
        %dma_start3A_304 = tpu.memref_slice %arg6[%dma_start3A, %dma_start3A_302, %dma_start3A_303] : memref<6x128x128xf32, #tpu.memory_space<vmem>> -> memref<1x128x128xf32, #tpu.memory_space<vmem>>
        %dma_start3A_305 = tpu.memref_squeeze %dma_start3A_304 : memref<1x128x128xf32, #tpu.memory_space<vmem>> -> memref<128x128xf32, #tpu.memory_space<vmem>>
        tpu.enqueue_dma source(%dma_start3A_305 : memref<128x128xf32, #tpu.memory_space<vmem>>) target(%dma_start3A_301 : memref<128x128xf32, #tpu.memory_space<hbm>>) target_semaphore(%dma_start3A_299 : memref<!tpu.dma_semaphore, #tpu.memory_space<semaphore_mem>>)
      } else {
      }
      %mul3A_241 = arith.constant 6 : i32
      %mul3A_242 = arith.muli %add3A_159, %mul3A_241 : i32
      %add3A_243 = arith.addi %add3A_4, %mul3A_242 : i32
      %add3A_244 = arith.constant 3 : i32
      %add3A_245 = arith.addi %add3A_243, %add3A_244 : i32
      %lt3A_246 = arith.cmpi slt, %add3A_245, %add3A_9 : i32
      %convert_element_type3A_247 = arith.extui %lt3A_246 : i1 to i32
      %cond3A_248 = arith.constant 0 : i32
      %cond3A_249 = arith.cmpi ne, %convert_element_type3A_247, %cond3A_248 : i32
      scf.if %cond3A_249 {
        %dma_wait3A_268 = arith.constant 3 : i32
        %dma_wait3A_269 = arith.constant 3 : i32
        %dma_wait3A_270 = arith.constant 3 : i32
        %dma_wait3A_271 = arith.constant 0 : i32
        %dma_wait3A_272 = arith.constant 0 : i32
        %dma_wait3A_273 = tpu.memref_slice %arg6[%dma_wait3A_269, %dma_wait3A_271, %dma_wait3A_272] : memref<6x128x128xf32, #tpu.memory_space<vmem>> -> memref<1x128x128xf32, #tpu.memory_space<vmem>>
        %dma_wait3A_274 = tpu.memref_squeeze %dma_wait3A_273 : memref<1x128x128xf32, #tpu.memory_space<vmem>> -> memref<128x128xf32, #tpu.memory_space<vmem>>
        %dma_wait3A_275 = arith.constant 0 : i32
        %dma_wait3A_276 = tpu.memref_slice %arg5[%dma_wait3A_268, %dma_wait3A_275] : memref<6x128xi32, #tpu.memory_space<vmem>> -> memref<1x128xi32, #tpu.memory_space<vmem>>
        %dma_wait3A_277 = tpu.memref_squeeze %dma_wait3A_276 : memref<1x128xi32, #tpu.memory_space<vmem>> -> memref<128xi32, #tpu.memory_space<vmem>>
        %dma_wait3A_278 = arith.constant 0 : i32
        %dma_wait3A_279 = arith.constant 0 : i32
        %dma_wait3A_280 = tpu.memref_slice %arg2[%dma_wait3A_278, %dma_wait3A_279] : memref<20000x128xf32, #tpu.memory_space<hbm>> -> memref<20000x128xf32, #tpu.memory_space<hbm>>
        %dma_wait3A_281 = tpu.memref_slice %arg8[%dma_wait3A_270] : memref<6x!tpu.dma_semaphore, #tpu.memory_space<semaphore_mem>> -> memref<1x!tpu.dma_semaphore, #tpu.memory_space<semaphore_mem>>
        %dma_wait3A_282 = tpu.memref_squeeze %dma_wait3A_281 : memref<1x!tpu.dma_semaphore, #tpu.memory_space<semaphore_mem>> -> memref<!tpu.dma_semaphore, #tpu.memory_space<semaphore_mem>>
        tpu.wait_indirect_dma semaphore(%dma_wait3A_282 : memref<!tpu.dma_semaphore, #tpu.memory_space<semaphore_mem>>) src(%dma_wait3A_280 : memref<20000x128xf32, #tpu.memory_space<hbm>>) dst(%dma_wait3A_274 : memref<128x128xf32, #tpu.memory_space<vmem>>)
        %add3A_283 = arith.constant 6 : i32
        %add3A_284 = arith.addi %add3A_245, %add3A_283 : i32
        %lt3A_285 = arith.cmpi slt, %add3A_284, %add3A_9 : i32
        %convert_element_type3A_286 = arith.extui %lt3A_285 : i1 to i32
        %cond3A_287 = arith.constant 0 : i32
        %cond3A_288 = arith.cmpi ne, %convert_element_type3A_286, %cond3A_287 : i32
        scf.if %cond3A_288 {
          %mul3A_306 = arith.constant 128 : i32
          %mul3A_307 = arith.muli %add3A_284, %mul3A_306 : i32
          %dma_start3A_308 = arith.constant 3 : i32
          %dma_start3A_309 = arith.constant 3 : i32
          %dma_start3A_310 = arith.constant 0 : i32
          %dma_start3A_311 = tpu.memref_slice %arg5[%dma_start3A_308, %dma_start3A_310] : memref<6x128xi32, #tpu.memory_space<vmem>> -> memref<1x128xi32, #tpu.memory_space<vmem>>
          %dma_start3A_312 = tpu.memref_squeeze %dma_start3A_311 : memref<1x128xi32, #tpu.memory_space<vmem>> -> memref<128xi32, #tpu.memory_space<vmem>>
          %dma_start3A_313 = tpu.memref_slice %arg3[%mul3A_307] : memref<640000xi32, #tpu.memory_space<hbm>> -> memref<128xi32, #tpu.memory_space<hbm>>
          %dma_start3A_314 = tpu.memref_slice %arg7[%dma_start3A_309] : memref<6x!tpu.dma_semaphore, #tpu.memory_space<semaphore_mem>> -> memref<1x!tpu.dma_semaphore, #tpu.memory_space<semaphore_mem>>
          %dma_start3A_315 = tpu.memref_squeeze %dma_start3A_314 : memref<1x!tpu.dma_semaphore, #tpu.memory_space<semaphore_mem>> -> memref<!tpu.dma_semaphore, #tpu.memory_space<semaphore_mem>>
          %dma_start3A_316 = arith.constant 0 : i32
          %dma_start3A_317 = tpu.memref_slice %arg5[%dma_start3A_308, %dma_start3A_316] : memref<6x128xi32, #tpu.memory_space<vmem>> -> memref<1x128xi32, #tpu.memory_space<vmem>>
          %dma_start3A_318 = tpu.memref_squeeze %dma_start3A_317 : memref<1x128xi32, #tpu.memory_space<vmem>> -> memref<128xi32, #tpu.memory_space<vmem>>
          %dma_start3A_319 = tpu.memref_slice %arg3[%mul3A_307] : memref<640000xi32, #tpu.memory_space<hbm>> -> memref<128xi32, #tpu.memory_space<hbm>>
          tpu.enqueue_dma source(%dma_start3A_319 : memref<128xi32, #tpu.memory_space<hbm>>) target(%dma_start3A_318 : memref<128xi32, #tpu.memory_space<vmem>>) target_semaphore(%dma_start3A_315 : memref<!tpu.dma_semaphore, #tpu.memory_space<semaphore_mem>>)
        } else {
        }
        %mul3A_289 = arith.constant 128 : i32
        %mul3A_290 = arith.muli %add3A_245, %mul3A_289 : i32
        %dma_start3A = arith.constant 3 : i32
        %dma_start3A_291 = arith.constant 3 : i32
        %dma_start3A_292 = arith.constant 0 : i32
        %dma_start3A_293 = arith.constant 0 : i32
        %dma_start3A_294 = tpu.memref_slice %arg6[%dma_start3A, %dma_start3A_292, %dma_start3A_293] : memref<6x128x128xf32, #tpu.memory_space<vmem>> -> memref<1x128x128xf32, #tpu.memory_space<vmem>>
        %dma_start3A_295 = tpu.memref_squeeze %dma_start3A_294 : memref<1x128x128xf32, #tpu.memory_space<vmem>> -> memref<128x128xf32, #tpu.memory_space<vmem>>
        %dma_start3A_296 = arith.constant 0 : i32
        %dma_start3A_297 = tpu.memref_slice %arg4[%mul3A_290, %dma_start3A_296] : memref<640000x128xf32, #tpu.memory_space<hbm>> -> memref<128x128xf32, #tpu.memory_space<hbm>>
        %dma_start3A_298 = tpu.memref_slice %arg9[%dma_start3A_291] : memref<6x!tpu.dma_semaphore, #tpu.memory_space<semaphore_mem>> -> memref<1x!tpu.dma_semaphore, #tpu.memory_space<semaphore_mem>>
        %dma_start3A_299 = tpu.memref_squeeze %dma_start3A_298 : memref<1x!tpu.dma_semaphore, #tpu.memory_space<semaphore_mem>> -> memref<!tpu.dma_semaphore, #tpu.memory_space<semaphore_mem>>
        %dma_start3A_300 = arith.constant 0 : i32
        %dma_start3A_301 = tpu.memref_slice %arg4[%mul3A_290, %dma_start3A_300] : memref<640000x128xf32, #tpu.memory_space<hbm>> -> memref<128x128xf32, #tpu.memory_space<hbm>>
        %dma_start3A_302 = arith.constant 0 : i32
        %dma_start3A_303 = arith.constant 0 : i32
        %dma_start3A_304 = tpu.memref_slice %arg6[%dma_start3A, %dma_start3A_302, %dma_start3A_303] : memref<6x128x128xf32, #tpu.memory_space<vmem>> -> memref<1x128x128xf32, #tpu.memory_space<vmem>>
        %dma_start3A_305 = tpu.memref_squeeze %dma_start3A_304 : memref<1x128x128xf32, #tpu.memory_space<vmem>> -> memref<128x128xf32, #tpu.memory_space<vmem>>
        tpu.enqueue_dma source(%dma_start3A_305 : memref<128x128xf32, #tpu.memory_space<vmem>>) target(%dma_start3A_301 : memref<128x128xf32, #tpu.memory_space<hbm>>) target_semaphore(%dma_start3A_299 : memref<!tpu.dma_semaphore, #tpu.memory_space<semaphore_mem>>)
      } else {
      }
      %mul3A_250 = arith.constant 6 : i32
      %mul3A_251 = arith.muli %add3A_159, %mul3A_250 : i32
      %add3A_252 = arith.addi %add3A_4, %mul3A_251 : i32
      %add3A_253 = arith.constant 4 : i32
      %add3A_254 = arith.addi %add3A_252, %add3A_253 : i32
      %lt3A_255 = arith.cmpi slt, %add3A_254, %add3A_9 : i32
      %convert_element_type3A_256 = arith.extui %lt3A_255 : i1 to i32
      %cond3A_257 = arith.constant 0 : i32
      %cond3A_258 = arith.cmpi ne, %convert_element_type3A_256, %cond3A_257 : i32
      scf.if %cond3A_258 {
        %dma_wait3A_268 = arith.constant 4 : i32
        %dma_wait3A_269 = arith.constant 4 : i32
        %dma_wait3A_270 = arith.constant 4 : i32
        %dma_wait3A_271 = arith.constant 0 : i32
        %dma_wait3A_272 = arith.constant 0 : i32
        %dma_wait3A_273 = tpu.memref_slice %arg6[%dma_wait3A_269, %dma_wait3A_271, %dma_wait3A_272] : memref<6x128x128xf32, #tpu.memory_space<vmem>> -> memref<1x128x128xf32, #tpu.memory_space<vmem>>
        %dma_wait3A_274 = tpu.memref_squeeze %dma_wait3A_273 : memref<1x128x128xf32, #tpu.memory_space<vmem>> -> memref<128x128xf32, #tpu.memory_space<vmem>>
        %dma_wait3A_275 = arith.constant 0 : i32
        %dma_wait3A_276 = tpu.memref_slice %arg5[%dma_wait3A_268, %dma_wait3A_275] : memref<6x128xi32, #tpu.memory_space<vmem>> -> memref<1x128xi32, #tpu.memory_space<vmem>>
        %dma_wait3A_277 = tpu.memref_squeeze %dma_wait3A_276 : memref<1x128xi32, #tpu.memory_space<vmem>> -> memref<128xi32, #tpu.memory_space<vmem>>
        %dma_wait3A_278 = arith.constant 0 : i32
        %dma_wait3A_279 = arith.constant 0 : i32
        %dma_wait3A_280 = tpu.memref_slice %arg2[%dma_wait3A_278, %dma_wait3A_279] : memref<20000x128xf32, #tpu.memory_space<hbm>> -> memref<20000x128xf32, #tpu.memory_space<hbm>>
        %dma_wait3A_281 = tpu.memref_slice %arg8[%dma_wait3A_270] : memref<6x!tpu.dma_semaphore, #tpu.memory_space<semaphore_mem>> -> memref<1x!tpu.dma_semaphore, #tpu.memory_space<semaphore_mem>>
        %dma_wait3A_282 = tpu.memref_squeeze %dma_wait3A_281 : memref<1x!tpu.dma_semaphore, #tpu.memory_space<semaphore_mem>> -> memref<!tpu.dma_semaphore, #tpu.memory_space<semaphore_mem>>
        tpu.wait_indirect_dma semaphore(%dma_wait3A_282 : memref<!tpu.dma_semaphore, #tpu.memory_space<semaphore_mem>>) src(%dma_wait3A_280 : memref<20000x128xf32, #tpu.memory_space<hbm>>) dst(%dma_wait3A_274 : memref<128x128xf32, #tpu.memory_space<vmem>>)
        %add3A_283 = arith.constant 6 : i32
        %add3A_284 = arith.addi %add3A_254, %add3A_283 : i32
        %lt3A_285 = arith.cmpi slt, %add3A_284, %add3A_9 : i32
        %convert_element_type3A_286 = arith.extui %lt3A_285 : i1 to i32
        %cond3A_287 = arith.constant 0 : i32
        %cond3A_288 = arith.cmpi ne, %convert_element_type3A_286, %cond3A_287 : i32
        scf.if %cond3A_288 {
          %mul3A_306 = arith.constant 128 : i32
          %mul3A_307 = arith.muli %add3A_284, %mul3A_306 : i32
          %dma_start3A_308 = arith.constant 4 : i32
          %dma_start3A_309 = arith.constant 4 : i32
          %dma_start3A_310 = arith.constant 0 : i32
          %dma_start3A_311 = tpu.memref_slice %arg5[%dma_start3A_308, %dma_start3A_310] : memref<6x128xi32, #tpu.memory_space<vmem>> -> memref<1x128xi32, #tpu.memory_space<vmem>>
          %dma_start3A_312 = tpu.memref_squeeze %dma_start3A_311 : memref<1x128xi32, #tpu.memory_space<vmem>> -> memref<128xi32, #tpu.memory_space<vmem>>
          %dma_start3A_313 = tpu.memref_slice %arg3[%mul3A_307] : memref<640000xi32, #tpu.memory_space<hbm>> -> memref<128xi32, #tpu.memory_space<hbm>>
          %dma_start3A_314 = tpu.memref_slice %arg7[%dma_start3A_309] : memref<6x!tpu.dma_semaphore, #tpu.memory_space<semaphore_mem>> -> memref<1x!tpu.dma_semaphore, #tpu.memory_space<semaphore_mem>>
          %dma_start3A_315 = tpu.memref_squeeze %dma_start3A_314 : memref<1x!tpu.dma_semaphore, #tpu.memory_space<semaphore_mem>> -> memref<!tpu.dma_semaphore, #tpu.memory_space<semaphore_mem>>
          %dma_start3A_316 = arith.constant 0 : i32
          %dma_start3A_317 = tpu.memref_slice %arg5[%dma_start3A_308, %dma_start3A_316] : memref<6x128xi32, #tpu.memory_space<vmem>> -> memref<1x128xi32, #tpu.memory_space<vmem>>
          %dma_start3A_318 = tpu.memref_squeeze %dma_start3A_317 : memref<1x128xi32, #tpu.memory_space<vmem>> -> memref<128xi32, #tpu.memory_space<vmem>>
          %dma_start3A_319 = tpu.memref_slice %arg3[%mul3A_307] : memref<640000xi32, #tpu.memory_space<hbm>> -> memref<128xi32, #tpu.memory_space<hbm>>
          tpu.enqueue_dma source(%dma_start3A_319 : memref<128xi32, #tpu.memory_space<hbm>>) target(%dma_start3A_318 : memref<128xi32, #tpu.memory_space<vmem>>) target_semaphore(%dma_start3A_315 : memref<!tpu.dma_semaphore, #tpu.memory_space<semaphore_mem>>)
        } else {
        }
        %mul3A_289 = arith.constant 128 : i32
        %mul3A_290 = arith.muli %add3A_254, %mul3A_289 : i32
        %dma_start3A = arith.constant 4 : i32
        %dma_start3A_291 = arith.constant 4 : i32
        %dma_start3A_292 = arith.constant 0 : i32
        %dma_start3A_293 = arith.constant 0 : i32
        %dma_start3A_294 = tpu.memref_slice %arg6[%dma_start3A, %dma_start3A_292, %dma_start3A_293] : memref<6x128x128xf32, #tpu.memory_space<vmem>> -> memref<1x128x128xf32, #tpu.memory_space<vmem>>
        %dma_start3A_295 = tpu.memref_squeeze %dma_start3A_294 : memref<1x128x128xf32, #tpu.memory_space<vmem>> -> memref<128x128xf32, #tpu.memory_space<vmem>>
        %dma_start3A_296 = arith.constant 0 : i32
        %dma_start3A_297 = tpu.memref_slice %arg4[%mul3A_290, %dma_start3A_296] : memref<640000x128xf32, #tpu.memory_space<hbm>> -> memref<128x128xf32, #tpu.memory_space<hbm>>
        %dma_start3A_298 = tpu.memref_slice %arg9[%dma_start3A_291] : memref<6x!tpu.dma_semaphore, #tpu.memory_space<semaphore_mem>> -> memref<1x!tpu.dma_semaphore, #tpu.memory_space<semaphore_mem>>
        %dma_start3A_299 = tpu.memref_squeeze %dma_start3A_298 : memref<1x!tpu.dma_semaphore, #tpu.memory_space<semaphore_mem>> -> memref<!tpu.dma_semaphore, #tpu.memory_space<semaphore_mem>>
        %dma_start3A_300 = arith.constant 0 : i32
        %dma_start3A_301 = tpu.memref_slice %arg4[%mul3A_290, %dma_start3A_300] : memref<640000x128xf32, #tpu.memory_space<hbm>> -> memref<128x128xf32, #tpu.memory_space<hbm>>
        %dma_start3A_302 = arith.constant 0 : i32
        %dma_start3A_303 = arith.constant 0 : i32
        %dma_start3A_304 = tpu.memref_slice %arg6[%dma_start3A, %dma_start3A_302, %dma_start3A_303] : memref<6x128x128xf32, #tpu.memory_space<vmem>> -> memref<1x128x128xf32, #tpu.memory_space<vmem>>
        %dma_start3A_305 = tpu.memref_squeeze %dma_start3A_304 : memref<1x128x128xf32, #tpu.memory_space<vmem>> -> memref<128x128xf32, #tpu.memory_space<vmem>>
        tpu.enqueue_dma source(%dma_start3A_305 : memref<128x128xf32, #tpu.memory_space<vmem>>) target(%dma_start3A_301 : memref<128x128xf32, #tpu.memory_space<hbm>>) target_semaphore(%dma_start3A_299 : memref<!tpu.dma_semaphore, #tpu.memory_space<semaphore_mem>>)
      } else {
      }
      %mul3A_259 = arith.constant 6 : i32
      %mul3A_260 = arith.muli %add3A_159, %mul3A_259 : i32
      %add3A_261 = arith.addi %add3A_4, %mul3A_260 : i32
      %add3A_262 = arith.constant 5 : i32
      %add3A_263 = arith.addi %add3A_261, %add3A_262 : i32
      %lt3A_264 = arith.cmpi slt, %add3A_263, %add3A_9 : i32
      %convert_element_type3A_265 = arith.extui %lt3A_264 : i1 to i32
      %cond3A_266 = arith.constant 0 : i32
      %cond3A_267 = arith.cmpi ne, %convert_element_type3A_265, %cond3A_266 : i32
      scf.if %cond3A_267 {
        %dma_wait3A_268 = arith.constant 5 : i32
        %dma_wait3A_269 = arith.constant 5 : i32
        %dma_wait3A_270 = arith.constant 5 : i32
        %dma_wait3A_271 = arith.constant 0 : i32
        %dma_wait3A_272 = arith.constant 0 : i32
        %dma_wait3A_273 = tpu.memref_slice %arg6[%dma_wait3A_269, %dma_wait3A_271, %dma_wait3A_272] : memref<6x128x128xf32, #tpu.memory_space<vmem>> -> memref<1x128x128xf32, #tpu.memory_space<vmem>>
        %dma_wait3A_274 = tpu.memref_squeeze %dma_wait3A_273 : memref<1x128x128xf32, #tpu.memory_space<vmem>> -> memref<128x128xf32, #tpu.memory_space<vmem>>
        %dma_wait3A_275 = arith.constant 0 : i32
        %dma_wait3A_276 = tpu.memref_slice %arg5[%dma_wait3A_268, %dma_wait3A_275] : memref<6x128xi32, #tpu.memory_space<vmem>> -> memref<1x128xi32, #tpu.memory_space<vmem>>
        %dma_wait3A_277 = tpu.memref_squeeze %dma_wait3A_276 : memref<1x128xi32, #tpu.memory_space<vmem>> -> memref<128xi32, #tpu.memory_space<vmem>>
        %dma_wait3A_278 = arith.constant 0 : i32
        %dma_wait3A_279 = arith.constant 0 : i32
        %dma_wait3A_280 = tpu.memref_slice %arg2[%dma_wait3A_278, %dma_wait3A_279] : memref<20000x128xf32, #tpu.memory_space<hbm>> -> memref<20000x128xf32, #tpu.memory_space<hbm>>
        %dma_wait3A_281 = tpu.memref_slice %arg8[%dma_wait3A_270] : memref<6x!tpu.dma_semaphore, #tpu.memory_space<semaphore_mem>> -> memref<1x!tpu.dma_semaphore, #tpu.memory_space<semaphore_mem>>
        %dma_wait3A_282 = tpu.memref_squeeze %dma_wait3A_281 : memref<1x!tpu.dma_semaphore, #tpu.memory_space<semaphore_mem>> -> memref<!tpu.dma_semaphore, #tpu.memory_space<semaphore_mem>>
        tpu.wait_indirect_dma semaphore(%dma_wait3A_282 : memref<!tpu.dma_semaphore, #tpu.memory_space<semaphore_mem>>) src(%dma_wait3A_280 : memref<20000x128xf32, #tpu.memory_space<hbm>>) dst(%dma_wait3A_274 : memref<128x128xf32, #tpu.memory_space<vmem>>)
        %add3A_283 = arith.constant 6 : i32
        %add3A_284 = arith.addi %add3A_263, %add3A_283 : i32
        %lt3A_285 = arith.cmpi slt, %add3A_284, %add3A_9 : i32
        %convert_element_type3A_286 = arith.extui %lt3A_285 : i1 to i32
        %cond3A_287 = arith.constant 0 : i32
        %cond3A_288 = arith.cmpi ne, %convert_element_type3A_286, %cond3A_287 : i32
        scf.if %cond3A_288 {
          %mul3A_306 = arith.constant 128 : i32
          %mul3A_307 = arith.muli %add3A_284, %mul3A_306 : i32
          %dma_start3A_308 = arith.constant 5 : i32
          %dma_start3A_309 = arith.constant 5 : i32
          %dma_start3A_310 = arith.constant 0 : i32
          %dma_start3A_311 = tpu.memref_slice %arg5[%dma_start3A_308, %dma_start3A_310] : memref<6x128xi32, #tpu.memory_space<vmem>> -> memref<1x128xi32, #tpu.memory_space<vmem>>
          %dma_start3A_312 = tpu.memref_squeeze %dma_start3A_311 : memref<1x128xi32, #tpu.memory_space<vmem>> -> memref<128xi32, #tpu.memory_space<vmem>>
          %dma_start3A_313 = tpu.memref_slice %arg3[%mul3A_307] : memref<640000xi32, #tpu.memory_space<hbm>> -> memref<128xi32, #tpu.memory_space<hbm>>
          %dma_start3A_314 = tpu.memref_slice %arg7[%dma_start3A_309] : memref<6x!tpu.dma_semaphore, #tpu.memory_space<semaphore_mem>> -> memref<1x!tpu.dma_semaphore, #tpu.memory_space<semaphore_mem>>
          %dma_start3A_315 = tpu.memref_squeeze %dma_start3A_314 : memref<1x!tpu.dma_semaphore, #tpu.memory_space<semaphore_mem>> -> memref<!tpu.dma_semaphore, #tpu.memory_space<semaphore_mem>>
          %dma_start3A_316 = arith.constant 0 : i32
          %dma_start3A_317 = tpu.memref_slice %arg5[%dma_start3A_308, %dma_start3A_316] : memref<6x128xi32, #tpu.memory_space<vmem>> -> memref<1x128xi32, #tpu.memory_space<vmem>>
          %dma_start3A_318 = tpu.memref_squeeze %dma_start3A_317 : memref<1x128xi32, #tpu.memory_space<vmem>> -> memref<128xi32, #tpu.memory_space<vmem>>
          %dma_start3A_319 = tpu.memref_slice %arg3[%mul3A_307] : memref<640000xi32, #tpu.memory_space<hbm>> -> memref<128xi32, #tpu.memory_space<hbm>>
          tpu.enqueue_dma source(%dma_start3A_319 : memref<128xi32, #tpu.memory_space<hbm>>) target(%dma_start3A_318 : memref<128xi32, #tpu.memory_space<vmem>>) target_semaphore(%dma_start3A_315 : memref<!tpu.dma_semaphore, #tpu.memory_space<semaphore_mem>>)
        } else {
        }
        %mul3A_289 = arith.constant 128 : i32
        %mul3A_290 = arith.muli %add3A_263, %mul3A_289 : i32
        %dma_start3A = arith.constant 5 : i32
        %dma_start3A_291 = arith.constant 5 : i32
        %dma_start3A_292 = arith.constant 0 : i32
        %dma_start3A_293 = arith.constant 0 : i32
        %dma_start3A_294 = tpu.memref_slice %arg6[%dma_start3A, %dma_start3A_292, %dma_start3A_293] : memref<6x128x128xf32, #tpu.memory_space<vmem>> -> memref<1x128x128xf32, #tpu.memory_space<vmem>>
        %dma_start3A_295 = tpu.memref_squeeze %dma_start3A_294 : memref<1x128x128xf32, #tpu.memory_space<vmem>> -> memref<128x128xf32, #tpu.memory_space<vmem>>
        %dma_start3A_296 = arith.constant 0 : i32
        %dma_start3A_297 = tpu.memref_slice %arg4[%mul3A_290, %dma_start3A_296] : memref<640000x128xf32, #tpu.memory_space<hbm>> -> memref<128x128xf32, #tpu.memory_space<hbm>>
        %dma_start3A_298 = tpu.memref_slice %arg9[%dma_start3A_291] : memref<6x!tpu.dma_semaphore, #tpu.memory_space<semaphore_mem>> -> memref<1x!tpu.dma_semaphore, #tpu.memory_space<semaphore_mem>>
        %dma_start3A_299 = tpu.memref_squeeze %dma_start3A_298 : memref<1x!tpu.dma_semaphore, #tpu.memory_space<semaphore_mem>> -> memref<!tpu.dma_semaphore, #tpu.memory_space<semaphore_mem>>
        %dma_start3A_300 = arith.constant 0 : i32
        %dma_start3A_301 = tpu.memref_slice %arg4[%mul3A_290, %dma_start3A_300] : memref<640000x128xf32, #tpu.memory_space<hbm>> -> memref<128x128xf32, #tpu.memory_space<hbm>>
        %dma_start3A_302 = arith.constant 0 : i32
        %dma_start3A_303 = arith.constant 0 : i32
        %dma_start3A_304 = tpu.memref_slice %arg6[%dma_start3A, %dma_start3A_302, %dma_start3A_303] : memref<6x128x128xf32, #tpu.memory_space<vmem>> -> memref<1x128x128xf32, #tpu.memory_space<vmem>>
        %dma_start3A_305 = tpu.memref_squeeze %dma_start3A_304 : memref<1x128x128xf32, #tpu.memory_space<vmem>> -> memref<128x128xf32, #tpu.memory_space<vmem>>
        tpu.enqueue_dma source(%dma_start3A_305 : memref<128x128xf32, #tpu.memory_space<vmem>>) target(%dma_start3A_301 : memref<128x128xf32, #tpu.memory_space<hbm>>) target_semaphore(%dma_start3A_299 : memref<!tpu.dma_semaphore, #tpu.memory_space<semaphore_mem>>)
      } else {
      }
    }
    %scan3A_47 = arith.constant 27 : i32
    %mul3A_48 = arith.constant 128 : i32
    %mul3A_49 = arith.muli %add3A_4, %mul3A_48 : i32
    %dma_wait3A = arith.constant 0 : i32
    %dma_wait3A_50 = arith.constant 0 : i32
    %dma_wait3A_51 = arith.constant 0 : i32
    %dma_wait3A_52 = arith.constant 0 : i32
    %dma_wait3A_53 = tpu.memref_slice %arg6[%dma_wait3A, %dma_wait3A_51, %dma_wait3A_52] : memref<6x128x128xf32, #tpu.memory_space<vmem>> -> memref<1x128x128xf32, #tpu.memory_space<vmem>>
    %dma_wait3A_54 = tpu.memref_squeeze %dma_wait3A_53 : memref<1x128x128xf32, #tpu.memory_space<vmem>> -> memref<128x128xf32, #tpu.memory_space<vmem>>
    %dma_wait3A_55 = arith.constant 0 : i32
    %dma_wait3A_56 = tpu.memref_slice %arg4[%mul3A_49, %dma_wait3A_55] : memref<640000x128xf32, #tpu.memory_space<hbm>> -> memref<128x128xf32, #tpu.memory_space<hbm>>
    %dma_wait3A_57 = tpu.memref_slice %arg9[%dma_wait3A_50] : memref<6x!tpu.dma_semaphore, #tpu.memory_space<semaphore_mem>> -> memref<1x!tpu.dma_semaphore, #tpu.memory_space<semaphore_mem>>
    %dma_wait3A_58 = tpu.memref_squeeze %dma_wait3A_57 : memref<1x!tpu.dma_semaphore, #tpu.memory_space<semaphore_mem>> -> memref<!tpu.dma_semaphore, #tpu.memory_space<semaphore_mem>>
    %dma_wait3A_59 = arith.constant 0 : i32
    %dma_wait3A_60 = tpu.memref_slice %arg4[%mul3A_49, %dma_wait3A_59] : memref<640000x128xf32, #tpu.memory_space<hbm>> -> memref<128x128xf32, #tpu.memory_space<hbm>>
    %dma_wait3A_61 = arith.constant 0 : i32
    %dma_wait3A_62 = arith.constant 0 : i32
    %dma_wait3A_63 = tpu.memref_slice %arg6[%dma_wait3A, %dma_wait3A_61, %dma_wait3A_62] : memref<6x128x128xf32, #tpu.memory_space<vmem>> -> memref<1x128x128xf32, #tpu.memory_space<vmem>>
    %dma_wait3A_64 = tpu.memref_squeeze %dma_wait3A_63 : memref<1x128x128xf32, #tpu.memory_space<vmem>> -> memref<128x128xf32, #tpu.memory_space<vmem>>
    tpu.wait_dma2 semaphore(%dma_wait3A_58 : memref<!tpu.dma_semaphore, #tpu.memory_space<semaphore_mem>>) src(%dma_wait3A_64 : memref<128x128xf32, #tpu.memory_space<vmem>>) dst(%dma_wait3A_60 : memref<128x128xf32, #tpu.memory_space<hbm>>)
    %mul3A_65 = arith.constant 128 : i32
    %mul3A_66 = arith.muli %add3A_4, %mul3A_65 : i32
    %dma_wait3A_67 = arith.constant 1 : i32
    %dma_wait3A_68 = arith.constant 1 : i32
    %dma_wait3A_69 = arith.constant 0 : i32
    %dma_wait3A_70 = arith.constant 0 : i32
    %dma_wait3A_71 = tpu.memref_slice %arg6[%dma_wait3A_67, %dma_wait3A_69, %dma_wait3A_70] : memref<6x128x128xf32, #tpu.memory_space<vmem>> -> memref<1x128x128xf32, #tpu.memory_space<vmem>>
    %dma_wait3A_72 = tpu.memref_squeeze %dma_wait3A_71 : memref<1x128x128xf32, #tpu.memory_space<vmem>> -> memref<128x128xf32, #tpu.memory_space<vmem>>
    %dma_wait3A_73 = arith.constant 0 : i32
    %dma_wait3A_74 = tpu.memref_slice %arg4[%mul3A_66, %dma_wait3A_73] : memref<640000x128xf32, #tpu.memory_space<hbm>> -> memref<128x128xf32, #tpu.memory_space<hbm>>
    %dma_wait3A_75 = tpu.memref_slice %arg9[%dma_wait3A_68] : memref<6x!tpu.dma_semaphore, #tpu.memory_space<semaphore_mem>> -> memref<1x!tpu.dma_semaphore, #tpu.memory_space<semaphore_mem>>
    %dma_wait3A_76 = tpu.memref_squeeze %dma_wait3A_75 : memref<1x!tpu.dma_semaphore, #tpu.memory_space<semaphore_mem>> -> memref<!tpu.dma_semaphore, #tpu.memory_space<semaphore_mem>>
    %dma_wait3A_77 = arith.constant 0 : i32
    %dma_wait3A_78 = tpu.memref_slice %arg4[%mul3A_66, %dma_wait3A_77] : memref<640000x128xf32, #tpu.memory_space<hbm>> -> memref<128x128xf32, #tpu.memory_space<hbm>>
    %dma_wait3A_79 = arith.constant 0 : i32
    %dma_wait3A_80 = arith.constant 0 : i32
    %dma_wait3A_81 = tpu.memref_slice %arg6[%dma_wait3A_67, %dma_wait3A_79, %dma_wait3A_80] : memref<6x128x128xf32, #tpu.memory_space<vmem>> -> memref<1x128x128xf32, #tpu.memory_space<vmem>>
    %dma_wait3A_82 = tpu.memref_squeeze %dma_wait3A_81 : memref<1x128x128xf32, #tpu.memory_space<vmem>> -> memref<128x128xf32, #tpu.memory_space<vmem>>
    tpu.wait_dma2 semaphore(%dma_wait3A_76 : memref<!tpu.dma_semaphore, #tpu.memory_space<semaphore_mem>>) src(%dma_wait3A_82 : memref<128x128xf32, #tpu.memory_space<vmem>>) dst(%dma_wait3A_78 : memref<128x128xf32, #tpu.memory_space<hbm>>)
    %mul3A_83 = arith.constant 128 : i32
    %mul3A_84 = arith.muli %add3A_4, %mul3A_83 : i32
    %dma_wait3A_85 = arith.constant 2 : i32
    %dma_wait3A_86 = arith.constant 2 : i32
    %dma_wait3A_87 = arith.constant 0 : i32
    %dma_wait3A_88 = arith.constant 0 : i32
    %dma_wait3A_89 = tpu.memref_slice %arg6[%dma_wait3A_85, %dma_wait3A_87, %dma_wait3A_88] : memref<6x128x128xf32, #tpu.memory_space<vmem>> -> memref<1x128x128xf32, #tpu.memory_space<vmem>>
    %dma_wait3A_90 = tpu.memref_squeeze %dma_wait3A_89 : memref<1x128x128xf32, #tpu.memory_space<vmem>> -> memref<128x128xf32, #tpu.memory_space<vmem>>
    %dma_wait3A_91 = arith.constant 0 : i32
    %dma_wait3A_92 = tpu.memref_slice %arg4[%mul3A_84, %dma_wait3A_91] : memref<640000x128xf32, #tpu.memory_space<hbm>> -> memref<128x128xf32, #tpu.memory_space<hbm>>
    %dma_wait3A_93 = tpu.memref_slice %arg9[%dma_wait3A_86] : memref<6x!tpu.dma_semaphore, #tpu.memory_space<semaphore_mem>> -> memref<1x!tpu.dma_semaphore, #tpu.memory_space<semaphore_mem>>
    %dma_wait3A_94 = tpu.memref_squeeze %dma_wait3A_93 : memref<1x!tpu.dma_semaphore, #tpu.memory_space<semaphore_mem>> -> memref<!tpu.dma_semaphore, #tpu.memory_space<semaphore_mem>>
    %dma_wait3A_95 = arith.constant 0 : i32
    %dma_wait3A_96 = tpu.memref_slice %arg4[%mul3A_84, %dma_wait3A_95] : memref<640000x128xf32, #tpu.memory_space<hbm>> -> memref<128x128xf32, #tpu.memory_space<hbm>>
    %dma_wait3A_97 = arith.constant 0 : i32
    %dma_wait3A_98 = arith.constant 0 : i32
    %dma_wait3A_99 = tpu.memref_slice %arg6[%dma_wait3A_85, %dma_wait3A_97, %dma_wait3A_98] : memref<6x128x128xf32, #tpu.memory_space<vmem>> -> memref<1x128x128xf32, #tpu.memory_space<vmem>>
    %dma_wait3A_100 = tpu.memref_squeeze %dma_wait3A_99 : memref<1x128x128xf32, #tpu.memory_space<vmem>> -> memref<128x128xf32, #tpu.memory_space<vmem>>
    tpu.wait_dma2 semaphore(%dma_wait3A_94 : memref<!tpu.dma_semaphore, #tpu.memory_space<semaphore_mem>>) src(%dma_wait3A_100 : memref<128x128xf32, #tpu.memory_space<vmem>>) dst(%dma_wait3A_96 : memref<128x128xf32, #tpu.memory_space<hbm>>)
    %mul3A_101 = arith.constant 128 : i32
    %mul3A_102 = arith.muli %add3A_4, %mul3A_101 : i32
    %dma_wait3A_103 = arith.constant 3 : i32
    %dma_wait3A_104 = arith.constant 3 : i32
    %dma_wait3A_105 = arith.constant 0 : i32
    %dma_wait3A_106 = arith.constant 0 : i32
    %dma_wait3A_107 = tpu.memref_slice %arg6[%dma_wait3A_103, %dma_wait3A_105, %dma_wait3A_106] : memref<6x128x128xf32, #tpu.memory_space<vmem>> -> memref<1x128x128xf32, #tpu.memory_space<vmem>>
    %dma_wait3A_108 = tpu.memref_squeeze %dma_wait3A_107 : memref<1x128x128xf32, #tpu.memory_space<vmem>> -> memref<128x128xf32, #tpu.memory_space<vmem>>
    %dma_wait3A_109 = arith.constant 0 : i32
    %dma_wait3A_110 = tpu.memref_slice %arg4[%mul3A_102, %dma_wait3A_109] : memref<640000x128xf32, #tpu.memory_space<hbm>> -> memref<128x128xf32, #tpu.memory_space<hbm>>
    %dma_wait3A_111 = tpu.memref_slice %arg9[%dma_wait3A_104] : memref<6x!tpu.dma_semaphore, #tpu.memory_space<semaphore_mem>> -> memref<1x!tpu.dma_semaphore, #tpu.memory_space<semaphore_mem>>
    %dma_wait3A_112 = tpu.memref_squeeze %dma_wait3A_111 : memref<1x!tpu.dma_semaphore, #tpu.memory_space<semaphore_mem>> -> memref<!tpu.dma_semaphore, #tpu.memory_space<semaphore_mem>>
    %dma_wait3A_113 = arith.constant 0 : i32
    %dma_wait3A_114 = tpu.memref_slice %arg4[%mul3A_102, %dma_wait3A_113] : memref<640000x128xf32, #tpu.memory_space<hbm>> -> memref<128x128xf32, #tpu.memory_space<hbm>>
    %dma_wait3A_115 = arith.constant 0 : i32
    %dma_wait3A_116 = arith.constant 0 : i32
    %dma_wait3A_117 = tpu.memref_slice %arg6[%dma_wait3A_103, %dma_wait3A_115, %dma_wait3A_116] : memref<6x128x128xf32, #tpu.memory_space<vmem>> -> memref<1x128x128xf32, #tpu.memory_space<vmem>>
    %dma_wait3A_118 = tpu.memref_squeeze %dma_wait3A_117 : memref<1x128x128xf32, #tpu.memory_space<vmem>> -> memref<128x128xf32, #tpu.memory_space<vmem>>
    tpu.wait_dma2 semaphore(%dma_wait3A_112 : memref<!tpu.dma_semaphore, #tpu.memory_space<semaphore_mem>>) src(%dma_wait3A_118 : memref<128x128xf32, #tpu.memory_space<vmem>>) dst(%dma_wait3A_114 : memref<128x128xf32, #tpu.memory_space<hbm>>)
    %mul3A_119 = arith.constant 128 : i32
    %mul3A_120 = arith.muli %add3A_4, %mul3A_119 : i32
    %dma_wait3A_121 = arith.constant 4 : i32
    %dma_wait3A_122 = arith.constant 4 : i32
    %dma_wait3A_123 = arith.constant 0 : i32
    %dma_wait3A_124 = arith.constant 0 : i32
    %dma_wait3A_125 = tpu.memref_slice %arg6[%dma_wait3A_121, %dma_wait3A_123, %dma_wait3A_124] : memref<6x128x128xf32, #tpu.memory_space<vmem>> -> memref<1x128x128xf32, #tpu.memory_space<vmem>>
    %dma_wait3A_126 = tpu.memref_squeeze %dma_wait3A_125 : memref<1x128x128xf32, #tpu.memory_space<vmem>> -> memref<128x128xf32, #tpu.memory_space<vmem>>
    %dma_wait3A_127 = arith.constant 0 : i32
    %dma_wait3A_128 = tpu.memref_slice %arg4[%mul3A_120, %dma_wait3A_127] : memref<640000x128xf32, #tpu.memory_space<hbm>> -> memref<128x128xf32, #tpu.memory_space<hbm>>
    %dma_wait3A_129 = tpu.memref_slice %arg9[%dma_wait3A_122] : memref<6x!tpu.dma_semaphore, #tpu.memory_space<semaphore_mem>> -> memref<1x!tpu.dma_semaphore, #tpu.memory_space<semaphore_mem>>
    %dma_wait3A_130 = tpu.memref_squeeze %dma_wait3A_129 : memref<1x!tpu.dma_semaphore, #tpu.memory_space<semaphore_mem>> -> memref<!tpu.dma_semaphore, #tpu.memory_space<semaphore_mem>>
    %dma_wait3A_131 = arith.constant 0 : i32
    %dma_wait3A_132 = tpu.memref_slice %arg4[%mul3A_120, %dma_wait3A_131] : memref<640000x128xf32, #tpu.memory_space<hbm>> -> memref<128x128xf32, #tpu.memory_space<hbm>>
    %dma_wait3A_133 = arith.constant 0 : i32
    %dma_wait3A_134 = arith.constant 0 : i32
    %dma_wait3A_135 = tpu.memref_slice %arg6[%dma_wait3A_121, %dma_wait3A_133, %dma_wait3A_134] : memref<6x128x128xf32, #tpu.memory_space<vmem>> -> memref<1x128x128xf32, #tpu.memory_space<vmem>>
    %dma_wait3A_136 = tpu.memref_squeeze %dma_wait3A_135 : memref<1x128x128xf32, #tpu.memory_space<vmem>> -> memref<128x128xf32, #tpu.memory_space<vmem>>
    tpu.wait_dma2 semaphore(%dma_wait3A_130 : memref<!tpu.dma_semaphore, #tpu.memory_space<semaphore_mem>>) src(%dma_wait3A_136 : memref<128x128xf32, #tpu.memory_space<vmem>>) dst(%dma_wait3A_132 : memref<128x128xf32, #tpu.memory_space<hbm>>)
    %mul3A_137 = arith.constant 128 : i32
    %mul3A_138 = arith.muli %add3A_4, %mul3A_137 : i32
    %dma_wait3A_139 = arith.constant 5 : i32
    %dma_wait3A_140 = arith.constant 5 : i32
    %dma_wait3A_141 = arith.constant 0 : i32
    %dma_wait3A_142 = arith.constant 0 : i32
    %dma_wait3A_143 = tpu.memref_slice %arg6[%dma_wait3A_139, %dma_wait3A_141, %dma_wait3A_142] : memref<6x128x128xf32, #tpu.memory_space<vmem>> -> memref<1x128x128xf32, #tpu.memory_space<vmem>>
    %dma_wait3A_144 = tpu.memref_squeeze %dma_wait3A_143 : memref<1x128x128xf32, #tpu.memory_space<vmem>> -> memref<128x128xf32, #tpu.memory_space<vmem>>
    %dma_wait3A_145 = arith.constant 0 : i32
    %dma_wait3A_146 = tpu.memref_slice %arg4[%mul3A_138, %dma_wait3A_145] : memref<640000x128xf32, #tpu.memory_space<hbm>> -> memref<128x128xf32, #tpu.memory_space<hbm>>
    %dma_wait3A_147 = tpu.memref_slice %arg9[%dma_wait3A_140] : memref<6x!tpu.dma_semaphore, #tpu.memory_space<semaphore_mem>> -> memref<1x!tpu.dma_semaphore, #tpu.memory_space<semaphore_mem>>
    %dma_wait3A_148 = tpu.memref_squeeze %dma_wait3A_147 : memref<1x!tpu.dma_semaphore, #tpu.memory_space<semaphore_mem>> -> memref<!tpu.dma_semaphore, #tpu.memory_space<semaphore_mem>>
    %dma_wait3A_149 = arith.constant 0 : i32
    %dma_wait3A_150 = tpu.memref_slice %arg4[%mul3A_138, %dma_wait3A_149] : memref<640000x128xf32, #tpu.memory_space<hbm>> -> memref<128x128xf32, #tpu.memory_space<hbm>>
    %dma_wait3A_151 = arith.constant 0 : i32
    %dma_wait3A_152 = arith.constant 0 : i32
    %dma_wait3A_153 = tpu.memref_slice %arg6[%dma_wait3A_139, %dma_wait3A_151, %dma_wait3A_152] : memref<6x128x128xf32, #tpu.memory_space<vmem>> -> memref<1x128x128xf32, #tpu.memory_space<vmem>>
    %dma_wait3A_154 = tpu.memref_squeeze %dma_wait3A_153 : memref<1x128x128xf32, #tpu.memory_space<vmem>> -> memref<128x128xf32, #tpu.memory_space<vmem>>
    tpu.wait_dma2 semaphore(%dma_wait3A_148 : memref<!tpu.dma_semaphore, #tpu.memory_space<semaphore_mem>>) src(%dma_wait3A_154 : memref<128x128xf32, #tpu.memory_space<vmem>>) dst(%dma_wait3A_150 : memref<128x128xf32, #tpu.memory_space<hbm>>)
    return
  }
}

module attributes {stable_mosaic.version = 14 : i64} {
  func.func @_k1_body(%arg0: i32, %arg1: memref<2000x128xf32, #tpu.memory_space<vmem>>, %arg2: memref<2000x128xf32, #tpu.memory_space<vmem>>) attributes {dimension_semantics = [#tpu.dimension_semantics<arbitrary>], iteration_bounds = array<i64: 10>, scalar_prefetch = 0 : i64, scratch_operands = 0 : i64, tpu.core_type = #tpu.core_type<tc>, window_params = [{transform_indices = @transform_0, window_bounds = array<i64: 2000, 128>}, {transform_indices = @transform_1, window_bounds = array<i64: 2000, 128>}]} {
    %get3A = arith.constant 0 : index
    %get3A_0 = arith.constant 0 : index
    %get3A_1 = vector.load %arg1[%get3A, %get3A_0] : memref<2000x128xf32, #tpu.memory_space<vmem>>, vector<2000x128xf32>
    %abs3A = math.absf %get3A_1 : vector<2000x128xf32>
    %sqrt3A = math.sqrt %abs3A : vector<2000x128xf32>
    %swap3A = arith.constant 0 : index
    %swap3A_2 = arith.constant 0 : index
    %swap3A_3 = vector.load %arg2[%swap3A, %swap3A_2] : memref<2000x128xf32, #tpu.memory_space<vmem>>, vector<2000x128xf32>
    tpu.vector_store %arg2[%swap3A, %swap3A_2], %sqrt3A {strides = array<i32>} : memref<2000x128xf32, #tpu.memory_space<vmem>>, vector<2000x128xf32>,
    return
  }
  func.func @transform_0(%arg0: i32) -> (i32, i32) {
    %c0_i32 = arith.constant 0 : i32
    %c0_i32_0 = arith.constant 0 : i32
    return %arg0, %c0_i32 : i32, i32
  }
  func.func @transform_1(%arg0: i32) -> (i32, i32) {
    %c0_i32 = arith.constant 0 : i32
    %c0_i32_0 = arith.constant 0 : i32
    return %arg0, %c0_i32 : i32, i32
  }
}

module attributes {stable_mosaic.version = 14 : i64} {
  func.func @_k3_body(%arg0: i32, %arg1: memref<6400x128xf32, #tpu.memory_space<vmem>>, %arg2: memref<1x400x16x16xf32, #tpu.memory_space<vmem>>, %arg3: memref<400x128xf32, #tpu.memory_space<vmem>>, %arg4: memref<128x128xf32, #tpu.memory_space<vmem>>, %arg5: memref<1x128xf32, #tpu.memory_space<vmem>>, %arg6: memref<1x400x128xf32, #tpu.memory_space<vmem>>) attributes {dimension_semantics = [#tpu.dimension_semantics<arbitrary>], iteration_bounds = array<i64: 50>, scalar_prefetch = 0 : i64, scratch_operands = 0 : i64, tpu.core_type = #tpu.core_type<tc>, window_params = [{transform_indices = @transform_0, window_bounds = array<i64: 6400, 128>}, {transform_indices = @transform_1, window_bounds = array<i64: 1, 400, 16, 16>}, {transform_indices = @transform_2, window_bounds = array<i64: 400, 128>}, {pipeline_mode = #tpu.pipeline_mode<synchronous>, transform_indices = @transform_3, window_bounds = array<i64: 128, 128>}, {pipeline_mode = #tpu.pipeline_mode<synchronous>, transform_indices = @transform_4, window_bounds = array<i64: 1, 128>}, {transform_indices = @transform_5, window_bounds = array<i64: 1, 400, 128>}]} {
    %get3A = arith.constant 0 : index
    %get3A_0 = arith.constant 0 : index
    %get3A_1 = vector.load %arg1[%get3A, %get3A_0] : memref<6400x128xf32, #tpu.memory_space<vmem>>, vector<6400x128xf32>
    %reshape3A = vector.shape_cast %get3A_1 : vector<6400x128xf32> to vector<400x16x128xf32>
    %get3A_2 = arith.constant 0 : index
    %get3A_3 = arith.constant 0 : index
    %get3A_4 = arith.constant 0 : index
    %get3A_5 = arith.constant 0 : index
    %get3A_6 = vector.load %arg2[%get3A_2, %get3A_3, %get3A_4, %get3A_5] : memref<1x400x16x16xf32, #tpu.memory_space<vmem>>, vector<1x400x16x16xf32>
    %reshape3A_7 = vector.shape_cast %get3A_6 : vector<1x400x16x16xf32> to vector<400x16x16xf32>
    %mul3A = arith.mulf %reshape3A_7, %reshape3A_7 : vector<400x16x16xf32>
    %reduce_sum3A = arith.constant dense<0.000000e+00> : vector<400x16xf32>
    %reduce_sum3A_8 = vector.multi_reduction <add>, %mul3A, %reduce_sum3A [2] : vector<400x16x16xf32> to vector<400x16xf32>
    %broadcast_in_dim3A = vector.shape_cast %reduce_sum3A_8 : vector<400x16xf32> to vector<400x16x1xf32>
    %div3A = arith.constant 1.000000e+00 : f32
    %div3A_9 = vector.broadcast %div3A : f32 to vector<400x16x1xf32>
    %div3A_10 = arith.divf %div3A_9, %broadcast_in_dim3A : vector<400x16x1xf32>
    %reduce_sum3A_11 = arith.constant dense<0.000000e+00> : vector<400x1xf32>
    %reduce_sum3A_12 = vector.multi_reduction <add>, %div3A_10, %reduce_sum3A_11 [1] : vector<400x16x1xf32> to vector<400x1xf32>
    %broadcast_in_dim3A_13 = vector.shape_cast %reduce_sum3A_12 : vector<400x1xf32> to vector<400x1x1xf32>
    %max3A = arith.constant 9.99999996E-13 : f32
    %max3A_14 = vector.broadcast %max3A : f32 to vector<400x1x1xf32>
    %max3A_15 = arith.maximumf %broadcast_in_dim3A_13, %max3A_14 : vector<400x1x1xf32>
    %div3A_16 = vector.broadcast %max3A_15 : vector<400x1x1xf32> to vector<400x16x1xf32>
    %div3A_17 = arith.divf %div3A_10, %div3A_16 : vector<400x16x1xf32>
    %mul3A_18 = vector.broadcast %div3A_17 : vector<400x16x1xf32> to vector<400x16x128xf32>
    %mul3A_19 = arith.mulf %reshape3A, %mul3A_18 : vector<400x16x128xf32>
    %reduce_sum3A_20 = arith.constant dense<0.000000e+00> : vector<400x128xf32>
    %reduce_sum3A_21 = vector.multi_reduction <add>, %mul3A_19, %reduce_sum3A_20 [1] : vector<400x16x128xf32> to vector<400x128xf32>
    %get3A_22 = arith.constant 0 : index
    %get3A_23 = arith.constant 0 : index
    %get3A_24 = vector.load %arg3[%get3A_22, %get3A_23] : memref<400x128xf32, #tpu.memory_space<vmem>>, vector<400x128xf32>
    %mul3A_25 = arith.mulf %get3A_24, %reduce_sum3A_21 : vector<400x128xf32>
    %get3A_26 = arith.constant 0 : index
    %get3A_27 = arith.constant 0 : index
    %get3A_28 = vector.load %arg4[%get3A_26, %get3A_27] : memref<128x128xf32, #tpu.memory_space<vmem>>, vector<128x128xf32>
    %dot_general3A = arith.constant dense<0.000000e+00> : vector<400x128xf32>
    %dot_general3A_29 = tpu.matmul %mul3A_25, %get3A_28, %dot_general3A {dimension_numbers = #tpu.dot_dimension_numbers<[1], [0], [0], [1], [0, 0, 1, 1], [], []>, transpose_lhs_hint = false} : vector<400x128xf32>, vector<128x128xf32>, vector<400x128xf32> -> vector<400x128xf32>
    %get3A_30 = arith.constant 0 : index
    %get3A_31 = arith.constant 0 : index
    %get3A_32 = vector.load %arg5[%get3A_30, %get3A_31] : memref<1x128xf32, #tpu.memory_space<vmem>>, vector<1x128xf32>
    %add3A = vector.broadcast %get3A_32 : vector<1x128xf32> to vector<400x128xf32>
    %add3A_33 = arith.addf %dot_general3A_29, %add3A : vector<400x128xf32>
    %max3A_34 = arith.constant 0.000000e+00 : f32
    %max3A_35 = vector.broadcast %max3A_34 : f32 to vector<400x128xf32>
    %max3A_36 = arith.maximumf %add3A_33, %max3A_35 : vector<400x128xf32>
    %reshape3A_37 = vector.shape_cast %max3A_36 : vector<400x128xf32> to vector<1x400x128xf32>
    %swap3A = arith.constant 0 : index
    %swap3A_38 = arith.constant 0 : index
    %swap3A_39 = arith.constant 0 : index
    %swap3A_40 = vector.load %arg6[%swap3A, %swap3A_38, %swap3A_39] : memref<1x400x128xf32, #tpu.memory_space<vmem>>, vector<1x400x128xf32>
    tpu.vector_store %arg6[%swap3A, %swap3A_38, %swap3A_39], %reshape3A_37 {strides = array<i32>} : memref<1x400x128xf32, #tpu.memory_space<vmem>>, vector<1x400x128xf32>,
    return
  }
  func.func @transform_0(%arg0: i32) -> (i32, i32) {
    %c0_i32 = arith.constant 0 : i32
    %c0_i32_0 = arith.constant 0 : i32
    return %arg0, %c0_i32 : i32, i32
  }
  func.func @transform_1(%arg0: i32) -> (i32, i32, i32, i32) {
    %jit3A = arith.constant 25 : i32
    %div3A = arith.divsi %arg0, %jit3A : i32
    %sign3A = arith.constant 0 : i32
    %sign3A_0 = arith.cmpi sgt, %arg0, %sign3A : i32
    %sign3A_1 = arith.extui %sign3A_0 : i1 to i32
    %sign3A_2 = arith.constant 0 : i32
    %sign3A_3 = arith.cmpi slt, %arg0, %sign3A_2 : i32
    %sign3A_4 = arith.extui %sign3A_3 : i1 to i32
    %sign3A_5 = arith.subi %sign3A_1, %sign3A_4 : i32
    %sign3A_6 = arith.constant 0 : i32
    %sign3A_7 = arith.cmpi sgt, %jit3A, %sign3A_6 : i32
    %sign3A_8 = arith.extui %sign3A_7 : i1 to i32
    %sign3A_9 = arith.constant 0 : i32
    %sign3A_10 = arith.cmpi slt, %jit3A, %sign3A_9 : i32
    %sign3A_11 = arith.extui %sign3A_10 : i1 to i32
    %sign3A_12 = arith.subi %sign3A_8, %sign3A_11 : i32
    %ne3A = arith.cmpi ne, %sign3A_5, %sign3A_12 : i32
    %rem3A = arith.remsi %arg0, %jit3A : i32
    %ne3A_13 = arith.constant 0 : i32
    %ne3A_14 = arith.cmpi ne, %rem3A, %ne3A_13 : i32
    %and3A = arith.andi %ne3A, %ne3A_14 : i1
    %sub3A = arith.constant 1 : i32
    %sub3A_15 = arith.subi %div3A, %sub3A : i32
    %select_n3A = arith.select %and3A, %sub3A_15, %div3A : i32
    %jit3A_16 = arith.constant 25 : i32
    %eq3A = arith.constant 0 : i32
    %eq3A_17 = arith.cmpi eq, %jit3A_16, %eq3A : i32
    %jit3A_18 = arith.constant 1 : i32
    %select_n3A_19 = arith.select %eq3A_17, %jit3A_18, %jit3A_16 : i32
    %rem3A_20 = arith.remsi %arg0, %select_n3A_19 : i32
    %ne3A_21 = arith.constant 0 : i32
    %ne3A_22 = arith.cmpi ne, %rem3A_20, %ne3A_21 : i32
    %lt3A = arith.constant 0 : i32
    %lt3A_23 = arith.cmpi slt, %rem3A_20, %lt3A : i32
    %lt3A_24 = arith.constant 0 : i32
    %lt3A_25 = arith.cmpi slt, %select_n3A_19, %lt3A_24 : i32
    %ne3A_26 = arith.xori %lt3A_23, %lt3A_25 : i1
    %and3A_27 = arith.andi %ne3A_26, %ne3A_22 : i1
    %add3A = arith.addi %rem3A_20, %select_n3A_19 : i32
    %select_n3A_28 = arith.select %and3A_27, %add3A, %rem3A_20 : i32
    %c0_i32 = arith.constant 0 : i32
    %c0_i32_29 = arith.constant 0 : i32
    %c0_i32_30 = arith.constant 0 : i32
    return %select_n3A, %select_n3A_28, %c0_i32, %c0_i32_29 : i32, i32, i32, i32
  }
  func.func @transform_2(%arg0: i32) -> (i32, i32) {
    %c0_i32 = arith.constant 0 : i32
    %c0_i32_0 = arith.constant 0 : i32
    return %arg0, %c0_i32 : i32, i32
  }
  func.func @transform_3(%arg0: i32) -> (i32, i32) {
    %c0_i32 = arith.constant 0 : i32
    %c0_i32_0 = arith.constant 0 : i32
    %c0_i32_1 = arith.constant 0 : i32
    return %c0_i32, %c0_i32_0 : i32, i32
  }
  func.func @transform_4(%arg0: i32) -> (i32, i32) {
    %c0_i32 = arith.constant 0 : i32
    %c0_i32_0 = arith.constant 0 : i32
    %c0_i32_1 = arith.constant 0 : i32
    return %c0_i32, %c0_i32_0 : i32, i32
  }
  func.func @transform_5(%arg0: i32) -> (i32, i32, i32) {
    %jit3A = arith.constant 25 : i32
    %div3A = arith.divsi %arg0, %jit3A : i32
    %sign3A = arith.constant 0 : i32
    %sign3A_0 = arith.cmpi sgt, %arg0, %sign3A : i32
    %sign3A_1 = arith.extui %sign3A_0 : i1 to i32
    %sign3A_2 = arith.constant 0 : i32
    %sign3A_3 = arith.cmpi slt, %arg0, %sign3A_2 : i32
    %sign3A_4 = arith.extui %sign3A_3 : i1 to i32
    %sign3A_5 = arith.subi %sign3A_1, %sign3A_4 : i32
    %sign3A_6 = arith.constant 0 : i32
    %sign3A_7 = arith.cmpi sgt, %jit3A, %sign3A_6 : i32
    %sign3A_8 = arith.extui %sign3A_7 : i1 to i32
    %sign3A_9 = arith.constant 0 : i32
    %sign3A_10 = arith.cmpi slt, %jit3A, %sign3A_9 : i32
    %sign3A_11 = arith.extui %sign3A_10 : i1 to i32
    %sign3A_12 = arith.subi %sign3A_8, %sign3A_11 : i32
    %ne3A = arith.cmpi ne, %sign3A_5, %sign3A_12 : i32
    %rem3A = arith.remsi %arg0, %jit3A : i32
    %ne3A_13 = arith.constant 0 : i32
    %ne3A_14 = arith.cmpi ne, %rem3A, %ne3A_13 : i32
    %and3A = arith.andi %ne3A, %ne3A_14 : i1
    %sub3A = arith.constant 1 : i32
    %sub3A_15 = arith.subi %div3A, %sub3A : i32
    %select_n3A = arith.select %and3A, %sub3A_15, %div3A : i32
    %jit3A_16 = arith.constant 25 : i32
    %eq3A = arith.constant 0 : i32
    %eq3A_17 = arith.cmpi eq, %jit3A_16, %eq3A : i32
    %jit3A_18 = arith.constant 1 : i32
    %select_n3A_19 = arith.select %eq3A_17, %jit3A_18, %jit3A_16 : i32
    %rem3A_20 = arith.remsi %arg0, %select_n3A_19 : i32
    %ne3A_21 = arith.constant 0 : i32
    %ne3A_22 = arith.cmpi ne, %rem3A_20, %ne3A_21 : i32
    %lt3A = arith.constant 0 : i32
    %lt3A_23 = arith.cmpi slt, %rem3A_20, %lt3A : i32
    %lt3A_24 = arith.constant 0 : i32
    %lt3A_25 = arith.cmpi slt, %select_n3A_19, %lt3A_24 : i32
    %ne3A_26 = arith.xori %lt3A_23, %lt3A_25 : i1
    %and3A_27 = arith.andi %ne3A_26, %ne3A_22 : i1
    %add3A = arith.addi %rem3A_20, %select_n3A_19 : i32
    %select_n3A_28 = arith.select %and3A_27, %add3A, %rem3A_20 : i32
    %c0_i32 = arith.constant 0 : i32
    %c0_i32_29 = arith.constant 0 : i32
    return %select_n3A, %select_n3A_28, %c0_i32 : i32, i32, i32
  }
}

module attributes {stable_mosaic.version = 14 : i64} {
  func.func @_k46_body(%arg0: i32, %arg1: i32, %arg2: memref<1x125x16x16xf32, #tpu.memory_space<vmem>>, %arg3: memref<2000x128xf32, #tpu.memory_space<vmem>>, %arg4: memref<2000x128xf32, #tpu.memory_space<vmem>>, %arg5: memref<128x16xf32, #tpu.memory_space<vmem>>, %arg6: memref<128x16xf32, #tpu.memory_space<vmem>>, %arg7: memref<16x16xf32, #tpu.memory_space<vmem>>, %arg8: memref<1x16xf32, #tpu.memory_space<vmem>>, %arg9: memref<1x16xf32, #tpu.memory_space<vmem>>, %arg10: memref<1x125x16x16xf32, #tpu.memory_space<vmem>>, %arg11: memref<4x128xf32, #tpu.memory_space<vmem>>) attributes {dimension_semantics = [#tpu.dimension_semantics<arbitrary>, #tpu.dimension_semantics<arbitrary>], iteration_bounds = array<i64: 2, 160>, scalar_prefetch = 0 : i64, scratch_operands = 1 : i64, tpu.core_type = #tpu.core_type<tc>, window_params = [{transform_indices = @transform_0, window_bounds = array<i64: 1, 125, 16, 16>}, {transform_indices = @transform_1, window_bounds = array<i64: 2000, 128>}, {transform_indices = @transform_2, window_bounds = array<i64: 2000, 128>}, {pipeline_mode = #tpu.pipeline_mode<synchronous>, transform_indices = @transform_3, window_bounds = array<i64: 128, 16>}, {pipeline_mode = #tpu.pipeline_mode<synchronous>, transform_indices = @transform_4, window_bounds = array<i64: 128, 16>}, {pipeline_mode = #tpu.pipeline_mode<synchronous>, transform_indices = @transform_5, window_bounds = array<i64: 16, 16>}, {pipeline_mode = #tpu.pipeline_mode<synchronous>, transform_indices = @transform_6, window_bounds = array<i64: 1, 16>}, {pipeline_mode = #tpu.pipeline_mode<synchronous>, transform_indices = @transform_7, window_bounds = array<i64: 1, 16>}, {transform_indices = @transform_8, window_bounds = array<i64: 1, 125, 16, 16>}]} {
    %jit3A = arith.constant 80 : i32
    %div3A = arith.divsi %arg1, %jit3A : i32
    %sign3A = arith.constant 0 : i32
    %sign3A_0 = arith.cmpi sgt, %arg1, %sign3A : i32
    %sign3A_1 = arith.extui %sign3A_0 : i1 to i32
    %sign3A_2 = arith.constant 0 : i32
    %sign3A_3 = arith.cmpi slt, %arg1, %sign3A_2 : i32
    %sign3A_4 = arith.extui %sign3A_3 : i1 to i32
    %sign3A_5 = arith.subi %sign3A_1, %sign3A_4 : i32
    %sign3A_6 = arith.constant 0 : i32
    %sign3A_7 = arith.cmpi sgt, %jit3A, %sign3A_6 : i32
    %sign3A_8 = arith.extui %sign3A_7 : i1 to i32
    %sign3A_9 = arith.constant 0 : i32
    %sign3A_10 = arith.cmpi slt, %jit3A, %sign3A_9 : i32
    %sign3A_11 = arith.extui %sign3A_10 : i1 to i32
    %sign3A_12 = arith.subi %sign3A_8, %sign3A_11 : i32
    %ne3A = arith.cmpi ne, %sign3A_5, %sign3A_12 : i32
    %rem3A = arith.remsi %arg1, %jit3A : i32
    %ne3A_13 = arith.constant 0 : i32
    %ne3A_14 = arith.cmpi ne, %rem3A, %ne3A_13 : i32
    %and3A = arith.andi %ne3A, %ne3A_14 : i1
    %sub3A = arith.constant 1 : i32
    %sub3A_15 = arith.subi %div3A, %sub3A : i32
    %select_n3A = arith.select %and3A, %sub3A_15, %div3A : i32
    %eq3A = arith.constant 0 : i32
    %eq3A_16 = arith.cmpi eq, %arg0, %eq3A : i32
    %convert_element_type3A = arith.extui %eq3A_16 : i1 to i32
    %cond3A = arith.constant 0 : i32
    %cond3A_17 = arith.cmpi ne, %convert_element_type3A, %cond3A : i32
    scf.if %cond3A_17 {
      %eq3A_23 = arith.constant 0 : i32
      %eq3A_24 = arith.cmpi eq, %arg1, %eq3A_23 : i32
      %convert_element_type3A_25 = arith.extui %eq3A_24 : i1 to i32
      %cond3A_26 = arith.constant 0 : i32
      %cond3A_27 = arith.cmpi ne, %convert_element_type3A_25, %cond3A_26 : i32
      scf.if %cond3A_27 {
        %broadcast_in_dim3A_54 = arith.constant 0.000000e+00 : f32
        %broadcast_in_dim3A_55 = vector.broadcast %broadcast_in_dim3A_54 : f32 to vector<4x128xf32>
        %swap3A_56 = arith.constant 0 : index
        %swap3A_57 = arith.constant 0 : index
        %swap3A_58 = vector.load %arg11[%swap3A_56, %swap3A_57] : memref<4x128xf32, #tpu.memory_space<vmem>>, vector<4x128xf32>
        tpu.vector_store %arg11[%swap3A_56, %swap3A_57], %broadcast_in_dim3A_55 {strides = array<i32>} : memref<4x128xf32, #tpu.memory_space<vmem>>, vector<4x128xf32>,
      } else {
      }
      %get3A = arith.constant 0 : index
      %get3A_28 = arith.constant 0 : index
      %get3A_29 = vector.load %arg3[%get3A, %get3A_28] : memref<2000x128xf32, #tpu.memory_space<vmem>>, vector<2000x128xf32>
      %reduce_sum3A = arith.constant dense<0.000000e+00> : vector<128xf32>
      %reduce_sum3A_30 = vector.multi_reduction <add>, %get3A_29, %reduce_sum3A [0] : vector<2000x128xf32> to vector<128xf32>
      %broadcast_in_dim3A = vector.shape_cast %reduce_sum3A_30 : vector<128xf32> to vector<1x128xf32>
      %get3A_31 = arith.constant 0 : index
      %get3A_32 = arith.constant 0 : index
      %get3A_33 = vector.load %arg4[%get3A_31, %get3A_32] : memref<2000x128xf32, #tpu.memory_space<vmem>>, vector<2000x128xf32>
      %reduce_sum3A_34 = arith.constant dense<0.000000e+00> : vector<128xf32>
      %reduce_sum3A_35 = vector.multi_reduction <add>, %get3A_33, %reduce_sum3A_34 [0] : vector<2000x128xf32> to vector<128xf32>
      %broadcast_in_dim3A_36 = vector.shape_cast %reduce_sum3A_35 : vector<128xf32> to vector<1x128xf32>
      %mul3A = arith.constant 2 : i32
      %mul3A_37 = arith.muli %mul3A, %select_n3A : i32
      %get3A_38 = arith.index_cast %mul3A_37 : i32 to index
      %get3A_39 = arith.constant 0 : index
      %get3A_40 = vector.load %arg11[%get3A_38, %get3A_39] : memref<4x128xf32, #tpu.memory_space<vmem>>, vector<1x128xf32>
      %add3A = arith.addf %get3A_40, %broadcast_in_dim3A : vector<1x128xf32>
      %swap3A = arith.index_cast %mul3A_37 : i32 to index
      %swap3A_41 = arith.constant 0 : index
      %swap3A_42 = vector.load %arg11[%swap3A, %swap3A_41] : memref<4x128xf32, #tpu.memory_space<vmem>>, vector<1x128xf32>
      tpu.vector_store %arg11[%swap3A, %swap3A_41], %add3A {strides = array<i32>} : memref<4x128xf32, #tpu.memory_space<vmem>>, vector<1x128xf32>,
      %mul3A_43 = arith.constant 2 : i32
      %mul3A_44 = arith.muli %mul3A_43, %select_n3A : i32
      %add3A_45 = arith.constant 1 : i32
      %add3A_46 = arith.addi %mul3A_44, %add3A_45 : i32
      %get3A_47 = arith.index_cast %add3A_46 : i32 to index
      %get3A_48 = arith.constant 0 : index
      %get3A_49 = vector.load %arg11[%get3A_47, %get3A_48] : memref<4x128xf32, #tpu.memory_space<vmem>>, vector<1x128xf32>
      %add3A_50 = arith.addf %get3A_49, %broadcast_in_dim3A_36 : vector<1x128xf32>
      %swap3A_51 = arith.index_cast %add3A_46 : i32 to index
      %swap3A_52 = arith.constant 0 : index
      %swap3A_53 = vector.load %arg11[%swap3A_51, %swap3A_52] : memref<4x128xf32, #tpu.memory_space<vmem>>, vector<1x128xf32>
      tpu.vector_store %arg11[%swap3A_51, %swap3A_52], %add3A_50 {strides = array<i32>} : memref<4x128xf32, #tpu.memory_space<vmem>>, vector<1x128xf32>,
    } else {
    }
    %eq3A_18 = arith.constant 1 : i32
    %eq3A_19 = arith.cmpi eq, %arg0, %eq3A_18 : i32
    %convert_element_type3A_20 = arith.extui %eq3A_19 : i1 to i32
    %cond3A_21 = arith.constant 0 : i32
    %cond3A_22 = arith.cmpi ne, %convert_element_type3A_20, %cond3A_21 : i32
    scf.if %cond3A_22 {
      %mul3A = arith.constant 2 : i32
      %mul3A_23 = arith.muli %mul3A, %select_n3A : i32
      %get3A = arith.index_cast %mul3A_23 : i32 to index
      %get3A_24 = arith.constant 0 : index
      %get3A_25 = vector.load %arg11[%get3A, %get3A_24] : memref<4x128xf32, #tpu.memory_space<vmem>>, vector<1x128xf32>
      %mul3A_26 = arith.constant 2 : i32
      %mul3A_27 = arith.muli %mul3A_26, %select_n3A : i32
      %add3A = arith.constant 1 : i32
      %add3A_28 = arith.addi %mul3A_27, %add3A : i32
      %get3A_29 = arith.index_cast %add3A_28 : i32 to index
      %get3A_30 = arith.constant 0 : index
      %get3A_31 = vector.load %arg11[%get3A_29, %get3A_30] : memref<4x128xf32, #tpu.memory_space<vmem>>, vector<1x128xf32>
      %max3A = arith.constant 9.99999996E-13 : f32
      %max3A_32 = vector.broadcast %max3A : f32 to vector<1x128xf32>
      %max3A_33 = arith.maximumf %get3A_25, %max3A_32 : vector<1x128xf32>
      %div3A_34 = arith.constant 1.000000e+00 : f32
      %div3A_35 = vector.broadcast %div3A_34 : f32 to vector<1x128xf32>
      %div3A_36 = arith.divf %div3A_35, %max3A_33 : vector<1x128xf32>
      %max3A_37 = arith.constant 9.99999996E-13 : f32
      %max3A_38 = vector.broadcast %max3A_37 : f32 to vector<1x128xf32>
      %max3A_39 = arith.maximumf %get3A_31, %max3A_38 : vector<1x128xf32>
      %div3A_40 = arith.constant 1.000000e+00 : f32
      %div3A_41 = vector.broadcast %div3A_40 : f32 to vector<1x128xf32>
      %div3A_42 = arith.divf %div3A_41, %max3A_39 : vector<1x128xf32>
      %get3A_43 = arith.constant 0 : index
      %get3A_44 = arith.constant 0 : index
      %get3A_45 = vector.load %arg3[%get3A_43, %get3A_44] : memref<2000x128xf32, #tpu.memory_space<vmem>>, vector<2000x128xf32>
      %mul3A_46 = vector.broadcast %div3A_36 : vector<1x128xf32> to vector<2000x128xf32>
      %mul3A_47 = arith.mulf %get3A_45, %mul3A_46 : vector<2000x128xf32>
      %get3A_48 = arith.constant 0 : index
      %get3A_49 = arith.constant 0 : index
      %get3A_50 = vector.load %arg5[%get3A_48, %get3A_49] : memref<128x16xf32, #tpu.memory_space<vmem>>, vector<128x16xf32>
      %dot_general3A = arith.constant dense<0.000000e+00> : vector<2000x16xf32>
      %dot_general3A_51 = tpu.matmul %mul3A_47, %get3A_50, %dot_general3A {dimension_numbers = #tpu.dot_dimension_numbers<[1], [0], [0], [1], [0, 0, 1, 1], [], []>, transpose_lhs_hint = false} : vector<2000x128xf32>, vector<128x16xf32>, vector<2000x16xf32> -> vector<2000x16xf32>
      %get3A_52 = arith.constant 0 : index
      %get3A_53 = arith.constant 0 : index
      %get3A_54 = vector.load %arg4[%get3A_52, %get3A_53] : memref<2000x128xf32, #tpu.memory_space<vmem>>, vector<2000x128xf32>
      %mul3A_55 = vector.broadcast %div3A_42 : vector<1x128xf32> to vector<2000x128xf32>
      %mul3A_56 = arith.mulf %get3A_54, %mul3A_55 : vector<2000x128xf32>
      %get3A_57 = arith.constant 0 : index
      %get3A_58 = arith.constant 0 : index
      %get3A_59 = vector.load %arg6[%get3A_57, %get3A_58] : memref<128x16xf32, #tpu.memory_space<vmem>>, vector<128x16xf32>
      %dot_general3A_60 = arith.constant dense<0.000000e+00> : vector<2000x16xf32>
      %dot_general3A_61 = tpu.matmul %mul3A_56, %get3A_59, %dot_general3A_60 {dimension_numbers = #tpu.dot_dimension_numbers<[1], [0], [0], [1], [0, 0, 1, 1], [], []>, transpose_lhs_hint = false} : vector<2000x128xf32>, vector<128x16xf32>, vector<2000x16xf32> -> vector<2000x16xf32>
      %add3A_62 = arith.addf %dot_general3A_51, %dot_general3A_61 : vector<2000x16xf32>
      %get3A_63 = arith.constant 0 : index
      %get3A_64 = arith.constant 0 : index
      %get3A_65 = vector.load %arg8[%get3A_63, %get3A_64] : memref<1x16xf32, #tpu.memory_space<vmem>>, vector<1x16xf32>
      %add3A_66 = vector.broadcast %get3A_65 : vector<1x16xf32> to vector<2000x16xf32>
      %add3A_67 = arith.addf %add3A_62, %add3A_66 : vector<2000x16xf32>
      %tanh3A = math.tanh %add3A_67 : vector<2000x16xf32>
      %get3A_68 = arith.constant 0 : index
      %get3A_69 = arith.constant 0 : index
      %get3A_70 = arith.constant 0 : index
      %get3A_71 = arith.constant 0 : index
      %get3A_72 = vector.load %arg2[%get3A_68, %get3A_69, %get3A_70, %get3A_71] : memref<1x125x16x16xf32, #tpu.memory_space<vmem>>, vector<1x125x16x16xf32>
      %reshape3A = vector.shape_cast %get3A_72 : vector<1x125x16x16xf32> to vector<2000x16xf32>
      %add3A_73 = arith.addf %reshape3A, %tanh3A : vector<2000x16xf32>
      %get3A_74 = arith.constant 0 : index
      %get3A_75 = arith.constant 0 : index
      %get3A_76 = vector.load %arg7[%get3A_74, %get3A_75] : memref<16x16xf32, #tpu.memory_space<vmem>>, vector<16x16xf32>
      %dot_general3A_77 = arith.constant dense<0.000000e+00> : vector<2000x16xf32>
      %dot_general3A_78 = tpu.matmul %add3A_73, %get3A_76, %dot_general3A_77 {dimension_numbers = #tpu.dot_dimension_numbers<[1], [0], [0], [1], [0, 0, 1, 1], [], []>, transpose_lhs_hint = false} : vector<2000x16xf32>, vector<16x16xf32>, vector<2000x16xf32> -> vector<2000x16xf32>
      %get3A_79 = arith.constant 0 : index
      %get3A_80 = arith.constant 0 : index
      %get3A_81 = vector.load %arg9[%get3A_79, %get3A_80] : memref<1x16xf32, #tpu.memory_space<vmem>>, vector<1x16xf32>
      %add3A_82 = vector.broadcast %get3A_81 : vector<1x16xf32> to vector<2000x16xf32>
      %add3A_83 = arith.addf %dot_general3A_78, %add3A_82 : vector<2000x16xf32>
      %reshape3A_84 = vector.shape_cast %add3A_83 : vector<2000x16xf32> to vector<1x125x16x16xf32>
      %swap3A = arith.constant 0 : index
      %swap3A_85 = arith.constant 0 : index
      %swap3A_86 = arith.constant 0 : index
      %swap3A_87 = arith.constant 0 : index
      %swap3A_88 = vector.load %arg10[%swap3A, %swap3A_85, %swap3A_86, %swap3A_87] : memref<1x125x16x16xf32, #tpu.memory_space<vmem>>, vector<1x125x16x16xf32>
      tpu.vector_store %arg10[%swap3A, %swap3A_85, %swap3A_86, %swap3A_87], %reshape3A_84 {strides = array<i32>} : memref<1x125x16x16xf32, #tpu.memory_space<vmem>>, vector<1x125x16x16xf32>,
    } else {
    }
    return
  }
  func.func @transform_0(%arg0: i32, %arg1: i32) -> (i32, i32, i32, i32) {
    %jit3A = arith.constant 80 : i32
    %div3A = arith.divsi %arg1, %jit3A : i32
    %sign3A = arith.constant 0 : i32
    %sign3A_0 = arith.cmpi sgt, %arg1, %sign3A : i32
    %sign3A_1 = arith.extui %sign3A_0 : i1 to i32
    %sign3A_2 = arith.constant 0 : i32
    %sign3A_3 = arith.cmpi slt, %arg1, %sign3A_2 : i32
    %sign3A_4 = arith.extui %sign3A_3 : i1 to i32
    %sign3A_5 = arith.subi %sign3A_1, %sign3A_4 : i32
    %sign3A_6 = arith.constant 0 : i32
    %sign3A_7 = arith.cmpi sgt, %jit3A, %sign3A_6 : i32
    %sign3A_8 = arith.extui %sign3A_7 : i1 to i32
    %sign3A_9 = arith.constant 0 : i32
    %sign3A_10 = arith.cmpi slt, %jit3A, %sign3A_9 : i32
    %sign3A_11 = arith.extui %sign3A_10 : i1 to i32
    %sign3A_12 = arith.subi %sign3A_8, %sign3A_11 : i32
    %ne3A = arith.cmpi ne, %sign3A_5, %sign3A_12 : i32
    %rem3A = arith.remsi %arg1, %jit3A : i32
    %ne3A_13 = arith.constant 0 : i32
    %ne3A_14 = arith.cmpi ne, %rem3A, %ne3A_13 : i32
    %and3A = arith.andi %ne3A, %ne3A_14 : i1
    %sub3A = arith.constant 1 : i32
    %sub3A_15 = arith.subi %div3A, %sub3A : i32
    %select_n3A = arith.select %and3A, %sub3A_15, %div3A : i32
    %jit3A_16 = arith.constant 80 : i32
    %eq3A = arith.constant 0 : i32
    %eq3A_17 = arith.cmpi eq, %jit3A_16, %eq3A : i32
    %jit3A_18 = arith.constant 1 : i32
    %select_n3A_19 = arith.select %eq3A_17, %jit3A_18, %jit3A_16 : i32
    %rem3A_20 = arith.remsi %arg1, %select_n3A_19 : i32
    %ne3A_21 = arith.constant 0 : i32
    %ne3A_22 = arith.cmpi ne, %rem3A_20, %ne3A_21 : i32
    %lt3A = arith.constant 0 : i32
    %lt3A_23 = arith.cmpi slt, %rem3A_20, %lt3A : i32
    %lt3A_24 = arith.constant 0 : i32
    %lt3A_25 = arith.cmpi slt, %select_n3A_19, %lt3A_24 : i32
    %ne3A_26 = arith.xori %lt3A_23, %lt3A_25 : i1
    %and3A_27 = arith.andi %ne3A_26, %ne3A_22 : i1
    %add3A = arith.addi %rem3A_20, %select_n3A_19 : i32
    %select_n3A_28 = arith.select %and3A_27, %add3A, %rem3A_20 : i32
    %c0_i32 = arith.constant 0 : i32
    %c0_i32_29 = arith.constant 0 : i32
    %c0_i32_30 = arith.constant 0 : i32
    return %select_n3A, %select_n3A_28, %c0_i32, %c0_i32_29 : i32, i32, i32, i32
  }
  func.func @transform_1(%arg0: i32, %arg1: i32) -> (i32, i32) {
    %c0_i32 = arith.constant 0 : i32
    %c0_i32_0 = arith.constant 0 : i32
    return %arg1, %c0_i32 : i32, i32
  }
  func.func @transform_2(%arg0: i32, %arg1: i32) -> (i32, i32) {
    %add3A = arith.constant 160 : i32
    %add3A_0 = arith.addi %arg1, %add3A : i32
    %c0_i32 = arith.constant 0 : i32
    %c0_i32_1 = arith.constant 0 : i32
    return %add3A_0, %c0_i32 : i32, i32
  }
  func.func @transform_3(%arg0: i32, %arg1: i32) -> (i32, i32) {
    %c0_i32 = arith.constant 0 : i32
    %c0_i32_0 = arith.constant 0 : i32
    %c0_i32_1 = arith.constant 0 : i32
    return %c0_i32, %c0_i32_0 : i32, i32
  }
  func.func @transform_4(%arg0: i32, %arg1: i32) -> (i32, i32) {
    %c0_i32 = arith.constant 0 : i32
    %c0_i32_0 = arith.constant 0 : i32
    %c0_i32_1 = arith.constant 0 : i32
    return %c0_i32, %c0_i32_0 : i32, i32
  }
  func.func @transform_5(%arg0: i32, %arg1: i32) -> (i32, i32) {
    %c0_i32 = arith.constant 0 : i32
    %c0_i32_0 = arith.constant 0 : i32
    %c0_i32_1 = arith.constant 0 : i32
    return %c0_i32, %c0_i32_0 : i32, i32
  }
  func.func @transform_6(%arg0: i32, %arg1: i32) -> (i32, i32) {
    %c0_i32 = arith.constant 0 : i32
    %c0_i32_0 = arith.constant 0 : i32
    %c0_i32_1 = arith.constant 0 : i32
    return %c0_i32, %c0_i32_0 : i32, i32
  }
  func.func @transform_7(%arg0: i32, %arg1: i32) -> (i32, i32) {
    %c0_i32 = arith.constant 0 : i32
    %c0_i32_0 = arith.constant 0 : i32
    %c0_i32_1 = arith.constant 0 : i32
    return %c0_i32, %c0_i32_0 : i32, i32
  }
  func.func @transform_8(%arg0: i32, %arg1: i32) -> (i32, i32, i32, i32) {
    %jit3A = arith.constant 80 : i32
    %div3A = arith.divsi %arg1, %jit3A : i32
    %sign3A = arith.constant 0 : i32
    %sign3A_0 = arith.cmpi sgt, %arg1, %sign3A : i32
    %sign3A_1 = arith.extui %sign3A_0 : i1 to i32
    %sign3A_2 = arith.constant 0 : i32
    %sign3A_3 = arith.cmpi slt, %arg1, %sign3A_2 : i32
    %sign3A_4 = arith.extui %sign3A_3 : i1 to i32
    %sign3A_5 = arith.subi %sign3A_1, %sign3A_4 : i32
    %sign3A_6 = arith.constant 0 : i32
    %sign3A_7 = arith.cmpi sgt, %jit3A, %sign3A_6 : i32
    %sign3A_8 = arith.extui %sign3A_7 : i1 to i32
    %sign3A_9 = arith.constant 0 : i32
    %sign3A_10 = arith.cmpi slt, %jit3A, %sign3A_9 : i32
    %sign3A_11 = arith.extui %sign3A_10 : i1 to i32
    %sign3A_12 = arith.subi %sign3A_8, %sign3A_11 : i32
    %ne3A = arith.cmpi ne, %sign3A_5, %sign3A_12 : i32
    %rem3A = arith.remsi %arg1, %jit3A : i32
    %ne3A_13 = arith.constant 0 : i32
    %ne3A_14 = arith.cmpi ne, %rem3A, %ne3A_13 : i32
    %and3A = arith.andi %ne3A, %ne3A_14 : i1
    %sub3A = arith.constant 1 : i32
    %sub3A_15 = arith.subi %div3A, %sub3A : i32
    %select_n3A = arith.select %and3A, %sub3A_15, %div3A : i32
    %jit3A_16 = arith.constant 80 : i32
    %eq3A = arith.constant 0 : i32
    %eq3A_17 = arith.cmpi eq, %jit3A_16, %eq3A : i32
    %jit3A_18 = arith.constant 1 : i32
    %select_n3A_19 = arith.select %eq3A_17, %jit3A_18, %jit3A_16 : i32
    %rem3A_20 = arith.remsi %arg1, %select_n3A_19 : i32
    %ne3A_21 = arith.constant 0 : i32
    %ne3A_22 = arith.cmpi ne, %rem3A_20, %ne3A_21 : i32
    %lt3A = arith.constant 0 : i32
    %lt3A_23 = arith.cmpi slt, %rem3A_20, %lt3A : i32
    %lt3A_24 = arith.constant 0 : i32
    %lt3A_25 = arith.cmpi slt, %select_n3A_19, %lt3A_24 : i32
    %ne3A_26 = arith.xori %lt3A_23, %lt3A_25 : i1
    %and3A_27 = arith.andi %ne3A_26, %ne3A_22 : i1
    %add3A = arith.addi %rem3A_20, %select_n3A_19 : i32
    %select_n3A_28 = arith.select %and3A_27, %add3A, %rem3A_20 : i32
    %c0_i32 = arith.constant 0 : i32
    %c0_i32_29 = arith.constant 0 : i32
    %c0_i32_30 = arith.constant 0 : i32
    return %select_n3A, %select_n3A_28, %c0_i32, %c0_i32_29 : i32, i32, i32, i32
  }
}

</mosaic_0001>

<sc_bundles>
// kernel: kernel.10.cloned.1.call-start
scs
__scs_entry_jumppad:
0x0: {  	(pc) =	sbr.rel $0x88, $3  }
0x1: {  	(tag) =	ssettag $0x0;
	lr =	simm.s32 $0x1  }
0x2: {  	[smem:$0x3F97] =	sst lr;
	_ =	strace $0xD0000000  }
0x3: {  	_ = 	snop  }
0x4: {  	_ = 	snop  }
0x5: {  	_ = 	snop  }
0x6: {  	_ = 	snop  }
0x7: {  	_ = 	snop  }
__scs_overlays_trampoline_lowered:
0x8: {  	[smem:$0x3FA6] =	sst s0  }
0x9: {  	[smem:$0x3FA7] =	sst s1  }
0xa: {  	[smem:$0x3FA8] =	sst s2  }
0xb: {  	[smem:$0x3FA9] =	sst s3  }
0xc: {  	[smem:$0x3FAA] =	sst s4  }
0xd: {  	[smem:$0x3FAB] =	sst s5  }
0xe: {  	[smem:$0x3FAC] =	sst s6  }
0xf: {  	[smem:$0x3FAD] =	sst s7  }
0x10: {  	[smem:$0x3FAE] =	sst s8  }
0x11: {  	[smem:$0x3FAF] =	sst s9;
	s0 =	simm.s32 @!p0 $0x0  }
0x12: {  	s1 =	sld [smem:$0x3F95];
	s0 =	simm.s32 @p0 $0x1  }
0x13: {  	[smem:$0x3FB0] =	sst s0;
	s0 =	simm.s32 @!p1 $0x0  }
0x14: {  	s2 =	sld [smem:$0x3F94];
	s0 =	simm.s32 @p1 $0x1  }
0x15: {  	[smem:$0x3FB1] =	sst s0;
	s0 =	simm.s32 @!p2 $0x0  }
0x16: {  	s3 =	sld [smem:$0x3FDB];
	s0 =	simm.s32 @p2 $0x1  }
0x17: {  	s4 =	simm.s32 $0x1BF5;
	[smem:$0x3FB3] =	sst s0  }
0x18: {  	s0 =	sld [smem:$0x3F96];
	_ =	swait.ge [sflag:s4], $0x0  }
0x19: {  	s7 =	sld [smem:$0x3F97]  }
0x1a: {  	s8 =	sadd.s32 $0xFFFFE003, lr  }
0x1b: {  	s9 =	sadd.s32 $0xFFFFFEF7, lr;
	s5 =	simm.s32 $0xFFFFFFFF;
	p2 =	slt.u32 s8, $0xFFFFF086  }
0x1c: {  	p1 =	slt.u32 s9, $0xF7A;
	s5 =	simm.s32 @!p2 $0x0  }
0x1d: {  	s5 =	simm.s32 @p1 $0x1;
	p0 =	seq.s32 s7, s2  }
0x1e: {  	s7 =	smul.u32 @!p0 $0xF7A, s2;
	p2 =	seq.s32 @!p0 s5, $0x0  }
0x1f: {  	s9 =	smul.u32 $0xF7A, s1;
	s8 =	simm.s32 @!p0 $0x1BF5;
	p2 =	por !p2, p0  }
0x20: {  	[sflag:s8] =	ssyncset.s32 @!p0 $0xFFFFF086;
	s6 =	sadd.s32 @!p0 s3, s7;
	s7 =	simm.s32 @!p0 $0x108  }
0x21: {  	s3 =	sadd.s32 s3, s9;
	s6 =	sadd.s32 @!p0 $0x88, s6;
	s7 =	simm.s32 @p2 $0x1082  }
0x22: {  	[simem:s7], [sflag:s8] =	dma.local @!p0 [hbm:s6], $0xF7A  }
0x23: {  	s9 =	sor.u32 $0xD0000000, s2;
	s6 =	simm.s32 $0x108;
	_ =	swait.ge @!p0 [sflag:s8], $0x0  }
0x24: {  	s3 =	sadd.s32 $0x88, s3;
	s6 =	simm.s32 @!p1 $0x1082;
	[sflag:s4] =	ssyncset.s32 $0xFFFFF086  }
0x25: {  	[simem:s6], [sflag:s4] =	dma.local [hbm:s3], $0xF7A  }
0x26: {  	[smem:$0x3F97] =	sst s1;
	(tag) =	ssettag s2;
	_ =	strace s9  }
0x27: {  	s1 =	sld [smem:$0x3FA7]  }
0x28: {  	s2 =	sld [smem:$0x3FA8]  }
0x29: {  	s4 =	sld [smem:$0x3FAA]  }
0x2a: {  	p0 =	seq.s32 s5, $0x0;
	s5 =	sld [smem:$0x3FAB]  }
0x2b: {  	s6 =	sld [smem:$0x3FAC]  }
0x2c: {  	s7 =	sld [smem:$0x3FAD]  }
0x2d: {  	s3 =	simm.s32 $0x108;
	s8 =	sld [smem:$0x3FAE]  }
0x2e: {  	s3 =	simm.s32 @!p0 $0x1082;
	s9 =	sld [smem:$0x3FAF]  }
0x2f: {  	lr =	sadd.s32 s0, s3;
	s0 =	sld [smem:$0x3FA6]  }
0x30: {  	s3 =	sld [smem:$0x3FA9]  }
0x31: {  	[smem:$0x3FB2] =	sst s10  }
0x32: {  	s10 =	sld [smem:$0x3FB0];
	_ =	sdelay $0x3  }
0x33: {  	p0 =	seq.s32 s10, $0x1;
	s10 =	sld [smem:$0x3FB2];
	_ =	sdelay $0x3  }
0x34: {  	[smem:$0x3FB2] =	sst s10  }
0x35: {  	s10 =	sld [smem:$0x3FB1];
	_ =	sdelay $0x3  }
0x36: {  	p1 =	seq.s32 s10, $0x1;
	s10 =	sld [smem:$0x3FB2];
	_ =	sdelay $0x3  }
0x37: {  	[smem:$0x3FB2] =	sst s10  }
0x38: {  	s10 =	sld [smem:$0x3FB3]  }
0x39: {  	_ = 	snop;
	(pc) =	sbr.ind lr, $3  }
0x3a: {  	_ = 	snop  }
0x3b: {  	_ = 	snop  }
0x3c: {  	p2 =	seq.s32 s10, $0x1;
	s10 =	sld [smem:$0x3FB2]  }
0x3d: {  	_ =	shalt  }
0x3e: {  	_ =	shalt  }
0x3f: {  	_ =	shalt  }
0x40: {  	_ =	shalt  }
0x41: {  	_ =	shalt  }
0x42: {  	_ =	shalt  }
0x43: {  	_ =	shalt  }
0x44: {  	_ =	shalt  }
0x45: {  	_ =	shalt  }
0x46: {  	_ =	shalt  }
0x47: {  	_ =	shalt  }
0x48: {  	_ =	shalt  }
0x49: {  	_ =	shalt  }
0x4a: {  	_ =	shalt  }
0x4b: {  	_ =	shalt  }
0x4c: {  	_ =	shalt  }
0x4d: {  	_ =	shalt  }
0x4e: {  	_ =	shalt  }
0x4f: {  	_ =	shalt  }
0x50: {  	_ =	shalt  }
0x51: {  	_ =	shalt  }
0x52: {  	_ =	shalt  }
0x53: {  	_ =	shalt  }
0x54: {  	_ =	shalt  }
0x55: {  	_ =	shalt  }
0x56: {  	_ =	shalt  }
0x57: {  	_ =	shalt  }
0x58: {  	_ =	shalt  }
0x59: {  	_ =	shalt  }
0x5a: {  	_ =	shalt  }
0x5b: {  	_ =	shalt  }
0x5c: {  	_ =	shalt  }
0x5d: {  	_ =	shalt  }
0x5e: {  	_ =	shalt  }
0x5f: {  	_ =	shalt  }
0x60: {  	_ =	shalt  }
0x61: {  	_ =	shalt  }
0x62: {  	_ =	shalt  }
0x63: {  	_ =	shalt  }
0x64: {  	_ =	shalt  }
0x65: {  	_ =	shalt  }
0x66: {  	_ =	shalt  }
0x67: {  	_ =	shalt  }
0x68: {  	_ =	shalt  }
0x69: {  	_ =	shalt  }
0x6a: {  	_ =	shalt  }
0x6b: {  	_ =	shalt  }
0x6c: {  	_ =	shalt  }
0x6d: {  	_ =	shalt  }
0x6e: {  	_ =	shalt  }
0x6f: {  	_ =	shalt  }
0x70: {  	_ =	shalt  }
0x71: {  	_ =	shalt  }
0x72: {  	_ =	shalt  }
0x73: {  	_ =	shalt  }
0x74: {  	_ =	shalt  }
0x75: {  	_ =	shalt  }
0x76: {  	_ =	shalt  }
0x77: {  	_ =	shalt  }
0x78: {  	_ =	shalt  }
0x79: {  	_ =	shalt  }
0x7a: {  	_ =	shalt  }
0x7b: {  	_ =	shalt  }
0x7c: {  	_ =	shalt  }
0x7d: {  	_ =	shalt  }
0x7e: {  	_ =	shalt  }
0x7f: {  	_ =	shalt  }
0x80: {  	_ =	shalt  }
0x81: {  	_ =	shalt  }
0x82: {  	_ =	shalt  }
0x83: {  	_ =	shalt  }
0x84: {  	_ =	shalt  }
0x85: {  	_ =	shalt  }
0x86: {  	_ =	shalt  }
0x87: {  	_ =	shalt  }
.Lfunc_end0:
.L_simem_size_0:
called_computation.1_lowered:
.L_overlay_start_0:
0x88: {  	s2 =	sld [smem:$0x3FD9]  }
0x89: {  	s3 =	sld [smem:$0x3FFE];
	_ =	sdelay $0x1  }
0x8a: {  	s1 =	srdreg.scid  }
0x8b: {  	s0 =	sand.u32 $0x1, s1  }
0x8c: {  	s14 =	sshll.u32 s0, $0xA;
	s2 =	sadd.s32 s3, s2  }
0x8d: {  	s2 =	sadd.s32 s2, s14  }
0x8e: {  	[smem:$0x3FBE] =	sst s2  }
0x8f: {  	_ = 	snop  }
0x90: {  	s2 =	sld [smem:$0x3FD0];
	_ =	sdelay $0x2  }
0x91: {  	s15 =	simm.s32 $0xA;
	s4 =	simm.s32 $0x10  }
0x92: {  	[smem:s4], [sflag:s15] =	dma.local [hbm:s2], $0x1  }
0x93: {  	_ =	swait.eq [sflag:s15], $0x1  }
0x94: {  	[sflag:s15] =	ssyncset.done $0x0  }
0x95: {  	s16 =	sld [smem:$0x10];
	[sflag:s15] =	ssyncadd.s32 $0xFFFFFFFF  }
0x96: {  	s17 =	sld [smem:$0x11];
	(tm) =	ssettm $0x1  }
0x97: {  	s18 =	sld [smem:$0x3FFB];
	_ =	sdelay $0x3  }
0x98: {  	_ =	strace s18  }
0x99: {  	s4 =	sld [smem:$0x3FFC];
	_ =	sdelay $0x3  }
0x9a: {  	_ =	strace s4  }
0x9b: {  	s4 =	sld [smem:$0x3FFD];
	_ =	sdelay $0x3  }
0x9c: {  	_ =	strace s4  }
0x9d: {  	_ =	strace $0x8FFFFFFF  }
0x9e: {  	s19 =	sld [smem:$0x3FDB];
	_ =	sdelay $0x1  }
0x9f: {  	s5 =	simm.s32 $_scs_section_size  }
0xa0: {  	s6 =	simm.s32 $_size__tile_overlayer_lowered;
	s7 =	simm.s32 $_tile_overlayer_lowered  }
0xa1: {  	s22 =	simm.s32 $0x1BFF;
	s21 =	sshll.u32 s7, $0x1;
	s4 =	sadd.s32 s5, s19  }
0xa2: {  	s8 =	simm.s32 $0x0;
	s20 =	sshll.u32 s6, $0x1;
	s6 =	sadd.s32 s21, s4  }
0xa3: {  	[timem:s8], [sflag:s22] =	dma.local [hbm:s6], s20  }
0xa4: {  	_ =	swait.ge [sflag:s22], s20  }
0xa5: {  	s5 =	ssub.s32 $0x0, s20;
	[sflag:s22] =	ssyncset.done $0x0  }
0xa6: {  	[sflag:s22] =	ssyncadd.s32 s5;
	_ =	sdelay $0x1  }
0xa7: {  	s23 =	simm.s32 $0x1B8B  }
0xa8: {  	_ =	swait.ge [sflag:s23], $0x1  }
0xa9: {  	[sflag:s23] =	ssyncset.done $0x0  }
0xaa: {  	s25 =	simm.s32 $0x1B8E;
	s24 =	sld [smem:$0x3FFE];
	[sflag:s23] =	ssyncadd.s32 $0xFFFFFFFF  }
0xab: {  	s26 =	simm.s32 $execute0_lowered;
	[smem:$0x3FD2] =	sst s25  }
0xac: {  	s6 =	sshll.u32 s26, $0x1;
	_ =	strace $0x80000049;
	[dreg:$0x1] =	wrdreg $0xFFFFFFFF  }
0xad: {  	s28 =	simm.s32 $_size_execute0_lowered;
	s4 =	sadd.s32 s4, s6;
	[dreg:$0x0] =	wrdreg $0x0  }
0xae: {  	s6 =	sshll.u32 s28, $0x1;
	[dreg:$0x2] =	wrdreg s4  }
0xaf: {  	[dreg:$0x3] =	wrdreg s6  }
0xb0: {  	[dreg:$0x4] =	wrdreg $0xC0  }
0xb1: {  	_ =	task [dreg:s8], $0x5FFFF  }
0xb2: {  	[dreg:$0x1] =	wrdreg $0xFFFFFFFF  }
0xb3: {  	[dreg:$0x0] =	wrdreg $0x60  }
0xb4: {  	[dreg:$0x2] =	wrdreg s16  }
0xb5: {  	[dreg:$0x3] =	wrdreg s17  }
0xb6: {  	[dreg:$0x4] =	wrdreg s24  }
0xb7: {  	[dreg:$0x5] =	wrdreg $0x9  }
0xb8: {  	_ =	task.clear_ibuf [dreg:s8], $0x6FFFF;
	_ =	strace $0x90000049  }
0xb9: {  	s29 =	simm.s32 $0x9;
	_ =	strace $0x8000004B  }
0xba: {  	_ =	swait.ge [sflag:s29], $0x1  }
0xbb: {  	[sflag:s29] =	ssyncadd.s32 $0xFFFFFFFF  }
0xbc: {  	_ =	strace $0x9000004B  }
0xbd: {  	_ =	sfence  }
0xbe: {  	s30 =	sld [smem:$0x0];
	_ =	sdelay $0x2  }
0xbf: {  	s31 =	sshll.u32 s1, $0xD;
	s1 =	sshrl.u32 s1, $0x2  }
0xc0: {  	s3 =	sand.u32 $0x4000, s31;
	s1 =	sadd.s32 s1, s30  }
0xc1: {  	s0 =	sor.u32 s3, s0;
	s1 =	sshll.u32 s1, $0x11  }
0xc2: {  	s0 =	sor.u32 s1, s0  }
0xc3: {  	s0 =	sadd.s32 $0x8F2B, s0  }
0xc4: {  	[sflag:s0] =	ssyncadd.remote.s32 $0x1  }
0xc5: {  	_ =	sfence.sel $0xFFFF  }
0xc6: {  	[dreg:$0x0] =	wrdreg $0xFFFFFFFF;
	(pc) =	sbr.abs _section_cstart, $3  }
0xc7: {  	[dreg:$0x1] =	wrdreg $0xFFFFFFFF  }
0xc8: {  	_ =	task.clear_ibuf [dreg:s8], $0x2FFFF;
	_ =	strace $0x9FFFFFFF  }
0xc9: {  	(tm) =	ssettm $0x7FFFFFFF  }
tec
execute0_lowered:
.L_overlay_start_1:
0x0: {  	(tag) =	ssettag $0x1  }
0x1: {  	s1 =	rddreg [dreg:$0x0];
	s0 =	srdreg.scid  }
0x2: {  	s11 =	stileid.u32;
	s26 =	rddreg [dreg:$0x1]  }
0x3: {  	s3 =	rddreg [dreg:$0x2];
	s0 =	sand.u32 $0x1, s0;
	s2 =	smul.u32 $0x138, s11  }
0x4: {  	s4 =	sshll.u32 s11, $0x1;
	p0 =	slt.u32 s11, $0x4;
	s7 =	smul.u32 $0x9C, s0  }
0x5: {  	s5 =	sor.u32 s0, s4;
	s4 =	simm.s32 $0x0;
	s0 =	ssub.s32 $0x2, s0  }
0x6: {  	s8 =	smin.u32 s5, $0x8;
	[smem:$0x7FF] =	sst s4;
	s5 =	smul.u32 $0x9C, s5  }
0x7: {  	s30 =	sshrl.u32 s0, $0x1;
	s6 =	sadd.s32 s7, s2;
	_ =	strace $0x8000004A  }
0x8: {  	s0 =	ssub.s32 s0, s30;
	s9 =	sadd.s32 s8, s6;
	s10 =	sadd.s32 s8, s5  }
0x9: {  	s0 =	smax.u32 s0, $0x1;
	s6 =	sshll.u32 s9, $0xB;
	s31 =	sshll.u32 s10, $0x4  }
0xa: {  	s9 =	sshll.u32 s9, $0x4;
	[dreg:$0x10] =	wrdreg s0;
	s12 =	sadd.s32 s26, s31  }
0xb: {  	s2 =	sadd.s32 s2, s8;
	s19 =	sadd.s32 $0x60, s9;
	[dreg:$0xa] =	wrdreg s12  }
0xc: {  	s5 =	simm.s32 $0x9D;
	s20 =	sadd.s32 $0xB0, s9;
	[dreg:$0x4] =	wrdreg s19  }
0xd: {  	s5 =	simm.s32 @!p0 $0x9C;
	s21 =	sadd.s32 $0xA0, s9;
	[dreg:$0x9] =	wrdreg s20  }
0xe: {  	s3 =	sadd.s32 s6, s3;
	s22 =	sadd.s32 $0x90, s9;
	[dreg:$0x8] =	wrdreg s21  }
0xf: {  	s6 =	sadd.s32 s10, s5;
	s24 =	sadd.s32 $0x80, s9;
	[dreg:$0x7] =	wrdreg s22  }
0x10: {  	s13 =	sadd.s32 $0x10, s31;
	s25 =	sadd.s32 $0x70, s9;
	[dreg:$0x6] =	wrdreg s24  }
0x11: {  	s17 =	sadd.s32 $0x40, s31;
	s23 =	sadd.s32 $0x9D0E00, s3;
	[dreg:$0x5] =	wrdreg s25  }
0x12: {  	s11 =	sadd.s32 $0x50, s31;
	s28 =	sadd.s32 $0x9D2E00, s3;
	[dreg:$0x11] =	wrdreg s23  }
0x13: {  	s10 =	sand.u32 $0x1FFFFFF0, s13;
	s29 =	sadd.s32 $0x9D2600, s3;
	[dreg:$0x12] =	wrdreg s28  }
0x14: {  	s12 =	sadd.s32 $0x20, s31;
	s30 =	sadd.s32 $0x9D1E00, s3;
	[dreg:$0x13] =	wrdreg s29  }
0x15: {  	s13 =	sadd.s32 $0x30, s31;
	s31 =	sadd.s32 $0x9D1600, s3;
	[dreg:$0x14] =	wrdreg s30  }
0x16: {  	s10 =	sadd.s32 s26, s10;
	s14 =	sand.u32 $0x1FFFFFF0, s12;
	[dreg:$0x15] =	wrdreg s31  }
0x17: {  	s15 =	sand.u32 $0x1FFFFFF0, s13;
	[dreg:$0xb] =	wrdreg s10;
	s10 =	sadd.s32 s26, s14  }
0x18: {  	s16 =	sadd.s32 s26, s15;
	[dreg:$0xc] =	wrdreg s10;
	s10 =	sand.u32 $0x1FFFFFF0, s17  }
0x19: {  	s18 =	sand.u32 $0x1FFFFFF0, s11;
	[dreg:$0xd] =	wrdreg s16;
	s10 =	sadd.s32 s26, s10  }
0x1a: {  	s0 =	simm.s32 $0x0;
	[dreg:$0xe] =	wrdreg s10;
	s10 =	sadd.s32 s26, s18  }
0x1b: {  	s13 =	sadd.s32 $0x9D3600, s3;
	s14 =	sadd.s32 s7, s2;
	[dreg:$0xf] =	wrdreg s10  }
.LBB2_1:
0x1c: {  	s2 =	rddreg [dreg:$0xa]  }
0x1d: {  	[tilespmem:s4], [sflag:$0x1] =	stream.linear.gather [hbm4b:s2+s4], $0x80, $0x38;
	[tilespmem:$0x18400] =	vst v63  }
0x1e: {  	s17 =	rddreg [dreg:$0xb];
	s3 =	simm.s32 $0x80  }
0x1f: {  	[tilespmem:s3], [sflag:$0x2] =	stream.linear.gather [hbm4b:s17+s4], $0x80, $0x38;
	[tilespmem:$0x18400] =	vst v63  }
0x20: {  	s18 =	rddreg [dreg:$0xc];
	s19 =	simm.s32 $0x100;
	p5 =	sle.u32 s5, $0x0  }
0x21: {  	[tilespmem:s19], [sflag:$0x3] =	stream.linear.gather [hbm4b:s18+s4], $0x80, $0x38;
	[tilespmem:$0x18400] =	vst v63  }
0x22: {  	s20 =	rddreg [dreg:$0xd];
	s21 =	simm.s32 $0x180;
	p0 =	por @!p5 $0x1, $0x1  }
0x23: {  	[tilespmem:s21], [sflag:$0x4] =	stream.linear.gather [hbm4b:s20+s4], $0x80, $0x38;
	[tilespmem:$0x18400] =	vst v63  }
0x24: {  	s22 =	rddreg [dreg:$0xe];
	s23 =	simm.s32 $0x200;
	p0 =	por p0, p5  }
0x25: {  	[tilespmem:s23], [sflag:$0x5] =	stream.linear.gather [hbm4b:s22+s4], $0x80, $0x38;
	[tilespmem:$0x18400] =	vst v63  }
0x26: {  	s24 =	rddreg [dreg:$0xf];
	s25 =	simm.s32 $0x280;
	s3 =	simm.s32 @!p0 $0xD  }
0x27: {  	[tilespmem:s25], [sflag:$0x6] =	stream.linear.gather [hbm4b:s24+s4], $0x80, $0x38;
	[tilespmem:$0x18400] =	vst v63  }
0x28: {  	s28 =	sadd.s32 $0x0, s14;
	_ =	swait.ge @!p0 [sflag:s3], $0x4000  }
0x29: {  	s7 =	sadd.s32 $0x1, s28;
	[sflag:s3] =	ssyncset.done @!p0 $0x0  }
0x2a: {  	s8 =	simm.s32 @!p5 $0x1;
	p3 =	sge.u32 s7, s6;
	[sflag:s3] =	ssyncadd.s32 @!p0 $0xFFFFC000  }
0x2b: {  	s10 =	simm.s32 @!p5 $0x0;
	p0 =	por @!p3 $0x1, $0x1;
	_ =	swait.ge @!p5 [sflag:s8], $0x80  }
0x2c: {  	s7 =	simm.s32 @!p5 $0x400;
	p0 =	por p0, p3;
	[sflag:s8] =	ssyncset.done @!p5 $0x0  }
0x2d: {  	s3 =	simm.s32 @!p5 $0x80;
	s9 =	simm.s32 @!p0 $0xE;
	[sflag:s8] =	ssyncadd.s32 @!p5 $0xFFFFFF80  }
0x2e: {  	[tilespmem:s7], [sflag:$0x7] =	stream.indirect.gather @!p5 [hbm4b:s1+s3], $0x80, s10, s3, $0xb8;
	[tilespmem:$0x18400] =	vst v63  }
0x2f: {  	_ =	swait.ge @!p0 [sflag:s9], $0x4000  }
0x30: {  	s29 =	sadd.s32 $0x2, s28;
	[sflag:s9] =	ssyncset.done @!p0 $0x0  }
0x31: {  	p4 =	sge.u32 s29, s6;
	s8 =	simm.s32 @!p3 $0x2;
	[sflag:s9] =	ssyncadd.s32 @!p0 $0xFFFFC000  }
0x32: {  	p0 =	por @!p4 $0x1, $0x1;
	_ =	swait.ge @!p3 [sflag:s8], $0x80  }
0x33: {  	s3 =	simm.s32 @!p3 $0x80;
	p0 =	por p0, p4;
	[sflag:s8] =	ssyncset.done @!p3 $0x0  }
0x34: {  	s9 =	simm.s32 @!p3 $0x4400;
	[sflag:s8] =	ssyncadd.s32 @!p3 $0xFFFFFF80;
	s8 =	simm.s32 @!p0 $0xF  }
0x35: {  	[tilespmem:s9], [sflag:$0x8] =	stream.indirect.gather @!p3 [hbm4b:s1+s3], $0x80, s3, s3, $0xb8;
	[tilespmem:$0x18400] =	vst v63  }
0x36: {  	_ =	swait.ge @!p0 [sflag:s8], $0x4000  }
0x37: {  	[sflag:s8] =	ssyncset.done @!p0 $0x0  }
0x38: {  	s30 =	sadd.s32 $0x3, s28;
	s3 =	simm.s32 @!p4 $0x3;
	[sflag:s8] =	ssyncadd.s32 @!p0 $0xFFFFC000  }
0x39: {  	p2 =	sge.u32 s30, s6;
	s11 =	simm.s32 @!p4 $0x100;
	_ =	swait.ge @!p4 [sflag:s3], $0x80  }
0x3a: {  	s8 =	simm.s32 @!p4 $0x8400;
	p0 =	por @!p2 $0x1, $0x1;
	[sflag:s3] =	ssyncset.done @!p4 $0x0  }
0x3b: {  	p0 =	por p0, p2;
	[sflag:s3] =	ssyncadd.s32 @!p4 $0xFFFFFF80;
	s3 =	simm.s32 @!p4 $0x80  }
0x3c: {  	[tilespmem:s8], [sflag:$0x9] =	stream.indirect.gather @!p4 [hbm4b:s1+s3], $0x80, s11, s3, $0xb8;
	[tilespmem:$0x18400] =	vst v63  }
0x3d: {  	s3 =	simm.s32 @!p0 $0x10  }
0x3e: {  	_ =	swait.ge @!p0 [sflag:s3], $0x4000  }
0x3f: {  	s31 =	sadd.s32 $0x4, s28;
	[sflag:s3] =	ssyncset.done @!p0 $0x0  }
0x40: {  	s12 =	simm.s32 @!p2 $0x4;
	[sflag:s3] =	ssyncadd.s32 @!p0 $0xFFFFC000;
	p0 =	sge.u32 s31, s6  }
0x41: {  	s11 =	simm.s32 @!p2 $0x80;
	_ =	swait.ge @!p2 [sflag:s12], $0x80;
	p1 =	por @!p0 $0x1, $0x1  }
0x42: {  	s3 =	simm.s32 @!p2 $0xC400;
	[sflag:s12] =	ssyncset.done @!p2 $0x0;
	p1 =	por p1, p0  }
0x43: {  	[sflag:s12] =	ssyncadd.s32 @!p2 $0xFFFFFF80;
	s12 =	simm.s32 @!p2 $0x180;
	s15 =	simm.s32 @!p1 $0x11  }
0x44: {  	[tilespmem:s3], [sflag:$0xA] =	stream.indirect.gather @!p2 [hbm4b:s1+s11], $0x80, s12, s11, $0xb8;
	[tilespmem:$0x18400] =	vst v63  }
0x45: {  	_ =	swait.ge @!p1 [sflag:s15], $0x4000  }
0x46: {  	s2 =	sadd.s32 $0x5, s28;
	[sflag:s15] =	ssyncset.done @!p1 $0x0  }
0x47: {  	s11 =	simm.s32 @!p0 $0x5;
	[sflag:s15] =	ssyncadd.s32 @!p1 $0xFFFFC000;
	p1 =	sge.u32 s2, s6  }
0x48: {  	s12 =	simm.s32 @!p0 $0x80;
	_ =	swait.ge @!p0 [sflag:s11], $0x80;
	p6 =	por @!p1 $0x1, $0x1  }
0x49: {  	s2 =	simm.s32 @!p0 $0x10400;
	[sflag:s11] =	ssyncset.done @!p0 $0x0;
	p6 =	por p6, p1  }
0x4a: {  	[sflag:s11] =	ssyncadd.s32 @!p0 $0xFFFFFF80;
	s11 =	simm.s32 @!p0 $0x200;
	s15 =	simm.s32 @!p6 $0x12  }
0x4b: {  	[tilespmem:s2], [sflag:$0xB] =	stream.indirect.gather @!p0 [hbm4b:s1+s12], $0x80, s11, s12, $0xb8;
	[tilespmem:$0x18400] =	vst v63  }
0x4c: {  	_ =	swait.ge @!p6 [sflag:s15], $0x4000  }
0x4d: {  	[sflag:s15] =	ssyncset.done @!p6 $0x0  }
0x4e: {  	s11 =	simm.s32 @!p1 $0x6;
	[sflag:s15] =	ssyncadd.s32 @!p6 $0xFFFFC000  }
0x4f: {  	_ =	swait.ge @!p1 [sflag:s11], $0x80  }
0x50: {  	s16 =	simm.s32 @!p1 $0x80;
	s17 =	simm.s32 @!p1 $0x280;
	[sflag:s11] =	ssyncset.done @!p1 $0x0  }
0x51: {  	s12 =	simm.s32 @!p1 $0x14400;
	[sflag:s11] =	ssyncadd.s32 @!p1 $0xFFFFFF80;
	s11 =	sadd.s32 @!p5 $0x0, s14  }
0x52: {  	[tilespmem:s12], [sflag:$0xC] =	stream.indirect.gather @!p1 [hbm4b:s1+s16], $0x80, s17, s16, $0xb8;
	[tilespmem:$0x18400] =	vst v63  }
0x53: {  	s15 =	simm.s32 @!p5 $0x7;
	s11 =	sadd.s32 @!p5 $0x6, s11  }
0x54: {  	_ =	swait.ge @!p5 [sflag:s15], $0x4000;
	p6 =	sge.u32 @!p5 s11, s6  }
0x55: {  	s16 =	rddreg [dreg:$0x4];
	p6 =	por p6, p5;
	[sflag:s15] =	ssyncset.done @!p5 $0x0  }
0x56: {  	s11 =	simm.s32 @!p6 $0x0;
	[sflag:s15] =	ssyncadd.s32 @!p5 $0xFFFFC000;
	s15 =	sadd.s32 @!p6 s26, s16  }
0x57: {  	[tilespmem:s11], [sflag:$0x1] =	stream.linear.gather @!p6 [hbm4b:s15+s11], $0x80, $0x38;
	[tilespmem:$0x18400] =	vst v63  }
0x58: {  	s16 =	rddreg [dreg:$0x11]  }
0x59: {  	[hbm4b:s16+s10] =	stream.linear.scatter @!p5 [tilespmem:s7], [sflag:$0xD], $0x4000, $0x38;
	[tilespmem:$0x18400] =	vst v63  }
0x5a: {  	s11 =	simm.s32 @!p3 $0x8;
	s7 =	sadd.s32 @!p3 $0x0, s14  }
0x5b: {  	_ =	swait.ge @!p3 [sflag:s11], $0x4000;
	s7 =	sadd.s32 @!p3 $0x7, s7  }
0x5c: {  	p5 =	sge.u32 @!p3 s7, s6;
	[sflag:s11] =	ssyncset.done @!p3 $0x0  }
0x5d: {  	s10 =	rddreg [dreg:$0x5];
	p5 =	por p5, p3;
	[sflag:s11] =	ssyncadd.s32 @!p3 $0xFFFFC000  }
0x5e: {  	s7 =	simm.s32 @!p5 $0x0;
	s11 =	simm.s32 @!p5 $0x80;
	s10 =	sadd.s32 @!p5 s26, s10  }
0x5f: {  	[tilespmem:s11], [sflag:$0x2] =	stream.linear.gather @!p5 [hbm4b:s10+s7], $0x80, $0x38;
	[tilespmem:$0x18400] =	vst v63  }
0x60: {  	s18 =	rddreg [dreg:$0x15];
	s7 =	simm.s32 @!p3 $0x0  }
0x61: {  	[hbm4b:s18+s7] =	stream.linear.scatter @!p3 [tilespmem:s9], [sflag:$0xE], $0x4000, $0x38;
	[tilespmem:$0x18400] =	vst v63  }
0x62: {  	s21 =	simm.s32 $0x6;
	s10 =	simm.s32 @!p4 $0x9;
	s7 =	sadd.s32 @!p4 $0x0, s14  }
0x63: {  	s22 =	sadd.s32 $0x3000, s13;
	_ =	swait.ge @!p4 [sflag:s10], $0x4000;
	s7 =	sadd.s32 @!p4 $0x8, s7  }
0x64: {  	s23 =	sadd.s32 $0x60, s26;
	p3 =	sge.u32 @!p4 s7, s6;
	[sflag:s10] =	ssyncset.done @!p4 $0x0  }
0x65: {  	s9 =	rddreg [dreg:$0x6];
	p3 =	por p3, p4;
	[sflag:s10] =	ssyncadd.s32 @!p4 $0xFFFFC000  }
0x66: {  	s7 =	simm.s32 @!p3 $0x0;
	s10 =	simm.s32 @!p3 $0x100;
	s9 =	sadd.s32 @!p3 s26, s9  }
0x67: {  	[tilespmem:s10], [sflag:$0x3] =	stream.linear.gather @!p3 [hbm4b:s9+s7], $0x80, $0x38;
	[tilespmem:$0x18400] =	vst v63  }
0x68: {  	s11 =	simm.s32 @!p2 $0xA;
	s17 =	rddreg [dreg:$0x14];
	s7 =	sadd.s32 @!p2 $0x0, s14  }
0x69: {  	s9 =	simm.s32 @!p4 $0x0;
	s10 =	simm.s32 $0xC;
	s7 =	sadd.s32 @!p2 $0x9, s7  }
0x6a: {  	[hbm4b:s17+s9] =	stream.linear.scatter @!p4 [tilespmem:s8], [sflag:$0xF], $0x4000, $0x38;
	[tilespmem:$0x18400] =	vst v63  }
0x6b: {  	p3 =	sge.u32 @!p2 s7, s6;
	s7 =	sadd.s32 @!p0 $0x0, s14;
	s9 =	sadd.s32 @!p1 $0x0, s14  }
0x6c: {  	_ =	swait.ge @!p2 [sflag:s11], $0x4000;
	s7 =	sadd.s32 @!p0 $0xA, s7;
	s9 =	sadd.s32 @!p1 $0xB, s9  }
0x6d: {  	p3 =	por p3, p2;
	s8 =	rddreg [dreg:$0x7];
	[sflag:s11] =	ssyncset.done @!p2 $0x0  }
0x6e: {  	s15 =	simm.s32 @!p3 $0x180;
	p4 =	sge.u32 @!p0 s7, s6;
	s7 =	sadd.s32 $0x3000, s17  }
0x6f: {  	[sflag:s11] =	ssyncadd.s32 @!p2 $0xFFFFC000;
	s11 =	simm.s32 @!p3 $0x0;
	s8 =	sadd.s32 @!p3 s26, s8  }
0x70: {  	[tilespmem:s15], [sflag:$0x4] =	stream.linear.gather @!p3 [hbm4b:s8+s11], $0x80, $0x38;
	[tilespmem:$0x18400] =	vst v63  }
0x71: {  	s17 =	simm.s32 @!p1 $0xC;
	p3 =	sge.u32 @!p1 s9, s6;
	s8 =	simm.s32 @!p2 $0x0  }
0x72: {  	s9 =	simm.s32 @!p0 $0xB;
	s11 =	rddreg [dreg:$0x13];
	s15 =	simm.s32 @!p0 $0x0  }
0x73: {  	[hbm4b:s11+s8] =	stream.linear.scatter @!p2 [tilespmem:s3], [sflag:$0x10], $0x4000, $0x38;
	[tilespmem:$0x18400] =	vst v63  }
0x74: {  	p5 =	por p3, p1;
	p3 =	por p4, p0;
	_ =	swait.ge @!p0 [sflag:s9], $0x4000  }
0x75: {  	s25 =	sadd.s32 $0x3000, s11;
	s8 =	sadd.s32 $0x3000, s18;
	s3 =	rddreg [dreg:$0x8]  }
0x76: {  	s11 =	simm.s32 @!p3 $0x200;
	[sflag:s9] =	ssyncset.done @!p0 $0x0;
	s18 =	rddreg [dreg:$0x12]  }
0x77: {  	[sflag:s9] =	ssyncadd.s32 @!p0 $0xFFFFC000;
	s9 =	simm.s32 @!p3 $0x0;
	s3 =	sadd.s32 @!p3 s26, s3  }
0x78: {  	[tilespmem:s11], [sflag:$0x5] =	stream.linear.gather @!p3 [hbm4b:s3+s9], $0x80, $0x38;
	[tilespmem:$0x18400] =	vst v63  }
0x79: {  	s24 =	sadd.s32 $0x3000, s18;
	s9 =	sadd.s32 $0x3000, s16;
	s3 =	smov.u32 s26  }
0x7a: {  	[hbm4b:s18+s15] =	stream.linear.scatter @!p0 [tilespmem:s2], [sflag:$0x11], $0x4000, $0x38;
	[tilespmem:$0x18400] =	vst v63  }
0x7b: {  	s16 =	smov.u32 s13;
	p0 =	sle.u32 s5, $0x6;
	_ =	swait.ge @!p1 [sflag:s17], $0x4000  }
0x7c: {  	p3 =	por @!p0 $0x0, $0x0;
	[sflag:s17] =	ssyncset.done @!p1 $0x0;
	s2 =	rddreg [dreg:$0x9]  }
.LBB2_2:
0x7d: {  	s15 =	sadd.s32 @!p0 s21, s14;
	s28 =	simm.s32 @!p5 $0x280;
	[sflag:s17] =	ssyncadd.s32 @!p1 $0xFFFFC000  }
0x7e: {  	s17 =	simm.s32 @!p5 $0x0;
	s2 =	sadd.s32 @!p5 s3, s2;
	s15 =	sadd.s32 @!p0 $0x6, s15  }
0x7f: {  	[tilespmem:s28], [sflag:$0x6] =	stream.linear.gather @!p5 [hbm4b:s2+s17], $0x80, $0x38;
	[tilespmem:$0x18400] =	vst v63  }
0x80: {  	p2 =	sge.u32 @!p0 s15, s6  }
0x81: {  	s3 =	simm.s32 @!p1 $0x0;
	s15 =	simm.s32 @!p2 $0x0  }
0x82: {  	[hbm4b:s16+s3] =	stream.linear.scatter @!p1 [tilespmem:s12], [sflag:$0x12], $0x4000, $0x38;
	[tilespmem:$0x18400] =	vst v63  }
0x83: {  	p4 =	por p3, p0;
	s15 =	simm.s32 @p2 $0x1  }
0x84: {  	[smem:$0x7F7] =	sst s15;
	s15 =	simm.s32 @!p4 $0xD  }
0x85: {  	_ =	swait.ge @!p4 [sflag:s15], $0x4000  }
0x86: {  	[sflag:s15] =	ssyncset.done @!p4 $0x0  }
0x87: {  	s2 =	sadd.s32 s21, s14;
	s3 =	simm.s32 @!p0 $0x1;
	[sflag:s15] =	ssyncadd.s32 @!p4 $0xFFFFC000  }
0x88: {  	s29 =	simm.s32 @!p0 $0x0;
	s18 =	sadd.s32 $0x1, s2;
	_ =	swait.ge @!p0 [sflag:s3], $0x80  }
0x89: {  	s28 =	simm.s32 @!p0 $0x400;
	p3 =	sge.u32 s18, s6;
	[sflag:s3] =	ssyncset.done @!p0 $0x0  }
0x8a: {  	s12 =	simm.s32 @!p0 $0x80;
	[sflag:s3] =	ssyncadd.s32 @!p0 $0xFFFFFF80;
	s3 =	sadd.s32 @!p3 s21, s14  }
0x8b: {  	[tilespmem:s28], [sflag:$0x7] =	stream.indirect.gather @!p0 [hbm4b:s1+s12], $0x80, s29, s12, $0xb8;
	[tilespmem:$0x18400] =	vst v63  }
0x8c: {  	p1 =	seq.s32 @!p3 s21, $0x0;
	s3 =	sadd.s32 @!p3 $0x7, s3  }
0x8d: {  	s30 =	smov.u32 s10;
	p1 =	por p1, p3;
	p2 =	sge.u32 @!p3 s3, s6  }
0x8e: {  	s10 =	sadd.s32 $0x6, s10;
	s17 =	simm.s32 @!p1 $0xE;
	s3 =	simm.s32 @!p2 $0x0  }
0x8f: {  	_ =	swait.ge @!p1 [sflag:s17], $0x4000;
	s3 =	simm.s32 @p2 $0x1;
	p2 =	sne.s32 s10, $0xA2  }
0x90: {  	[smem:$0x7F8] =	sst s3;
	s3 =	simm.s32 @!p2 $0x0  }
0x91: {  	s19 =	sadd.s32 $0x2, s2;
	[sflag:s17] =	ssyncset.done @!p1 $0x0;
	s3 =	simm.s32 @p2 $0x1  }
0x92: {  	s18 =	simm.s32 @!p3 $0x2;
	[sflag:s17] =	ssyncadd.s32 @!p1 $0xFFFFC000;
	[smem:$0x7FD] =	sst s3  }
0x93: {  	p4 =	sge.u32 s19, s6;
	_ =	swait.ge @!p3 [sflag:s18], $0x80  }
0x94: {  	s31 =	simm.s32 @!p3 $0x4400;
	s16 =	sadd.s32 @!p4 s21, s14;
	[sflag:s18] =	ssyncset.done @!p3 $0x0  }
0x95: {  	p1 =	seq.s32 @!p4 s21, $0x0;
	s3 =	simm.s32 @!p3 $0x80;
	[sflag:s18] =	ssyncadd.s32 @!p3 $0xFFFFFF80  }
0x96: {  	[tilespmem:s31], [sflag:$0x8] =	stream.indirect.gather @!p3 [hbm4b:s1+s3], $0x80, s3, s3, $0xb8;
	[tilespmem:$0x18400] =	vst v63  }
0x97: {  	p1 =	por p1, p4;
	s3 =	sadd.s32 @!p4 $0x8, s16  }
0x98: {  	s17 =	simm.s32 @!p1 $0xF;
	p2 =	sge.u32 @!p4 s3, s6  }
0x99: {  	_ =	swait.ge @!p1 [sflag:s17], $0x4000;
	s3 =	simm.s32 @!p2 $0x0  }
0x9a: {  	s20 =	sadd.s32 $0x5, s2;
	[sflag:s17] =	ssyncset.done @!p1 $0x0;
	s3 =	simm.s32 @p2 $0x1  }
0x9b: {  	[sflag:s17] =	ssyncadd.s32 @!p1 $0xFFFFC000;
	s17 =	simm.s32 @!p4 $0x3;
	[smem:$0x7F9] =	sst s3  }
0x9c: {  	s15 =	sadd.s32 $0x4, s2;
	s2 =	sadd.s32 $0x3, s2;
	_ =	swait.ge @!p4 [sflag:s17], $0x80  }
0x9d: {  	p5 =	sge.u32 s2, s6;
	s2 =	simm.s32 @!p4 $0x8400;
	[sflag:s17] =	ssyncset.done @!p4 $0x0  }
0x9e: {  	s18 =	simm.s32 @!p4 $0x100;
	[sflag:s17] =	ssyncadd.s32 @!p4 $0xFFFFFF80;
	s17 =	simm.s32 @!p4 $0x80  }
0x9f: {  	[tilespmem:s2], [sflag:$0x9] =	stream.indirect.gather @!p4 [hbm4b:s1+s17], $0x80, s18, s17, $0xb8;
	[tilespmem:$0x18400] =	vst v63  }
0xa0: {  	p1 =	seq.s32 @!p5 s21, $0x0;
	s18 =	sadd.s32 @!p5 s21, s14  }
0xa1: {  	p1 =	por p1, p5;
	s18 =	sadd.s32 @!p5 $0x9, s18  }
0xa2: {  	s17 =	simm.s32 @!p1 $0x10;
	p2 =	sge.u32 @!p5 s18, s6  }
0xa3: {  	_ =	swait.ge @!p1 [sflag:s17], $0x4000;
	s18 =	simm.s32 @!p2 $0x0  }
0xa4: {  	[sflag:s17] =	ssyncset.done @!p1 $0x0;
	s18 =	simm.s32 @p2 $0x1  }
0xa5: {  	s19 =	simm.s32 @!p5 $0x4;
	[sflag:s17] =	ssyncadd.s32 @!p1 $0xFFFFC000;
	[smem:$0x7FA] =	sst s18  }
0xa6: {  	_ =	swait.ge @!p5 [sflag:s19], $0x80  }
0xa7: {  	p6 =	sge.u32 s15, s6;
	s15 =	simm.s32 @!p5 $0x80;
	[sflag:s19] =	ssyncset.done @!p5 $0x0  }
0xa8: {  	s17 =	simm.s32 @!p5 $0xC400;
	s18 =	simm.s32 @!p5 $0x180;
	[sflag:s19] =	ssyncadd.s32 @!p5 $0xFFFFFF80  }
0xa9: {  	[tilespmem:s17], [sflag:$0xA] =	stream.indirect.gather @!p5 [hbm4b:s1+s15], $0x80, s18, s15, $0xb8;
	[tilespmem:$0x18400] =	vst v63  }
0xaa: {  	p1 =	seq.s32 @!p6 s21, $0x0;
	s15 =	sadd.s32 @!p6 s21, s14  }
0xab: {  	p1 =	por p1, p6;
	s15 =	sadd.s32 @!p6 $0xA, s15  }
0xac: {  	s19 =	simm.s32 @!p1 $0x11;
	p2 =	sge.u32 @!p6 s15, s6  }
0xad: {  	_ =	swait.ge @!p1 [sflag:s19], $0x4000;
	s12 =	simm.s32 @!p2 $0x0  }
0xae: {  	s18 =	simm.s32 @!p6 $0x5;
	[sflag:s19] =	ssyncset.done @!p1 $0x0;
	s12 =	simm.s32 @p2 $0x1  }
0xaf: {  	[sflag:s19] =	ssyncadd.s32 @!p1 $0xFFFFC000;
	p1 =	sge.u32 s20, s6;
	[smem:$0x7FC] =	sst s12  }
0xb0: {  	s15 =	simm.s32 @!p6 $0x10400;
	p2 =	seq.s32 @!p1 s21, $0x0;
	_ =	swait.ge @!p6 [sflag:s18], $0x80  }
0xb1: {  	s12 =	simm.s32 @!p6 $0x80;
	p2 =	por p2, p1;
	[sflag:s18] =	ssyncset.done @!p6 $0x0  }
0xb2: {  	s19 =	simm.s32 @!p2 $0x12;
	[sflag:s18] =	ssyncadd.s32 @!p6 $0xFFFFFF80;
	s18 =	simm.s32 @!p6 $0x200  }
0xb3: {  	[tilespmem:s15], [sflag:$0xB] =	stream.indirect.gather @!p6 [hbm4b:s1+s12], $0x80, s18, s12, $0xb8;
	[tilespmem:$0x18400] =	vst v63  }
0xb4: {  	s12 =	sadd.s32 @!p1 s21, s14;
	_ =	swait.ge @!p2 [sflag:s19], $0x4000  }
0xb5: {  	s12 =	sadd.s32 @!p1 $0xB, s12;
	[sflag:s19] =	ssyncset.done @!p2 $0x0  }
0xb6: {  	s21 =	smov.u32 s30;
	[sflag:s19] =	ssyncadd.s32 @!p2 $0xFFFFC000;
	p2 =	sge.u32 @!p1 s12, s6  }
0xb7: {  	s18 =	simm.s32 @!p1 $0x6;
	s30 =	simm.s32 @!p1 $0x80;
	p2 =	por p2, p1  }
0xb8: {  	s19 =	simm.s32 @!p0 $0x7;
	_ =	swait.ge @!p1 [sflag:s18], $0x80;
	s20 =	simm.s32 @!p2 $0x0  }
0xb9: {  	s12 =	simm.s32 @!p1 $0x14400;
	[sflag:s18] =	ssyncset.done @!p1 $0x0;
	s20 =	simm.s32 @p2 $0x1  }
0xba: {  	[sflag:s18] =	ssyncadd.s32 @!p1 $0xFFFFFF80;
	[smem:$0x7FB] =	sst s20;
	s20 =	simm.s32 @!p1 $0x280  }
0xbb: {  	[tilespmem:s12], [sflag:$0xC] =	stream.indirect.gather @!p1 [hbm4b:s1+s30], $0x80, s20, s30, $0xb8;
	[tilespmem:$0x18400] =	vst v63  }
0xbc: {  	_ =	swait.ge @!p0 [sflag:s19], $0x4000  }
0xbd: {  	s20 =	sld [smem:$0x7F7];
	_ =	sdelay $0x2  }
0xbe: {  	p2 =	seq.s32 s20, $0x1  }
0xbf: {  	[sflag:s19] =	ssyncset.done @!p0 $0x0;
	s18 =	rddreg [dreg:$0x4];
	p2 =	por p2, p0  }
0xc0: {  	[sflag:s19] =	ssyncadd.s32 @!p0 $0xFFFFC000;
	s20 =	simm.s32 @!p2 $0x0;
	s18 =	sadd.s32 @!p2 s23, s18  }
0xc1: {  	[tilespmem:s20], [sflag:$0x1] =	stream.linear.gather @!p2 [hbm4b:s18+s20], $0x80, $0x38;
	[tilespmem:$0x18400] =	vst v63  }
0xc2: {  	s18 =	simm.s32 @!p3 $0x8  }
0xc3: {  	[hbm4b:s9+s29] =	stream.linear.scatter @!p0 [tilespmem:s28], [sflag:$0xD], $0x4000, $0x38;
	[tilespmem:$0x18400] =	vst v63  }
0xc4: {  	_ =	swait.ge @!p3 [sflag:s18], $0x4000  }
0xc5: {  	s30 =	sld [smem:$0x7F8];
	_ =	sdelay $0x2  }
0xc6: {  	[sflag:s18] =	ssyncset.done @!p3 $0x0;
	p2 =	seq.s32 s30, $0x1  }
0xc7: {  	s19 =	rddreg [dreg:$0x5];
	[sflag:s18] =	ssyncadd.s32 @!p3 $0xFFFFC000;
	p0 =	por p2, p3  }
0xc8: {  	s18 =	simm.s32 @!p0 $0x0;
	s20 =	simm.s32 @!p0 $0x80;
	s19 =	sadd.s32 @!p0 s23, s19  }
0xc9: {  	[tilespmem:s20], [sflag:$0x2] =	stream.linear.gather @!p0 [hbm4b:s19+s18], $0x80, $0x38;
	[tilespmem:$0x18400] =	vst v63  }
0xca: {  	s28 =	simm.s32 @!p3 $0x0;
	s18 =	simm.s32 @!p4 $0x9  }
0xcb: {  	[hbm4b:s8+s28] =	stream.linear.scatter @!p3 [tilespmem:s31], [sflag:$0xE], $0x4000, $0x38;
	[tilespmem:$0x18400] =	vst v63  }
0xcc: {  	_ =	swait.ge @!p4 [sflag:s18], $0x4000  }
0xcd: {  	s31 =	sld [smem:$0x7F9];
	_ =	sdelay $0x2  }
0xce: {  	[sflag:s18] =	ssyncset.done @!p4 $0x0;
	p2 =	seq.s32 s31, $0x1  }
0xcf: {  	s19 =	rddreg [dreg:$0x6];
	[sflag:s18] =	ssyncadd.s32 @!p4 $0xFFFFC000;
	p0 =	por p2, p4  }
0xd0: {  	s18 =	simm.s32 @!p0 $0x0;
	s20 =	simm.s32 @!p0 $0x100;
	s19 =	sadd.s32 @!p0 s23, s19  }
0xd1: {  	[tilespmem:s20], [sflag:$0x3] =	stream.linear.gather @!p0 [hbm4b:s19+s18], $0x80, $0x38;
	[tilespmem:$0x18400] =	vst v63  }
0xd2: {  	s28 =	simm.s32 @!p4 $0x0;
	s18 =	simm.s32 @!p5 $0xA  }
0xd3: {  	[hbm4b:s7+s28] =	stream.linear.scatter @!p4 [tilespmem:s2], [sflag:$0xF], $0x4000, $0x38;
	[tilespmem:$0x18400] =	vst v63  }
0xd4: {  	_ =	swait.ge @!p5 [sflag:s18], $0x4000  }
0xd5: {  	s28 =	sld [smem:$0x7FA];
	_ =	sdelay $0x2  }
0xd6: {  	[sflag:s18] =	ssyncset.done @!p5 $0x0;
	p3 =	seq.s32 s28, $0x1  }
0xd7: {  	s2 =	rddreg [dreg:$0x7];
	[sflag:s18] =	ssyncadd.s32 @!p5 $0xFFFFC000;
	p0 =	por p3, p5  }
0xd8: {  	s18 =	simm.s32 @!p0 $0x0;
	s19 =	simm.s32 @!p0 $0x180;
	s2 =	sadd.s32 @!p0 s23, s2  }
0xd9: {  	[tilespmem:s19], [sflag:$0x4] =	stream.linear.gather @!p0 [hbm4b:s2+s18], $0x80, $0x38;
	[tilespmem:$0x18400] =	vst v63  }
0xda: {  	s20 =	simm.s32 @!p5 $0x0;
	s2 =	simm.s32 @!p6 $0xB  }
0xdb: {  	[hbm4b:s25+s20] =	stream.linear.scatter @!p5 [tilespmem:s17], [sflag:$0x10], $0x4000, $0x38;
	[tilespmem:$0x18400] =	vst v63  }
0xdc: {  	s29 =	sld [smem:$0x7FB];
	_ =	swait.ge @!p6 [sflag:s2], $0x4000  }
0xdd: {  	s30 =	sld [smem:$0x7FC];
	_ =	sdelay $0x2  }
0xde: {  	[sflag:s2] =	ssyncset.done @!p6 $0x0;
	p4 =	seq.s32 s30, $0x1  }
0xdf: {  	s17 =	rddreg [dreg:$0x8];
	[sflag:s2] =	ssyncadd.s32 @!p6 $0xFFFFC000;
	p0 =	por p4, p6  }
0xe0: {  	s2 =	simm.s32 @!p0 $0x0;
	s18 =	simm.s32 @!p0 $0x200;
	s17 =	sadd.s32 @!p0 s23, s17  }
0xe1: {  	[tilespmem:s18], [sflag:$0x5] =	stream.linear.gather @!p0 [hbm4b:s17+s2], $0x80, $0x38;
	[tilespmem:$0x18400] =	vst v63  }
0xe2: {  	s11 =	smov.u32 s24;
	s19 =	simm.s32 @!p6 $0x0;
	s17 =	simm.s32 @!p1 $0xC  }
0xe3: {  	[hbm4b:s11+s19] =	stream.linear.scatter @!p6 [tilespmem:s15], [sflag:$0x11], $0x4000, $0x38;
	[tilespmem:$0x18400] =	vst v63  }
0xe4: {  	_ =	swait.ge @!p1 [sflag:s17], $0x4000  }
0xe5: {  	s31 =	sld [smem:$0x7FD];
	_ =	sdelay $0x2  }
0xe6: {  	p2 =	seq.s32 s31, $0x1  }
.Ltmp0:
0xe7: {  	s24 =	sadd.s32 $0x3000, s24;
	s16 =	smov.u32 s22;
	(pc) =	sbr.rel @p2 .LBB2_2-.Ltmp0, $4  }
0xe8: {  	s22 =	sadd.s32 $0x3000, s22;
	s3 =	smov.u32 s23;
	s9 =	sadd.s32 $0x3000, s9  }
0xe9: {  	s8 =	sadd.s32 $0x3000, s8;
	s7 =	sadd.s32 $0x3000, s7;
	p5 =	seq.s32 s29, $0x1  }
0xea: {  	s25 =	sadd.s32 $0x3000, s25;
	s23 =	sadd.s32 $0x60, s23;
	p0 =	sge.u32 s21, s5  }
0xeb: {  	p3 =	seq.s32 @!p0 s21, $0x0;
	[sflag:s17] =	ssyncset.done @!p1 $0x0;
	s2 =	rddreg [dreg:$0x9]  }
0xec: {  	p3 =	por p3, p0;
	s10 =	simm.s32 @!p5 $0x280  }
0xed: {  	[sflag:s17] =	ssyncadd.s32 @!p1 $0xFFFFC000;
	s11 =	simm.s32 @!p5 $0x0;
	s2 =	sadd.s32 @!p5 s3, s2  }
0xee: {  	[tilespmem:s10], [sflag:$0x6] =	stream.linear.gather @!p5 [hbm4b:s2+s11], $0x80, $0x38;
	[tilespmem:$0x18400] =	vst v63  }
0xef: {  	s2 =	simm.s32 @!p1 $0x0;
	s3 =	simm.s32 @!p3 $0xD  }
0xf0: {  	[hbm4b:s16+s2] =	stream.linear.scatter @!p1 [tilespmem:s12], [sflag:$0x12], $0x4000, $0x38;
	[tilespmem:$0x18400] =	vst v63  }
0xf1: {  	s31 =	sadd.s32 s21, s14;
	_ =	swait.ge @!p3 [sflag:s3], $0x4000  }
0xf2: {  	s17 =	sadd.s32 $0x1, s31;
	[sflag:s3] =	ssyncset.done @!p3 $0x0  }
0xf3: {  	s10 =	simm.s32 @!p0 $0x1;
	p1 =	sge.u32 s17, s6;
	[sflag:s3] =	ssyncadd.s32 @!p3 $0xFFFFC000  }
0xf4: {  	s2 =	simm.s32 @!p0 $0x400;
	p2 =	seq.s32 @!p1 s21, $0x0;
	_ =	swait.ge @!p0 [sflag:s10], $0x80  }
0xf5: {  	s16 =	simm.s32 @!p0 $0x0;
	p2 =	por p2, p1;
	[sflag:s10] =	ssyncset.done @!p0 $0x0  }
0xf6: {  	s3 =	simm.s32 @!p0 $0x80;
	s11 =	simm.s32 @!p2 $0xE;
	[sflag:s10] =	ssyncadd.s32 @!p0 $0xFFFFFF80  }
0xf7: {  	[tilespmem:s2], [sflag:$0x7] =	stream.indirect.gather @!p0 [hbm4b:s1+s3], $0x80, s16, s3, $0xb8;
	[tilespmem:$0x18400] =	vst v63  }
0xf8: {  	_ =	swait.ge @!p2 [sflag:s11], $0x4000  }
0xf9: {  	s18 =	sadd.s32 $0x2, s31;
	[sflag:s11] =	ssyncset.done @!p2 $0x0  }
0xfa: {  	s10 =	simm.s32 @!p1 $0x2;
	[sflag:s11] =	ssyncadd.s32 @!p2 $0xFFFFC000;
	p2 =	sge.u32 s18, s6  }
0xfb: {  	_ =	swait.ge @!p1 [sflag:s10], $0x80;
	p3 =	seq.s32 @!p2 s21, $0x0  }
0xfc: {  	s3 =	simm.s32 @!p1 $0x4400;
	[sflag:s10] =	ssyncset.done @!p1 $0x0;
	p3 =	por p3, p2  }
0xfd: {  	s11 =	simm.s32 @!p1 $0x80;
	[sflag:s10] =	ssyncadd.s32 @!p1 $0xFFFFFF80;
	s10 =	simm.s32 @!p3 $0xF  }
0xfe: {  	[tilespmem:s3], [sflag:$0x8] =	stream.indirect.gather @!p1 [hbm4b:s1+s11], $0x80, s11, s11, $0xb8;
	[tilespmem:$0x18400] =	vst v63  }
0xff: {  	_ =	swait.ge @!p3 [sflag:s10], $0x4000  }
0x100: {  	[sflag:s10] =	ssyncset.done @!p3 $0x0  }
0x101: {  	s19 =	sadd.s32 $0x3, s31;
	[sflag:s10] =	ssyncadd.s32 @!p3 $0xFFFFC000;
	s10 =	simm.s32 @!p2 $0x3  }
0x102: {  	p4 =	sge.u32 s19, s6;
	s15 =	simm.s32 @!p2 $0x100;
	_ =	swait.ge @!p2 [sflag:s10], $0x80  }
0x103: {  	s11 =	simm.s32 @!p2 $0x8400;
	p3 =	seq.s32 @!p4 s21, $0x0;
	[sflag:s10] =	ssyncset.done @!p2 $0x0  }
0x104: {  	p3 =	por p3, p4;
	[sflag:s10] =	ssyncadd.s32 @!p2 $0xFFFFFF80;
	s10 =	simm.s32 @!p2 $0x80  }
0x105: {  	[tilespmem:s11], [sflag:$0x9] =	stream.indirect.gather @!p2 [hbm4b:s1+s10], $0x80, s15, s10, $0xb8;
	[tilespmem:$0x18400] =	vst v63  }
0x106: {  	s10 =	simm.s32 @!p3 $0x10  }
0x107: {  	_ =	swait.ge @!p3 [sflag:s10], $0x4000  }
0x108: {  	s20 =	sadd.s32 $0x4, s31;
	[sflag:s10] =	ssyncset.done @!p3 $0x0  }
0x109: {  	s17 =	simm.s32 @!p4 $0x4;
	[sflag:s10] =	ssyncadd.s32 @!p3 $0xFFFFC000;
	p3 =	sge.u32 s20, s6  }
0x10a: {  	s15 =	simm.s32 @!p4 $0x80;
	_ =	swait.ge @!p4 [sflag:s17], $0x80;
	p5 =	seq.s32 @!p3 s21, $0x0  }
0x10b: {  	s10 =	simm.s32 @!p4 $0xC400;
	[sflag:s17] =	ssyncset.done @!p4 $0x0;
	p5 =	por p5, p3  }
0x10c: {  	[sflag:s17] =	ssyncadd.s32 @!p4 $0xFFFFFF80;
	s17 =	simm.s32 @!p4 $0x180;
	s18 =	simm.s32 @!p5 $0x11  }
0x10d: {  	[tilespmem:s10], [sflag:$0xA] =	stream.indirect.gather @!p4 [hbm4b:s1+s15], $0x80, s17, s15, $0xb8;
	[tilespmem:$0x18400] =	vst v63  }
0x10e: {  	_ =	swait.ge @!p5 [sflag:s18], $0x4000  }
0x10f: {  	s12 =	sadd.s32 $0x5, s31;
	[sflag:s18] =	ssyncset.done @!p5 $0x0  }
0x110: {  	s15 =	simm.s32 @!p3 $0x5;
	[sflag:s18] =	ssyncadd.s32 @!p5 $0xFFFFC000;
	p5 =	sge.u32 s12, s6  }
0x111: {  	s17 =	simm.s32 @!p3 $0x80;
	_ =	swait.ge @!p3 [sflag:s15], $0x80;
	p6 =	seq.s32 @!p5 s21, $0x0  }
0x112: {  	s12 =	simm.s32 @!p3 $0x10400;
	[sflag:s15] =	ssyncset.done @!p3 $0x0;
	p6 =	por p6, p5  }
0x113: {  	[sflag:s15] =	ssyncadd.s32 @!p3 $0xFFFFFF80;
	s15 =	simm.s32 @!p3 $0x200;
	s18 =	simm.s32 @!p6 $0x12  }
0x114: {  	[tilespmem:s12], [sflag:$0xB] =	stream.indirect.gather @!p3 [hbm4b:s1+s17], $0x80, s15, s17, $0xb8;
	[tilespmem:$0x18400] =	vst v63  }
0x115: {  	_ =	swait.ge @!p6 [sflag:s18], $0x4000  }
0x116: {  	[sflag:s18] =	ssyncset.done @!p6 $0x0  }
0x117: {  	s17 =	simm.s32 @!p5 $0x6;
	[sflag:s18] =	ssyncadd.s32 @!p6 $0xFFFFC000  }
0x118: {  	_ =	swait.ge @!p5 [sflag:s17], $0x80  }
0x119: {  	s19 =	simm.s32 @!p5 $0x80;
	[sflag:s17] =	ssyncset.done @!p5 $0x0  }
0x11a: {  	s15 =	simm.s32 @!p5 $0x14400;
	[sflag:s17] =	ssyncadd.s32 @!p5 $0xFFFFFF80;
	s17 =	simm.s32 @!p5 $0x280  }
0x11b: {  	[tilespmem:s15], [sflag:$0xC] =	stream.indirect.gather @!p5 [hbm4b:s1+s19], $0x80, s17, s19, $0xb8;
	[tilespmem:$0x18400] =	vst v63  }
0x11c: {  	s17 =	sadd.s32 @!p0 s21, s14  }
0x11d: {  	s18 =	simm.s32 @!p0 $0x7;
	s17 =	sadd.s32 @!p0 $0x6, s17  }
0x11e: {  	_ =	swait.ge @!p0 [sflag:s18], $0x4000;
	p6 =	sge.u32 @!p0 s17, s6  }
0x11f: {  	s19 =	rddreg [dreg:$0x4];
	[sflag:s18] =	ssyncset.done @!p0 $0x0;
	p6 =	por p6, p0  }
0x120: {  	[sflag:s18] =	ssyncadd.s32 @!p0 $0xFFFFC000;
	s17 =	simm.s32 @!p6 $0x0;
	s18 =	sadd.s32 @!p6 s23, s19  }
0x121: {  	[tilespmem:s17], [sflag:$0x1] =	stream.linear.gather @!p6 [hbm4b:s18+s17], $0x80, $0x38;
	[tilespmem:$0x18400] =	vst v63  }
0x122: {  	_ = 	snop  }
0x123: {  	[hbm4b:s9+s16] =	stream.linear.scatter @!p0 [tilespmem:s2], [sflag:$0xD], $0x4000, $0x38;
	[tilespmem:$0x18400] =	vst v63  }
0x124: {  	s2 =	simm.s32 @!p1 $0x8;
	s9 =	sadd.s32 @!p1 s21, s14  }
0x125: {  	_ =	swait.ge @!p1 [sflag:s2], $0x4000;
	s9 =	sadd.s32 @!p1 $0x7, s9  }
0x126: {  	p0 =	sge.u32 @!p1 s9, s6;
	[sflag:s2] =	ssyncset.done @!p1 $0x0  }
0x127: {  	s16 =	rddreg [dreg:$0x5];
	p0 =	por p0, p1;
	[sflag:s2] =	ssyncadd.s32 @!p1 $0xFFFFC000  }
0x128: {  	s2 =	simm.s32 @!p0 $0x0;
	s9 =	simm.s32 @!p0 $0x80;
	s16 =	sadd.s32 @!p0 s23, s16  }
0x129: {  	[tilespmem:s9], [sflag:$0x2] =	stream.linear.gather @!p0 [hbm4b:s16+s2], $0x80, $0x38;
	[tilespmem:$0x18400] =	vst v63  }
0x12a: {  	s2 =	simm.s32 @!p1 $0x0  }
0x12b: {  	[hbm4b:s8+s2] =	stream.linear.scatter @!p1 [tilespmem:s3], [sflag:$0xE], $0x4000, $0x38;
	[tilespmem:$0x18400] =	vst v63  }
0x12c: {  	s2 =	simm.s32 @!p2 $0x9;
	s3 =	sadd.s32 @!p2 s21, s14  }
0x12d: {  	_ =	swait.ge @!p2 [sflag:s2], $0x4000;
	s3 =	sadd.s32 @!p2 $0x8, s3  }
0x12e: {  	p0 =	sge.u32 @!p2 s3, s6;
	[sflag:s2] =	ssyncset.done @!p2 $0x0  }
0x12f: {  	s8 =	rddreg [dreg:$0x6];
	p0 =	por p0, p2;
	[sflag:s2] =	ssyncadd.s32 @!p2 $0xFFFFC000  }
0x130: {  	s2 =	simm.s32 @!p0 $0x0;
	s3 =	simm.s32 @!p0 $0x100;
	s8 =	sadd.s32 @!p0 s23, s8  }
0x131: {  	[tilespmem:s3], [sflag:$0x3] =	stream.linear.gather @!p0 [hbm4b:s8+s2], $0x80, $0x38;
	[tilespmem:$0x18400] =	vst v63  }
0x132: {  	s3 =	sadd.s32 @!p4 s21, s14  }
0x133: {  	s2 =	simm.s32 @!p2 $0x0;
	s3 =	sadd.s32 @!p4 $0x9, s3  }
0x134: {  	[hbm4b:s7+s2] =	stream.linear.scatter @!p2 [tilespmem:s11], [sflag:$0xF], $0x4000, $0x38;
	[tilespmem:$0x18400] =	vst v63  }
0x135: {  	s2 =	simm.s32 @!p4 $0xA;
	p0 =	sge.u32 @!p4 s3, s6  }
0x136: {  	_ =	swait.ge @!p4 [sflag:s2], $0x4000;
	p0 =	por p0, p4  }
0x137: {  	s7 =	rddreg [dreg:$0x7];
	[sflag:s2] =	ssyncset.done @!p4 $0x0;
	s3 =	simm.s32 @!p0 $0x180  }
0x138: {  	[sflag:s2] =	ssyncadd.s32 @!p4 $0xFFFFC000;
	s2 =	simm.s32 @!p0 $0x0;
	s7 =	sadd.s32 @!p0 s23, s7  }
0x139: {  	[tilespmem:s3], [sflag:$0x4] =	stream.linear.gather @!p0 [hbm4b:s7+s2], $0x80, $0x38;
	[tilespmem:$0x18400] =	vst v63  }
0x13a: {  	s3 =	sadd.s32 @!p3 s21, s14  }
0x13b: {  	s2 =	simm.s32 @!p4 $0x0;
	s3 =	sadd.s32 @!p3 $0xA, s3  }
0x13c: {  	[hbm4b:s25+s2] =	stream.linear.scatter @!p4 [tilespmem:s10], [sflag:$0x10], $0x4000, $0x38;
	[tilespmem:$0x18400] =	vst v63  }
0x13d: {  	s2 =	simm.s32 @!p3 $0xB;
	p0 =	sge.u32 @!p3 s3, s6  }
0x13e: {  	_ =	swait.ge @!p3 [sflag:s2], $0x4000;
	p0 =	por p0, p3  }
0x13f: {  	s7 =	rddreg [dreg:$0x8];
	[sflag:s2] =	ssyncset.done @!p3 $0x0;
	s3 =	simm.s32 @!p0 $0x200  }
0x140: {  	[sflag:s2] =	ssyncadd.s32 @!p3 $0xFFFFC000;
	s2 =	simm.s32 @!p0 $0x0;
	s7 =	sadd.s32 @!p0 s23, s7  }
0x141: {  	[tilespmem:s3], [sflag:$0x5] =	stream.linear.gather @!p0 [hbm4b:s7+s2], $0x80, $0x38;
	[tilespmem:$0x18400] =	vst v63  }
0x142: {  	s2 =	simm.s32 @!p3 $0x0  }
0x143: {  	[hbm4b:s24+s2] =	stream.linear.scatter @!p3 [tilespmem:s12], [sflag:$0x11], $0x4000, $0x38;
	[tilespmem:$0x18400] =	vst v63  }
0x144: {  	s3 =	sadd.s32 @!p5 s21, s14;
	s2 =	simm.s32 @!p5 $0xC  }
0x145: {  	s3 =	sadd.s32 @!p5 $0xB, s3;
	_ =	swait.ge @!p5 [sflag:s2], $0x4000  }
0x146: {  	p0 =	sge.u32 @!p5 s3, s6;
	[sflag:s2] =	ssyncset.done @!p5 $0x0  }
0x147: {  	p0 =	por p0, p5;
	s7 =	rddreg [dreg:$0x9];
	[sflag:s2] =	ssyncadd.s32 @!p5 $0xFFFFC000  }
0x148: {  	s2 =	simm.s32 @!p0 $0x280;
	s3 =	sadd.s32 @!p0 s23, s7;
	s7 =	simm.s32 @!p0 $0x0  }
0x149: {  	[tilespmem:s2], [sflag:$0x6] =	stream.linear.gather @!p0 [hbm4b:s3+s7], $0x80, $0x38;
	[tilespmem:$0x18400] =	vst v63  }
0x14a: {  	s23 =	simm.s32 $0xD;
	s2 =	simm.s32 @!p5 $0x0  }
0x14b: {  	[hbm4b:s22+s2] =	stream.linear.scatter @!p5 [tilespmem:s15], [sflag:$0x12], $0x4000, $0x38;
	[tilespmem:$0x18400] =	vst v63  }
0x14c: {  	_ =	swait.ge [sflag:s23], $0x4000  }
0x14d: {  	[sflag:s23] =	ssyncset.done $0x0  }
0x14e: {  	s24 =	simm.s32 $0xE;
	[sflag:s23] =	ssyncadd.s32 $0xFFFFC000  }
0x14f: {  	_ =	swait.ge [sflag:s24], $0x4000  }
0x150: {  	[sflag:s24] =	ssyncset.done $0x0  }
0x151: {  	s25 =	simm.s32 $0xF;
	[sflag:s24] =	ssyncadd.s32 $0xFFFFC000  }
0x152: {  	_ =	swait.ge [sflag:s25], $0x4000  }
0x153: {  	[sflag:s25] =	ssyncset.done $0x0  }
0x154: {  	s28 =	simm.s32 $0x10;
	[sflag:s25] =	ssyncadd.s32 $0xFFFFC000  }
0x155: {  	_ =	swait.ge [sflag:s28], $0x4000  }
0x156: {  	[sflag:s28] =	ssyncset.done $0x0  }
0x157: {  	s29 =	simm.s32 $0x11;
	[sflag:s28] =	ssyncadd.s32 $0xFFFFC000  }
0x158: {  	_ =	swait.ge [sflag:s29], $0x4000  }
0x159: {  	[sflag:s29] =	ssyncset.done $0x0  }
0x15a: {  	s30 =	simm.s32 $0x12;
	[sflag:s29] =	ssyncadd.s32 $0xFFFFC000  }
0x15b: {  	_ =	swait.ge [sflag:s30], $0x4000  }
0x15c: {  	s0 =	sadd.s32 $0x1, s0;
	s31 =	rddreg [dreg:$0x10]  }
0x15d: {  	p0 =	sne.s32 s0, s31  }
.Ltmp1:
0x15e: {  	_ = 	snop;
	(pc) =	sbr.rel @p0 .LBB2_1-.Ltmp1, $3  }
0x15f: {  	_ =	sdelay $0x1  }
0x160: {  	[sflag:s30] =	ssyncset.done $0x0  }
0x161: {  	[sflag:s30] =	ssyncadd.s32 $0xFFFFC000  }
0x162: {  	_ =	sfence.sel $0x180000  }
0x163: {  	[bflag:$0x0] =	sbarrier.arrive $0xFFFF  }
0x164: {  	_ =	strace $0x9000004A  }
0x165: {  	s0 =	stileid.u32;
	[bflag:$0x2] =	sbarrier.arrive $0xFFFF  }
0x166: {  	p0 =	sne.s32 s0, $0x0;
	s0 =	rddreg [dreg:$0x3]  }
0x167: {  	s0 =	sadd.s32 @!p0 $0x100000, s0  }
0x168: {  	[sflag:s0] =	ssyncadd.tile.s32 @!p0 $0x1;
	_ =	shalt  }
.Lfunc_end2:
_tile_overlayer_lowered:
.L_overlay_start_2:
0x169: {  	(tag) =	ssettag $0x2  }
0x16a: {  	s0 =	rddreg [dreg:$0x0];
	s2 =	stileid.u32  }
0x16b: {  	s1 =	rddreg [dreg:$0x1];
	p0 =	sne.s32 s2, $0x0  }
0x16c: {  	s3 =	rddreg [dreg:$0x2];
	[bflag:$0x3] =	sbarrier.arrive $0xFFFF;
	s2 =	simm.s32 @!p0 $0x1C13  }
0x16d: {  	[timem:s3], [sflag:s2] =	dma.local @!p0 [hbm:s0], s1  }
0x16e: {  	s0 =	simm.s32 @!p0 $0x13  }
0x16f: {  	_ =	swait.ge @!p0 [sflag:s0], s1  }
0x170: {  	s1 =	ssub.s32 @!p0 $0x0, s1;
	[sflag:s0] =	ssyncset.done @!p0 $0x0  }
0x171: {  	[sflag:s0] =	ssyncadd.s32 @!p0 s1  }
0x172: {  	[bflag:$0x3] =	sbarrier.arrive $0xFFFF  }
0x173: {  	_ =	shalt  }

// kernel: kernel.7.cloned.1.call-start
scs
__scs_entry_jumppad:
0x0: {  	(pc) =	sbr.rel $0x88, $3  }
0x1: {  	(tag) =	ssettag $0x0;
	lr =	simm.s32 $0x1  }
0x2: {  	[smem:$0x3F97] =	sst lr;
	_ =	strace $0xD0000000  }
0x3: {  	_ = 	snop  }
0x4: {  	_ = 	snop  }
0x5: {  	_ = 	snop  }
0x6: {  	_ = 	snop  }
0x7: {  	_ = 	snop  }
__scs_overlays_trampoline_lowered:
0x8: {  	[smem:$0x3FA6] =	sst s0  }
0x9: {  	[smem:$0x3FA7] =	sst s1  }
0xa: {  	[smem:$0x3FA8] =	sst s2  }
0xb: {  	[smem:$0x3FA9] =	sst s3  }
0xc: {  	[smem:$0x3FAA] =	sst s4  }
0xd: {  	[smem:$0x3FAB] =	sst s5  }
0xe: {  	[smem:$0x3FAC] =	sst s6  }
0xf: {  	[smem:$0x3FAD] =	sst s7  }
0x10: {  	[smem:$0x3FAE] =	sst s8  }
0x11: {  	[smem:$0x3FAF] =	sst s9;
	s0 =	simm.s32 @!p0 $0x0  }
0x12: {  	s1 =	sld [smem:$0x3F95];
	s0 =	simm.s32 @p0 $0x1  }
0x13: {  	[smem:$0x3FB0] =	sst s0;
	s0 =	simm.s32 @!p1 $0x0  }
0x14: {  	s2 =	sld [smem:$0x3F94];
	s0 =	simm.s32 @p1 $0x1  }
0x15: {  	[smem:$0x3FB1] =	sst s0;
	s0 =	simm.s32 @!p2 $0x0  }
0x16: {  	s3 =	sld [smem:$0x3FDB];
	s0 =	simm.s32 @p2 $0x1  }
0x17: {  	s4 =	simm.s32 $0x1BF5;
	[smem:$0x3FB3] =	sst s0  }
0x18: {  	s0 =	sld [smem:$0x3F96];
	_ =	swait.ge [sflag:s4], $0x0  }
0x19: {  	s7 =	sld [smem:$0x3F97]  }
0x1a: {  	s8 =	sadd.s32 $0xFFFFE003, lr  }
0x1b: {  	s9 =	sadd.s32 $0xFFFFFEF7, lr;
	s5 =	simm.s32 $0xFFFFFFFF;
	p2 =	slt.u32 s8, $0xFFFFF086  }
0x1c: {  	p1 =	slt.u32 s9, $0xF7A;
	s5 =	simm.s32 @!p2 $0x0  }
0x1d: {  	s5 =	simm.s32 @p1 $0x1;
	p0 =	seq.s32 s7, s2  }
0x1e: {  	s7 =	smul.u32 @!p0 $0xF7A, s2;
	p2 =	seq.s32 @!p0 s5, $0x0  }
0x1f: {  	s9 =	smul.u32 $0xF7A, s1;
	s8 =	simm.s32 @!p0 $0x1BF5;
	p2 =	por !p2, p0  }
0x20: {  	[sflag:s8] =	ssyncset.s32 @!p0 $0xFFFFF086;
	s6 =	sadd.s32 @!p0 s3, s7;
	s7 =	simm.s32 @!p0 $0x108  }
0x21: {  	s3 =	sadd.s32 s3, s9;
	s6 =	sadd.s32 @!p0 $0x88, s6;
	s7 =	simm.s32 @p2 $0x1082  }
0x22: {  	[simem:s7], [sflag:s8] =	dma.local @!p0 [hbm:s6], $0xF7A  }
0x23: {  	s9 =	sor.u32 $0xD0000000, s2;
	s6 =	simm.s32 $0x108;
	_ =	swait.ge @!p0 [sflag:s8], $0x0  }
0x24: {  	s3 =	sadd.s32 $0x88, s3;
	s6 =	simm.s32 @!p1 $0x1082;
	[sflag:s4] =	ssyncset.s32 $0xFFFFF086  }
0x25: {  	[simem:s6], [sflag:s4] =	dma.local [hbm:s3], $0xF7A  }
0x26: {  	[smem:$0x3F97] =	sst s1;
	(tag) =	ssettag s2;
	_ =	strace s9  }
0x27: {  	s1 =	sld [smem:$0x3FA7]  }
0x28: {  	s2 =	sld [smem:$0x3FA8]  }
0x29: {  	s4 =	sld [smem:$0x3FAA]  }
0x2a: {  	p0 =	seq.s32 s5, $0x0;
	s5 =	sld [smem:$0x3FAB]  }
0x2b: {  	s6 =	sld [smem:$0x3FAC]  }
0x2c: {  	s7 =	sld [smem:$0x3FAD]  }
0x2d: {  	s3 =	simm.s32 $0x108;
	s8 =	sld [smem:$0x3FAE]  }
0x2e: {  	s3 =	simm.s32 @!p0 $0x1082;
	s9 =	sld [smem:$0x3FAF]  }
0x2f: {  	lr =	sadd.s32 s0, s3;
	s0 =	sld [smem:$0x3FA6]  }
0x30: {  	s3 =	sld [smem:$0x3FA9]  }
0x31: {  	[smem:$0x3FB2] =	sst s10  }
0x32: {  	s10 =	sld [smem:$0x3FB0];
	_ =	sdelay $0x3  }
0x33: {  	p0 =	seq.s32 s10, $0x1;
	s10 =	sld [smem:$0x3FB2];
	_ =	sdelay $0x3  }
0x34: {  	[smem:$0x3FB2] =	sst s10  }
0x35: {  	s10 =	sld [smem:$0x3FB1];
	_ =	sdelay $0x3  }
0x36: {  	p1 =	seq.s32 s10, $0x1;
	s10 =	sld [smem:$0x3FB2];
	_ =	sdelay $0x3  }
0x37: {  	[smem:$0x3FB2] =	sst s10  }
0x38: {  	s10 =	sld [smem:$0x3FB3]  }
0x39: {  	_ = 	snop;
	(pc) =	sbr.ind lr, $3  }
0x3a: {  	_ = 	snop  }
0x3b: {  	_ = 	snop  }
0x3c: {  	p2 =	seq.s32 s10, $0x1;
	s10 =	sld [smem:$0x3FB2]  }
0x3d: {  	_ =	shalt  }
0x3e: {  	_ =	shalt  }
0x3f: {  	_ =	shalt  }
0x40: {  	_ =	shalt  }
0x41: {  	_ =	shalt  }
0x42: {  	_ =	shalt  }
0x43: {  	_ =	shalt  }
0x44: {  	_ =	shalt  }
0x45: {  	_ =	shalt  }
0x46: {  	_ =	shalt  }
0x47: {  	_ =	shalt  }
0x48: {  	_ =	shalt  }
0x49: {  	_ =	shalt  }
0x4a: {  	_ =	shalt  }
0x4b: {  	_ =	shalt  }
0x4c: {  	_ =	shalt  }
0x4d: {  	_ =	shalt  }
0x4e: {  	_ =	shalt  }
0x4f: {  	_ =	shalt  }
0x50: {  	_ =	shalt  }
0x51: {  	_ =	shalt  }
0x52: {  	_ =	shalt  }
0x53: {  	_ =	shalt  }
0x54: {  	_ =	shalt  }
0x55: {  	_ =	shalt  }
0x56: {  	_ =	shalt  }
0x57: {  	_ =	shalt  }
0x58: {  	_ =	shalt  }
0x59: {  	_ =	shalt  }
0x5a: {  	_ =	shalt  }
0x5b: {  	_ =	shalt  }
0x5c: {  	_ =	shalt  }
0x5d: {  	_ =	shalt  }
0x5e: {  	_ =	shalt  }
0x5f: {  	_ =	shalt  }
0x60: {  	_ =	shalt  }
0x61: {  	_ =	shalt  }
0x62: {  	_ =	shalt  }
0x63: {  	_ =	shalt  }
0x64: {  	_ =	shalt  }
0x65: {  	_ =	shalt  }
0x66: {  	_ =	shalt  }
0x67: {  	_ =	shalt  }
0x68: {  	_ =	shalt  }
0x69: {  	_ =	shalt  }
0x6a: {  	_ =	shalt  }
0x6b: {  	_ =	shalt  }
0x6c: {  	_ =	shalt  }
0x6d: {  	_ =	shalt  }
0x6e: {  	_ =	shalt  }
0x6f: {  	_ =	shalt  }
0x70: {  	_ =	shalt  }
0x71: {  	_ =	shalt  }
0x72: {  	_ =	shalt  }
0x73: {  	_ =	shalt  }
0x74: {  	_ =	shalt  }
0x75: {  	_ =	shalt  }
0x76: {  	_ =	shalt  }
0x77: {  	_ =	shalt  }
0x78: {  	_ =	shalt  }
0x79: {  	_ =	shalt  }
0x7a: {  	_ =	shalt  }
0x7b: {  	_ =	shalt  }
0x7c: {  	_ =	shalt  }
0x7d: {  	_ =	shalt  }
0x7e: {  	_ =	shalt  }
0x7f: {  	_ =	shalt  }
0x80: {  	_ =	shalt  }
0x81: {  	_ =	shalt  }
0x82: {  	_ =	shalt  }
0x83: {  	_ =	shalt  }
0x84: {  	_ =	shalt  }
0x85: {  	_ =	shalt  }
0x86: {  	_ =	shalt  }
0x87: {  	_ =	shalt  }
.Lfunc_end0:
.L_simem_size_0:
called_computation_lowered:
.L_overlay_start_0:
0x88: {  	s2 =	sld [smem:$0x3FD9]  }
0x89: {  	s3 =	sld [smem:$0x3FFE];
	_ =	sdelay $0x1  }
0x8a: {  	s1 =	srdreg.scid  }
0x8b: {  	s0 =	sand.u32 $0x1, s1  }
0x8c: {  	s14 =	sshll.u32 s0, $0xA;
	s2 =	sadd.s32 s3, s2  }
0x8d: {  	s2 =	sadd.s32 s2, s14  }
0x8e: {  	[smem:$0x3FBE] =	sst s2  }
0x8f: {  	_ = 	snop  }
0x90: {  	s2 =	sld [smem:$0x3FD0];
	_ =	sdelay $0x2  }
0x91: {  	s15 =	simm.s32 $0xA;
	s4 =	simm.s32 $0x10  }
0x92: {  	[smem:s4], [sflag:s15] =	dma.local [hbm:s2], $0x1  }
0x93: {  	_ =	swait.eq [sflag:s15], $0x1  }
0x94: {  	[sflag:s15] =	ssyncset.done $0x0  }
0x95: {  	[sflag:s15] =	ssyncadd.s32 $0xFFFFFFFF  }
0x96: {  	s16 =	sld [smem:$0x10];
	(tm) =	ssettm $0x1  }
0x97: {  	s17 =	sld [smem:$0x3FFB];
	_ =	sdelay $0x3  }
0x98: {  	_ =	strace s17  }
0x99: {  	s3 =	sld [smem:$0x3FFC];
	_ =	sdelay $0x3  }
0x9a: {  	_ =	strace s3  }
0x9b: {  	s3 =	sld [smem:$0x3FFD];
	_ =	sdelay $0x3  }
0x9c: {  	_ =	strace s3  }
0x9d: {  	_ =	strace $0x8FFFFFFF  }
0x9e: {  	s18 =	sld [smem:$0x3FDB];
	_ =	sdelay $0x1  }
0x9f: {  	s19 =	simm.s32 $_scs_section_size  }
0xa0: {  	s5 =	simm.s32 $_size__tile_overlayer_lowered;
	s6 =	simm.s32 $_tile_overlayer_lowered  }
0xa1: {  	s22 =	simm.s32 $0x1BFF;
	s21 =	sshll.u32 s6, $0x1;
	s3 =	sadd.s32 s19, s18  }
0xa2: {  	s7 =	simm.s32 $0x0;
	s20 =	sshll.u32 s5, $0x1;
	s5 =	sadd.s32 s21, s3  }
0xa3: {  	[timem:s7], [sflag:s22] =	dma.local [hbm:s5], s20  }
0xa4: {  	_ =	swait.ge [sflag:s22], s20  }
0xa5: {  	s4 =	ssub.s32 $0x0, s20;
	[sflag:s22] =	ssyncset.done $0x0  }
0xa6: {  	[sflag:s22] =	ssyncadd.s32 s4;
	_ =	sdelay $0x1  }
0xa7: {  	s23 =	simm.s32 $0x1B8B  }
0xa8: {  	_ =	swait.ge [sflag:s23], $0x1  }
0xa9: {  	[sflag:s23] =	ssyncset.done $0x0  }
0xaa: {  	s25 =	simm.s32 $0x1B8E;
	s24 =	sld [smem:$0x3FFE];
	[sflag:s23] =	ssyncadd.s32 $0xFFFFFFFF  }
0xab: {  	s26 =	simm.s32 $execute0_lowered;
	[smem:$0x3FD2] =	sst s25  }
0xac: {  	s5 =	sshll.u32 s26, $0x1;
	_ =	strace $0x80000046;
	[dreg:$0x1] =	wrdreg $0xFFFFFFFF  }
0xad: {  	s28 =	simm.s32 $_size_execute0_lowered;
	s3 =	sadd.s32 s3, s5;
	[dreg:$0x0] =	wrdreg $0x0  }
0xae: {  	s5 =	sshll.u32 s28, $0x1;
	[dreg:$0x2] =	wrdreg s3  }
0xaf: {  	[dreg:$0x3] =	wrdreg s5  }
0xb0: {  	[dreg:$0x4] =	wrdreg $0xC0  }
0xb1: {  	_ =	task [dreg:s7], $0x5FFFF  }
0xb2: {  	[dreg:$0x1] =	wrdreg $0xFFFFFFFF  }
0xb3: {  	[dreg:$0x0] =	wrdreg $0x60  }
0xb4: {  	[dreg:$0x2] =	wrdreg s16  }
0xb5: {  	[dreg:$0x3] =	wrdreg s24  }
0xb6: {  	[dreg:$0x4] =	wrdreg $0x9  }
0xb7: {  	_ =	task.clear_ibuf [dreg:s7], $0x5FFFF;
	_ =	strace $0x90000046  }
0xb8: {  	s29 =	simm.s32 $0x9;
	_ =	strace $0x80000048  }
0xb9: {  	_ =	swait.ge [sflag:s29], $0x1  }
0xba: {  	[sflag:s29] =	ssyncadd.s32 $0xFFFFFFFF  }
0xbb: {  	_ =	strace $0x90000048  }
0xbc: {  	_ =	sfence  }
0xbd: {  	s30 =	sld [smem:$0x0];
	_ =	sdelay $0x2  }
0xbe: {  	s31 =	sshll.u32 s1, $0xD;
	s1 =	sshrl.u32 s1, $0x2  }
0xbf: {  	s3 =	sand.u32 $0x4000, s31;
	s1 =	sadd.s32 s1, s30  }
0xc0: {  	s0 =	sor.u32 s3, s0;
	s1 =	sshll.u32 s1, $0x11  }
0xc1: {  	s0 =	sor.u32 s1, s0  }
0xc2: {  	s0 =	sadd.s32 $0x8F2B, s0  }
0xc3: {  	[sflag:s0] =	ssyncadd.remote.s32 $0x1  }
0xc4: {  	_ =	sfence.sel $0xFFFF  }
0xc5: {  	[dreg:$0x0] =	wrdreg $0xFFFFFFFF;
	(pc) =	sbr.abs _section_cstart, $3  }
0xc6: {  	[dreg:$0x1] =	wrdreg $0xFFFFFFFF  }
0xc7: {  	_ =	task.clear_ibuf [dreg:s7], $0x2FFFF;
	_ =	strace $0x9FFFFFFF  }
0xc8: {  	(tm) =	ssettm $0x7FFFFFFF  }
0xc9: {  	_ =	shalt  }
tec
execute0_lowered:
.L_overlay_start_1:
0x0: {  	(tag) =	ssettag $0x1  }
0x1: {  	s0 =	srdreg.scid;
	s2 =	rddreg [dreg:$0x0]  }
0x2: {  	s11 =	stileid.u32;
	s4 =	rddreg [dreg:$0x1]  }
0x3: {  	s3 =	simm.s32 $0x0;
	s0 =	sand.u32 $0x1, s0;
	s1 =	smul.u32 $0x9C, s11  }
0x4: {  	s5 =	sshll.u32 s11, $0x1;
	[smem:$0x7FF] =	sst s3;
	s26 =	sadd.s32 $0x3000, s4  }
0x5: {  	p0 =	slt.u32 s11, $0x2;
	s7 =	smul.u32 $0x4E, s0;
	s5 =	sor.u32 s0, s5  }
0x6: {  	s0 =	ssub.s32 $0x2, s0;
	s8 =	smin.u32 s5, $0x4;
	s5 =	smul.u32 $0x4E, s5  }
0x7: {  	_ =	strace $0x80000047;
	s30 =	sshrl.u32 s0, $0x1;
	s6 =	sadd.s32 s7, s1  }
0x8: {  	s0 =	ssub.s32 s0, s30;
	s9 =	sadd.s32 s8, s6;
	s10 =	sadd.s32 s8, s5  }
0x9: {  	s0 =	smax.u32 s0, $0x1;
	s6 =	sshll.u32 s9, $0xB;
	s31 =	sshll.u32 s10, $0x4  }
0xa: {  	s9 =	sshll.u32 s9, $0x4;
	[dreg:$0xf] =	wrdreg s0;
	s12 =	sadd.s32 s26, s31  }
0xb: {  	s1 =	sadd.s32 s1, s8;
	s19 =	sadd.s32 $0x60, s9;
	[dreg:$0x9] =	wrdreg s12  }
0xc: {  	s5 =	simm.s32 $0x4F;
	s20 =	sadd.s32 $0xB0, s9;
	[dreg:$0x3] =	wrdreg s19  }
0xd: {  	s5 =	simm.s32 @!p0 $0x4E;
	s21 =	sadd.s32 $0xA0, s9;
	[dreg:$0x8] =	wrdreg s20  }
0xe: {  	s4 =	sadd.s32 s6, s4;
	s22 =	sadd.s32 $0x90, s9;
	[dreg:$0x7] =	wrdreg s21  }
0xf: {  	s6 =	sadd.s32 s10, s5;
	s23 =	sadd.s32 $0x80, s9;
	[dreg:$0x6] =	wrdreg s22  }
0x10: {  	s13 =	sadd.s32 $0x10, s31;
	s25 =	sadd.s32 $0x70, s9;
	[dreg:$0x5] =	wrdreg s23  }
0x11: {  	s17 =	sadd.s32 $0x40, s31;
	s24 =	sadd.s32 $0xCE00, s4;
	[dreg:$0x4] =	wrdreg s25  }
0x12: {  	s11 =	sadd.s32 $0x50, s31;
	s28 =	sadd.s32 $0xEE00, s4;
	[dreg:$0x10] =	wrdreg s24  }
0x13: {  	s10 =	sand.u32 $0x1FFFFFF0, s13;
	s29 =	sadd.s32 $0xE600, s4;
	[dreg:$0x11] =	wrdreg s28  }
0x14: {  	s12 =	sadd.s32 $0x20, s31;
	s30 =	sadd.s32 $0xDE00, s4;
	[dreg:$0x12] =	wrdreg s29  }
0x15: {  	s13 =	sadd.s32 $0x30, s31;
	s31 =	sadd.s32 $0xD600, s4;
	[dreg:$0x13] =	wrdreg s30  }
0x16: {  	s10 =	sadd.s32 s26, s10;
	s14 =	sand.u32 $0x1FFFFFF0, s12;
	[dreg:$0x14] =	wrdreg s31  }
0x17: {  	s15 =	sand.u32 $0x1FFFFFF0, s13;
	[dreg:$0xa] =	wrdreg s10;
	s10 =	sadd.s32 s26, s14  }
0x18: {  	s16 =	sadd.s32 s26, s15;
	[dreg:$0xb] =	wrdreg s10;
	s10 =	sand.u32 $0x1FFFFFF0, s17  }
0x19: {  	s18 =	sand.u32 $0x1FFFFFF0, s11;
	[dreg:$0xc] =	wrdreg s16;
	s10 =	sadd.s32 s26, s10  }
0x1a: {  	s0 =	simm.s32 $0x0;
	[dreg:$0xd] =	wrdreg s10;
	s10 =	sadd.s32 s26, s18  }
0x1b: {  	s13 =	sadd.s32 $0xF600, s4;
	s14 =	sadd.s32 s7, s1;
	[dreg:$0xe] =	wrdreg s10  }
.LBB2_1:
0x1c: {  	s1 =	rddreg [dreg:$0x9]  }
0x1d: {  	[tilespmem:s3], [sflag:$0x1] =	stream.linear.gather [hbm4b:s1+s3], $0x80, $0x38;
	[tilespmem:$0x18400] =	vst v63  }
0x1e: {  	s17 =	rddreg [dreg:$0xa];
	s4 =	simm.s32 $0x80  }
0x1f: {  	[tilespmem:s4], [sflag:$0x2] =	stream.linear.gather [hbm4b:s17+s3], $0x80, $0x38;
	[tilespmem:$0x18400] =	vst v63  }
0x20: {  	s18 =	rddreg [dreg:$0xb];
	s19 =	simm.s32 $0x100;
	p5 =	sle.u32 s5, $0x0  }
0x21: {  	[tilespmem:s19], [sflag:$0x3] =	stream.linear.gather [hbm4b:s18+s3], $0x80, $0x38;
	[tilespmem:$0x18400] =	vst v63  }
0x22: {  	s20 =	rddreg [dreg:$0xc];
	s21 =	simm.s32 $0x180;
	p0 =	por @!p5 $0x1, $0x1  }
0x23: {  	[tilespmem:s21], [sflag:$0x4] =	stream.linear.gather [hbm4b:s20+s3], $0x80, $0x38;
	[tilespmem:$0x18400] =	vst v63  }
0x24: {  	s22 =	rddreg [dreg:$0xd];
	s23 =	simm.s32 $0x200;
	p0 =	por p0, p5  }
0x25: {  	[tilespmem:s23], [sflag:$0x5] =	stream.linear.gather [hbm4b:s22+s3], $0x80, $0x38;
	[tilespmem:$0x18400] =	vst v63  }
0x26: {  	s24 =	rddreg [dreg:$0xe];
	s25 =	simm.s32 $0x280;
	s4 =	simm.s32 @!p0 $0xD  }
0x27: {  	[tilespmem:s25], [sflag:$0x6] =	stream.linear.gather [hbm4b:s24+s3], $0x80, $0x38;
	[tilespmem:$0x18400] =	vst v63  }
0x28: {  	s28 =	sadd.s32 $0x0, s14;
	_ =	swait.ge @!p0 [sflag:s4], $0x4000  }
0x29: {  	s7 =	sadd.s32 $0x1, s28;
	[sflag:s4] =	ssyncset.done @!p0 $0x0  }
0x2a: {  	s8 =	simm.s32 @!p5 $0x1;
	p3 =	sge.u32 s7, s6;
	[sflag:s4] =	ssyncadd.s32 @!p0 $0xFFFFC000  }
0x2b: {  	s10 =	simm.s32 @!p5 $0x0;
	p0 =	por @!p3 $0x1, $0x1;
	_ =	swait.ge @!p5 [sflag:s8], $0x80  }
0x2c: {  	s7 =	simm.s32 @!p5 $0x400;
	p0 =	por p0, p3;
	[sflag:s8] =	ssyncset.done @!p5 $0x0  }
0x2d: {  	s4 =	simm.s32 @!p5 $0x80;
	s9 =	simm.s32 @!p0 $0xE;
	[sflag:s8] =	ssyncadd.s32 @!p5 $0xFFFFFF80  }
0x2e: {  	[tilespmem:s7], [sflag:$0x7] =	stream.indirect.gather @!p5 [hbm4b:s2+s4], $0x80, s10, s4, $0xb8;
	[tilespmem:$0x18400] =	vst v63  }
0x2f: {  	_ =	swait.ge @!p0 [sflag:s9], $0x4000  }
0x30: {  	s29 =	sadd.s32 $0x2, s28;
	[sflag:s9] =	ssyncset.done @!p0 $0x0  }
0x31: {  	p4 =	sge.u32 s29, s6;
	s8 =	simm.s32 @!p3 $0x2;
	[sflag:s9] =	ssyncadd.s32 @!p0 $0xFFFFC000  }
0x32: {  	p0 =	por @!p4 $0x1, $0x1;
	_ =	swait.ge @!p3 [sflag:s8], $0x80  }
0x33: {  	s4 =	simm.s32 @!p3 $0x80;
	p0 =	por p0, p4;
	[sflag:s8] =	ssyncset.done @!p3 $0x0  }
0x34: {  	s9 =	simm.s32 @!p3 $0x4400;
	[sflag:s8] =	ssyncadd.s32 @!p3 $0xFFFFFF80;
	s8 =	simm.s32 @!p0 $0xF  }
0x35: {  	[tilespmem:s9], [sflag:$0x8] =	stream.indirect.gather @!p3 [hbm4b:s2+s4], $0x80, s4, s4, $0xb8;
	[tilespmem:$0x18400] =	vst v63  }
0x36: {  	_ =	swait.ge @!p0 [sflag:s8], $0x4000  }
0x37: {  	[sflag:s8] =	ssyncset.done @!p0 $0x0  }
0x38: {  	s30 =	sadd.s32 $0x3, s28;
	s4 =	simm.s32 @!p4 $0x3;
	[sflag:s8] =	ssyncadd.s32 @!p0 $0xFFFFC000  }
0x39: {  	p2 =	sge.u32 s30, s6;
	s11 =	simm.s32 @!p4 $0x100;
	_ =	swait.ge @!p4 [sflag:s4], $0x80  }
0x3a: {  	s8 =	simm.s32 @!p4 $0x8400;
	p0 =	por @!p2 $0x1, $0x1;
	[sflag:s4] =	ssyncset.done @!p4 $0x0  }
0x3b: {  	p0 =	por p0, p2;
	[sflag:s4] =	ssyncadd.s32 @!p4 $0xFFFFFF80;
	s4 =	simm.s32 @!p4 $0x80  }
0x3c: {  	[tilespmem:s8], [sflag:$0x9] =	stream.indirect.gather @!p4 [hbm4b:s2+s4], $0x80, s11, s4, $0xb8;
	[tilespmem:$0x18400] =	vst v63  }
0x3d: {  	s4 =	simm.s32 @!p0 $0x10  }
0x3e: {  	_ =	swait.ge @!p0 [sflag:s4], $0x4000  }
0x3f: {  	s31 =	sadd.s32 $0x4, s28;
	[sflag:s4] =	ssyncset.done @!p0 $0x0  }
0x40: {  	s12 =	simm.s32 @!p2 $0x4;
	[sflag:s4] =	ssyncadd.s32 @!p0 $0xFFFFC000;
	p0 =	sge.u32 s31, s6  }
0x41: {  	s11 =	simm.s32 @!p2 $0x80;
	_ =	swait.ge @!p2 [sflag:s12], $0x80;
	p1 =	por @!p0 $0x1, $0x1  }
0x42: {  	s4 =	simm.s32 @!p2 $0xC400;
	[sflag:s12] =	ssyncset.done @!p2 $0x0;
	p1 =	por p1, p0  }
0x43: {  	[sflag:s12] =	ssyncadd.s32 @!p2 $0xFFFFFF80;
	s12 =	simm.s32 @!p2 $0x180;
	s15 =	simm.s32 @!p1 $0x11  }
0x44: {  	[tilespmem:s4], [sflag:$0xA] =	stream.indirect.gather @!p2 [hbm4b:s2+s11], $0x80, s12, s11, $0xb8;
	[tilespmem:$0x18400] =	vst v63  }
0x45: {  	_ =	swait.ge @!p1 [sflag:s15], $0x4000  }
0x46: {  	s1 =	sadd.s32 $0x5, s28;
	[sflag:s15] =	ssyncset.done @!p1 $0x0  }
0x47: {  	s11 =	simm.s32 @!p0 $0x5;
	[sflag:s15] =	ssyncadd.s32 @!p1 $0xFFFFC000;
	p1 =	sge.u32 s1, s6  }
0x48: {  	s12 =	simm.s32 @!p0 $0x80;
	_ =	swait.ge @!p0 [sflag:s11], $0x80;
	p6 =	por @!p1 $0x1, $0x1  }
0x49: {  	s1 =	simm.s32 @!p0 $0x10400;
	[sflag:s11] =	ssyncset.done @!p0 $0x0;
	p6 =	por p6, p1  }
0x4a: {  	[sflag:s11] =	ssyncadd.s32 @!p0 $0xFFFFFF80;
	s11 =	simm.s32 @!p0 $0x200;
	s15 =	simm.s32 @!p6 $0x12  }
0x4b: {  	[tilespmem:s1], [sflag:$0xB] =	stream.indirect.gather @!p0 [hbm4b:s2+s12], $0x80, s11, s12, $0xb8;
	[tilespmem:$0x18400] =	vst v63  }
0x4c: {  	_ =	swait.ge @!p6 [sflag:s15], $0x4000  }
0x4d: {  	[sflag:s15] =	ssyncset.done @!p6 $0x0  }
0x4e: {  	s11 =	simm.s32 @!p1 $0x6;
	[sflag:s15] =	ssyncadd.s32 @!p6 $0xFFFFC000  }
0x4f: {  	_ =	swait.ge @!p1 [sflag:s11], $0x80  }
0x50: {  	s16 =	simm.s32 @!p1 $0x80;
	s17 =	simm.s32 @!p1 $0x280;
	[sflag:s11] =	ssyncset.done @!p1 $0x0  }
0x51: {  	s12 =	simm.s32 @!p1 $0x14400;
	[sflag:s11] =	ssyncadd.s32 @!p1 $0xFFFFFF80;
	s11 =	sadd.s32 @!p5 $0x0, s14  }
0x52: {  	[tilespmem:s12], [sflag:$0xC] =	stream.indirect.gather @!p1 [hbm4b:s2+s16], $0x80, s17, s16, $0xb8;
	[tilespmem:$0x18400] =	vst v63  }
0x53: {  	s15 =	simm.s32 @!p5 $0x7;
	s11 =	sadd.s32 @!p5 $0x6, s11  }
0x54: {  	_ =	swait.ge @!p5 [sflag:s15], $0x4000;
	p6 =	sge.u32 @!p5 s11, s6  }
0x55: {  	s16 =	rddreg [dreg:$0x3];
	p6 =	por p6, p5;
	[sflag:s15] =	ssyncset.done @!p5 $0x0  }
0x56: {  	s11 =	simm.s32 @!p6 $0x0;
	[sflag:s15] =	ssyncadd.s32 @!p5 $0xFFFFC000;
	s15 =	sadd.s32 @!p6 s26, s16  }
0x57: {  	[tilespmem:s11], [sflag:$0x1] =	stream.linear.gather @!p6 [hbm4b:s15+s11], $0x80, $0x38;
	[tilespmem:$0x18400] =	vst v63  }
0x58: {  	s16 =	rddreg [dreg:$0x10]  }
0x59: {  	[hbm4b:s16+s10] =	stream.linear.scatter @!p5 [tilespmem:s7], [sflag:$0xD], $0x4000, $0x38;
	[tilespmem:$0x18400] =	vst v63  }
0x5a: {  	s11 =	simm.s32 @!p3 $0x8;
	s7 =	sadd.s32 @!p3 $0x0, s14  }
0x5b: {  	_ =	swait.ge @!p3 [sflag:s11], $0x4000;
	s7 =	sadd.s32 @!p3 $0x7, s7  }
0x5c: {  	p5 =	sge.u32 @!p3 s7, s6;
	[sflag:s11] =	ssyncset.done @!p3 $0x0  }
0x5d: {  	s10 =	rddreg [dreg:$0x4];
	p5 =	por p5, p3;
	[sflag:s11] =	ssyncadd.s32 @!p3 $0xFFFFC000  }
0x5e: {  	s7 =	simm.s32 @!p5 $0x0;
	s11 =	simm.s32 @!p5 $0x80;
	s10 =	sadd.s32 @!p5 s26, s10  }
0x5f: {  	[tilespmem:s11], [sflag:$0x2] =	stream.linear.gather @!p5 [hbm4b:s10+s7], $0x80, $0x38;
	[tilespmem:$0x18400] =	vst v63  }
0x60: {  	s18 =	rddreg [dreg:$0x14];
	s7 =	simm.s32 @!p3 $0x0  }
0x61: {  	[hbm4b:s18+s7] =	stream.linear.scatter @!p3 [tilespmem:s9], [sflag:$0xE], $0x4000, $0x38;
	[tilespmem:$0x18400] =	vst v63  }
0x62: {  	s21 =	simm.s32 $0x6;
	s10 =	simm.s32 @!p4 $0x9;
	s7 =	sadd.s32 @!p4 $0x0, s14  }
0x63: {  	s22 =	sadd.s32 $0x3000, s13;
	_ =	swait.ge @!p4 [sflag:s10], $0x4000;
	s7 =	sadd.s32 @!p4 $0x8, s7  }
0x64: {  	s23 =	sadd.s32 $0x60, s26;
	p3 =	sge.u32 @!p4 s7, s6;
	[sflag:s10] =	ssyncset.done @!p4 $0x0  }
0x65: {  	s9 =	rddreg [dreg:$0x5];
	p3 =	por p3, p4;
	[sflag:s10] =	ssyncadd.s32 @!p4 $0xFFFFC000  }
0x66: {  	s7 =	simm.s32 @!p3 $0x0;
	s10 =	simm.s32 @!p3 $0x100;
	s9 =	sadd.s32 @!p3 s26, s9  }
0x67: {  	[tilespmem:s10], [sflag:$0x3] =	stream.linear.gather @!p3 [hbm4b:s9+s7], $0x80, $0x38;
	[tilespmem:$0x18400] =	vst v63  }
0x68: {  	s11 =	simm.s32 @!p2 $0xA;
	s17 =	rddreg [dreg:$0x13];
	s7 =	sadd.s32 @!p2 $0x0, s14  }
0x69: {  	s9 =	simm.s32 @!p4 $0x0;
	s10 =	simm.s32 $0xC;
	s7 =	sadd.s32 @!p2 $0x9, s7  }
0x6a: {  	[hbm4b:s17+s9] =	stream.linear.scatter @!p4 [tilespmem:s8], [sflag:$0xF], $0x4000, $0x38;
	[tilespmem:$0x18400] =	vst v63  }
0x6b: {  	p3 =	sge.u32 @!p2 s7, s6;
	s7 =	sadd.s32 @!p0 $0x0, s14;
	s9 =	sadd.s32 @!p1 $0x0, s14  }
0x6c: {  	_ =	swait.ge @!p2 [sflag:s11], $0x4000;
	s7 =	sadd.s32 @!p0 $0xA, s7;
	s9 =	sadd.s32 @!p1 $0xB, s9  }
0x6d: {  	p3 =	por p3, p2;
	s8 =	rddreg [dreg:$0x6];
	[sflag:s11] =	ssyncset.done @!p2 $0x0  }
0x6e: {  	s15 =	simm.s32 @!p3 $0x180;
	p4 =	sge.u32 @!p0 s7, s6;
	s7 =	sadd.s32 $0x3000, s17  }
0x6f: {  	[sflag:s11] =	ssyncadd.s32 @!p2 $0xFFFFC000;
	s11 =	simm.s32 @!p3 $0x0;
	s8 =	sadd.s32 @!p3 s26, s8  }
0x70: {  	[tilespmem:s15], [sflag:$0x4] =	stream.linear.gather @!p3 [hbm4b:s8+s11], $0x80, $0x38;
	[tilespmem:$0x18400] =	vst v63  }
0x71: {  	s17 =	simm.s32 @!p1 $0xC;
	p3 =	sge.u32 @!p1 s9, s6;
	s8 =	simm.s32 @!p2 $0x0  }
0x72: {  	s9 =	simm.s32 @!p0 $0xB;
	s11 =	rddreg [dreg:$0x12];
	s15 =	simm.s32 @!p0 $0x0  }
0x73: {  	[hbm4b:s11+s8] =	stream.linear.scatter @!p2 [tilespmem:s4], [sflag:$0x10], $0x4000, $0x38;
	[tilespmem:$0x18400] =	vst v63  }
0x74: {  	p5 =	por p3, p1;
	p3 =	por p4, p0;
	_ =	swait.ge @!p0 [sflag:s9], $0x4000  }
0x75: {  	s25 =	sadd.s32 $0x3000, s11;
	s8 =	sadd.s32 $0x3000, s18;
	s4 =	rddreg [dreg:$0x7]  }
0x76: {  	s11 =	simm.s32 @!p3 $0x200;
	[sflag:s9] =	ssyncset.done @!p0 $0x0;
	s18 =	rddreg [dreg:$0x11]  }
0x77: {  	[sflag:s9] =	ssyncadd.s32 @!p0 $0xFFFFC000;
	s9 =	simm.s32 @!p3 $0x0;
	s4 =	sadd.s32 @!p3 s26, s4  }
0x78: {  	[tilespmem:s11], [sflag:$0x5] =	stream.linear.gather @!p3 [hbm4b:s4+s9], $0x80, $0x38;
	[tilespmem:$0x18400] =	vst v63  }
0x79: {  	s24 =	sadd.s32 $0x3000, s18;
	s9 =	sadd.s32 $0x3000, s16;
	s4 =	smov.u32 s26  }
0x7a: {  	[hbm4b:s18+s15] =	stream.linear.scatter @!p0 [tilespmem:s1], [sflag:$0x11], $0x4000, $0x38;
	[tilespmem:$0x18400] =	vst v63  }
0x7b: {  	s16 =	smov.u32 s13;
	p0 =	sle.u32 s5, $0x6;
	_ =	swait.ge @!p1 [sflag:s17], $0x4000  }
0x7c: {  	p3 =	por @!p0 $0x0, $0x0;
	[sflag:s17] =	ssyncset.done @!p1 $0x0;
	s1 =	rddreg [dreg:$0x8]  }
.LBB2_2:
0x7d: {  	s15 =	sadd.s32 @!p0 s21, s14;
	s28 =	simm.s32 @!p5 $0x280;
	[sflag:s17] =	ssyncadd.s32 @!p1 $0xFFFFC000  }
0x7e: {  	s17 =	simm.s32 @!p5 $0x0;
	s1 =	sadd.s32 @!p5 s4, s1;
	s15 =	sadd.s32 @!p0 $0x6, s15  }
0x7f: {  	[tilespmem:s28], [sflag:$0x6] =	stream.linear.gather @!p5 [hbm4b:s1+s17], $0x80, $0x38;
	[tilespmem:$0x18400] =	vst v63  }
0x80: {  	p2 =	sge.u32 @!p0 s15, s6  }
0x81: {  	s4 =	simm.s32 @!p1 $0x0;
	s15 =	simm.s32 @!p2 $0x0  }
0x82: {  	[hbm4b:s16+s4] =	stream.linear.scatter @!p1 [tilespmem:s12], [sflag:$0x12], $0x4000, $0x38;
	[tilespmem:$0x18400] =	vst v63  }
0x83: {  	p4 =	por p3, p0;
	s15 =	simm.s32 @p2 $0x1  }
0x84: {  	[smem:$0x7F7] =	sst s15;
	s15 =	simm.s32 @!p4 $0xD  }
0x85: {  	_ =	swait.ge @!p4 [sflag:s15], $0x4000  }
0x86: {  	[sflag:s15] =	ssyncset.done @!p4 $0x0  }
0x87: {  	s1 =	sadd.s32 s21, s14;
	s4 =	simm.s32 @!p0 $0x1;
	[sflag:s15] =	ssyncadd.s32 @!p4 $0xFFFFC000  }
0x88: {  	s29 =	simm.s32 @!p0 $0x0;
	s18 =	sadd.s32 $0x1, s1;
	_ =	swait.ge @!p0 [sflag:s4], $0x80  }
0x89: {  	s28 =	simm.s32 @!p0 $0x400;
	p3 =	sge.u32 s18, s6;
	[sflag:s4] =	ssyncset.done @!p0 $0x0  }
0x8a: {  	s12 =	simm.s32 @!p0 $0x80;
	[sflag:s4] =	ssyncadd.s32 @!p0 $0xFFFFFF80;
	s4 =	sadd.s32 @!p3 s21, s14  }
0x8b: {  	[tilespmem:s28], [sflag:$0x7] =	stream.indirect.gather @!p0 [hbm4b:s2+s12], $0x80, s29, s12, $0xb8;
	[tilespmem:$0x18400] =	vst v63  }
0x8c: {  	p1 =	seq.s32 @!p3 s21, $0x0;
	s4 =	sadd.s32 @!p3 $0x7, s4  }
0x8d: {  	s30 =	smov.u32 s10;
	p1 =	por p1, p3;
	p2 =	sge.u32 @!p3 s4, s6  }
0x8e: {  	s10 =	sadd.s32 $0x6, s10;
	s17 =	simm.s32 @!p1 $0xE;
	s4 =	simm.s32 @!p2 $0x0  }
0x8f: {  	_ =	swait.ge @!p1 [sflag:s17], $0x4000;
	s4 =	simm.s32 @p2 $0x1;
	p2 =	sne.s32 s10, $0x54  }
0x90: {  	[smem:$0x7F8] =	sst s4;
	s4 =	simm.s32 @!p2 $0x0  }
0x91: {  	s19 =	sadd.s32 $0x2, s1;
	[sflag:s17] =	ssyncset.done @!p1 $0x0;
	s4 =	simm.s32 @p2 $0x1  }
0x92: {  	s18 =	simm.s32 @!p3 $0x2;
	[sflag:s17] =	ssyncadd.s32 @!p1 $0xFFFFC000;
	[smem:$0x7FD] =	sst s4  }
0x93: {  	p4 =	sge.u32 s19, s6;
	_ =	swait.ge @!p3 [sflag:s18], $0x80  }
0x94: {  	s31 =	simm.s32 @!p3 $0x4400;
	s16 =	sadd.s32 @!p4 s21, s14;
	[sflag:s18] =	ssyncset.done @!p3 $0x0  }
0x95: {  	p1 =	seq.s32 @!p4 s21, $0x0;
	s4 =	simm.s32 @!p3 $0x80;
	[sflag:s18] =	ssyncadd.s32 @!p3 $0xFFFFFF80  }
0x96: {  	[tilespmem:s31], [sflag:$0x8] =	stream.indirect.gather @!p3 [hbm4b:s2+s4], $0x80, s4, s4, $0xb8;
	[tilespmem:$0x18400] =	vst v63  }
0x97: {  	p1 =	por p1, p4;
	s4 =	sadd.s32 @!p4 $0x8, s16  }
0x98: {  	s17 =	simm.s32 @!p1 $0xF;
	p2 =	sge.u32 @!p4 s4, s6  }
0x99: {  	_ =	swait.ge @!p1 [sflag:s17], $0x4000;
	s4 =	simm.s32 @!p2 $0x0  }
0x9a: {  	s20 =	sadd.s32 $0x5, s1;
	[sflag:s17] =	ssyncset.done @!p1 $0x0;
	s4 =	simm.s32 @p2 $0x1  }
0x9b: {  	[sflag:s17] =	ssyncadd.s32 @!p1 $0xFFFFC000;
	s17 =	simm.s32 @!p4 $0x3;
	[smem:$0x7F9] =	sst s4  }
0x9c: {  	s15 =	sadd.s32 $0x4, s1;
	s1 =	sadd.s32 $0x3, s1;
	_ =	swait.ge @!p4 [sflag:s17], $0x80  }
0x9d: {  	p5 =	sge.u32 s1, s6;
	s1 =	simm.s32 @!p4 $0x8400;
	[sflag:s17] =	ssyncset.done @!p4 $0x0  }
0x9e: {  	s18 =	simm.s32 @!p4 $0x100;
	[sflag:s17] =	ssyncadd.s32 @!p4 $0xFFFFFF80;
	s17 =	simm.s32 @!p4 $0x80  }
0x9f: {  	[tilespmem:s1], [sflag:$0x9] =	stream.indirect.gather @!p4 [hbm4b:s2+s17], $0x80, s18, s17, $0xb8;
	[tilespmem:$0x18400] =	vst v63  }
0xa0: {  	p1 =	seq.s32 @!p5 s21, $0x0;
	s18 =	sadd.s32 @!p5 s21, s14  }
0xa1: {  	p1 =	por p1, p5;
	s18 =	sadd.s32 @!p5 $0x9, s18  }
0xa2: {  	s17 =	simm.s32 @!p1 $0x10;
	p2 =	sge.u32 @!p5 s18, s6  }
0xa3: {  	_ =	swait.ge @!p1 [sflag:s17], $0x4000;
	s18 =	simm.s32 @!p2 $0x0  }
0xa4: {  	[sflag:s17] =	ssyncset.done @!p1 $0x0;
	s18 =	simm.s32 @p2 $0x1  }
0xa5: {  	s19 =	simm.s32 @!p5 $0x4;
	[sflag:s17] =	ssyncadd.s32 @!p1 $0xFFFFC000;
	[smem:$0x7FA] =	sst s18  }
0xa6: {  	_ =	swait.ge @!p5 [sflag:s19], $0x80  }
0xa7: {  	p6 =	sge.u32 s15, s6;
	s15 =	simm.s32 @!p5 $0x80;
	[sflag:s19] =	ssyncset.done @!p5 $0x0  }
0xa8: {  	s17 =	simm.s32 @!p5 $0xC400;
	s18 =	simm.s32 @!p5 $0x180;
	[sflag:s19] =	ssyncadd.s32 @!p5 $0xFFFFFF80  }
0xa9: {  	[tilespmem:s17], [sflag:$0xA] =	stream.indirect.gather @!p5 [hbm4b:s2+s15], $0x80, s18, s15, $0xb8;
	[tilespmem:$0x18400] =	vst v63  }
0xaa: {  	p1 =	seq.s32 @!p6 s21, $0x0;
	s15 =	sadd.s32 @!p6 s21, s14  }
0xab: {  	p1 =	por p1, p6;
	s15 =	sadd.s32 @!p6 $0xA, s15  }
0xac: {  	s19 =	simm.s32 @!p1 $0x11;
	p2 =	sge.u32 @!p6 s15, s6  }
0xad: {  	_ =	swait.ge @!p1 [sflag:s19], $0x4000;
	s12 =	simm.s32 @!p2 $0x0  }
0xae: {  	s18 =	simm.s32 @!p6 $0x5;
	[sflag:s19] =	ssyncset.done @!p1 $0x0;
	s12 =	simm.s32 @p2 $0x1  }
0xaf: {  	[sflag:s19] =	ssyncadd.s32 @!p1 $0xFFFFC000;
	p1 =	sge.u32 s20, s6;
	[smem:$0x7FC] =	sst s12  }
0xb0: {  	s15 =	simm.s32 @!p6 $0x10400;
	p2 =	seq.s32 @!p1 s21, $0x0;
	_ =	swait.ge @!p6 [sflag:s18], $0x80  }
0xb1: {  	s12 =	simm.s32 @!p6 $0x80;
	p2 =	por p2, p1;
	[sflag:s18] =	ssyncset.done @!p6 $0x0  }
0xb2: {  	s19 =	simm.s32 @!p2 $0x12;
	[sflag:s18] =	ssyncadd.s32 @!p6 $0xFFFFFF80;
	s18 =	simm.s32 @!p6 $0x200  }
0xb3: {  	[tilespmem:s15], [sflag:$0xB] =	stream.indirect.gather @!p6 [hbm4b:s2+s12], $0x80, s18, s12, $0xb8;
	[tilespmem:$0x18400] =	vst v63  }
0xb4: {  	s12 =	sadd.s32 @!p1 s21, s14;
	_ =	swait.ge @!p2 [sflag:s19], $0x4000  }
0xb5: {  	s12 =	sadd.s32 @!p1 $0xB, s12;
	[sflag:s19] =	ssyncset.done @!p2 $0x0  }
0xb6: {  	s21 =	smov.u32 s30;
	[sflag:s19] =	ssyncadd.s32 @!p2 $0xFFFFC000;
	p2 =	sge.u32 @!p1 s12, s6  }
0xb7: {  	s18 =	simm.s32 @!p1 $0x6;
	s30 =	simm.s32 @!p1 $0x80;
	p2 =	por p2, p1  }
0xb8: {  	s19 =	simm.s32 @!p0 $0x7;
	_ =	swait.ge @!p1 [sflag:s18], $0x80;
	s20 =	simm.s32 @!p2 $0x0  }
0xb9: {  	s12 =	simm.s32 @!p1 $0x14400;
	[sflag:s18] =	ssyncset.done @!p1 $0x0;
	s20 =	simm.s32 @p2 $0x1  }
0xba: {  	[sflag:s18] =	ssyncadd.s32 @!p1 $0xFFFFFF80;
	[smem:$0x7FB] =	sst s20;
	s20 =	simm.s32 @!p1 $0x280  }
0xbb: {  	[tilespmem:s12], [sflag:$0xC] =	stream.indirect.gather @!p1 [hbm4b:s2+s30], $0x80, s20, s30, $0xb8;
	[tilespmem:$0x18400] =	vst v63  }
0xbc: {  	_ =	swait.ge @!p0 [sflag:s19], $0x4000  }
0xbd: {  	s20 =	sld [smem:$0x7F7];
	_ =	sdelay $0x2  }
0xbe: {  	p2 =	seq.s32 s20, $0x1  }
0xbf: {  	[sflag:s19] =	ssyncset.done @!p0 $0x0;
	s18 =	rddreg [dreg:$0x3];
	p2 =	por p2, p0  }
0xc0: {  	[sflag:s19] =	ssyncadd.s32 @!p0 $0xFFFFC000;
	s20 =	simm.s32 @!p2 $0x0;
	s18 =	sadd.s32 @!p2 s23, s18  }
0xc1: {  	[tilespmem:s20], [sflag:$0x1] =	stream.linear.gather @!p2 [hbm4b:s18+s20], $0x80, $0x38;
	[tilespmem:$0x18400] =	vst v63  }
0xc2: {  	s18 =	simm.s32 @!p3 $0x8  }
0xc3: {  	[hbm4b:s9+s29] =	stream.linear.scatter @!p0 [tilespmem:s28], [sflag:$0xD], $0x4000, $0x38;
	[tilespmem:$0x18400] =	vst v63  }
0xc4: {  	_ =	swait.ge @!p3 [sflag:s18], $0x4000  }
0xc5: {  	s30 =	sld [smem:$0x7F8];
	_ =	sdelay $0x2  }
0xc6: {  	[sflag:s18] =	ssyncset.done @!p3 $0x0;
	p2 =	seq.s32 s30, $0x1  }
0xc7: {  	s19 =	rddreg [dreg:$0x4];
	[sflag:s18] =	ssyncadd.s32 @!p3 $0xFFFFC000;
	p0 =	por p2, p3  }
0xc8: {  	s18 =	simm.s32 @!p0 $0x0;
	s20 =	simm.s32 @!p0 $0x80;
	s19 =	sadd.s32 @!p0 s23, s19  }
0xc9: {  	[tilespmem:s20], [sflag:$0x2] =	stream.linear.gather @!p0 [hbm4b:s19+s18], $0x80, $0x38;
	[tilespmem:$0x18400] =	vst v63  }
0xca: {  	s28 =	simm.s32 @!p3 $0x0;
	s18 =	simm.s32 @!p4 $0x9  }
0xcb: {  	[hbm4b:s8+s28] =	stream.linear.scatter @!p3 [tilespmem:s31], [sflag:$0xE], $0x4000, $0x38;
	[tilespmem:$0x18400] =	vst v63  }
0xcc: {  	_ =	swait.ge @!p4 [sflag:s18], $0x4000  }
0xcd: {  	s31 =	sld [smem:$0x7F9];
	_ =	sdelay $0x2  }
0xce: {  	[sflag:s18] =	ssyncset.done @!p4 $0x0;
	p2 =	seq.s32 s31, $0x1  }
0xcf: {  	s19 =	rddreg [dreg:$0x5];
	[sflag:s18] =	ssyncadd.s32 @!p4 $0xFFFFC000;
	p0 =	por p2, p4  }
0xd0: {  	s18 =	simm.s32 @!p0 $0x0;
	s20 =	simm.s32 @!p0 $0x100;
	s19 =	sadd.s32 @!p0 s23, s19  }
0xd1: {  	[tilespmem:s20], [sflag:$0x3] =	stream.linear.gather @!p0 [hbm4b:s19+s18], $0x80, $0x38;
	[tilespmem:$0x18400] =	vst v63  }
0xd2: {  	s28 =	simm.s32 @!p4 $0x0;
	s18 =	simm.s32 @!p5 $0xA  }
0xd3: {  	[hbm4b:s7+s28] =	stream.linear.scatter @!p4 [tilespmem:s1], [sflag:$0xF], $0x4000, $0x38;
	[tilespmem:$0x18400] =	vst v63  }
0xd4: {  	_ =	swait.ge @!p5 [sflag:s18], $0x4000  }
0xd5: {  	s28 =	sld [smem:$0x7FA];
	_ =	sdelay $0x2  }
0xd6: {  	[sflag:s18] =	ssyncset.done @!p5 $0x0;
	p3 =	seq.s32 s28, $0x1  }
0xd7: {  	s1 =	rddreg [dreg:$0x6];
	[sflag:s18] =	ssyncadd.s32 @!p5 $0xFFFFC000;
	p0 =	por p3, p5  }
0xd8: {  	s18 =	simm.s32 @!p0 $0x0;
	s19 =	simm.s32 @!p0 $0x180;
	s1 =	sadd.s32 @!p0 s23, s1  }
0xd9: {  	[tilespmem:s19], [sflag:$0x4] =	stream.linear.gather @!p0 [hbm4b:s1+s18], $0x80, $0x38;
	[tilespmem:$0x18400] =	vst v63  }
0xda: {  	s20 =	simm.s32 @!p5 $0x0;
	s1 =	simm.s32 @!p6 $0xB  }
0xdb: {  	[hbm4b:s25+s20] =	stream.linear.scatter @!p5 [tilespmem:s17], [sflag:$0x10], $0x4000, $0x38;
	[tilespmem:$0x18400] =	vst v63  }
0xdc: {  	s29 =	sld [smem:$0x7FB];
	_ =	swait.ge @!p6 [sflag:s1], $0x4000  }
0xdd: {  	s30 =	sld [smem:$0x7FC];
	_ =	sdelay $0x2  }
0xde: {  	[sflag:s1] =	ssyncset.done @!p6 $0x0;
	p4 =	seq.s32 s30, $0x1  }
0xdf: {  	s17 =	rddreg [dreg:$0x7];
	[sflag:s1] =	ssyncadd.s32 @!p6 $0xFFFFC000;
	p0 =	por p4, p6  }
0xe0: {  	s1 =	simm.s32 @!p0 $0x0;
	s18 =	simm.s32 @!p0 $0x200;
	s17 =	sadd.s32 @!p0 s23, s17  }
0xe1: {  	[tilespmem:s18], [sflag:$0x5] =	stream.linear.gather @!p0 [hbm4b:s17+s1], $0x80, $0x38;
	[tilespmem:$0x18400] =	vst v63  }
0xe2: {  	s11 =	smov.u32 s24;
	s19 =	simm.s32 @!p6 $0x0;
	s17 =	simm.s32 @!p1 $0xC  }
0xe3: {  	[hbm4b:s11+s19] =	stream.linear.scatter @!p6 [tilespmem:s15], [sflag:$0x11], $0x4000, $0x38;
	[tilespmem:$0x18400] =	vst v63  }
0xe4: {  	_ =	swait.ge @!p1 [sflag:s17], $0x4000  }
0xe5: {  	s31 =	sld [smem:$0x7FD];
	_ =	sdelay $0x2  }
0xe6: {  	p2 =	seq.s32 s31, $0x1  }
.Ltmp0:
0xe7: {  	s24 =	sadd.s32 $0x3000, s24;
	s16 =	smov.u32 s22;
	(pc) =	sbr.rel @p2 .LBB2_2-.Ltmp0, $4  }
0xe8: {  	s22 =	sadd.s32 $0x3000, s22;
	s4 =	smov.u32 s23;
	s9 =	sadd.s32 $0x3000, s9  }
0xe9: {  	s8 =	sadd.s32 $0x3000, s8;
	s7 =	sadd.s32 $0x3000, s7;
	p5 =	seq.s32 s29, $0x1  }
0xea: {  	s25 =	sadd.s32 $0x3000, s25;
	s23 =	sadd.s32 $0x60, s23;
	p0 =	sge.u32 s21, s5  }
0xeb: {  	p3 =	seq.s32 @!p0 s21, $0x0;
	[sflag:s17] =	ssyncset.done @!p1 $0x0;
	s1 =	rddreg [dreg:$0x8]  }
0xec: {  	p3 =	por p3, p0;
	s10 =	simm.s32 @!p5 $0x280  }
0xed: {  	[sflag:s17] =	ssyncadd.s32 @!p1 $0xFFFFC000;
	s11 =	simm.s32 @!p5 $0x0;
	s1 =	sadd.s32 @!p5 s4, s1  }
0xee: {  	[tilespmem:s10], [sflag:$0x6] =	stream.linear.gather @!p5 [hbm4b:s1+s11], $0x80, $0x38;
	[tilespmem:$0x18400] =	vst v63  }
0xef: {  	s1 =	simm.s32 @!p1 $0x0;
	s4 =	simm.s32 @!p3 $0xD  }
0xf0: {  	[hbm4b:s16+s1] =	stream.linear.scatter @!p1 [tilespmem:s12], [sflag:$0x12], $0x4000, $0x38;
	[tilespmem:$0x18400] =	vst v63  }
0xf1: {  	s31 =	sadd.s32 s21, s14;
	_ =	swait.ge @!p3 [sflag:s4], $0x4000  }
0xf2: {  	s17 =	sadd.s32 $0x1, s31;
	[sflag:s4] =	ssyncset.done @!p3 $0x0  }
0xf3: {  	s10 =	simm.s32 @!p0 $0x1;
	p1 =	sge.u32 s17, s6;
	[sflag:s4] =	ssyncadd.s32 @!p3 $0xFFFFC000  }
0xf4: {  	s1 =	simm.s32 @!p0 $0x400;
	p2 =	seq.s32 @!p1 s21, $0x0;
	_ =	swait.ge @!p0 [sflag:s10], $0x80  }
0xf5: {  	s16 =	simm.s32 @!p0 $0x0;
	p2 =	por p2, p1;
	[sflag:s10] =	ssyncset.done @!p0 $0x0  }
0xf6: {  	s4 =	simm.s32 @!p0 $0x80;
	s11 =	simm.s32 @!p2 $0xE;
	[sflag:s10] =	ssyncadd.s32 @!p0 $0xFFFFFF80  }
0xf7: {  	[tilespmem:s1], [sflag:$0x7] =	stream.indirect.gather @!p0 [hbm4b:s2+s4], $0x80, s16, s4, $0xb8;
	[tilespmem:$0x18400] =	vst v63  }
0xf8: {  	_ =	swait.ge @!p2 [sflag:s11], $0x4000  }
0xf9: {  	s18 =	sadd.s32 $0x2, s31;
	[sflag:s11] =	ssyncset.done @!p2 $0x0  }
0xfa: {  	s10 =	simm.s32 @!p1 $0x2;
	[sflag:s11] =	ssyncadd.s32 @!p2 $0xFFFFC000;
	p2 =	sge.u32 s18, s6  }
0xfb: {  	_ =	swait.ge @!p1 [sflag:s10], $0x80;
	p3 =	seq.s32 @!p2 s21, $0x0  }
0xfc: {  	s4 =	simm.s32 @!p1 $0x4400;
	[sflag:s10] =	ssyncset.done @!p1 $0x0;
	p3 =	por p3, p2  }
0xfd: {  	s11 =	simm.s32 @!p1 $0x80;
	[sflag:s10] =	ssyncadd.s32 @!p1 $0xFFFFFF80;
	s10 =	simm.s32 @!p3 $0xF  }
0xfe: {  	[tilespmem:s4], [sflag:$0x8] =	stream.indirect.gather @!p1 [hbm4b:s2+s11], $0x80, s11, s11, $0xb8;
	[tilespmem:$0x18400] =	vst v63  }
0xff: {  	_ =	swait.ge @!p3 [sflag:s10], $0x4000  }
0x100: {  	[sflag:s10] =	ssyncset.done @!p3 $0x0  }
0x101: {  	s19 =	sadd.s32 $0x3, s31;
	[sflag:s10] =	ssyncadd.s32 @!p3 $0xFFFFC000;
	s10 =	simm.s32 @!p2 $0x3  }
0x102: {  	p4 =	sge.u32 s19, s6;
	s15 =	simm.s32 @!p2 $0x100;
	_ =	swait.ge @!p2 [sflag:s10], $0x80  }
0x103: {  	s11 =	simm.s32 @!p2 $0x8400;
	p3 =	seq.s32 @!p4 s21, $0x0;
	[sflag:s10] =	ssyncset.done @!p2 $0x0  }
0x104: {  	p3 =	por p3, p4;
	[sflag:s10] =	ssyncadd.s32 @!p2 $0xFFFFFF80;
	s10 =	simm.s32 @!p2 $0x80  }
0x105: {  	[tilespmem:s11], [sflag:$0x9] =	stream.indirect.gather @!p2 [hbm4b:s2+s10], $0x80, s15, s10, $0xb8;
	[tilespmem:$0x18400] =	vst v63  }
0x106: {  	s10 =	simm.s32 @!p3 $0x10  }
0x107: {  	_ =	swait.ge @!p3 [sflag:s10], $0x4000  }
0x108: {  	s20 =	sadd.s32 $0x4, s31;
	[sflag:s10] =	ssyncset.done @!p3 $0x0  }
0x109: {  	s17 =	simm.s32 @!p4 $0x4;
	[sflag:s10] =	ssyncadd.s32 @!p3 $0xFFFFC000;
	p3 =	sge.u32 s20, s6  }
0x10a: {  	s15 =	simm.s32 @!p4 $0x80;
	_ =	swait.ge @!p4 [sflag:s17], $0x80;
	p5 =	seq.s32 @!p3 s21, $0x0  }
0x10b: {  	s10 =	simm.s32 @!p4 $0xC400;
	[sflag:s17] =	ssyncset.done @!p4 $0x0;
	p5 =	por p5, p3  }
0x10c: {  	[sflag:s17] =	ssyncadd.s32 @!p4 $0xFFFFFF80;
	s17 =	simm.s32 @!p4 $0x180;
	s18 =	simm.s32 @!p5 $0x11  }
0x10d: {  	[tilespmem:s10], [sflag:$0xA] =	stream.indirect.gather @!p4 [hbm4b:s2+s15], $0x80, s17, s15, $0xb8;
	[tilespmem:$0x18400] =	vst v63  }
0x10e: {  	_ =	swait.ge @!p5 [sflag:s18], $0x4000  }
0x10f: {  	s12 =	sadd.s32 $0x5, s31;
	[sflag:s18] =	ssyncset.done @!p5 $0x0  }
0x110: {  	s15 =	simm.s32 @!p3 $0x5;
	[sflag:s18] =	ssyncadd.s32 @!p5 $0xFFFFC000;
	p5 =	sge.u32 s12, s6  }
0x111: {  	s17 =	simm.s32 @!p3 $0x80;
	_ =	swait.ge @!p3 [sflag:s15], $0x80;
	p6 =	seq.s32 @!p5 s21, $0x0  }
0x112: {  	s12 =	simm.s32 @!p3 $0x10400;
	[sflag:s15] =	ssyncset.done @!p3 $0x0;
	p6 =	por p6, p5  }
0x113: {  	[sflag:s15] =	ssyncadd.s32 @!p3 $0xFFFFFF80;
	s15 =	simm.s32 @!p3 $0x200;
	s18 =	simm.s32 @!p6 $0x12  }
0x114: {  	[tilespmem:s12], [sflag:$0xB] =	stream.indirect.gather @!p3 [hbm4b:s2+s17], $0x80, s15, s17, $0xb8;
	[tilespmem:$0x18400] =	vst v63  }
0x115: {  	_ =	swait.ge @!p6 [sflag:s18], $0x4000  }
0x116: {  	[sflag:s18] =	ssyncset.done @!p6 $0x0  }
0x117: {  	s17 =	simm.s32 @!p5 $0x6;
	[sflag:s18] =	ssyncadd.s32 @!p6 $0xFFFFC000  }
0x118: {  	_ =	swait.ge @!p5 [sflag:s17], $0x80  }
0x119: {  	s19 =	simm.s32 @!p5 $0x80;
	[sflag:s17] =	ssyncset.done @!p5 $0x0  }
0x11a: {  	s15 =	simm.s32 @!p5 $0x14400;
	[sflag:s17] =	ssyncadd.s32 @!p5 $0xFFFFFF80;
	s17 =	simm.s32 @!p5 $0x280  }
0x11b: {  	[tilespmem:s15], [sflag:$0xC] =	stream.indirect.gather @!p5 [hbm4b:s2+s19], $0x80, s17, s19, $0xb8;
	[tilespmem:$0x18400] =	vst v63  }
0x11c: {  	s17 =	sadd.s32 @!p0 s21, s14  }
0x11d: {  	s18 =	simm.s32 @!p0 $0x7;
	s17 =	sadd.s32 @!p0 $0x6, s17  }
0x11e: {  	_ =	swait.ge @!p0 [sflag:s18], $0x4000;
	p6 =	sge.u32 @!p0 s17, s6  }
0x11f: {  	s19 =	rddreg [dreg:$0x3];
	[sflag:s18] =	ssyncset.done @!p0 $0x0;
	p6 =	por p6, p0  }
0x120: {  	[sflag:s18] =	ssyncadd.s32 @!p0 $0xFFFFC000;
	s17 =	simm.s32 @!p6 $0x0;
	s18 =	sadd.s32 @!p6 s23, s19  }
0x121: {  	[tilespmem:s17], [sflag:$0x1] =	stream.linear.gather @!p6 [hbm4b:s18+s17], $0x80, $0x38;
	[tilespmem:$0x18400] =	vst v63  }
0x122: {  	_ = 	snop  }
0x123: {  	[hbm4b:s9+s16] =	stream.linear.scatter @!p0 [tilespmem:s1], [sflag:$0xD], $0x4000, $0x38;
	[tilespmem:$0x18400] =	vst v63  }
0x124: {  	s1 =	simm.s32 @!p1 $0x8;
	s9 =	sadd.s32 @!p1 s21, s14  }
0x125: {  	_ =	swait.ge @!p1 [sflag:s1], $0x4000;
	s9 =	sadd.s32 @!p1 $0x7, s9  }
0x126: {  	p0 =	sge.u32 @!p1 s9, s6;
	[sflag:s1] =	ssyncset.done @!p1 $0x0  }
0x127: {  	s16 =	rddreg [dreg:$0x4];
	p0 =	por p0, p1;
	[sflag:s1] =	ssyncadd.s32 @!p1 $0xFFFFC000  }
0x128: {  	s1 =	simm.s32 @!p0 $0x0;
	s9 =	simm.s32 @!p0 $0x80;
	s16 =	sadd.s32 @!p0 s23, s16  }
0x129: {  	[tilespmem:s9], [sflag:$0x2] =	stream.linear.gather @!p0 [hbm4b:s16+s1], $0x80, $0x38;
	[tilespmem:$0x18400] =	vst v63  }
0x12a: {  	s1 =	simm.s32 @!p1 $0x0  }
0x12b: {  	[hbm4b:s8+s1] =	stream.linear.scatter @!p1 [tilespmem:s4], [sflag:$0xE], $0x4000, $0x38;
	[tilespmem:$0x18400] =	vst v63  }
0x12c: {  	s1 =	simm.s32 @!p2 $0x9;
	s4 =	sadd.s32 @!p2 s21, s14  }
0x12d: {  	_ =	swait.ge @!p2 [sflag:s1], $0x4000;
	s4 =	sadd.s32 @!p2 $0x8, s4  }
0x12e: {  	p0 =	sge.u32 @!p2 s4, s6;
	[sflag:s1] =	ssyncset.done @!p2 $0x0  }
0x12f: {  	s8 =	rddreg [dreg:$0x5];
	p0 =	por p0, p2;
	[sflag:s1] =	ssyncadd.s32 @!p2 $0xFFFFC000  }
0x130: {  	s1 =	simm.s32 @!p0 $0x0;
	s4 =	simm.s32 @!p0 $0x100;
	s8 =	sadd.s32 @!p0 s23, s8  }
0x131: {  	[tilespmem:s4], [sflag:$0x3] =	stream.linear.gather @!p0 [hbm4b:s8+s1], $0x80, $0x38;
	[tilespmem:$0x18400] =	vst v63  }
0x132: {  	s4 =	sadd.s32 @!p4 s21, s14  }
0x133: {  	s1 =	simm.s32 @!p2 $0x0;
	s4 =	sadd.s32 @!p4 $0x9, s4  }
0x134: {  	[hbm4b:s7+s1] =	stream.linear.scatter @!p2 [tilespmem:s11], [sflag:$0xF], $0x4000, $0x38;
	[tilespmem:$0x18400] =	vst v63  }
0x135: {  	s1 =	simm.s32 @!p4 $0xA;
	p0 =	sge.u32 @!p4 s4, s6  }
0x136: {  	_ =	swait.ge @!p4 [sflag:s1], $0x4000;
	p0 =	por p0, p4  }
0x137: {  	s7 =	rddreg [dreg:$0x6];
	[sflag:s1] =	ssyncset.done @!p4 $0x0;
	s4 =	simm.s32 @!p0 $0x180  }
0x138: {  	[sflag:s1] =	ssyncadd.s32 @!p4 $0xFFFFC000;
	s1 =	simm.s32 @!p0 $0x0;
	s7 =	sadd.s32 @!p0 s23, s7  }
0x139: {  	[tilespmem:s4], [sflag:$0x4] =	stream.linear.gather @!p0 [hbm4b:s7+s1], $0x80, $0x38;
	[tilespmem:$0x18400] =	vst v63  }
0x13a: {  	s4 =	sadd.s32 @!p3 s21, s14  }
0x13b: {  	s1 =	simm.s32 @!p4 $0x0;
	s4 =	sadd.s32 @!p3 $0xA, s4  }
0x13c: {  	[hbm4b:s25+s1] =	stream.linear.scatter @!p4 [tilespmem:s10], [sflag:$0x10], $0x4000, $0x38;
	[tilespmem:$0x18400] =	vst v63  }
0x13d: {  	s1 =	simm.s32 @!p3 $0xB;
	p0 =	sge.u32 @!p3 s4, s6  }
0x13e: {  	_ =	swait.ge @!p3 [sflag:s1], $0x4000;
	p0 =	por p0, p3  }
0x13f: {  	s7 =	rddreg [dreg:$0x7];
	[sflag:s1] =	ssyncset.done @!p3 $0x0;
	s4 =	simm.s32 @!p0 $0x200  }
0x140: {  	[sflag:s1] =	ssyncadd.s32 @!p3 $0xFFFFC000;
	s1 =	simm.s32 @!p0 $0x0;
	s7 =	sadd.s32 @!p0 s23, s7  }
0x141: {  	[tilespmem:s4], [sflag:$0x5] =	stream.linear.gather @!p0 [hbm4b:s7+s1], $0x80, $0x38;
	[tilespmem:$0x18400] =	vst v63  }
0x142: {  	s1 =	simm.s32 @!p3 $0x0  }
0x143: {  	[hbm4b:s24+s1] =	stream.linear.scatter @!p3 [tilespmem:s12], [sflag:$0x11], $0x4000, $0x38;
	[tilespmem:$0x18400] =	vst v63  }
0x144: {  	s4 =	sadd.s32 @!p5 s21, s14;
	s1 =	simm.s32 @!p5 $0xC  }
0x145: {  	s4 =	sadd.s32 @!p5 $0xB, s4;
	_ =	swait.ge @!p5 [sflag:s1], $0x4000  }
0x146: {  	p0 =	sge.u32 @!p5 s4, s6;
	[sflag:s1] =	ssyncset.done @!p5 $0x0  }
0x147: {  	p0 =	por p0, p5;
	s7 =	rddreg [dreg:$0x8];
	[sflag:s1] =	ssyncadd.s32 @!p5 $0xFFFFC000  }
0x148: {  	s1 =	simm.s32 @!p0 $0x280;
	s4 =	sadd.s32 @!p0 s23, s7;
	s7 =	simm.s32 @!p0 $0x0  }
0x149: {  	[tilespmem:s1], [sflag:$0x6] =	stream.linear.gather @!p0 [hbm4b:s4+s7], $0x80, $0x38;
	[tilespmem:$0x18400] =	vst v63  }
0x14a: {  	s23 =	simm.s32 $0xD;
	s1 =	simm.s32 @!p5 $0x0  }
0x14b: {  	[hbm4b:s22+s1] =	stream.linear.scatter @!p5 [tilespmem:s15], [sflag:$0x12], $0x4000, $0x38;
	[tilespmem:$0x18400] =	vst v63  }
0x14c: {  	_ =	swait.ge [sflag:s23], $0x4000  }
0x14d: {  	[sflag:s23] =	ssyncset.done $0x0  }
0x14e: {  	s24 =	simm.s32 $0xE;
	[sflag:s23] =	ssyncadd.s32 $0xFFFFC000  }
0x14f: {  	_ =	swait.ge [sflag:s24], $0x4000  }
0x150: {  	[sflag:s24] =	ssyncset.done $0x0  }
0x151: {  	s25 =	simm.s32 $0xF;
	[sflag:s24] =	ssyncadd.s32 $0xFFFFC000  }
0x152: {  	_ =	swait.ge [sflag:s25], $0x4000  }
0x153: {  	[sflag:s25] =	ssyncset.done $0x0  }
0x154: {  	s28 =	simm.s32 $0x10;
	[sflag:s25] =	ssyncadd.s32 $0xFFFFC000  }
0x155: {  	_ =	swait.ge [sflag:s28], $0x4000  }
0x156: {  	[sflag:s28] =	ssyncset.done $0x0  }
0x157: {  	s29 =	simm.s32 $0x11;
	[sflag:s28] =	ssyncadd.s32 $0xFFFFC000  }
0x158: {  	_ =	swait.ge [sflag:s29], $0x4000  }
0x159: {  	[sflag:s29] =	ssyncset.done $0x0  }
0x15a: {  	s30 =	simm.s32 $0x12;
	[sflag:s29] =	ssyncadd.s32 $0xFFFFC000  }
0x15b: {  	_ =	swait.ge [sflag:s30], $0x4000  }
0x15c: {  	s0 =	sadd.s32 $0x1, s0;
	s31 =	rddreg [dreg:$0xf]  }
0x15d: {  	p0 =	sne.s32 s0, s31  }
.Ltmp1:
0x15e: {  	_ = 	snop;
	(pc) =	sbr.rel @p0 .LBB2_1-.Ltmp1, $3  }
0x15f: {  	_ =	sdelay $0x1  }
0x160: {  	[sflag:s30] =	ssyncset.done $0x0  }
0x161: {  	[sflag:s30] =	ssyncadd.s32 $0xFFFFC000  }
0x162: {  	_ =	sfence.sel $0x180000  }
0x163: {  	[bflag:$0x0] =	sbarrier.arrive $0xFFFF  }
0x164: {  	_ =	strace $0x90000047  }
0x165: {  	s0 =	stileid.u32;
	[bflag:$0x2] =	sbarrier.arrive $0xFFFF  }
0x166: {  	p0 =	sne.s32 s0, $0x0;
	s0 =	rddreg [dreg:$0x2]  }
0x167: {  	s0 =	sadd.s32 @!p0 $0x100000, s0  }
0x168: {  	[sflag:s0] =	ssyncadd.tile.s32 @!p0 $0x1;
	_ =	shalt  }
.Lfunc_end2:
_tile_overlayer_lowered:
.L_overlay_start_2:
0x169: {  	(tag) =	ssettag $0x2  }
0x16a: {  	s0 =	rddreg [dreg:$0x0];
	s2 =	stileid.u32  }
0x16b: {  	s1 =	rddreg [dreg:$0x1];
	p0 =	sne.s32 s2, $0x0  }
0x16c: {  	s3 =	rddreg [dreg:$0x2];
	[bflag:$0x3] =	sbarrier.arrive $0xFFFF;
	s2 =	simm.s32 @!p0 $0x1C13  }
0x16d: {  	[timem:s3], [sflag:s2] =	dma.local @!p0 [hbm:s0], s1  }
0x16e: {  	s0 =	simm.s32 @!p0 $0x13  }
0x16f: {  	_ =	swait.ge @!p0 [sflag:s0], s1  }
0x170: {  	s1 =	ssub.s32 @!p0 $0x0, s1;
	[sflag:s0] =	ssyncset.done @!p0 $0x0  }
0x171: {  	[sflag:s0] =	ssyncadd.s32 @!p0 s1  }
0x172: {  	[bflag:$0x3] =	sbarrier.arrive $0xFFFF  }
0x173: {  	_ =	shalt  }

</sc_bundles>
